<compile_context>
chip_gen: v7x
topology: tpu7x:2x2x1
jax: 0.10.2.dev20260603
libtpu: 0.0.44.dev20260713+nightly
codegen_flags: <defaults>
</compile_context>

<pallas_src>
import functools

import jax
import jax.numpy as jnp
from jax import lax
from jax.experimental import pallas as pl
from jax.experimental.pallas import tpu as pltpu
from jax.experimental.pallas import tpu_sc as plsc

_Q, _S, _C = 1000, 300, 256
_THR = 0.2
_SP = 304
_K = 4
_QP = 1024
_BQ = 8
_NCH = 1000 // _BQ
_NBUF = 6
_NDMA = 4
_NL = 16
_NSL = _SP // _NL
_SPV = _SP + _NL
_QKP = 4096


def _sim_body(pilot_ref, src_hbm, out_ref, bufs, sems):
    def start(i, slot):
        for d in range(_NDMA):
            w = _BQ // _NDMA
            pltpu.make_async_copy(
                src_hbm.at[pl.ds(i * _BQ + d * w, w)],
                bufs.at[slot, pl.ds(d * w, w)],
                sems.at[slot, d],
            ).start()

    def wait(slot):
        for d in range(_NDMA):
            w = _BQ // _NDMA
            pltpu.make_async_copy(
                src_hbm.at[pl.ds(0, w)],
                bufs.at[slot, pl.ds(d * w, w)],
                sems.at[slot, d],
            ).wait()

    for i in range(_NBUF):
        start(i, i)

    pt = pilot_ref[...].T

    ii = lax.broadcasted_iota(jnp.int32, (_BQ, _S, _S), 1)
    jj = lax.broadcasted_iota(jnp.int32, (_BQ, _S, _S), 2)
    eye = ii == jj

    def step(i, carry):
        slot = lax.rem(i, _NBUF)
        wait(slot)
        flat = bufs[slot].reshape(_BQ * _S, _C)
        full = lax.dot_general(flat, pt, (((1,), (0,)), ((), ())))
        full3 = full.reshape(_BQ, _S, _S)
        out_ref[pl.ds(i * _BQ, _BQ), :] = jnp.sum(
            jnp.where(eye, full3, 0.0), axis=-1)
        nxt = i + _NBUF

        @pl.when(nxt < _NCH)
        def _():
            start(nxt, slot)

        return carry

    lax.fori_loop(0, _NCH, step, jnp.int32(0))


def _scores_body(sim_ref, ms_ref, tkidx_ref, tkval_ref):
    sim = sim_ref[...]
    rmax = jnp.max(sim, axis=1, keepdims=True)
    rexp = jnp.exp(sim - rmax)
    d2t = rexp / jnp.sum(rexp, axis=1, keepdims=True)
    cmax = jnp.max(sim, axis=0, keepdims=True)
    cexp = jnp.exp(sim - cmax)
    t2d = cexp / jnp.sum(cexp, axis=0, keepdims=True)
    ms = (d2t + t2d) * 0.5
    ms_ref[...] = ms
    lane = lax.broadcasted_iota(jnp.int32, (_Q, _S), 1)
    work = ms
    for k in range(_K):
        m = jnp.max(work, axis=1, keepdims=True)
        cand = jnp.min(jnp.where(work == m, lane, _S), axis=1, keepdims=True)
        tkidx_ref[:, k:k + 1] = cand
        tkval_ref[:, k:k + 1] = m
        work = jnp.where(lane == cand, 0.0, work)


def _greedy_sc(ms_hbm, tkidx_hbm, tkval_hbm, out_hbm,
               tkidx_v, tkval_v, avail_v, ids_v, row_v):
    first = (lax.axis_index("c") == 0) & (lax.axis_index("s") == 0)

    @pl.when(first)
    def _():
        pltpu.sync_copy(tkidx_hbm, tkidx_v)
        pltpu.sync_copy(tkval_hbm, tkval_v)
        for i in range(_SPV // _NL):
            avail_v[pl.ds(i * _NL, _NL)] = jnp.ones((_NL,), jnp.float32)
        lanes = lax.iota(jnp.int32, _NL)

        def fallback(q):
            pltpu.sync_copy(ms_hbm.at[q], row_v)
            m = jnp.full((_NL,), -1.0, jnp.float32)
            li = jnp.zeros((_NL,), jnp.int32)
            for i in range(_NSL):
                v = row_v[pl.ds(i * _NL, _NL)] * avail_v[pl.ds(i * _NL, _NL)]
                upd = v > m
                m = jnp.where(upd, v, m)
                li = jnp.where(upd, lanes + (i * _NL), li)
            gmax = m[0]
            for j in range(1, _NL):
                gmax = jnp.maximum(gmax, m[j])
            big = jnp.int32(2 ** 30)
            first_li = big
            for j in range(_NL):
                first_li = jnp.minimum(
                    first_li, jnp.where(m[j] == gmax, li[j], big))
            return jnp.where(gmax > _THR, first_li, jnp.int32(-1))

        rows_per = _NL // _K

        def mark_taken(i):
            s = avail_v[pl.ds(i, _NL)]
            avail_v[pl.ds(i, _NL)] = jnp.where(lanes == 0, 0.0, s)

        def fallback_flush(q, earlier):
            for e in earlier:
                @pl.when(e >= 0)
                def _f(i=e):
                    mark_taken(i)
            return fallback(q)

        def step(b, carry):
            sentinel = jnp.int32(-2)
            iv = tkidx_v[pl.ds(b * _NL, _NL)]
            vv = tkval_v[pl.ds(b * _NL, _NL)]
            idvec = ids_v[pl.ds(b * rows_per, _NL)]
            frees = [avail_v[pl.ds(iv[t], _NL)][0] > 0.0 for t in range(_NL)]
            taken_ids = []
            for r in range(rows_per):
                best = sentinel
                for j in reversed(range(_K)):
                    t = r * _K + j
                    cj = iv[t]
                    free = frees[t]
                    for tid in taken_ids:
                        free = free & (cj != tid)
                    best = jnp.where(vv[t] <= _THR, jnp.int32(-1),
                                     jnp.where(free, cj, best))
                idq = lax.cond(
                    best == sentinel,
                    lambda rr=r, tk=tuple(taken_ids): fallback_flush(
                        b * rows_per + rr, tk),
                    lambda: best)
                idvec = jnp.where(lanes == r, idq, idvec)
                taken_ids.append(idq)

            ids_v[pl.ds(b * rows_per, _NL)] = idvec
            for idq in taken_ids:
                @pl.when(idq >= 0)
                def _take(i=idq):
                    mark_taken(i)
            return carry

        lax.fori_loop(0, _Q // rows_per, step, jnp.int32(0))
        pltpu.sync_copy(ids_v, out_hbm)


@jax.jit
def kernel(pilot_reid_embeds, src_reid_embeds):
    sim = pl.pallas_call(
        _sim_body,
        in_specs=[
            pl.BlockSpec((_S, _C), lambda: (0, 0)),
            pl.BlockSpec(memory_space=pl.ANY),
        ],
        out_specs=pl.BlockSpec((_Q, _S), lambda: (0, 0)),
        out_shape=jax.ShapeDtypeStruct((_Q, _S), jnp.float32),
        scratch_shapes=[
            pltpu.VMEM((_NBUF, _BQ, _S, _C), jnp.float32),
            pltpu.SemaphoreType.DMA((_NBUF, _NDMA)),
        ],
    )(pilot_reid_embeds, src_reid_embeds)

    ms, tkidx, tkval = pl.pallas_call(
        _scores_body,
        out_shape=(
            jax.ShapeDtypeStruct((_Q, _S), jnp.float32),
            jax.ShapeDtypeStruct((_Q, _K), jnp.int32),
            jax.ShapeDtypeStruct((_Q, _K), jnp.float32),
        ),
    )(sim)

    ms_p = jnp.pad(ms, ((0, 0), (0, _SP - _S)))
    tkidx_f = jnp.pad(tkidx.reshape(-1), (0, _QKP - _Q * _K))
    tkval_f = jnp.pad(tkval.reshape(-1), (0, _QKP - _Q * _K))

    greedy = pl.kernel(
        _greedy_sc,
        out_type=jax.ShapeDtypeStruct((_QP,), jnp.int32),
        mesh=plsc.VectorSubcoreMesh(core_axis_name="c", subcore_axis_name="s"),
        scratch_types=[
            pltpu.VMEM((_QKP,), jnp.int32),
            pltpu.VMEM((_QKP,), jnp.float32),
            pltpu.VMEM((_SPV,), jnp.float32),
            pltpu.VMEM((_QP,), jnp.int32),
            pltpu.VMEM((_SP,), jnp.float32),
        ],
    )
    ids = greedy(ms_p, tkidx_f, tkval_f)
    return ids[:_Q]

# --- scband reference (transcript-rebuilt; emitter-appended) ---
"""Pipeline reference for scband-consecutive-frames-matcher-66812511256993 (READ-ONLY COPY).

The authoritative reference and input builder live on the scoring server;
editing this copy changes nothing except your own understanding.
"""

import jax, jax.numpy as jnp
import numpy as np

Q, S, C = 1000, 300, 256
THR = 0.2


def setup_inputs(seed: int = 0) -> dict:
    key = jax.random.key(seed)
    k1, k2 = jax.random.split(key)
    pilot = jax.random.normal(k1, (S, C), dtype=jnp.float32)
    src = jax.random.normal(k2, (Q, S, C), dtype=jnp.float32)
    return {"pilot_reid_embeds": pilot, "src_reid_embeds": src}


def _greedy_match(match_scores):
    Qn = match_scores.shape[0]
    ids0 = jnp.full((Qn,), -1, dtype=jnp.int32)
    row_idx = jnp.arange(Qn)

    def body(idx, carry):
        ms, ids = carry
        row = ms[idx]
        max_idx = jnp.argmax(row)
        score = row[max_idx]
        matched = score > THR
        ids = ids.at[idx].set(jnp.where(matched, max_idx.astype(jnp.int32), jnp.int32(-1)))
        # zero out the matched pilot column for all other src rows (match_scores[:idx] and [idx+1:])
        col = ms[:, max_idx]
        other_rows = row_idx != idx
        new_col = jnp.where(matched & other_rows, jnp.float32(0.0), col)
        ms = ms.at[:, max_idx].set(new_col)
        return (ms, ids)

    ms, ids = jax.lax.fori_loop(0, Qn, body, (match_scores, ids0))
    return ids


def reference(pilot_reid_embeds, src_reid_embeds):
    # embedding_sim: einsum('qsc,sc->qs') then bidirectional softmax averaging
    similarity = jnp.einsum('qsc,sc->qs', src_reid_embeds, pilot_reid_embeds)
    d2t_scores = jax.nn.softmax(similarity, axis=1)
    t2d_scores = jax.nn.softmax(similarity, axis=0)
    match_scores = (d2t_scores + t2d_scores) / 2.0
    # greedy matching (valid_weight=False path)
    ids = _greedy_match(match_scores)
    return ids

if __name__ == "__main__":
    import jax
    _d = setup_inputs()
    print(jax.jit(kernel)(*tuple(_d.values())))

</pallas_src>

<mosaic_0001>
#map = affine_map<(d0, d1) -> (0, 0)>
#map1 = affine_map<(d0, d1) -> (0)>
module attributes {stable_mosaic.version = 14 : i64} {
  func.func @_greedy_sc(%arg0: i32, %arg1: i32, %arg2: memref<1000x304xf32, #tpu.memory_space<hbm>>, %arg3: memref<4096xi32, #tpu.memory_space<hbm>>, %arg4: memref<4096xf32, #tpu.memory_space<hbm>>, %arg5: memref<1024xi32, #tpu.memory_space<hbm>>, %arg6: memref<4096xi32, #tpu.memory_space<vmem>>, %arg7: memref<4096xf32, #tpu.memory_space<vmem>>, %arg8: memref<320xf32, #tpu.memory_space<vmem>>, %arg9: memref<1024xi32, #tpu.memory_space<vmem>>, %arg10: memref<304xf32, #tpu.memory_space<vmem>>) attributes {dimension_semantics = [#tpu.dimension_semantics<core_parallel>, #tpu.dimension_semantics<subcore_parallel>], iteration_bounds = array<i64: 2, 16>, scalar_prefetch = 0 : i64, scratch_operands = 5 : i64, tpu.core_type = #tpu.core_type<sc_vector_subcore>, window_params = [{transform_indices = #map}, {transform_indices = #map1}, {transform_indices = #map1}, {transform_indices = #map1}]} {
    %eq3A = arith.constant 0 : i32
    %eq3A_0 = arith.cmpi eq, %arg0, %eq3A : i32
    %eq3A_1 = arith.constant 0 : i32
    %eq3A_2 = arith.cmpi eq, %arg1, %eq3A_1 : i32
    %and3A = arith.andi %eq3A_0, %eq3A_2 : i1
    %convert_element_type3A = arith.extui %and3A : i1 to i32
    %cond3A = arith.constant 0 : i32
    %cond3A_3 = arith.cmpi ne, %convert_element_type3A, %cond3A : i32
    scf.if %cond3A_3 {
      "tpu.region"() ({
        %run_scoped3A = tpu.sem_alloc : memref<!tpu.dma_semaphore, #tpu.memory_space<semaphore_mem>>
        tpu.enqueue_dma source(%arg3 : memref<4096xi32, #tpu.memory_space<hbm>>) target(%arg6 : memref<4096xi32, #tpu.memory_space<vmem>>) target_semaphore(%run_scoped3A : memref<!tpu.dma_semaphore, #tpu.memory_space<semaphore_mem>>)
        tpu.wait_dma2 semaphore(%run_scoped3A : memref<!tpu.dma_semaphore, #tpu.memory_space<semaphore_mem>>) src(%arg3 : memref<4096xi32, #tpu.memory_space<hbm>>) dst(%arg6 : memref<4096xi32, #tpu.memory_space<vmem>>)
        tpu.yield
      }) : () -> ()
      "tpu.region"() ({
        %run_scoped3A = tpu.sem_alloc : memref<!tpu.dma_semaphore, #tpu.memory_space<semaphore_mem>>
        tpu.enqueue_dma source(%arg4 : memref<4096xf32, #tpu.memory_space<hbm>>) target(%arg7 : memref<4096xf32, #tpu.memory_space<vmem>>) target_semaphore(%run_scoped3A : memref<!tpu.dma_semaphore, #tpu.memory_space<semaphore_mem>>)
        tpu.wait_dma2 semaphore(%run_scoped3A : memref<!tpu.dma_semaphore, #tpu.memory_space<semaphore_mem>>) src(%arg4 : memref<4096xf32, #tpu.memory_space<hbm>>) dst(%arg7 : memref<4096xf32, #tpu.memory_space<vmem>>)
        tpu.yield
      }) : () -> ()
      %broadcast_in_dim3A = arith.constant 1.000000e+00 : f32
      %broadcast_in_dim3A_4 = vector.broadcast %broadcast_in_dim3A : f32 to vector<16xf32>
      %swap3A = arith.constant 0 : index
      %swap3A_5 = tpu.vector_load %arg8[%swap3A] {strides = array<i32>} : memref<320xf32, #tpu.memory_space<vmem>>, vector<16xf32>,
      %swap3A_6 = vector.shape_cast %swap3A_5 : vector<16xf32> to vector<16xf32>
      %swap3A_7 = vector.shape_cast %broadcast_in_dim3A_4 : vector<16xf32> to vector<16xf32>
      tpu.vector_store %arg8[%swap3A], %swap3A_7 {strides = array<i32>} : memref<320xf32, #tpu.memory_space<vmem>>, vector<16xf32>,
      %broadcast_in_dim3A_8 = arith.constant 1.000000e+00 : f32
      %broadcast_in_dim3A_9 = vector.broadcast %broadcast_in_dim3A_8 : f32 to vector<16xf32>
      %swap3A_10 = arith.constant 16 : index
      %swap3A_11 = tpu.vector_load %arg8[%swap3A_10] {strides = array<i32>} : memref<320xf32, #tpu.memory_space<vmem>>, vector<16xf32>,
      %swap3A_12 = vector.shape_cast %swap3A_11 : vector<16xf32> to vector<16xf32>
      %swap3A_13 = vector.shape_cast %broadcast_in_dim3A_9 : vector<16xf32> to vector<16xf32>
      tpu.vector_store %arg8[%swap3A_10], %swap3A_13 {strides = array<i32>} : memref<320xf32, #tpu.memory_space<vmem>>, vector<16xf32>,
      %broadcast_in_dim3A_14 = arith.constant 1.000000e+00 : f32
      %broadcast_in_dim3A_15 = vector.broadcast %broadcast_in_dim3A_14 : f32 to vector<16xf32>
      %swap3A_16 = arith.constant 32 : index
      %swap3A_17 = tpu.vector_load %arg8[%swap3A_16] {strides = array<i32>} : memref<320xf32, #tpu.memory_space<vmem>>, vector<16xf32>,
      %swap3A_18 = vector.shape_cast %swap3A_17 : vector<16xf32> to vector<16xf32>
      %swap3A_19 = vector.shape_cast %broadcast_in_dim3A_15 : vector<16xf32> to vector<16xf32>
      tpu.vector_store %arg8[%swap3A_16], %swap3A_19 {strides = array<i32>} : memref<320xf32, #tpu.memory_space<vmem>>, vector<16xf32>,
      %broadcast_in_dim3A_20 = arith.constant 1.000000e+00 : f32
      %broadcast_in_dim3A_21 = vector.broadcast %broadcast_in_dim3A_20 : f32 to vector<16xf32>
      %swap3A_22 = arith.constant 48 : index
      %swap3A_23 = tpu.vector_load %arg8[%swap3A_22] {strides = array<i32>} : memref<320xf32, #tpu.memory_space<vmem>>, vector<16xf32>,
      %swap3A_24 = vector.shape_cast %swap3A_23 : vector<16xf32> to vector<16xf32>
      %swap3A_25 = vector.shape_cast %broadcast_in_dim3A_21 : vector<16xf32> to vector<16xf32>
      tpu.vector_store %arg8[%swap3A_22], %swap3A_25 {strides = array<i32>} : memref<320xf32, #tpu.memory_space<vmem>>, vector<16xf32>,
      %broadcast_in_dim3A_26 = arith.constant 1.000000e+00 : f32
      %broadcast_in_dim3A_27 = vector.broadcast %broadcast_in_dim3A_26 : f32 to vector<16xf32>
      %swap3A_28 = arith.constant 64 : index
      %swap3A_29 = tpu.vector_load %arg8[%swap3A_28] {strides = array<i32>} : memref<320xf32, #tpu.memory_space<vmem>>, vector<16xf32>,
      %swap3A_30 = vector.shape_cast %swap3A_29 : vector<16xf32> to vector<16xf32>
      %swap3A_31 = vector.shape_cast %broadcast_in_dim3A_27 : vector<16xf32> to vector<16xf32>
      tpu.vector_store %arg8[%swap3A_28], %swap3A_31 {strides = array<i32>} : memref<320xf32, #tpu.memory_space<vmem>>, vector<16xf32>,
      %broadcast_in_dim3A_32 = arith.constant 1.000000e+00 : f32
      %broadcast_in_dim3A_33 = vector.broadcast %broadcast_in_dim3A_32 : f32 to vector<16xf32>
      %swap3A_34 = arith.constant 80 : index
      %swap3A_35 = tpu.vector_load %arg8[%swap3A_34] {strides = array<i32>} : memref<320xf32, #tpu.memory_space<vmem>>, vector<16xf32>,
      %swap3A_36 = vector.shape_cast %swap3A_35 : vector<16xf32> to vector<16xf32>
      %swap3A_37 = vector.shape_cast %broadcast_in_dim3A_33 : vector<16xf32> to vector<16xf32>
      tpu.vector_store %arg8[%swap3A_34], %swap3A_37 {strides = array<i32>} : memref<320xf32, #tpu.memory_space<vmem>>, vector<16xf32>,
      %broadcast_in_dim3A_38 = arith.constant 1.000000e+00 : f32
      %broadcast_in_dim3A_39 = vector.broadcast %broadcast_in_dim3A_38 : f32 to vector<16xf32>
      %swap3A_40 = arith.constant 96 : index
      %swap3A_41 = tpu.vector_load %arg8[%swap3A_40] {strides = array<i32>} : memref<320xf32, #tpu.memory_space<vmem>>, vector<16xf32>,
      %swap3A_42 = vector.shape_cast %swap3A_41 : vector<16xf32> to vector<16xf32>
      %swap3A_43 = vector.shape_cast %broadcast_in_dim3A_39 : vector<16xf32> to vector<16xf32>
      tpu.vector_store %arg8[%swap3A_40], %swap3A_43 {strides = array<i32>} : memref<320xf32, #tpu.memory_space<vmem>>, vector<16xf32>,
      %broadcast_in_dim3A_44 = arith.constant 1.000000e+00 : f32
      %broadcast_in_dim3A_45 = vector.broadcast %broadcast_in_dim3A_44 : f32 to vector<16xf32>
      %swap3A_46 = arith.constant 112 : index
      %swap3A_47 = tpu.vector_load %arg8[%swap3A_46] {strides = array<i32>} : memref<320xf32, #tpu.memory_space<vmem>>, vector<16xf32>,
      %swap3A_48 = vector.shape_cast %swap3A_47 : vector<16xf32> to vector<16xf32>
      %swap3A_49 = vector.shape_cast %broadcast_in_dim3A_45 : vector<16xf32> to vector<16xf32>
      tpu.vector_store %arg8[%swap3A_46], %swap3A_49 {strides = array<i32>} : memref<320xf32, #tpu.memory_space<vmem>>, vector<16xf32>,
      %broadcast_in_dim3A_50 = arith.constant 1.000000e+00 : f32
      %broadcast_in_dim3A_51 = vector.broadcast %broadcast_in_dim3A_50 : f32 to vector<16xf32>
      %swap3A_52 = arith.constant 128 : index
      %swap3A_53 = tpu.vector_load %arg8[%swap3A_52] {strides = array<i32>} : memref<320xf32, #tpu.memory_space<vmem>>, vector<16xf32>,
      %swap3A_54 = vector.shape_cast %swap3A_53 : vector<16xf32> to vector<16xf32>
      %swap3A_55 = vector.shape_cast %broadcast_in_dim3A_51 : vector<16xf32> to vector<16xf32>
      tpu.vector_store %arg8[%swap3A_52], %swap3A_55 {strides = array<i32>} : memref<320xf32, #tpu.memory_space<vmem>>, vector<16xf32>,
      %broadcast_in_dim3A_56 = arith.constant 1.000000e+00 : f32
      %broadcast_in_dim3A_57 = vector.broadcast %broadcast_in_dim3A_56 : f32 to vector<16xf32>
      %swap3A_58 = arith.constant 144 : index
      %swap3A_59 = tpu.vector_load %arg8[%swap3A_58] {strides = array<i32>} : memref<320xf32, #tpu.memory_space<vmem>>, vector<16xf32>,
      %swap3A_60 = vector.shape_cast %swap3A_59 : vector<16xf32> to vector<16xf32>
      %swap3A_61 = vector.shape_cast %broadcast_in_dim3A_57 : vector<16xf32> to vector<16xf32>
      tpu.vector_store %arg8[%swap3A_58], %swap3A_61 {strides = array<i32>} : memref<320xf32, #tpu.memory_space<vmem>>, vector<16xf32>,
      %broadcast_in_dim3A_62 = arith.constant 1.000000e+00 : f32
      %broadcast_in_dim3A_63 = vector.broadcast %broadcast_in_dim3A_62 : f32 to vector<16xf32>
      %swap3A_64 = arith.constant 160 : index
      %swap3A_65 = tpu.vector_load %arg8[%swap3A_64] {strides = array<i32>} : memref<320xf32, #tpu.memory_space<vmem>>, vector<16xf32>,
      %swap3A_66 = vector.shape_cast %swap3A_65 : vector<16xf32> to vector<16xf32>
      %swap3A_67 = vector.shape_cast %broadcast_in_dim3A_63 : vector<16xf32> to vector<16xf32>
      tpu.vector_store %arg8[%swap3A_64], %swap3A_67 {strides = array<i32>} : memref<320xf32, #tpu.memory_space<vmem>>, vector<16xf32>,
      %broadcast_in_dim3A_68 = arith.constant 1.000000e+00 : f32
      %broadcast_in_dim3A_69 = vector.broadcast %broadcast_in_dim3A_68 : f32 to vector<16xf32>
      %swap3A_70 = arith.constant 176 : index
      %swap3A_71 = tpu.vector_load %arg8[%swap3A_70] {strides = array<i32>} : memref<320xf32, #tpu.memory_space<vmem>>, vector<16xf32>,
      %swap3A_72 = vector.shape_cast %swap3A_71 : vector<16xf32> to vector<16xf32>
      %swap3A_73 = vector.shape_cast %broadcast_in_dim3A_69 : vector<16xf32> to vector<16xf32>
      tpu.vector_store %arg8[%swap3A_70], %swap3A_73 {strides = array<i32>} : memref<320xf32, #tpu.memory_space<vmem>>, vector<16xf32>,
      %broadcast_in_dim3A_74 = arith.constant 1.000000e+00 : f32
      %broadcast_in_dim3A_75 = vector.broadcast %broadcast_in_dim3A_74 : f32 to vector<16xf32>
      %swap3A_76 = arith.constant 192 : index
      %swap3A_77 = tpu.vector_load %arg8[%swap3A_76] {strides = array<i32>} : memref<320xf32, #tpu.memory_space<vmem>>, vector<16xf32>,
      %swap3A_78 = vector.shape_cast %swap3A_77 : vector<16xf32> to vector<16xf32>
      %swap3A_79 = vector.shape_cast %broadcast_in_dim3A_75 : vector<16xf32> to vector<16xf32>
      tpu.vector_store %arg8[%swap3A_76], %swap3A_79 {strides = array<i32>} : memref<320xf32, #tpu.memory_space<vmem>>, vector<16xf32>,
      %broadcast_in_dim3A_80 = arith.constant 1.000000e+00 : f32
      %broadcast_in_dim3A_81 = vector.broadcast %broadcast_in_dim3A_80 : f32 to vector<16xf32>
      %swap3A_82 = arith.constant 208 : index
      %swap3A_83 = tpu.vector_load %arg8[%swap3A_82] {strides = array<i32>} : memref<320xf32, #tpu.memory_space<vmem>>, vector<16xf32>,
      %swap3A_84 = vector.shape_cast %swap3A_83 : vector<16xf32> to vector<16xf32>
      %swap3A_85 = vector.shape_cast %broadcast_in_dim3A_81 : vector<16xf32> to vector<16xf32>
      tpu.vector_store %arg8[%swap3A_82], %swap3A_85 {strides = array<i32>} : memref<320xf32, #tpu.memory_space<vmem>>, vector<16xf32>,
      %broadcast_in_dim3A_86 = arith.constant 1.000000e+00 : f32
      %broadcast_in_dim3A_87 = vector.broadcast %broadcast_in_dim3A_86 : f32 to vector<16xf32>
      %swap3A_88 = arith.constant 224 : index
      %swap3A_89 = tpu.vector_load %arg8[%swap3A_88] {strides = array<i32>} : memref<320xf32, #tpu.memory_space<vmem>>, vector<16xf32>,
      %swap3A_90 = vector.shape_cast %swap3A_89 : vector<16xf32> to vector<16xf32>
      %swap3A_91 = vector.shape_cast %broadcast_in_dim3A_87 : vector<16xf32> to vector<16xf32>
      tpu.vector_store %arg8[%swap3A_88], %swap3A_91 {strides = array<i32>} : memref<320xf32, #tpu.memory_space<vmem>>, vector<16xf32>,
      %broadcast_in_dim3A_92 = arith.constant 1.000000e+00 : f32
      %broadcast_in_dim3A_93 = vector.broadcast %broadcast_in_dim3A_92 : f32 to vector<16xf32>
      %swap3A_94 = arith.constant 240 : index
      %swap3A_95 = tpu.vector_load %arg8[%swap3A_94] {strides = array<i32>} : memref<320xf32, #tpu.memory_space<vmem>>, vector<16xf32>,
      %swap3A_96 = vector.shape_cast %swap3A_95 : vector<16xf32> to vector<16xf32>
      %swap3A_97 = vector.shape_cast %broadcast_in_dim3A_93 : vector<16xf32> to vector<16xf32>
      tpu.vector_store %arg8[%swap3A_94], %swap3A_97 {strides = array<i32>} : memref<320xf32, #tpu.memory_space<vmem>>, vector<16xf32>,
      %broadcast_in_dim3A_98 = arith.constant 1.000000e+00 : f32
      %broadcast_in_dim3A_99 = vector.broadcast %broadcast_in_dim3A_98 : f32 to vector<16xf32>
      %swap3A_100 = arith.constant 256 : index
      %swap3A_101 = tpu.vector_load %arg8[%swap3A_100] {strides = array<i32>} : memref<320xf32, #tpu.memory_space<vmem>>, vector<16xf32>,
      %swap3A_102 = vector.shape_cast %swap3A_101 : vector<16xf32> to vector<16xf32>
      %swap3A_103 = vector.shape_cast %broadcast_in_dim3A_99 : vector<16xf32> to vector<16xf32>
      tpu.vector_store %arg8[%swap3A_100], %swap3A_103 {strides = array<i32>} : memref<320xf32, #tpu.memory_space<vmem>>, vector<16xf32>,
      %broadcast_in_dim3A_104 = arith.constant 1.000000e+00 : f32
      %broadcast_in_dim3A_105 = vector.broadcast %broadcast_in_dim3A_104 : f32 to vector<16xf32>
      %swap3A_106 = arith.constant 272 : index
      %swap3A_107 = tpu.vector_load %arg8[%swap3A_106] {strides = array<i32>} : memref<320xf32, #tpu.memory_space<vmem>>, vector<16xf32>,
      %swap3A_108 = vector.shape_cast %swap3A_107 : vector<16xf32> to vector<16xf32>
      %swap3A_109 = vector.shape_cast %broadcast_in_dim3A_105 : vector<16xf32> to vector<16xf32>
      tpu.vector_store %arg8[%swap3A_106], %swap3A_109 {strides = array<i32>} : memref<320xf32, #tpu.memory_space<vmem>>, vector<16xf32>,
      %broadcast_in_dim3A_110 = arith.constant 1.000000e+00 : f32
      %broadcast_in_dim3A_111 = vector.broadcast %broadcast_in_dim3A_110 : f32 to vector<16xf32>
      %swap3A_112 = arith.constant 288 : index
      %swap3A_113 = tpu.vector_load %arg8[%swap3A_112] {strides = array<i32>} : memref<320xf32, #tpu.memory_space<vmem>>, vector<16xf32>,
      %swap3A_114 = vector.shape_cast %swap3A_113 : vector<16xf32> to vector<16xf32>
      %swap3A_115 = vector.shape_cast %broadcast_in_dim3A_111 : vector<16xf32> to vector<16xf32>
      tpu.vector_store %arg8[%swap3A_112], %swap3A_115 {strides = array<i32>} : memref<320xf32, #tpu.memory_space<vmem>>, vector<16xf32>,
      %broadcast_in_dim3A_116 = arith.constant 1.000000e+00 : f32
      %broadcast_in_dim3A_117 = vector.broadcast %broadcast_in_dim3A_116 : f32 to vector<16xf32>
      %swap3A_118 = arith.constant 304 : index
      %swap3A_119 = tpu.vector_load %arg8[%swap3A_118] {strides = array<i32>} : memref<320xf32, #tpu.memory_space<vmem>>, vector<16xf32>,
      %swap3A_120 = vector.shape_cast %swap3A_119 : vector<16xf32> to vector<16xf32>
      %swap3A_121 = vector.shape_cast %broadcast_in_dim3A_117 : vector<16xf32> to vector<16xf32>
      tpu.vector_store %arg8[%swap3A_118], %swap3A_121 {strides = array<i32>} : memref<320xf32, #tpu.memory_space<vmem>>, vector<16xf32>,
      %iota3A = tpu.iota {dimensions = array<i32: 0>} : vector<16xi32>
      %scan3A = arith.constant 0 : i32
      %scan3A_122 = arith.constant 0 : i32
      %scan3A_123 = arith.constant 250 : i32
      %scan3A_124 = arith.addi %scan3A_122, %scan3A_123 : i32
      %scan3A_125 = arith.constant 1 : i32
      scf.for %scan3A_127 = %scan3A_122 to %scan3A_124 step %scan3A_125  : i32 {
        %mul3A = arith.constant 16 : i32
        %mul3A_128 = arith.muli %scan3A_127, %mul3A : i32
        %get3A = arith.index_cast %mul3A_128 : i32 to index
        %get3A_129 = tpu.vector_load %arg6[%get3A] {strides = array<i32>} : memref<4096xi32, #tpu.memory_space<vmem>>, vector<16xi32>,
        %get3A_130 = vector.shape_cast %get3A_129 : vector<16xi32> to vector<16xi32>
        %mul3A_131 = arith.constant 16 : i32
        %mul3A_132 = arith.muli %scan3A_127, %mul3A_131 : i32
        %get3A_133 = arith.index_cast %mul3A_132 : i32 to index
        %get3A_134 = tpu.vector_load %arg7[%get3A_133] {strides = array<i32>} : memref<4096xf32, #tpu.memory_space<vmem>>, vector<16xf32>,
        %get3A_135 = vector.shape_cast %get3A_134 : vector<16xf32> to vector<16xf32>
        %mul3A_136 = arith.constant 4 : i32
        %mul3A_137 = arith.muli %scan3A_127, %mul3A_136 : i32
        %get3A_138 = arith.index_cast %mul3A_137 : i32 to index
        %get3A_139 = tpu.vector_load %arg9[%get3A_138] {strides = array<i32>} : memref<1024xi32, #tpu.memory_space<vmem>>, vector<16xi32>,
        %get3A_140 = vector.shape_cast %get3A_139 : vector<16xi32> to vector<16xi32>
        %slice3A = vector.extract_strided_slice %get3A_130 {offsets = [0], sizes = [1], strides = [1]} : vector<16xi32> to vector<1xi32>
        %squeeze3A = vector.extract %slice3A[0] : i32 from vector<1xi32>
        %get3A_141 = arith.index_cast %squeeze3A : i32 to index
        %get3A_142 = tpu.vector_load %arg8[%get3A_141] {strides = array<i32>} : memref<320xf32, #tpu.memory_space<vmem>>, vector<16xf32>,
        %get3A_143 = vector.shape_cast %get3A_142 : vector<16xf32> to vector<16xf32>
        %slice3A_144 = vector.extract_strided_slice %get3A_143 {offsets = [0], sizes = [1], strides = [1]} : vector<16xf32> to vector<1xf32>
        %squeeze3A_145 = vector.extract %slice3A_144[0] : f32 from vector<1xf32>
        %gt3A = arith.constant 0.000000e+00 : f32
        %gt3A_146 = arith.cmpf ogt, %squeeze3A_145, %gt3A : f32
        %slice3A_147 = vector.extract_strided_slice %get3A_130 {offsets = [1], sizes = [1], strides = [1]} : vector<16xi32> to vector<1xi32>
        %squeeze3A_148 = vector.extract %slice3A_147[0] : i32 from vector<1xi32>
        %get3A_149 = arith.index_cast %squeeze3A_148 : i32 to index
        %get3A_150 = tpu.vector_load %arg8[%get3A_149] {strides = array<i32>} : memref<320xf32, #tpu.memory_space<vmem>>, vector<16xf32>,
        %get3A_151 = vector.shape_cast %get3A_150 : vector<16xf32> to vector<16xf32>
        %slice3A_152 = vector.extract_strided_slice %get3A_151 {offsets = [0], sizes = [1], strides = [1]} : vector<16xf32> to vector<1xf32>
        %squeeze3A_153 = vector.extract %slice3A_152[0] : f32 from vector<1xf32>
        %gt3A_154 = arith.constant 0.000000e+00 : f32
        %gt3A_155 = arith.cmpf ogt, %squeeze3A_153, %gt3A_154 : f32
        %slice3A_156 = vector.extract_strided_slice %get3A_130 {offsets = [2], sizes = [1], strides = [1]} : vector<16xi32> to vector<1xi32>
        %squeeze3A_157 = vector.extract %slice3A_156[0] : i32 from vector<1xi32>
        %get3A_158 = arith.index_cast %squeeze3A_157 : i32 to index
        %get3A_159 = tpu.vector_load %arg8[%get3A_158] {strides = array<i32>} : memref<320xf32, #tpu.memory_space<vmem>>, vector<16xf32>,
        %get3A_160 = vector.shape_cast %get3A_159 : vector<16xf32> to vector<16xf32>
        %slice3A_161 = vector.extract_strided_slice %get3A_160 {offsets = [0], sizes = [1], strides = [1]} : vector<16xf32> to vector<1xf32>
        %squeeze3A_162 = vector.extract %slice3A_161[0] : f32 from vector<1xf32>
        %gt3A_163 = arith.constant 0.000000e+00 : f32
        %gt3A_164 = arith.cmpf ogt, %squeeze3A_162, %gt3A_163 : f32
        %slice3A_165 = vector.extract_strided_slice %get3A_130 {offsets = [3], sizes = [1], strides = [1]} : vector<16xi32> to vector<1xi32>
        %squeeze3A_166 = vector.extract %slice3A_165[0] : i32 from vector<1xi32>
        %get3A_167 = arith.index_cast %squeeze3A_166 : i32 to index
        %get3A_168 = tpu.vector_load %arg8[%get3A_167] {strides = array<i32>} : memref<320xf32, #tpu.memory_space<vmem>>, vector<16xf32>,
        %get3A_169 = vector.shape_cast %get3A_168 : vector<16xf32> to vector<16xf32>
        %slice3A_170 = vector.extract_strided_slice %get3A_169 {offsets = [0], sizes = [1], strides = [1]} : vector<16xf32> to vector<1xf32>
        %squeeze3A_171 = vector.extract %slice3A_170[0] : f32 from vector<1xf32>
        %gt3A_172 = arith.constant 0.000000e+00 : f32
        %gt3A_173 = arith.cmpf ogt, %squeeze3A_171, %gt3A_172 : f32
        %slice3A_174 = vector.extract_strided_slice %get3A_130 {offsets = [4], sizes = [1], strides = [1]} : vector<16xi32> to vector<1xi32>
        %squeeze3A_175 = vector.extract %slice3A_174[0] : i32 from vector<1xi32>
        %get3A_176 = arith.index_cast %squeeze3A_175 : i32 to index
        %get3A_177 = tpu.vector_load %arg8[%get3A_176] {strides = array<i32>} : memref<320xf32, #tpu.memory_space<vmem>>, vector<16xf32>,
        %get3A_178 = vector.shape_cast %get3A_177 : vector<16xf32> to vector<16xf32>
        %slice3A_179 = vector.extract_strided_slice %get3A_178 {offsets = [0], sizes = [1], strides = [1]} : vector<16xf32> to vector<1xf32>
        %squeeze3A_180 = vector.extract %slice3A_179[0] : f32 from vector<1xf32>
        %gt3A_181 = arith.constant 0.000000e+00 : f32
        %gt3A_182 = arith.cmpf ogt, %squeeze3A_180, %gt3A_181 : f32
        %slice3A_183 = vector.extract_strided_slice %get3A_130 {offsets = [5], sizes = [1], strides = [1]} : vector<16xi32> to vector<1xi32>
        %squeeze3A_184 = vector.extract %slice3A_183[0] : i32 from vector<1xi32>
        %get3A_185 = arith.index_cast %squeeze3A_184 : i32 to index
        %get3A_186 = tpu.vector_load %arg8[%get3A_185] {strides = array<i32>} : memref<320xf32, #tpu.memory_space<vmem>>, vector<16xf32>,
        %get3A_187 = vector.shape_cast %get3A_186 : vector<16xf32> to vector<16xf32>
        %slice3A_188 = vector.extract_strided_slice %get3A_187 {offsets = [0], sizes = [1], strides = [1]} : vector<16xf32> to vector<1xf32>
        %squeeze3A_189 = vector.extract %slice3A_188[0] : f32 from vector<1xf32>
        %gt3A_190 = arith.constant 0.000000e+00 : f32
        %gt3A_191 = arith.cmpf ogt, %squeeze3A_189, %gt3A_190 : f32
        %slice3A_192 = vector.extract_strided_slice %get3A_130 {offsets = [6], sizes = [1], strides = [1]} : vector<16xi32> to vector<1xi32>
        %squeeze3A_193 = vector.extract %slice3A_192[0] : i32 from vector<1xi32>
        %get3A_194 = arith.index_cast %squeeze3A_193 : i32 to index
        %get3A_195 = tpu.vector_load %arg8[%get3A_194] {strides = array<i32>} : memref<320xf32, #tpu.memory_space<vmem>>, vector<16xf32>,
        %get3A_196 = vector.shape_cast %get3A_195 : vector<16xf32> to vector<16xf32>
        %slice3A_197 = vector.extract_strided_slice %get3A_196 {offsets = [0], sizes = [1], strides = [1]} : vector<16xf32> to vector<1xf32>
        %squeeze3A_198 = vector.extract %slice3A_197[0] : f32 from vector<1xf32>
        %gt3A_199 = arith.constant 0.000000e+00 : f32
        %gt3A_200 = arith.cmpf ogt, %squeeze3A_198, %gt3A_199 : f32
        %slice3A_201 = vector.extract_strided_slice %get3A_130 {offsets = [7], sizes = [1], strides = [1]} : vector<16xi32> to vector<1xi32>
        %squeeze3A_202 = vector.extract %slice3A_201[0] : i32 from vector<1xi32>
        %get3A_203 = arith.index_cast %squeeze3A_202 : i32 to index
        %get3A_204 = tpu.vector_load %arg8[%get3A_203] {strides = array<i32>} : memref<320xf32, #tpu.memory_space<vmem>>, vector<16xf32>,
        %get3A_205 = vector.shape_cast %get3A_204 : vector<16xf32> to vector<16xf32>
        %slice3A_206 = vector.extract_strided_slice %get3A_205 {offsets = [0], sizes = [1], strides = [1]} : vector<16xf32> to vector<1xf32>
        %squeeze3A_207 = vector.extract %slice3A_206[0] : f32 from vector<1xf32>
        %gt3A_208 = arith.constant 0.000000e+00 : f32
        %gt3A_209 = arith.cmpf ogt, %squeeze3A_207, %gt3A_208 : f32
        %slice3A_210 = vector.extract_strided_slice %get3A_130 {offsets = [8], sizes = [1], strides = [1]} : vector<16xi32> to vector<1xi32>
        %squeeze3A_211 = vector.extract %slice3A_210[0] : i32 from vector<1xi32>
        %get3A_212 = arith.index_cast %squeeze3A_211 : i32 to index
        %get3A_213 = tpu.vector_load %arg8[%get3A_212] {strides = array<i32>} : memref<320xf32, #tpu.memory_space<vmem>>, vector<16xf32>,
        %get3A_214 = vector.shape_cast %get3A_213 : vector<16xf32> to vector<16xf32>
        %slice3A_215 = vector.extract_strided_slice %get3A_214 {offsets = [0], sizes = [1], strides = [1]} : vector<16xf32> to vector<1xf32>
        %squeeze3A_216 = vector.extract %slice3A_215[0] : f32 from vector<1xf32>
        %gt3A_217 = arith.constant 0.000000e+00 : f32
        %gt3A_218 = arith.cmpf ogt, %squeeze3A_216, %gt3A_217 : f32
        %slice3A_219 = vector.extract_strided_slice %get3A_130 {offsets = [9], sizes = [1], strides = [1]} : vector<16xi32> to vector<1xi32>
        %squeeze3A_220 = vector.extract %slice3A_219[0] : i32 from vector<1xi32>
        %get3A_221 = arith.index_cast %squeeze3A_220 : i32 to index
        %get3A_222 = tpu.vector_load %arg8[%get3A_221] {strides = array<i32>} : memref<320xf32, #tpu.memory_space<vmem>>, vector<16xf32>,
        %get3A_223 = vector.shape_cast %get3A_222 : vector<16xf32> to vector<16xf32>
        %slice3A_224 = vector.extract_strided_slice %get3A_223 {offsets = [0], sizes = [1], strides = [1]} : vector<16xf32> to vector<1xf32>
        %squeeze3A_225 = vector.extract %slice3A_224[0] : f32 from vector<1xf32>
        %gt3A_226 = arith.constant 0.000000e+00 : f32
        %gt3A_227 = arith.cmpf ogt, %squeeze3A_225, %gt3A_226 : f32
        %slice3A_228 = vector.extract_strided_slice %get3A_130 {offsets = [10], sizes = [1], strides = [1]} : vector<16xi32> to vector<1xi32>
        %squeeze3A_229 = vector.extract %slice3A_228[0] : i32 from vector<1xi32>
        %get3A_230 = arith.index_cast %squeeze3A_229 : i32 to index
        %get3A_231 = tpu.vector_load %arg8[%get3A_230] {strides = array<i32>} : memref<320xf32, #tpu.memory_space<vmem>>, vector<16xf32>,
        %get3A_232 = vector.shape_cast %get3A_231 : vector<16xf32> to vector<16xf32>
        %slice3A_233 = vector.extract_strided_slice %get3A_232 {offsets = [0], sizes = [1], strides = [1]} : vector<16xf32> to vector<1xf32>
        %squeeze3A_234 = vector.extract %slice3A_233[0] : f32 from vector<1xf32>
        %gt3A_235 = arith.constant 0.000000e+00 : f32
        %gt3A_236 = arith.cmpf ogt, %squeeze3A_234, %gt3A_235 : f32
        %slice3A_237 = vector.extract_strided_slice %get3A_130 {offsets = [11], sizes = [1], strides = [1]} : vector<16xi32> to vector<1xi32>
        %squeeze3A_238 = vector.extract %slice3A_237[0] : i32 from vector<1xi32>
        %get3A_239 = arith.index_cast %squeeze3A_238 : i32 to index
        %get3A_240 = tpu.vector_load %arg8[%get3A_239] {strides = array<i32>} : memref<320xf32, #tpu.memory_space<vmem>>, vector<16xf32>,
        %get3A_241 = vector.shape_cast %get3A_240 : vector<16xf32> to vector<16xf32>
        %slice3A_242 = vector.extract_strided_slice %get3A_241 {offsets = [0], sizes = [1], strides = [1]} : vector<16xf32> to vector<1xf32>
        %squeeze3A_243 = vector.extract %slice3A_242[0] : f32 from vector<1xf32>
        %gt3A_244 = arith.constant 0.000000e+00 : f32
        %gt3A_245 = arith.cmpf ogt, %squeeze3A_243, %gt3A_244 : f32
        %slice3A_246 = vector.extract_strided_slice %get3A_130 {offsets = [12], sizes = [1], strides = [1]} : vector<16xi32> to vector<1xi32>
        %squeeze3A_247 = vector.extract %slice3A_246[0] : i32 from vector<1xi32>
        %get3A_248 = arith.index_cast %squeeze3A_247 : i32 to index
        %get3A_249 = tpu.vector_load %arg8[%get3A_248] {strides = array<i32>} : memref<320xf32, #tpu.memory_space<vmem>>, vector<16xf32>,
        %get3A_250 = vector.shape_cast %get3A_249 : vector<16xf32> to vector<16xf32>
        %slice3A_251 = vector.extract_strided_slice %get3A_250 {offsets = [0], sizes = [1], strides = [1]} : vector<16xf32> to vector<1xf32>
        %squeeze3A_252 = vector.extract %slice3A_251[0] : f32 from vector<1xf32>
        %gt3A_253 = arith.constant 0.000000e+00 : f32
        %gt3A_254 = arith.cmpf ogt, %squeeze3A_252, %gt3A_253 : f32
        %slice3A_255 = vector.extract_strided_slice %get3A_130 {offsets = [13], sizes = [1], strides = [1]} : vector<16xi32> to vector<1xi32>
        %squeeze3A_256 = vector.extract %slice3A_255[0] : i32 from vector<1xi32>
        %get3A_257 = arith.index_cast %squeeze3A_256 : i32 to index
        %get3A_258 = tpu.vector_load %arg8[%get3A_257] {strides = array<i32>} : memref<320xf32, #tpu.memory_space<vmem>>, vector<16xf32>,
        %get3A_259 = vector.shape_cast %get3A_258 : vector<16xf32> to vector<16xf32>
        %slice3A_260 = vector.extract_strided_slice %get3A_259 {offsets = [0], sizes = [1], strides = [1]} : vector<16xf32> to vector<1xf32>
        %squeeze3A_261 = vector.extract %slice3A_260[0] : f32 from vector<1xf32>
        %gt3A_262 = arith.constant 0.000000e+00 : f32
        %gt3A_263 = arith.cmpf ogt, %squeeze3A_261, %gt3A_262 : f32
        %slice3A_264 = vector.extract_strided_slice %get3A_130 {offsets = [14], sizes = [1], strides = [1]} : vector<16xi32> to vector<1xi32>
        %squeeze3A_265 = vector.extract %slice3A_264[0] : i32 from vector<1xi32>
        %get3A_266 = arith.index_cast %squeeze3A_265 : i32 to index
        %get3A_267 = tpu.vector_load %arg8[%get3A_266] {strides = array<i32>} : memref<320xf32, #tpu.memory_space<vmem>>, vector<16xf32>,
        %get3A_268 = vector.shape_cast %get3A_267 : vector<16xf32> to vector<16xf32>
        %slice3A_269 = vector.extract_strided_slice %get3A_268 {offsets = [0], sizes = [1], strides = [1]} : vector<16xf32> to vector<1xf32>
        %squeeze3A_270 = vector.extract %slice3A_269[0] : f32 from vector<1xf32>
        %gt3A_271 = arith.constant 0.000000e+00 : f32
        %gt3A_272 = arith.cmpf ogt, %squeeze3A_270, %gt3A_271 : f32
        %slice3A_273 = vector.extract_strided_slice %get3A_130 {offsets = [15], sizes = [1], strides = [1]} : vector<16xi32> to vector<1xi32>
        %squeeze3A_274 = vector.extract %slice3A_273[0] : i32 from vector<1xi32>
        %get3A_275 = arith.index_cast %squeeze3A_274 : i32 to index
        %get3A_276 = tpu.vector_load %arg8[%get3A_275] {strides = array<i32>} : memref<320xf32, #tpu.memory_space<vmem>>, vector<16xf32>,
        %get3A_277 = vector.shape_cast %get3A_276 : vector<16xf32> to vector<16xf32>
        %slice3A_278 = vector.extract_strided_slice %get3A_277 {offsets = [0], sizes = [1], strides = [1]} : vector<16xf32> to vector<1xf32>
        %squeeze3A_279 = vector.extract %slice3A_278[0] : f32 from vector<1xf32>
        %gt3A_280 = arith.constant 0.000000e+00 : f32
        %gt3A_281 = arith.cmpf ogt, %squeeze3A_279, %gt3A_280 : f32
        %slice3A_282 = vector.extract_strided_slice %get3A_130 {offsets = [3], sizes = [1], strides = [1]} : vector<16xi32> to vector<1xi32>
        %squeeze3A_283 = vector.extract %slice3A_282[0] : i32 from vector<1xi32>
        %slice3A_284 = vector.extract_strided_slice %get3A_135 {offsets = [3], sizes = [1], strides = [1]} : vector<16xf32> to vector<1xf32>
        %squeeze3A_285 = vector.extract %slice3A_284[0] : f32 from vector<1xf32>
        %le3A = arith.constant 2.000000e-01 : f32
        %le3A_286 = arith.cmpf ole, %squeeze3A_285, %le3A : f32
        %jit3A = arith.constant -2 : i32
        %select_n3A = arith.select %gt3A_173, %squeeze3A_283, %jit3A : i32
        %jit3A_287 = arith.constant -1 : i32
        %select_n3A_288 = arith.select %le3A_286, %jit3A_287, %select_n3A : i32
        %slice3A_289 = vector.extract_strided_slice %get3A_130 {offsets = [2], sizes = [1], strides = [1]} : vector<16xi32> to vector<1xi32>
        %squeeze3A_290 = vector.extract %slice3A_289[0] : i32 from vector<1xi32>
        %slice3A_291 = vector.extract_strided_slice %get3A_135 {offsets = [2], sizes = [1], strides = [1]} : vector<16xf32> to vector<1xf32>
        %squeeze3A_292 = vector.extract %slice3A_291[0] : f32 from vector<1xf32>
        %le3A_293 = arith.constant 2.000000e-01 : f32
        %le3A_294 = arith.cmpf ole, %squeeze3A_292, %le3A_293 : f32
        %select_n3A_295 = arith.select %gt3A_164, %squeeze3A_290, %select_n3A_288 : i32
        %jit3A_296 = arith.constant -1 : i32
        %select_n3A_297 = arith.select %le3A_294, %jit3A_296, %select_n3A_295 : i32
        %slice3A_298 = vector.extract_strided_slice %get3A_130 {offsets = [1], sizes = [1], strides = [1]} : vector<16xi32> to vector<1xi32>
        %squeeze3A_299 = vector.extract %slice3A_298[0] : i32 from vector<1xi32>
        %slice3A_300 = vector.extract_strided_slice %get3A_135 {offsets = [1], sizes = [1], strides = [1]} : vector<16xf32> to vector<1xf32>
        %squeeze3A_301 = vector.extract %slice3A_300[0] : f32 from vector<1xf32>
        %le3A_302 = arith.constant 2.000000e-01 : f32
        %le3A_303 = arith.cmpf ole, %squeeze3A_301, %le3A_302 : f32
        %select_n3A_304 = arith.select %gt3A_155, %squeeze3A_299, %select_n3A_297 : i32
        %jit3A_305 = arith.constant -1 : i32
        %select_n3A_306 = arith.select %le3A_303, %jit3A_305, %select_n3A_304 : i32
        %slice3A_307 = vector.extract_strided_slice %get3A_130 {offsets = [0], sizes = [1], strides = [1]} : vector<16xi32> to vector<1xi32>
        %squeeze3A_308 = vector.extract %slice3A_307[0] : i32 from vector<1xi32>
        %slice3A_309 = vector.extract_strided_slice %get3A_135 {offsets = [0], sizes = [1], strides = [1]} : vector<16xf32> to vector<1xf32>
        %squeeze3A_310 = vector.extract %slice3A_309[0] : f32 from vector<1xf32>
        %le3A_311 = arith.constant 2.000000e-01 : f32
        %le3A_312 = arith.cmpf ole, %squeeze3A_310, %le3A_311 : f32
        %select_n3A_313 = arith.select %gt3A_146, %squeeze3A_308, %select_n3A_306 : i32
        %jit3A_314 = arith.constant -1 : i32
        %select_n3A_315 = arith.select %le3A_312, %jit3A_314, %select_n3A_313 : i32
        %eq3A_316 = arith.constant -2 : i32
        %eq3A_317 = arith.cmpi eq, %select_n3A_315, %eq3A_316 : i32
        %convert_element_type3A_318 = arith.extui %eq3A_317 : i1 to i32
        %cond3A_319 = arith.constant 0 : i32
        %cond3A_320 = arith.cmpi ne, %convert_element_type3A_318, %cond3A_319 : i32
        %cond3A_321 = scf.if %cond3A_320 -> (i32) {
          %mul3A_543 = arith.constant 4 : i32
          %mul3A_544 = arith.muli %scan3A_127, %mul3A_543 : i32
          %add3A = arith.constant 0 : i32
          %add3A_545 = arith.addi %mul3A_544, %add3A : i32
          "tpu.region"() ({
            %run_scoped3A = tpu.sem_alloc : memref<!tpu.dma_semaphore, #tpu.memory_space<semaphore_mem>>
            %dma_start3A = arith.constant 0 : i32
            %dma_start3A_975 = tpu.memref_slice %arg2[%add3A_545, %dma_start3A] : memref<1000x304xf32, #tpu.memory_space<hbm>> -> memref<1x304xf32, #tpu.memory_space<hbm>>
            %dma_start3A_976 = tpu.memref_squeeze %dma_start3A_975 : memref<1x304xf32, #tpu.memory_space<hbm>> -> memref<304xf32, #tpu.memory_space<hbm>>
            %dma_start3A_977 = arith.constant 0 : i32
            %dma_start3A_978 = tpu.memref_slice %arg2[%add3A_545, %dma_start3A_977] : memref<1000x304xf32, #tpu.memory_space<hbm>> -> memref<1x304xf32, #tpu.memory_space<hbm>>
            %dma_start3A_979 = tpu.memref_squeeze %dma_start3A_978 : memref<1x304xf32, #tpu.memory_space<hbm>> -> memref<304xf32, #tpu.memory_space<hbm>>
            tpu.enqueue_dma source(%dma_start3A_979 : memref<304xf32, #tpu.memory_space<hbm>>) target(%arg10 : memref<304xf32, #tpu.memory_space<vmem>>) target_semaphore(%run_scoped3A : memref<!tpu.dma_semaphore, #tpu.memory_space<semaphore_mem>>)
            %dma_wait3A = arith.constant 0 : i32
            %dma_wait3A_980 = tpu.memref_slice %arg2[%add3A_545, %dma_wait3A] : memref<1000x304xf32, #tpu.memory_space<hbm>> -> memref<1x304xf32, #tpu.memory_space<hbm>>
            %dma_wait3A_981 = tpu.memref_squeeze %dma_wait3A_980 : memref<1x304xf32, #tpu.memory_space<hbm>> -> memref<304xf32, #tpu.memory_space<hbm>>
            %dma_wait3A_982 = arith.constant 0 : i32
            %dma_wait3A_983 = tpu.memref_slice %arg2[%add3A_545, %dma_wait3A_982] : memref<1000x304xf32, #tpu.memory_space<hbm>> -> memref<1x304xf32, #tpu.memory_space<hbm>>
            %dma_wait3A_984 = tpu.memref_squeeze %dma_wait3A_983 : memref<1x304xf32, #tpu.memory_space<hbm>> -> memref<304xf32, #tpu.memory_space<hbm>>
            tpu.wait_dma2 semaphore(%run_scoped3A : memref<!tpu.dma_semaphore, #tpu.memory_space<semaphore_mem>>) src(%dma_wait3A_984 : memref<304xf32, #tpu.memory_space<hbm>>) dst(%arg10 : memref<304xf32, #tpu.memory_space<vmem>>)
            tpu.yield
          }) : () -> ()
          %broadcast_in_dim3A_546 = arith.constant -1.000000e+00 : f32
          %broadcast_in_dim3A_547 = vector.broadcast %broadcast_in_dim3A_546 : f32 to vector<16xf32>
          %broadcast_in_dim3A_548 = arith.constant 0 : i32
          %broadcast_in_dim3A_549 = vector.broadcast %broadcast_in_dim3A_548 : i32 to vector<16xi32>
          %get3A_550 = arith.constant 0 : index
          %get3A_551 = tpu.vector_load %arg10[%get3A_550] {strides = array<i32>} : memref<304xf32, #tpu.memory_space<vmem>>, vector<16xf32>,
          %get3A_552 = vector.shape_cast %get3A_551 : vector<16xf32> to vector<16xf32>
          %get3A_553 = arith.constant 0 : index
          %get3A_554 = tpu.vector_load %arg8[%get3A_553] {strides = array<i32>} : memref<320xf32, #tpu.memory_space<vmem>>, vector<16xf32>,
          %get3A_555 = vector.shape_cast %get3A_554 : vector<16xf32> to vector<16xf32>
          %mul3A_556 = arith.mulf %get3A_552, %get3A_555 : vector<16xf32>
          %gt3A_557 = arith.cmpf ogt, %mul3A_556, %broadcast_in_dim3A_547 : vector<16xf32>
          %select_n3A_558 = arith.select %gt3A_557, %mul3A_556, %broadcast_in_dim3A_547 : vector<16xi1>, vector<16xf32>
          %add3A_559 = arith.constant 0 : i32
          %add3A_560 = vector.broadcast %add3A_559 : i32 to vector<16xi32>
          %add3A_561 = arith.addi %iota3A, %add3A_560 : vector<16xi32>
          %select_n3A_562 = arith.select %gt3A_557, %add3A_561, %broadcast_in_dim3A_549 : vector<16xi1>, vector<16xi32>
          %get3A_563 = arith.constant 16 : index
          %get3A_564 = tpu.vector_load %arg10[%get3A_563] {strides = array<i32>} : memref<304xf32, #tpu.memory_space<vmem>>, vector<16xf32>,
          %get3A_565 = vector.shape_cast %get3A_564 : vector<16xf32> to vector<16xf32>
          %get3A_566 = arith.constant 16 : index
          %get3A_567 = tpu.vector_load %arg8[%get3A_566] {strides = array<i32>} : memref<320xf32, #tpu.memory_space<vmem>>, vector<16xf32>,
          %get3A_568 = vector.shape_cast %get3A_567 : vector<16xf32> to vector<16xf32>
          %mul3A_569 = arith.mulf %get3A_565, %get3A_568 : vector<16xf32>
          %gt3A_570 = arith.cmpf ogt, %mul3A_569, %select_n3A_558 : vector<16xf32>
          %select_n3A_571 = arith.select %gt3A_570, %mul3A_569, %select_n3A_558 : vector<16xi1>, vector<16xf32>
          %add3A_572 = arith.constant 16 : i32
          %add3A_573 = vector.broadcast %add3A_572 : i32 to vector<16xi32>
          %add3A_574 = arith.addi %iota3A, %add3A_573 : vector<16xi32>
          %select_n3A_575 = arith.select %gt3A_570, %add3A_574, %select_n3A_562 : vector<16xi1>, vector<16xi32>
          %get3A_576 = arith.constant 32 : index
          %get3A_577 = tpu.vector_load %arg10[%get3A_576] {strides = array<i32>} : memref<304xf32, #tpu.memory_space<vmem>>, vector<16xf32>,
          %get3A_578 = vector.shape_cast %get3A_577 : vector<16xf32> to vector<16xf32>
          %get3A_579 = arith.constant 32 : index
          %get3A_580 = tpu.vector_load %arg8[%get3A_579] {strides = array<i32>} : memref<320xf32, #tpu.memory_space<vmem>>, vector<16xf32>,
          %get3A_581 = vector.shape_cast %get3A_580 : vector<16xf32> to vector<16xf32>
          %mul3A_582 = arith.mulf %get3A_578, %get3A_581 : vector<16xf32>
          %gt3A_583 = arith.cmpf ogt, %mul3A_582, %select_n3A_571 : vector<16xf32>
          %select_n3A_584 = arith.select %gt3A_583, %mul3A_582, %select_n3A_571 : vector<16xi1>, vector<16xf32>
          %add3A_585 = arith.constant 32 : i32
          %add3A_586 = vector.broadcast %add3A_585 : i32 to vector<16xi32>
          %add3A_587 = arith.addi %iota3A, %add3A_586 : vector<16xi32>
          %select_n3A_588 = arith.select %gt3A_583, %add3A_587, %select_n3A_575 : vector<16xi1>, vector<16xi32>
          %get3A_589 = arith.constant 48 : index
          %get3A_590 = tpu.vector_load %arg10[%get3A_589] {strides = array<i32>} : memref<304xf32, #tpu.memory_space<vmem>>, vector<16xf32>,
          %get3A_591 = vector.shape_cast %get3A_590 : vector<16xf32> to vector<16xf32>
          %get3A_592 = arith.constant 48 : index
          %get3A_593 = tpu.vector_load %arg8[%get3A_592] {strides = array<i32>} : memref<320xf32, #tpu.memory_space<vmem>>, vector<16xf32>,
          %get3A_594 = vector.shape_cast %get3A_593 : vector<16xf32> to vector<16xf32>
          %mul3A_595 = arith.mulf %get3A_591, %get3A_594 : vector<16xf32>
          %gt3A_596 = arith.cmpf ogt, %mul3A_595, %select_n3A_584 : vector<16xf32>
          %select_n3A_597 = arith.select %gt3A_596, %mul3A_595, %select_n3A_584 : vector<16xi1>, vector<16xf32>
          %add3A_598 = arith.constant 48 : i32
          %add3A_599 = vector.broadcast %add3A_598 : i32 to vector<16xi32>
          %add3A_600 = arith.addi %iota3A, %add3A_599 : vector<16xi32>
          %select_n3A_601 = arith.select %gt3A_596, %add3A_600, %select_n3A_588 : vector<16xi1>, vector<16xi32>
          %get3A_602 = arith.constant 64 : index
          %get3A_603 = tpu.vector_load %arg10[%get3A_602] {strides = array<i32>} : memref<304xf32, #tpu.memory_space<vmem>>, vector<16xf32>,
          %get3A_604 = vector.shape_cast %get3A_603 : vector<16xf32> to vector<16xf32>
          %get3A_605 = arith.constant 64 : index
          %get3A_606 = tpu.vector_load %arg8[%get3A_605] {strides = array<i32>} : memref<320xf32, #tpu.memory_space<vmem>>, vector<16xf32>,
          %get3A_607 = vector.shape_cast %get3A_606 : vector<16xf32> to vector<16xf32>
          %mul3A_608 = arith.mulf %get3A_604, %get3A_607 : vector<16xf32>
          %gt3A_609 = arith.cmpf ogt, %mul3A_608, %select_n3A_597 : vector<16xf32>
          %select_n3A_610 = arith.select %gt3A_609, %mul3A_608, %select_n3A_597 : vector<16xi1>, vector<16xf32>
          %add3A_611 = arith.constant 64 : i32
          %add3A_612 = vector.broadcast %add3A_611 : i32 to vector<16xi32>
          %add3A_613 = arith.addi %iota3A, %add3A_612 : vector<16xi32>
          %select_n3A_614 = arith.select %gt3A_609, %add3A_613, %select_n3A_601 : vector<16xi1>, vector<16xi32>
          %get3A_615 = arith.constant 80 : index
          %get3A_616 = tpu.vector_load %arg10[%get3A_615] {strides = array<i32>} : memref<304xf32, #tpu.memory_space<vmem>>, vector<16xf32>,
          %get3A_617 = vector.shape_cast %get3A_616 : vector<16xf32> to vector<16xf32>
          %get3A_618 = arith.constant 80 : index
          %get3A_619 = tpu.vector_load %arg8[%get3A_618] {strides = array<i32>} : memref<320xf32, #tpu.memory_space<vmem>>, vector<16xf32>,
          %get3A_620 = vector.shape_cast %get3A_619 : vector<16xf32> to vector<16xf32>
          %mul3A_621 = arith.mulf %get3A_617, %get3A_620 : vector<16xf32>
          %gt3A_622 = arith.cmpf ogt, %mul3A_621, %select_n3A_610 : vector<16xf32>
          %select_n3A_623 = arith.select %gt3A_622, %mul3A_621, %select_n3A_610 : vector<16xi1>, vector<16xf32>
          %add3A_624 = arith.constant 80 : i32
          %add3A_625 = vector.broadcast %add3A_624 : i32 to vector<16xi32>
          %add3A_626 = arith.addi %iota3A, %add3A_625 : vector<16xi32>
          %select_n3A_627 = arith.select %gt3A_622, %add3A_626, %select_n3A_614 : vector<16xi1>, vector<16xi32>
          %get3A_628 = arith.constant 96 : index
          %get3A_629 = tpu.vector_load %arg10[%get3A_628] {strides = array<i32>} : memref<304xf32, #tpu.memory_space<vmem>>, vector<16xf32>,
          %get3A_630 = vector.shape_cast %get3A_629 : vector<16xf32> to vector<16xf32>
          %get3A_631 = arith.constant 96 : index
          %get3A_632 = tpu.vector_load %arg8[%get3A_631] {strides = array<i32>} : memref<320xf32, #tpu.memory_space<vmem>>, vector<16xf32>,
          %get3A_633 = vector.shape_cast %get3A_632 : vector<16xf32> to vector<16xf32>
          %mul3A_634 = arith.mulf %get3A_630, %get3A_633 : vector<16xf32>
          %gt3A_635 = arith.cmpf ogt, %mul3A_634, %select_n3A_623 : vector<16xf32>
          %select_n3A_636 = arith.select %gt3A_635, %mul3A_634, %select_n3A_623 : vector<16xi1>, vector<16xf32>
          %add3A_637 = arith.constant 96 : i32
          %add3A_638 = vector.broadcast %add3A_637 : i32 to vector<16xi32>
          %add3A_639 = arith.addi %iota3A, %add3A_638 : vector<16xi32>
          %select_n3A_640 = arith.select %gt3A_635, %add3A_639, %select_n3A_627 : vector<16xi1>, vector<16xi32>
          %get3A_641 = arith.constant 112 : index
          %get3A_642 = tpu.vector_load %arg10[%get3A_641] {strides = array<i32>} : memref<304xf32, #tpu.memory_space<vmem>>, vector<16xf32>,
          %get3A_643 = vector.shape_cast %get3A_642 : vector<16xf32> to vector<16xf32>
          %get3A_644 = arith.constant 112 : index
          %get3A_645 = tpu.vector_load %arg8[%get3A_644] {strides = array<i32>} : memref<320xf32, #tpu.memory_space<vmem>>, vector<16xf32>,
          %get3A_646 = vector.shape_cast %get3A_645 : vector<16xf32> to vector<16xf32>
          %mul3A_647 = arith.mulf %get3A_643, %get3A_646 : vector<16xf32>
          %gt3A_648 = arith.cmpf ogt, %mul3A_647, %select_n3A_636 : vector<16xf32>
          %select_n3A_649 = arith.select %gt3A_648, %mul3A_647, %select_n3A_636 : vector<16xi1>, vector<16xf32>
          %add3A_650 = arith.constant 112 : i32
          %add3A_651 = vector.broadcast %add3A_650 : i32 to vector<16xi32>
          %add3A_652 = arith.addi %iota3A, %add3A_651 : vector<16xi32>
          %select_n3A_653 = arith.select %gt3A_648, %add3A_652, %select_n3A_640 : vector<16xi1>, vector<16xi32>
          %get3A_654 = arith.constant 128 : index
          %get3A_655 = tpu.vector_load %arg10[%get3A_654] {strides = array<i32>} : memref<304xf32, #tpu.memory_space<vmem>>, vector<16xf32>,
          %get3A_656 = vector.shape_cast %get3A_655 : vector<16xf32> to vector<16xf32>
          %get3A_657 = arith.constant 128 : index
          %get3A_658 = tpu.vector_load %arg8[%get3A_657] {strides = array<i32>} : memref<320xf32, #tpu.memory_space<vmem>>, vector<16xf32>,
          %get3A_659 = vector.shape_cast %get3A_658 : vector<16xf32> to vector<16xf32>
          %mul3A_660 = arith.mulf %get3A_656, %get3A_659 : vector<16xf32>
          %gt3A_661 = arith.cmpf ogt, %mul3A_660, %select_n3A_649 : vector<16xf32>
          %select_n3A_662 = arith.select %gt3A_661, %mul3A_660, %select_n3A_649 : vector<16xi1>, vector<16xf32>
          %add3A_663 = arith.constant 128 : i32
          %add3A_664 = vector.broadcast %add3A_663 : i32 to vector<16xi32>
          %add3A_665 = arith.addi %iota3A, %add3A_664 : vector<16xi32>
          %select_n3A_666 = arith.select %gt3A_661, %add3A_665, %select_n3A_653 : vector<16xi1>, vector<16xi32>
          %get3A_667 = arith.constant 144 : index
          %get3A_668 = tpu.vector_load %arg10[%get3A_667] {strides = array<i32>} : memref<304xf32, #tpu.memory_space<vmem>>, vector<16xf32>,
          %get3A_669 = vector.shape_cast %get3A_668 : vector<16xf32> to vector<16xf32>
          %get3A_670 = arith.constant 144 : index
          %get3A_671 = tpu.vector_load %arg8[%get3A_670] {strides = array<i32>} : memref<320xf32, #tpu.memory_space<vmem>>, vector<16xf32>,
          %get3A_672 = vector.shape_cast %get3A_671 : vector<16xf32> to vector<16xf32>
          %mul3A_673 = arith.mulf %get3A_669, %get3A_672 : vector<16xf32>
          %gt3A_674 = arith.cmpf ogt, %mul3A_673, %select_n3A_662 : vector<16xf32>
          %select_n3A_675 = arith.select %gt3A_674, %mul3A_673, %select_n3A_662 : vector<16xi1>, vector<16xf32>
          %add3A_676 = arith.constant 144 : i32
          %add3A_677 = vector.broadcast %add3A_676 : i32 to vector<16xi32>
          %add3A_678 = arith.addi %iota3A, %add3A_677 : vector<16xi32>
          %select_n3A_679 = arith.select %gt3A_674, %add3A_678, %select_n3A_666 : vector<16xi1>, vector<16xi32>
          %get3A_680 = arith.constant 160 : index
          %get3A_681 = tpu.vector_load %arg10[%get3A_680] {strides = array<i32>} : memref<304xf32, #tpu.memory_space<vmem>>, vector<16xf32>,
          %get3A_682 = vector.shape_cast %get3A_681 : vector<16xf32> to vector<16xf32>
          %get3A_683 = arith.constant 160 : index
          %get3A_684 = tpu.vector_load %arg8[%get3A_683] {strides = array<i32>} : memref<320xf32, #tpu.memory_space<vmem>>, vector<16xf32>,
          %get3A_685 = vector.shape_cast %get3A_684 : vector<16xf32> to vector<16xf32>
          %mul3A_686 = arith.mulf %get3A_682, %get3A_685 : vector<16xf32>
          %gt3A_687 = arith.cmpf ogt, %mul3A_686, %select_n3A_675 : vector<16xf32>
          %select_n3A_688 = arith.select %gt3A_687, %mul3A_686, %select_n3A_675 : vector<16xi1>, vector<16xf32>
          %add3A_689 = arith.constant 160 : i32
          %add3A_690 = vector.broadcast %add3A_689 : i32 to vector<16xi32>
          %add3A_691 = arith.addi %iota3A, %add3A_690 : vector<16xi32>
          %select_n3A_692 = arith.select %gt3A_687, %add3A_691, %select_n3A_679 : vector<16xi1>, vector<16xi32>
          %get3A_693 = arith.constant 176 : index
          %get3A_694 = tpu.vector_load %arg10[%get3A_693] {strides = array<i32>} : memref<304xf32, #tpu.memory_space<vmem>>, vector<16xf32>,
          %get3A_695 = vector.shape_cast %get3A_694 : vector<16xf32> to vector<16xf32>
          %get3A_696 = arith.constant 176 : index
          %get3A_697 = tpu.vector_load %arg8[%get3A_696] {strides = array<i32>} : memref<320xf32, #tpu.memory_space<vmem>>, vector<16xf32>,
          %get3A_698 = vector.shape_cast %get3A_697 : vector<16xf32> to vector<16xf32>
          %mul3A_699 = arith.mulf %get3A_695, %get3A_698 : vector<16xf32>
          %gt3A_700 = arith.cmpf ogt, %mul3A_699, %select_n3A_688 : vector<16xf32>
          %select_n3A_701 = arith.select %gt3A_700, %mul3A_699, %select_n3A_688 : vector<16xi1>, vector<16xf32>
          %add3A_702 = arith.constant 176 : i32
          %add3A_703 = vector.broadcast %add3A_702 : i32 to vector<16xi32>
          %add3A_704 = arith.addi %iota3A, %add3A_703 : vector<16xi32>
          %select_n3A_705 = arith.select %gt3A_700, %add3A_704, %select_n3A_692 : vector<16xi1>, vector<16xi32>
          %get3A_706 = arith.constant 192 : index
          %get3A_707 = tpu.vector_load %arg10[%get3A_706] {strides = array<i32>} : memref<304xf32, #tpu.memory_space<vmem>>, vector<16xf32>,
          %get3A_708 = vector.shape_cast %get3A_707 : vector<16xf32> to vector<16xf32>
          %get3A_709 = arith.constant 192 : index
          %get3A_710 = tpu.vector_load %arg8[%get3A_709] {strides = array<i32>} : memref<320xf32, #tpu.memory_space<vmem>>, vector<16xf32>,
          %get3A_711 = vector.shape_cast %get3A_710 : vector<16xf32> to vector<16xf32>
          %mul3A_712 = arith.mulf %get3A_708, %get3A_711 : vector<16xf32>
          %gt3A_713 = arith.cmpf ogt, %mul3A_712, %select_n3A_701 : vector<16xf32>
          %select_n3A_714 = arith.select %gt3A_713, %mul3A_712, %select_n3A_701 : vector<16xi1>, vector<16xf32>
          %add3A_715 = arith.constant 192 : i32
          %add3A_716 = vector.broadcast %add3A_715 : i32 to vector<16xi32>
          %add3A_717 = arith.addi %iota3A, %add3A_716 : vector<16xi32>
          %select_n3A_718 = arith.select %gt3A_713, %add3A_717, %select_n3A_705 : vector<16xi1>, vector<16xi32>
          %get3A_719 = arith.constant 208 : index
          %get3A_720 = tpu.vector_load %arg10[%get3A_719] {strides = array<i32>} : memref<304xf32, #tpu.memory_space<vmem>>, vector<16xf32>,
          %get3A_721 = vector.shape_cast %get3A_720 : vector<16xf32> to vector<16xf32>
          %get3A_722 = arith.constant 208 : index
          %get3A_723 = tpu.vector_load %arg8[%get3A_722] {strides = array<i32>} : memref<320xf32, #tpu.memory_space<vmem>>, vector<16xf32>,
          %get3A_724 = vector.shape_cast %get3A_723 : vector<16xf32> to vector<16xf32>
          %mul3A_725 = arith.mulf %get3A_721, %get3A_724 : vector<16xf32>
          %gt3A_726 = arith.cmpf ogt, %mul3A_725, %select_n3A_714 : vector<16xf32>
          %select_n3A_727 = arith.select %gt3A_726, %mul3A_725, %select_n3A_714 : vector<16xi1>, vector<16xf32>
          %add3A_728 = arith.constant 208 : i32
          %add3A_729 = vector.broadcast %add3A_728 : i32 to vector<16xi32>
          %add3A_730 = arith.addi %iota3A, %add3A_729 : vector<16xi32>
          %select_n3A_731 = arith.select %gt3A_726, %add3A_730, %select_n3A_718 : vector<16xi1>, vector<16xi32>
          %get3A_732 = arith.constant 224 : index
          %get3A_733 = tpu.vector_load %arg10[%get3A_732] {strides = array<i32>} : memref<304xf32, #tpu.memory_space<vmem>>, vector<16xf32>,
          %get3A_734 = vector.shape_cast %get3A_733 : vector<16xf32> to vector<16xf32>
          %get3A_735 = arith.constant 224 : index
          %get3A_736 = tpu.vector_load %arg8[%get3A_735] {strides = array<i32>} : memref<320xf32, #tpu.memory_space<vmem>>, vector<16xf32>,
          %get3A_737 = vector.shape_cast %get3A_736 : vector<16xf32> to vector<16xf32>
          %mul3A_738 = arith.mulf %get3A_734, %get3A_737 : vector<16xf32>
          %gt3A_739 = arith.cmpf ogt, %mul3A_738, %select_n3A_727 : vector<16xf32>
          %select_n3A_740 = arith.select %gt3A_739, %mul3A_738, %select_n3A_727 : vector<16xi1>, vector<16xf32>
          %add3A_741 = arith.constant 224 : i32
          %add3A_742 = vector.broadcast %add3A_741 : i32 to vector<16xi32>
          %add3A_743 = arith.addi %iota3A, %add3A_742 : vector<16xi32>
          %select_n3A_744 = arith.select %gt3A_739, %add3A_743, %select_n3A_731 : vector<16xi1>, vector<16xi32>
          %get3A_745 = arith.constant 240 : index
          %get3A_746 = tpu.vector_load %arg10[%get3A_745] {strides = array<i32>} : memref<304xf32, #tpu.memory_space<vmem>>, vector<16xf32>,
          %get3A_747 = vector.shape_cast %get3A_746 : vector<16xf32> to vector<16xf32>
          %get3A_748 = arith.constant 240 : index
          %get3A_749 = tpu.vector_load %arg8[%get3A_748] {strides = array<i32>} : memref<320xf32, #tpu.memory_space<vmem>>, vector<16xf32>,
          %get3A_750 = vector.shape_cast %get3A_749 : vector<16xf32> to vector<16xf32>
          %mul3A_751 = arith.mulf %get3A_747, %get3A_750 : vector<16xf32>
          %gt3A_752 = arith.cmpf ogt, %mul3A_751, %select_n3A_740 : vector<16xf32>
          %select_n3A_753 = arith.select %gt3A_752, %mul3A_751, %select_n3A_740 : vector<16xi1>, vector<16xf32>
          %add3A_754 = arith.constant 240 : i32
          %add3A_755 = vector.broadcast %add3A_754 : i32 to vector<16xi32>
          %add3A_756 = arith.addi %iota3A, %add3A_755 : vector<16xi32>
          %select_n3A_757 = arith.select %gt3A_752, %add3A_756, %select_n3A_744 : vector<16xi1>, vector<16xi32>
          %get3A_758 = arith.constant 256 : index
          %get3A_759 = tpu.vector_load %arg10[%get3A_758] {strides = array<i32>} : memref<304xf32, #tpu.memory_space<vmem>>, vector<16xf32>,
          %get3A_760 = vector.shape_cast %get3A_759 : vector<16xf32> to vector<16xf32>
          %get3A_761 = arith.constant 256 : index
          %get3A_762 = tpu.vector_load %arg8[%get3A_761] {strides = array<i32>} : memref<320xf32, #tpu.memory_space<vmem>>, vector<16xf32>,
          %get3A_763 = vector.shape_cast %get3A_762 : vector<16xf32> to vector<16xf32>
          %mul3A_764 = arith.mulf %get3A_760, %get3A_763 : vector<16xf32>
          %gt3A_765 = arith.cmpf ogt, %mul3A_764, %select_n3A_753 : vector<16xf32>
          %select_n3A_766 = arith.select %gt3A_765, %mul3A_764, %select_n3A_753 : vector<16xi1>, vector<16xf32>
          %add3A_767 = arith.constant 256 : i32
          %add3A_768 = vector.broadcast %add3A_767 : i32 to vector<16xi32>
          %add3A_769 = arith.addi %iota3A, %add3A_768 : vector<16xi32>
          %select_n3A_770 = arith.select %gt3A_765, %add3A_769, %select_n3A_757 : vector<16xi1>, vector<16xi32>
          %get3A_771 = arith.constant 272 : index
          %get3A_772 = tpu.vector_load %arg10[%get3A_771] {strides = array<i32>} : memref<304xf32, #tpu.memory_space<vmem>>, vector<16xf32>,
          %get3A_773 = vector.shape_cast %get3A_772 : vector<16xf32> to vector<16xf32>
          %get3A_774 = arith.constant 272 : index
          %get3A_775 = tpu.vector_load %arg8[%get3A_774] {strides = array<i32>} : memref<320xf32, #tpu.memory_space<vmem>>, vector<16xf32>,
          %get3A_776 = vector.shape_cast %get3A_775 : vector<16xf32> to vector<16xf32>
          %mul3A_777 = arith.mulf %get3A_773, %get3A_776 : vector<16xf32>
          %gt3A_778 = arith.cmpf ogt, %mul3A_777, %select_n3A_766 : vector<16xf32>
          %select_n3A_779 = arith.select %gt3A_778, %mul3A_777, %select_n3A_766 : vector<16xi1>, vector<16xf32>
          %add3A_780 = arith.constant 272 : i32
          %add3A_781 = vector.broadcast %add3A_780 : i32 to vector<16xi32>
          %add3A_782 = arith.addi %iota3A, %add3A_781 : vector<16xi32>
          %select_n3A_783 = arith.select %gt3A_778, %add3A_782, %select_n3A_770 : vector<16xi1>, vector<16xi32>
          %get3A_784 = arith.constant 288 : index
          %get3A_785 = tpu.vector_load %arg10[%get3A_784] {strides = array<i32>} : memref<304xf32, #tpu.memory_space<vmem>>, vector<16xf32>,
          %get3A_786 = vector.shape_cast %get3A_785 : vector<16xf32> to vector<16xf32>
          %get3A_787 = arith.constant 288 : index
          %get3A_788 = tpu.vector_load %arg8[%get3A_787] {strides = array<i32>} : memref<320xf32, #tpu.memory_space<vmem>>, vector<16xf32>,
          %get3A_789 = vector.shape_cast %get3A_788 : vector<16xf32> to vector<16xf32>
          %mul3A_790 = arith.mulf %get3A_786, %get3A_789 : vector<16xf32>
          %gt3A_791 = arith.cmpf ogt, %mul3A_790, %select_n3A_779 : vector<16xf32>
          %select_n3A_792 = arith.select %gt3A_791, %mul3A_790, %select_n3A_779 : vector<16xi1>, vector<16xf32>
          %add3A_793 = arith.constant 288 : i32
          %add3A_794 = vector.broadcast %add3A_793 : i32 to vector<16xi32>
          %add3A_795 = arith.addi %iota3A, %add3A_794 : vector<16xi32>
          %select_n3A_796 = arith.select %gt3A_791, %add3A_795, %select_n3A_783 : vector<16xi1>, vector<16xi32>
          %slice3A_797 = vector.extract_strided_slice %select_n3A_792 {offsets = [0], sizes = [1], strides = [1]} : vector<16xf32> to vector<1xf32>
          %squeeze3A_798 = vector.extract %slice3A_797[0] : f32 from vector<1xf32>
          %slice3A_799 = vector.extract_strided_slice %select_n3A_792 {offsets = [1], sizes = [1], strides = [1]} : vector<16xf32> to vector<1xf32>
          %squeeze3A_800 = vector.extract %slice3A_799[0] : f32 from vector<1xf32>
          %max3A = arith.maximumf %squeeze3A_798, %squeeze3A_800 : f32
          %slice3A_801 = vector.extract_strided_slice %select_n3A_792 {offsets = [2], sizes = [1], strides = [1]} : vector<16xf32> to vector<1xf32>
          %squeeze3A_802 = vector.extract %slice3A_801[0] : f32 from vector<1xf32>
          %max3A_803 = arith.maximumf %max3A, %squeeze3A_802 : f32
          %slice3A_804 = vector.extract_strided_slice %select_n3A_792 {offsets = [3], sizes = [1], strides = [1]} : vector<16xf32> to vector<1xf32>
          %squeeze3A_805 = vector.extract %slice3A_804[0] : f32 from vector<1xf32>
          %max3A_806 = arith.maximumf %max3A_803, %squeeze3A_805 : f32
          %slice3A_807 = vector.extract_strided_slice %select_n3A_792 {offsets = [4], sizes = [1], strides = [1]} : vector<16xf32> to vector<1xf32>
          %squeeze3A_808 = vector.extract %slice3A_807[0] : f32 from vector<1xf32>
          %max3A_809 = arith.maximumf %max3A_806, %squeeze3A_808 : f32
          %slice3A_810 = vector.extract_strided_slice %select_n3A_792 {offsets = [5], sizes = [1], strides = [1]} : vector<16xf32> to vector<1xf32>
          %squeeze3A_811 = vector.extract %slice3A_810[0] : f32 from vector<1xf32>
          %max3A_812 = arith.maximumf %max3A_809, %squeeze3A_811 : f32
          %slice3A_813 = vector.extract_strided_slice %select_n3A_792 {offsets = [6], sizes = [1], strides = [1]} : vector<16xf32> to vector<1xf32>
          %squeeze3A_814 = vector.extract %slice3A_813[0] : f32 from vector<1xf32>
          %max3A_815 = arith.maximumf %max3A_812, %squeeze3A_814 : f32
          %slice3A_816 = vector.extract_strided_slice %select_n3A_792 {offsets = [7], sizes = [1], strides = [1]} : vector<16xf32> to vector<1xf32>
          %squeeze3A_817 = vector.extract %slice3A_816[0] : f32 from vector<1xf32>
          %max3A_818 = arith.maximumf %max3A_815, %squeeze3A_817 : f32
          %slice3A_819 = vector.extract_strided_slice %select_n3A_792 {offsets = [8], sizes = [1], strides = [1]} : vector<16xf32> to vector<1xf32>
          %squeeze3A_820 = vector.extract %slice3A_819[0] : f32 from vector<1xf32>
          %max3A_821 = arith.maximumf %max3A_818, %squeeze3A_820 : f32
          %slice3A_822 = vector.extract_strided_slice %select_n3A_792 {offsets = [9], sizes = [1], strides = [1]} : vector<16xf32> to vector<1xf32>
          %squeeze3A_823 = vector.extract %slice3A_822[0] : f32 from vector<1xf32>
          %max3A_824 = arith.maximumf %max3A_821, %squeeze3A_823 : f32
          %slice3A_825 = vector.extract_strided_slice %select_n3A_792 {offsets = [10], sizes = [1], strides = [1]} : vector<16xf32> to vector<1xf32>
          %squeeze3A_826 = vector.extract %slice3A_825[0] : f32 from vector<1xf32>
          %max3A_827 = arith.maximumf %max3A_824, %squeeze3A_826 : f32
          %slice3A_828 = vector.extract_strided_slice %select_n3A_792 {offsets = [11], sizes = [1], strides = [1]} : vector<16xf32> to vector<1xf32>
          %squeeze3A_829 = vector.extract %slice3A_828[0] : f32 from vector<1xf32>
          %max3A_830 = arith.maximumf %max3A_827, %squeeze3A_829 : f32
          %slice3A_831 = vector.extract_strided_slice %select_n3A_792 {offsets = [12], sizes = [1], strides = [1]} : vector<16xf32> to vector<1xf32>
          %squeeze3A_832 = vector.extract %slice3A_831[0] : f32 from vector<1xf32>
          %max3A_833 = arith.maximumf %max3A_830, %squeeze3A_832 : f32
          %slice3A_834 = vector.extract_strided_slice %select_n3A_792 {offsets = [13], sizes = [1], strides = [1]} : vector<16xf32> to vector<1xf32>
          %squeeze3A_835 = vector.extract %slice3A_834[0] : f32 from vector<1xf32>
          %max3A_836 = arith.maximumf %max3A_833, %squeeze3A_835 : f32
          %slice3A_837 = vector.extract_strided_slice %select_n3A_792 {offsets = [14], sizes = [1], strides = [1]} : vector<16xf32> to vector<1xf32>
          %squeeze3A_838 = vector.extract %slice3A_837[0] : f32 from vector<1xf32>
          %max3A_839 = arith.maximumf %max3A_836, %squeeze3A_838 : f32
          %slice3A_840 = vector.extract_strided_slice %select_n3A_792 {offsets = [15], sizes = [1], strides = [1]} : vector<16xf32> to vector<1xf32>
          %squeeze3A_841 = vector.extract %slice3A_840[0] : f32 from vector<1xf32>
          %max3A_842 = arith.maximumf %max3A_839, %squeeze3A_841 : f32
          %slice3A_843 = vector.extract_strided_slice %select_n3A_792 {offsets = [0], sizes = [1], strides = [1]} : vector<16xf32> to vector<1xf32>
          %squeeze3A_844 = vector.extract %slice3A_843[0] : f32 from vector<1xf32>
          %eq3A_845 = arith.cmpf oeq, %squeeze3A_844, %max3A_842 : f32
          %slice3A_846 = vector.extract_strided_slice %select_n3A_796 {offsets = [0], sizes = [1], strides = [1]} : vector<16xi32> to vector<1xi32>
          %squeeze3A_847 = vector.extract %slice3A_846[0] : i32 from vector<1xi32>
          %jit3A_848 = arith.constant 1073741824 : i32
          %select_n3A_849 = arith.select %eq3A_845, %squeeze3A_847, %jit3A_848 : i32
          %min3A = arith.constant 1073741824 : i32
          %min3A_850 = arith.minsi %min3A, %select_n3A_849 : i32
          %slice3A_851 = vector.extract_strided_slice %select_n3A_792 {offsets = [1], sizes = [1], strides = [1]} : vector<16xf32> to vector<1xf32>
          %squeeze3A_852 = vector.extract %slice3A_851[0] : f32 from vector<1xf32>
          %eq3A_853 = arith.cmpf oeq, %squeeze3A_852, %max3A_842 : f32
          %slice3A_854 = vector.extract_strided_slice %select_n3A_796 {offsets = [1], sizes = [1], strides = [1]} : vector<16xi32> to vector<1xi32>
          %squeeze3A_855 = vector.extract %slice3A_854[0] : i32 from vector<1xi32>
          %jit3A_856 = arith.constant 1073741824 : i32
          %select_n3A_857 = arith.select %eq3A_853, %squeeze3A_855, %jit3A_856 : i32
          %min3A_858 = arith.minsi %min3A_850, %select_n3A_857 : i32
          %slice3A_859 = vector.extract_strided_slice %select_n3A_792 {offsets = [2], sizes = [1], strides = [1]} : vector<16xf32> to vector<1xf32>
          %squeeze3A_860 = vector.extract %slice3A_859[0] : f32 from vector<1xf32>
          %eq3A_861 = arith.cmpf oeq, %squeeze3A_860, %max3A_842 : f32
          %slice3A_862 = vector.extract_strided_slice %select_n3A_796 {offsets = [2], sizes = [1], strides = [1]} : vector<16xi32> to vector<1xi32>
          %squeeze3A_863 = vector.extract %slice3A_862[0] : i32 from vector<1xi32>
          %jit3A_864 = arith.constant 1073741824 : i32
          %select_n3A_865 = arith.select %eq3A_861, %squeeze3A_863, %jit3A_864 : i32
          %min3A_866 = arith.minsi %min3A_858, %select_n3A_865 : i32
          %slice3A_867 = vector.extract_strided_slice %select_n3A_792 {offsets = [3], sizes = [1], strides = [1]} : vector<16xf32> to vector<1xf32>
          %squeeze3A_868 = vector.extract %slice3A_867[0] : f32 from vector<1xf32>
          %eq3A_869 = arith.cmpf oeq, %squeeze3A_868, %max3A_842 : f32
          %slice3A_870 = vector.extract_strided_slice %select_n3A_796 {offsets = [3], sizes = [1], strides = [1]} : vector<16xi32> to vector<1xi32>
          %squeeze3A_871 = vector.extract %slice3A_870[0] : i32 from vector<1xi32>
          %jit3A_872 = arith.constant 1073741824 : i32
          %select_n3A_873 = arith.select %eq3A_869, %squeeze3A_871, %jit3A_872 : i32
          %min3A_874 = arith.minsi %min3A_866, %select_n3A_873 : i32
          %slice3A_875 = vector.extract_strided_slice %select_n3A_792 {offsets = [4], sizes = [1], strides = [1]} : vector<16xf32> to vector<1xf32>
          %squeeze3A_876 = vector.extract %slice3A_875[0] : f32 from vector<1xf32>
          %eq3A_877 = arith.cmpf oeq, %squeeze3A_876, %max3A_842 : f32
          %slice3A_878 = vector.extract_strided_slice %select_n3A_796 {offsets = [4], sizes = [1], strides = [1]} : vector<16xi32> to vector<1xi32>
          %squeeze3A_879 = vector.extract %slice3A_878[0] : i32 from vector<1xi32>
          %jit3A_880 = arith.constant 1073741824 : i32
          %select_n3A_881 = arith.select %eq3A_877, %squeeze3A_879, %jit3A_880 : i32
          %min3A_882 = arith.minsi %min3A_874, %select_n3A_881 : i32
          %slice3A_883 = vector.extract_strided_slice %select_n3A_792 {offsets = [5], sizes = [1], strides = [1]} : vector<16xf32> to vector<1xf32>
          %squeeze3A_884 = vector.extract %slice3A_883[0] : f32 from vector<1xf32>
          %eq3A_885 = arith.cmpf oeq, %squeeze3A_884, %max3A_842 : f32
          %slice3A_886 = vector.extract_strided_slice %select_n3A_796 {offsets = [5], sizes = [1], strides = [1]} : vector<16xi32> to vector<1xi32>
          %squeeze3A_887 = vector.extract %slice3A_886[0] : i32 from vector<1xi32>
          %jit3A_888 = arith.constant 1073741824 : i32
          %select_n3A_889 = arith.select %eq3A_885, %squeeze3A_887, %jit3A_888 : i32
          %min3A_890 = arith.minsi %min3A_882, %select_n3A_889 : i32
          %slice3A_891 = vector.extract_strided_slice %select_n3A_792 {offsets = [6], sizes = [1], strides = [1]} : vector<16xf32> to vector<1xf32>
          %squeeze3A_892 = vector.extract %slice3A_891[0] : f32 from vector<1xf32>
          %eq3A_893 = arith.cmpf oeq, %squeeze3A_892, %max3A_842 : f32
          %slice3A_894 = vector.extract_strided_slice %select_n3A_796 {offsets = [6], sizes = [1], strides = [1]} : vector<16xi32> to vector<1xi32>
          %squeeze3A_895 = vector.extract %slice3A_894[0] : i32 from vector<1xi32>
          %jit3A_896 = arith.constant 1073741824 : i32
          %select_n3A_897 = arith.select %eq3A_893, %squeeze3A_895, %jit3A_896 : i32
          %min3A_898 = arith.minsi %min3A_890, %select_n3A_897 : i32
          %slice3A_899 = vector.extract_strided_slice %select_n3A_792 {offsets = [7], sizes = [1], strides = [1]} : vector<16xf32> to vector<1xf32>
          %squeeze3A_900 = vector.extract %slice3A_899[0] : f32 from vector<1xf32>
          %eq3A_901 = arith.cmpf oeq, %squeeze3A_900, %max3A_842 : f32
          %slice3A_902 = vector.extract_strided_slice %select_n3A_796 {offsets = [7], sizes = [1], strides = [1]} : vector<16xi32> to vector<1xi32>
          %squeeze3A_903 = vector.extract %slice3A_902[0] : i32 from vector<1xi32>
          %jit3A_904 = arith.constant 1073741824 : i32
          %select_n3A_905 = arith.select %eq3A_901, %squeeze3A_903, %jit3A_904 : i32
          %min3A_906 = arith.minsi %min3A_898, %select_n3A_905 : i32
          %slice3A_907 = vector.extract_strided_slice %select_n3A_792 {offsets = [8], sizes = [1], strides = [1]} : vector<16xf32> to vector<1xf32>
          %squeeze3A_908 = vector.extract %slice3A_907[0] : f32 from vector<1xf32>
          %eq3A_909 = arith.cmpf oeq, %squeeze3A_908, %max3A_842 : f32
          %slice3A_910 = vector.extract_strided_slice %select_n3A_796 {offsets = [8], sizes = [1], strides = [1]} : vector<16xi32> to vector<1xi32>
          %squeeze3A_911 = vector.extract %slice3A_910[0] : i32 from vector<1xi32>
          %jit3A_912 = arith.constant 1073741824 : i32
          %select_n3A_913 = arith.select %eq3A_909, %squeeze3A_911, %jit3A_912 : i32
          %min3A_914 = arith.minsi %min3A_906, %select_n3A_913 : i32
          %slice3A_915 = vector.extract_strided_slice %select_n3A_792 {offsets = [9], sizes = [1], strides = [1]} : vector<16xf32> to vector<1xf32>
          %squeeze3A_916 = vector.extract %slice3A_915[0] : f32 from vector<1xf32>
          %eq3A_917 = arith.cmpf oeq, %squeeze3A_916, %max3A_842 : f32
          %slice3A_918 = vector.extract_strided_slice %select_n3A_796 {offsets = [9], sizes = [1], strides = [1]} : vector<16xi32> to vector<1xi32>
          %squeeze3A_919 = vector.extract %slice3A_918[0] : i32 from vector<1xi32>
          %jit3A_920 = arith.constant 1073741824 : i32
          %select_n3A_921 = arith.select %eq3A_917, %squeeze3A_919, %jit3A_920 : i32
          %min3A_922 = arith.minsi %min3A_914, %select_n3A_921 : i32
          %slice3A_923 = vector.extract_strided_slice %select_n3A_792 {offsets = [10], sizes = [1], strides = [1]} : vector<16xf32> to vector<1xf32>
          %squeeze3A_924 = vector.extract %slice3A_923[0] : f32 from vector<1xf32>
          %eq3A_925 = arith.cmpf oeq, %squeeze3A_924, %max3A_842 : f32
          %slice3A_926 = vector.extract_strided_slice %select_n3A_796 {offsets = [10], sizes = [1], strides = [1]} : vector<16xi32> to vector<1xi32>
          %squeeze3A_927 = vector.extract %slice3A_926[0] : i32 from vector<1xi32>
          %jit3A_928 = arith.constant 1073741824 : i32
          %select_n3A_929 = arith.select %eq3A_925, %squeeze3A_927, %jit3A_928 : i32
          %min3A_930 = arith.minsi %min3A_922, %select_n3A_929 : i32
          %slice3A_931 = vector.extract_strided_slice %select_n3A_792 {offsets = [11], sizes = [1], strides = [1]} : vector<16xf32> to vector<1xf32>
          %squeeze3A_932 = vector.extract %slice3A_931[0] : f32 from vector<1xf32>
          %eq3A_933 = arith.cmpf oeq, %squeeze3A_932, %max3A_842 : f32
          %slice3A_934 = vector.extract_strided_slice %select_n3A_796 {offsets = [11], sizes = [1], strides = [1]} : vector<16xi32> to vector<1xi32>
          %squeeze3A_935 = vector.extract %slice3A_934[0] : i32 from vector<1xi32>
          %jit3A_936 = arith.constant 1073741824 : i32
          %select_n3A_937 = arith.select %eq3A_933, %squeeze3A_935, %jit3A_936 : i32
          %min3A_938 = arith.minsi %min3A_930, %select_n3A_937 : i32
          %slice3A_939 = vector.extract_strided_slice %select_n3A_792 {offsets = [12], sizes = [1], strides = [1]} : vector<16xf32> to vector<1xf32>
          %squeeze3A_940 = vector.extract %slice3A_939[0] : f32 from vector<1xf32>
          %eq3A_941 = arith.cmpf oeq, %squeeze3A_940, %max3A_842 : f32
          %slice3A_942 = vector.extract_strided_slice %select_n3A_796 {offsets = [12], sizes = [1], strides = [1]} : vector<16xi32> to vector<1xi32>
          %squeeze3A_943 = vector.extract %slice3A_942[0] : i32 from vector<1xi32>
          %jit3A_944 = arith.constant 1073741824 : i32
          %select_n3A_945 = arith.select %eq3A_941, %squeeze3A_943, %jit3A_944 : i32
          %min3A_946 = arith.minsi %min3A_938, %select_n3A_945 : i32
          %slice3A_947 = vector.extract_strided_slice %select_n3A_792 {offsets = [13], sizes = [1], strides = [1]} : vector<16xf32> to vector<1xf32>
          %squeeze3A_948 = vector.extract %slice3A_947[0] : f32 from vector<1xf32>
          %eq3A_949 = arith.cmpf oeq, %squeeze3A_948, %max3A_842 : f32
          %slice3A_950 = vector.extract_strided_slice %select_n3A_796 {offsets = [13], sizes = [1], strides = [1]} : vector<16xi32> to vector<1xi32>
          %squeeze3A_951 = vector.extract %slice3A_950[0] : i32 from vector<1xi32>
          %jit3A_952 = arith.constant 1073741824 : i32
          %select_n3A_953 = arith.select %eq3A_949, %squeeze3A_951, %jit3A_952 : i32
          %min3A_954 = arith.minsi %min3A_946, %select_n3A_953 : i32
          %slice3A_955 = vector.extract_strided_slice %select_n3A_792 {offsets = [14], sizes = [1], strides = [1]} : vector<16xf32> to vector<1xf32>
          %squeeze3A_956 = vector.extract %slice3A_955[0] : f32 from vector<1xf32>
          %eq3A_957 = arith.cmpf oeq, %squeeze3A_956, %max3A_842 : f32
          %slice3A_958 = vector.extract_strided_slice %select_n3A_796 {offsets = [14], sizes = [1], strides = [1]} : vector<16xi32> to vector<1xi32>
          %squeeze3A_959 = vector.extract %slice3A_958[0] : i32 from vector<1xi32>
          %jit3A_960 = arith.constant 1073741824 : i32
          %select_n3A_961 = arith.select %eq3A_957, %squeeze3A_959, %jit3A_960 : i32
          %min3A_962 = arith.minsi %min3A_954, %select_n3A_961 : i32
          %slice3A_963 = vector.extract_strided_slice %select_n3A_792 {offsets = [15], sizes = [1], strides = [1]} : vector<16xf32> to vector<1xf32>
          %squeeze3A_964 = vector.extract %slice3A_963[0] : f32 from vector<1xf32>
          %eq3A_965 = arith.cmpf oeq, %squeeze3A_964, %max3A_842 : f32
          %slice3A_966 = vector.extract_strided_slice %select_n3A_796 {offsets = [15], sizes = [1], strides = [1]} : vector<16xi32> to vector<1xi32>
          %squeeze3A_967 = vector.extract %slice3A_966[0] : i32 from vector<1xi32>
          %jit3A_968 = arith.constant 1073741824 : i32
          %select_n3A_969 = arith.select %eq3A_965, %squeeze3A_967, %jit3A_968 : i32
          %min3A_970 = arith.minsi %min3A_962, %select_n3A_969 : i32
          %gt3A_971 = arith.constant 2.000000e-01 : f32
          %gt3A_972 = arith.cmpf ogt, %max3A_842, %gt3A_971 : f32
          %jit3A_973 = arith.constant -1 : i32
          %select_n3A_974 = arith.select %gt3A_972, %min3A_970, %jit3A_973 : i32
          scf.yield %select_n3A_974 : i32
        } else {
          scf.yield %select_n3A_315 : i32
        }
        %eq3A_322 = arith.constant 0 : i32
        %eq3A_323 = vector.broadcast %eq3A_322 : i32 to vector<16xi32>
        %eq3A_324 = arith.cmpi eq, %iota3A, %eq3A_323 : vector<16xi32>
        %broadcast_in_dim3A_325 = vector.broadcast %cond3A_321 : i32 to vector<16xi32>
        %select_n3A_326 = arith.select %eq3A_324, %broadcast_in_dim3A_325, %get3A_140 : vector<16xi1>, vector<16xi32>
        %slice3A_327 = vector.extract_strided_slice %get3A_130 {offsets = [7], sizes = [1], strides = [1]} : vector<16xi32> to vector<1xi32>
        %squeeze3A_328 = vector.extract %slice3A_327[0] : i32 from vector<1xi32>
        %ne3A = arith.cmpi ne, %squeeze3A_328, %cond3A_321 : i32
        %and3A_329 = arith.andi %gt3A_209, %ne3A : i1
        %slice3A_330 = vector.extract_strided_slice %get3A_135 {offsets = [7], sizes = [1], strides = [1]} : vector<16xf32> to vector<1xf32>
        %squeeze3A_331 = vector.extract %slice3A_330[0] : f32 from vector<1xf32>
        %le3A_332 = arith.constant 2.000000e-01 : f32
        %le3A_333 = arith.cmpf ole, %squeeze3A_331, %le3A_332 : f32
        %jit3A_334 = arith.constant -2 : i32
        %select_n3A_335 = arith.select %and3A_329, %squeeze3A_328, %jit3A_334 : i32
        %jit3A_336 = arith.constant -1 : i32
        %select_n3A_337 = arith.select %le3A_333, %jit3A_336, %select_n3A_335 : i32
        %slice3A_338 = vector.extract_strided_slice %get3A_130 {offsets = [6], sizes = [1], strides = [1]} : vector<16xi32> to vector<1xi32>
        %squeeze3A_339 = vector.extract %slice3A_338[0] : i32 from vector<1xi32>
        %ne3A_340 = arith.cmpi ne, %squeeze3A_339, %cond3A_321 : i32
        %and3A_341 = arith.andi %gt3A_200, %ne3A_340 : i1
        %slice3A_342 = vector.extract_strided_slice %get3A_135 {offsets = [6], sizes = [1], strides = [1]} : vector<16xf32> to vector<1xf32>
        %squeeze3A_343 = vector.extract %slice3A_342[0] : f32 from vector<1xf32>
        %le3A_344 = arith.constant 2.000000e-01 : f32
        %le3A_345 = arith.cmpf ole, %squeeze3A_343, %le3A_344 : f32
        %select_n3A_346 = arith.select %and3A_341, %squeeze3A_339, %select_n3A_337 : i32
        %jit3A_347 = arith.constant -1 : i32
        %select_n3A_348 = arith.select %le3A_345, %jit3A_347, %select_n3A_346 : i32
        %slice3A_349 = vector.extract_strided_slice %get3A_130 {offsets = [5], sizes = [1], strides = [1]} : vector<16xi32> to vector<1xi32>
        %squeeze3A_350 = vector.extract %slice3A_349[0] : i32 from vector<1xi32>
        %ne3A_351 = arith.cmpi ne, %squeeze3A_350, %cond3A_321 : i32
        %and3A_352 = arith.andi %gt3A_191, %ne3A_351 : i1
        %slice3A_353 = vector.extract_strided_slice %get3A_135 {offsets = [5], sizes = [1], strides = [1]} : vector<16xf32> to vector<1xf32>
        %squeeze3A_354 = vector.extract %slice3A_353[0] : f32 from vector<1xf32>
        %le3A_355 = arith.constant 2.000000e-01 : f32
        %le3A_356 = arith.cmpf ole, %squeeze3A_354, %le3A_355 : f32
        %select_n3A_357 = arith.select %and3A_352, %squeeze3A_350, %select_n3A_348 : i32
        %jit3A_358 = arith.constant -1 : i32
        %select_n3A_359 = arith.select %le3A_356, %jit3A_358, %select_n3A_357 : i32
        %slice3A_360 = vector.extract_strided_slice %get3A_130 {offsets = [4], sizes = [1], strides = [1]} : vector<16xi32> to vector<1xi32>
        %squeeze3A_361 = vector.extract %slice3A_360[0] : i32 from vector<1xi32>
        %ne3A_362 = arith.cmpi ne, %squeeze3A_361, %cond3A_321 : i32
        %and3A_363 = arith.andi %gt3A_182, %ne3A_362 : i1
        %slice3A_364 = vector.extract_strided_slice %get3A_135 {offsets = [4], sizes = [1], strides = [1]} : vector<16xf32> to vector<1xf32>
        %squeeze3A_365 = vector.extract %slice3A_364[0] : f32 from vector<1xf32>
        %le3A_366 = arith.constant 2.000000e-01 : f32
        %le3A_367 = arith.cmpf ole, %squeeze3A_365, %le3A_366 : f32
        %select_n3A_368 = arith.select %and3A_363, %squeeze3A_361, %select_n3A_359 : i32
        %jit3A_369 = arith.constant -1 : i32
        %select_n3A_370 = arith.select %le3A_367, %jit3A_369, %select_n3A_368 : i32
        %eq3A_371 = arith.constant -2 : i32
        %eq3A_372 = arith.cmpi eq, %select_n3A_370, %eq3A_371 : i32
        %convert_element_type3A_373 = arith.extui %eq3A_372 : i1 to i32
        %cond3A_374 = arith.constant 0 : i32
        %cond3A_375 = arith.cmpi ne, %convert_element_type3A_373, %cond3A_374 : i32
        %cond3A_376 = scf.if %cond3A_375 -> (i32) {
          %mul3A_543 = arith.constant 4 : i32
          %mul3A_544 = arith.muli %scan3A_127, %mul3A_543 : i32
          %add3A = arith.constant 1 : i32
          %add3A_545 = arith.addi %mul3A_544, %add3A : i32
          %ge3A_546 = arith.constant 0 : i32
          %ge3A_547 = arith.cmpi sge, %cond3A_321, %ge3A_546 : i32
          %convert_element_type3A_548 = arith.extui %ge3A_547 : i1 to i32
          %cond3A_549 = arith.constant 0 : i32
          %cond3A_550 = arith.cmpi ne, %convert_element_type3A_548, %cond3A_549 : i32
          scf.if %cond3A_550 {
            %get3A_980 = arith.index_cast %cond3A_321 : i32 to index
            %get3A_981 = tpu.vector_load %arg8[%get3A_980] {strides = array<i32>} : memref<320xf32, #tpu.memory_space<vmem>>, vector<16xf32>,
            %get3A_982 = vector.shape_cast %get3A_981 : vector<16xf32> to vector<16xf32>
            %eq3A_983 = arith.constant 0 : i32
            %eq3A_984 = vector.broadcast %eq3A_983 : i32 to vector<16xi32>
            %eq3A_985 = arith.cmpi eq, %iota3A, %eq3A_984 : vector<16xi32>
            %jit3A_986 = arith.constant 0.000000e+00 : f32
            %broadcast_in_dim3A_987 = vector.broadcast %jit3A_986 : f32 to vector<16xf32>
            %select_n3A_988 = arith.select %eq3A_985, %broadcast_in_dim3A_987, %get3A_982 : vector<16xi1>, vector<16xf32>
            %swap3A_989 = arith.index_cast %cond3A_321 : i32 to index
            %swap3A_990 = tpu.vector_load %arg8[%swap3A_989] {strides = array<i32>} : memref<320xf32, #tpu.memory_space<vmem>>, vector<16xf32>,
            %swap3A_991 = vector.shape_cast %swap3A_990 : vector<16xf32> to vector<16xf32>
            %swap3A_992 = vector.shape_cast %select_n3A_988 : vector<16xf32> to vector<16xf32>
            tpu.vector_store %arg8[%swap3A_989], %swap3A_992 {strides = array<i32>} : memref<320xf32, #tpu.memory_space<vmem>>, vector<16xf32>,
          } else {
          }
          "tpu.region"() ({
            %run_scoped3A = tpu.sem_alloc : memref<!tpu.dma_semaphore, #tpu.memory_space<semaphore_mem>>
            %dma_start3A = arith.constant 0 : i32
            %dma_start3A_980 = tpu.memref_slice %arg2[%add3A_545, %dma_start3A] : memref<1000x304xf32, #tpu.memory_space<hbm>> -> memref<1x304xf32, #tpu.memory_space<hbm>>
            %dma_start3A_981 = tpu.memref_squeeze %dma_start3A_980 : memref<1x304xf32, #tpu.memory_space<hbm>> -> memref<304xf32, #tpu.memory_space<hbm>>
            %dma_start3A_982 = arith.constant 0 : i32
            %dma_start3A_983 = tpu.memref_slice %arg2[%add3A_545, %dma_start3A_982] : memref<1000x304xf32, #tpu.memory_space<hbm>> -> memref<1x304xf32, #tpu.memory_space<hbm>>
            %dma_start3A_984 = tpu.memref_squeeze %dma_start3A_983 : memref<1x304xf32, #tpu.memory_space<hbm>> -> memref<304xf32, #tpu.memory_space<hbm>>
            tpu.enqueue_dma source(%dma_start3A_984 : memref<304xf32, #tpu.memory_space<hbm>>) target(%arg10 : memref<304xf32, #tpu.memory_space<vmem>>) target_semaphore(%run_scoped3A : memref<!tpu.dma_semaphore, #tpu.memory_space<semaphore_mem>>)
            %dma_wait3A = arith.constant 0 : i32
            %dma_wait3A_985 = tpu.memref_slice %arg2[%add3A_545, %dma_wait3A] : memref<1000x304xf32, #tpu.memory_space<hbm>> -> memref<1x304xf32, #tpu.memory_space<hbm>>
            %dma_wait3A_986 = tpu.memref_squeeze %dma_wait3A_985 : memref<1x304xf32, #tpu.memory_space<hbm>> -> memref<304xf32, #tpu.memory_space<hbm>>
            %dma_wait3A_987 = arith.constant 0 : i32
            %dma_wait3A_988 = tpu.memref_slice %arg2[%add3A_545, %dma_wait3A_987] : memref<1000x304xf32, #tpu.memory_space<hbm>> -> memref<1x304xf32, #tpu.memory_space<hbm>>
            %dma_wait3A_989 = tpu.memref_squeeze %dma_wait3A_988 : memref<1x304xf32, #tpu.memory_space<hbm>> -> memref<304xf32, #tpu.memory_space<hbm>>
            tpu.wait_dma2 semaphore(%run_scoped3A : memref<!tpu.dma_semaphore, #tpu.memory_space<semaphore_mem>>) src(%dma_wait3A_989 : memref<304xf32, #tpu.memory_space<hbm>>) dst(%arg10 : memref<304xf32, #tpu.memory_space<vmem>>)
            tpu.yield
          }) : () -> ()
          %broadcast_in_dim3A_551 = arith.constant -1.000000e+00 : f32
          %broadcast_in_dim3A_552 = vector.broadcast %broadcast_in_dim3A_551 : f32 to vector<16xf32>
          %broadcast_in_dim3A_553 = arith.constant 0 : i32
          %broadcast_in_dim3A_554 = vector.broadcast %broadcast_in_dim3A_553 : i32 to vector<16xi32>
          %get3A_555 = arith.constant 0 : index
          %get3A_556 = tpu.vector_load %arg10[%get3A_555] {strides = array<i32>} : memref<304xf32, #tpu.memory_space<vmem>>, vector<16xf32>,
          %get3A_557 = vector.shape_cast %get3A_556 : vector<16xf32> to vector<16xf32>
          %get3A_558 = arith.constant 0 : index
          %get3A_559 = tpu.vector_load %arg8[%get3A_558] {strides = array<i32>} : memref<320xf32, #tpu.memory_space<vmem>>, vector<16xf32>,
          %get3A_560 = vector.shape_cast %get3A_559 : vector<16xf32> to vector<16xf32>
          %mul3A_561 = arith.mulf %get3A_557, %get3A_560 : vector<16xf32>
          %gt3A_562 = arith.cmpf ogt, %mul3A_561, %broadcast_in_dim3A_552 : vector<16xf32>
          %select_n3A_563 = arith.select %gt3A_562, %mul3A_561, %broadcast_in_dim3A_552 : vector<16xi1>, vector<16xf32>
          %add3A_564 = arith.constant 0 : i32
          %add3A_565 = vector.broadcast %add3A_564 : i32 to vector<16xi32>
          %add3A_566 = arith.addi %iota3A, %add3A_565 : vector<16xi32>
          %select_n3A_567 = arith.select %gt3A_562, %add3A_566, %broadcast_in_dim3A_554 : vector<16xi1>, vector<16xi32>
          %get3A_568 = arith.constant 16 : index
          %get3A_569 = tpu.vector_load %arg10[%get3A_568] {strides = array<i32>} : memref<304xf32, #tpu.memory_space<vmem>>, vector<16xf32>,
          %get3A_570 = vector.shape_cast %get3A_569 : vector<16xf32> to vector<16xf32>
          %get3A_571 = arith.constant 16 : index
          %get3A_572 = tpu.vector_load %arg8[%get3A_571] {strides = array<i32>} : memref<320xf32, #tpu.memory_space<vmem>>, vector<16xf32>,
          %get3A_573 = vector.shape_cast %get3A_572 : vector<16xf32> to vector<16xf32>
          %mul3A_574 = arith.mulf %get3A_570, %get3A_573 : vector<16xf32>
          %gt3A_575 = arith.cmpf ogt, %mul3A_574, %select_n3A_563 : vector<16xf32>
          %select_n3A_576 = arith.select %gt3A_575, %mul3A_574, %select_n3A_563 : vector<16xi1>, vector<16xf32>
          %add3A_577 = arith.constant 16 : i32
          %add3A_578 = vector.broadcast %add3A_577 : i32 to vector<16xi32>
          %add3A_579 = arith.addi %iota3A, %add3A_578 : vector<16xi32>
          %select_n3A_580 = arith.select %gt3A_575, %add3A_579, %select_n3A_567 : vector<16xi1>, vector<16xi32>
          %get3A_581 = arith.constant 32 : index
          %get3A_582 = tpu.vector_load %arg10[%get3A_581] {strides = array<i32>} : memref<304xf32, #tpu.memory_space<vmem>>, vector<16xf32>,
          %get3A_583 = vector.shape_cast %get3A_582 : vector<16xf32> to vector<16xf32>
          %get3A_584 = arith.constant 32 : index
          %get3A_585 = tpu.vector_load %arg8[%get3A_584] {strides = array<i32>} : memref<320xf32, #tpu.memory_space<vmem>>, vector<16xf32>,
          %get3A_586 = vector.shape_cast %get3A_585 : vector<16xf32> to vector<16xf32>
          %mul3A_587 = arith.mulf %get3A_583, %get3A_586 : vector<16xf32>
          %gt3A_588 = arith.cmpf ogt, %mul3A_587, %select_n3A_576 : vector<16xf32>
          %select_n3A_589 = arith.select %gt3A_588, %mul3A_587, %select_n3A_576 : vector<16xi1>, vector<16xf32>
          %add3A_590 = arith.constant 32 : i32
          %add3A_591 = vector.broadcast %add3A_590 : i32 to vector<16xi32>
          %add3A_592 = arith.addi %iota3A, %add3A_591 : vector<16xi32>
          %select_n3A_593 = arith.select %gt3A_588, %add3A_592, %select_n3A_580 : vector<16xi1>, vector<16xi32>
          %get3A_594 = arith.constant 48 : index
          %get3A_595 = tpu.vector_load %arg10[%get3A_594] {strides = array<i32>} : memref<304xf32, #tpu.memory_space<vmem>>, vector<16xf32>,
          %get3A_596 = vector.shape_cast %get3A_595 : vector<16xf32> to vector<16xf32>
          %get3A_597 = arith.constant 48 : index
          %get3A_598 = tpu.vector_load %arg8[%get3A_597] {strides = array<i32>} : memref<320xf32, #tpu.memory_space<vmem>>, vector<16xf32>,
          %get3A_599 = vector.shape_cast %get3A_598 : vector<16xf32> to vector<16xf32>
          %mul3A_600 = arith.mulf %get3A_596, %get3A_599 : vector<16xf32>
          %gt3A_601 = arith.cmpf ogt, %mul3A_600, %select_n3A_589 : vector<16xf32>
          %select_n3A_602 = arith.select %gt3A_601, %mul3A_600, %select_n3A_589 : vector<16xi1>, vector<16xf32>
          %add3A_603 = arith.constant 48 : i32
          %add3A_604 = vector.broadcast %add3A_603 : i32 to vector<16xi32>
          %add3A_605 = arith.addi %iota3A, %add3A_604 : vector<16xi32>
          %select_n3A_606 = arith.select %gt3A_601, %add3A_605, %select_n3A_593 : vector<16xi1>, vector<16xi32>
          %get3A_607 = arith.constant 64 : index
          %get3A_608 = tpu.vector_load %arg10[%get3A_607] {strides = array<i32>} : memref<304xf32, #tpu.memory_space<vmem>>, vector<16xf32>,
          %get3A_609 = vector.shape_cast %get3A_608 : vector<16xf32> to vector<16xf32>
          %get3A_610 = arith.constant 64 : index
          %get3A_611 = tpu.vector_load %arg8[%get3A_610] {strides = array<i32>} : memref<320xf32, #tpu.memory_space<vmem>>, vector<16xf32>,
          %get3A_612 = vector.shape_cast %get3A_611 : vector<16xf32> to vector<16xf32>
          %mul3A_613 = arith.mulf %get3A_609, %get3A_612 : vector<16xf32>
          %gt3A_614 = arith.cmpf ogt, %mul3A_613, %select_n3A_602 : vector<16xf32>
          %select_n3A_615 = arith.select %gt3A_614, %mul3A_613, %select_n3A_602 : vector<16xi1>, vector<16xf32>
          %add3A_616 = arith.constant 64 : i32
          %add3A_617 = vector.broadcast %add3A_616 : i32 to vector<16xi32>
          %add3A_618 = arith.addi %iota3A, %add3A_617 : vector<16xi32>
          %select_n3A_619 = arith.select %gt3A_614, %add3A_618, %select_n3A_606 : vector<16xi1>, vector<16xi32>
          %get3A_620 = arith.constant 80 : index
          %get3A_621 = tpu.vector_load %arg10[%get3A_620] {strides = array<i32>} : memref<304xf32, #tpu.memory_space<vmem>>, vector<16xf32>,
          %get3A_622 = vector.shape_cast %get3A_621 : vector<16xf32> to vector<16xf32>
          %get3A_623 = arith.constant 80 : index
          %get3A_624 = tpu.vector_load %arg8[%get3A_623] {strides = array<i32>} : memref<320xf32, #tpu.memory_space<vmem>>, vector<16xf32>,
          %get3A_625 = vector.shape_cast %get3A_624 : vector<16xf32> to vector<16xf32>
          %mul3A_626 = arith.mulf %get3A_622, %get3A_625 : vector<16xf32>
          %gt3A_627 = arith.cmpf ogt, %mul3A_626, %select_n3A_615 : vector<16xf32>
          %select_n3A_628 = arith.select %gt3A_627, %mul3A_626, %select_n3A_615 : vector<16xi1>, vector<16xf32>
          %add3A_629 = arith.constant 80 : i32
          %add3A_630 = vector.broadcast %add3A_629 : i32 to vector<16xi32>
          %add3A_631 = arith.addi %iota3A, %add3A_630 : vector<16xi32>
          %select_n3A_632 = arith.select %gt3A_627, %add3A_631, %select_n3A_619 : vector<16xi1>, vector<16xi32>
          %get3A_633 = arith.constant 96 : index
          %get3A_634 = tpu.vector_load %arg10[%get3A_633] {strides = array<i32>} : memref<304xf32, #tpu.memory_space<vmem>>, vector<16xf32>,
          %get3A_635 = vector.shape_cast %get3A_634 : vector<16xf32> to vector<16xf32>
          %get3A_636 = arith.constant 96 : index
          %get3A_637 = tpu.vector_load %arg8[%get3A_636] {strides = array<i32>} : memref<320xf32, #tpu.memory_space<vmem>>, vector<16xf32>,
          %get3A_638 = vector.shape_cast %get3A_637 : vector<16xf32> to vector<16xf32>
          %mul3A_639 = arith.mulf %get3A_635, %get3A_638 : vector<16xf32>
          %gt3A_640 = arith.cmpf ogt, %mul3A_639, %select_n3A_628 : vector<16xf32>
          %select_n3A_641 = arith.select %gt3A_640, %mul3A_639, %select_n3A_628 : vector<16xi1>, vector<16xf32>
          %add3A_642 = arith.constant 96 : i32
          %add3A_643 = vector.broadcast %add3A_642 : i32 to vector<16xi32>
          %add3A_644 = arith.addi %iota3A, %add3A_643 : vector<16xi32>
          %select_n3A_645 = arith.select %gt3A_640, %add3A_644, %select_n3A_632 : vector<16xi1>, vector<16xi32>
          %get3A_646 = arith.constant 112 : index
          %get3A_647 = tpu.vector_load %arg10[%get3A_646] {strides = array<i32>} : memref<304xf32, #tpu.memory_space<vmem>>, vector<16xf32>,
          %get3A_648 = vector.shape_cast %get3A_647 : vector<16xf32> to vector<16xf32>
          %get3A_649 = arith.constant 112 : index
          %get3A_650 = tpu.vector_load %arg8[%get3A_649] {strides = array<i32>} : memref<320xf32, #tpu.memory_space<vmem>>, vector<16xf32>,
          %get3A_651 = vector.shape_cast %get3A_650 : vector<16xf32> to vector<16xf32>
          %mul3A_652 = arith.mulf %get3A_648, %get3A_651 : vector<16xf32>
          %gt3A_653 = arith.cmpf ogt, %mul3A_652, %select_n3A_641 : vector<16xf32>
          %select_n3A_654 = arith.select %gt3A_653, %mul3A_652, %select_n3A_641 : vector<16xi1>, vector<16xf32>
          %add3A_655 = arith.constant 112 : i32
          %add3A_656 = vector.broadcast %add3A_655 : i32 to vector<16xi32>
          %add3A_657 = arith.addi %iota3A, %add3A_656 : vector<16xi32>
          %select_n3A_658 = arith.select %gt3A_653, %add3A_657, %select_n3A_645 : vector<16xi1>, vector<16xi32>
          %get3A_659 = arith.constant 128 : index
          %get3A_660 = tpu.vector_load %arg10[%get3A_659] {strides = array<i32>} : memref<304xf32, #tpu.memory_space<vmem>>, vector<16xf32>,
          %get3A_661 = vector.shape_cast %get3A_660 : vector<16xf32> to vector<16xf32>
          %get3A_662 = arith.constant 128 : index
          %get3A_663 = tpu.vector_load %arg8[%get3A_662] {strides = array<i32>} : memref<320xf32, #tpu.memory_space<vmem>>, vector<16xf32>,
          %get3A_664 = vector.shape_cast %get3A_663 : vector<16xf32> to vector<16xf32>
          %mul3A_665 = arith.mulf %get3A_661, %get3A_664 : vector<16xf32>
          %gt3A_666 = arith.cmpf ogt, %mul3A_665, %select_n3A_654 : vector<16xf32>
          %select_n3A_667 = arith.select %gt3A_666, %mul3A_665, %select_n3A_654 : vector<16xi1>, vector<16xf32>
          %add3A_668 = arith.constant 128 : i32
          %add3A_669 = vector.broadcast %add3A_668 : i32 to vector<16xi32>
          %add3A_670 = arith.addi %iota3A, %add3A_669 : vector<16xi32>
          %select_n3A_671 = arith.select %gt3A_666, %add3A_670, %select_n3A_658 : vector<16xi1>, vector<16xi32>
          %get3A_672 = arith.constant 144 : index
          %get3A_673 = tpu.vector_load %arg10[%get3A_672] {strides = array<i32>} : memref<304xf32, #tpu.memory_space<vmem>>, vector<16xf32>,
          %get3A_674 = vector.shape_cast %get3A_673 : vector<16xf32> to vector<16xf32>
          %get3A_675 = arith.constant 144 : index
          %get3A_676 = tpu.vector_load %arg8[%get3A_675] {strides = array<i32>} : memref<320xf32, #tpu.memory_space<vmem>>, vector<16xf32>,
          %get3A_677 = vector.shape_cast %get3A_676 : vector<16xf32> to vector<16xf32>
          %mul3A_678 = arith.mulf %get3A_674, %get3A_677 : vector<16xf32>
          %gt3A_679 = arith.cmpf ogt, %mul3A_678, %select_n3A_667 : vector<16xf32>
          %select_n3A_680 = arith.select %gt3A_679, %mul3A_678, %select_n3A_667 : vector<16xi1>, vector<16xf32>
          %add3A_681 = arith.constant 144 : i32
          %add3A_682 = vector.broadcast %add3A_681 : i32 to vector<16xi32>
          %add3A_683 = arith.addi %iota3A, %add3A_682 : vector<16xi32>
          %select_n3A_684 = arith.select %gt3A_679, %add3A_683, %select_n3A_671 : vector<16xi1>, vector<16xi32>
          %get3A_685 = arith.constant 160 : index
          %get3A_686 = tpu.vector_load %arg10[%get3A_685] {strides = array<i32>} : memref<304xf32, #tpu.memory_space<vmem>>, vector<16xf32>,
          %get3A_687 = vector.shape_cast %get3A_686 : vector<16xf32> to vector<16xf32>
          %get3A_688 = arith.constant 160 : index
          %get3A_689 = tpu.vector_load %arg8[%get3A_688] {strides = array<i32>} : memref<320xf32, #tpu.memory_space<vmem>>, vector<16xf32>,
          %get3A_690 = vector.shape_cast %get3A_689 : vector<16xf32> to vector<16xf32>
          %mul3A_691 = arith.mulf %get3A_687, %get3A_690 : vector<16xf32>
          %gt3A_692 = arith.cmpf ogt, %mul3A_691, %select_n3A_680 : vector<16xf32>
          %select_n3A_693 = arith.select %gt3A_692, %mul3A_691, %select_n3A_680 : vector<16xi1>, vector<16xf32>
          %add3A_694 = arith.constant 160 : i32
          %add3A_695 = vector.broadcast %add3A_694 : i32 to vector<16xi32>
          %add3A_696 = arith.addi %iota3A, %add3A_695 : vector<16xi32>
          %select_n3A_697 = arith.select %gt3A_692, %add3A_696, %select_n3A_684 : vector<16xi1>, vector<16xi32>
          %get3A_698 = arith.constant 176 : index
          %get3A_699 = tpu.vector_load %arg10[%get3A_698] {strides = array<i32>} : memref<304xf32, #tpu.memory_space<vmem>>, vector<16xf32>,
          %get3A_700 = vector.shape_cast %get3A_699 : vector<16xf32> to vector<16xf32>
          %get3A_701 = arith.constant 176 : index
          %get3A_702 = tpu.vector_load %arg8[%get3A_701] {strides = array<i32>} : memref<320xf32, #tpu.memory_space<vmem>>, vector<16xf32>,
          %get3A_703 = vector.shape_cast %get3A_702 : vector<16xf32> to vector<16xf32>
          %mul3A_704 = arith.mulf %get3A_700, %get3A_703 : vector<16xf32>
          %gt3A_705 = arith.cmpf ogt, %mul3A_704, %select_n3A_693 : vector<16xf32>
          %select_n3A_706 = arith.select %gt3A_705, %mul3A_704, %select_n3A_693 : vector<16xi1>, vector<16xf32>
          %add3A_707 = arith.constant 176 : i32
          %add3A_708 = vector.broadcast %add3A_707 : i32 to vector<16xi32>
          %add3A_709 = arith.addi %iota3A, %add3A_708 : vector<16xi32>
          %select_n3A_710 = arith.select %gt3A_705, %add3A_709, %select_n3A_697 : vector<16xi1>, vector<16xi32>
          %get3A_711 = arith.constant 192 : index
          %get3A_712 = tpu.vector_load %arg10[%get3A_711] {strides = array<i32>} : memref<304xf32, #tpu.memory_space<vmem>>, vector<16xf32>,
          %get3A_713 = vector.shape_cast %get3A_712 : vector<16xf32> to vector<16xf32>
          %get3A_714 = arith.constant 192 : index
          %get3A_715 = tpu.vector_load %arg8[%get3A_714] {strides = array<i32>} : memref<320xf32, #tpu.memory_space<vmem>>, vector<16xf32>,
          %get3A_716 = vector.shape_cast %get3A_715 : vector<16xf32> to vector<16xf32>
          %mul3A_717 = arith.mulf %get3A_713, %get3A_716 : vector<16xf32>
          %gt3A_718 = arith.cmpf ogt, %mul3A_717, %select_n3A_706 : vector<16xf32>
          %select_n3A_719 = arith.select %gt3A_718, %mul3A_717, %select_n3A_706 : vector<16xi1>, vector<16xf32>
          %add3A_720 = arith.constant 192 : i32
          %add3A_721 = vector.broadcast %add3A_720 : i32 to vector<16xi32>
          %add3A_722 = arith.addi %iota3A, %add3A_721 : vector<16xi32>
          %select_n3A_723 = arith.select %gt3A_718, %add3A_722, %select_n3A_710 : vector<16xi1>, vector<16xi32>
          %get3A_724 = arith.constant 208 : index
          %get3A_725 = tpu.vector_load %arg10[%get3A_724] {strides = array<i32>} : memref<304xf32, #tpu.memory_space<vmem>>, vector<16xf32>,
          %get3A_726 = vector.shape_cast %get3A_725 : vector<16xf32> to vector<16xf32>
          %get3A_727 = arith.constant 208 : index
          %get3A_728 = tpu.vector_load %arg8[%get3A_727] {strides = array<i32>} : memref<320xf32, #tpu.memory_space<vmem>>, vector<16xf32>,
          %get3A_729 = vector.shape_cast %get3A_728 : vector<16xf32> to vector<16xf32>
          %mul3A_730 = arith.mulf %get3A_726, %get3A_729 : vector<16xf32>
          %gt3A_731 = arith.cmpf ogt, %mul3A_730, %select_n3A_719 : vector<16xf32>
          %select_n3A_732 = arith.select %gt3A_731, %mul3A_730, %select_n3A_719 : vector<16xi1>, vector<16xf32>
          %add3A_733 = arith.constant 208 : i32
          %add3A_734 = vector.broadcast %add3A_733 : i32 to vector<16xi32>
          %add3A_735 = arith.addi %iota3A, %add3A_734 : vector<16xi32>
          %select_n3A_736 = arith.select %gt3A_731, %add3A_735, %select_n3A_723 : vector<16xi1>, vector<16xi32>
          %get3A_737 = arith.constant 224 : index
          %get3A_738 = tpu.vector_load %arg10[%get3A_737] {strides = array<i32>} : memref<304xf32, #tpu.memory_space<vmem>>, vector<16xf32>,
          %get3A_739 = vector.shape_cast %get3A_738 : vector<16xf32> to vector<16xf32>
          %get3A_740 = arith.constant 224 : index
          %get3A_741 = tpu.vector_load %arg8[%get3A_740] {strides = array<i32>} : memref<320xf32, #tpu.memory_space<vmem>>, vector<16xf32>,
          %get3A_742 = vector.shape_cast %get3A_741 : vector<16xf32> to vector<16xf32>
          %mul3A_743 = arith.mulf %get3A_739, %get3A_742 : vector<16xf32>
          %gt3A_744 = arith.cmpf ogt, %mul3A_743, %select_n3A_732 : vector<16xf32>
          %select_n3A_745 = arith.select %gt3A_744, %mul3A_743, %select_n3A_732 : vector<16xi1>, vector<16xf32>
          %add3A_746 = arith.constant 224 : i32
          %add3A_747 = vector.broadcast %add3A_746 : i32 to vector<16xi32>
          %add3A_748 = arith.addi %iota3A, %add3A_747 : vector<16xi32>
          %select_n3A_749 = arith.select %gt3A_744, %add3A_748, %select_n3A_736 : vector<16xi1>, vector<16xi32>
          %get3A_750 = arith.constant 240 : index
          %get3A_751 = tpu.vector_load %arg10[%get3A_750] {strides = array<i32>} : memref<304xf32, #tpu.memory_space<vmem>>, vector<16xf32>,
          %get3A_752 = vector.shape_cast %get3A_751 : vector<16xf32> to vector<16xf32>
          %get3A_753 = arith.constant 240 : index
          %get3A_754 = tpu.vector_load %arg8[%get3A_753] {strides = array<i32>} : memref<320xf32, #tpu.memory_space<vmem>>, vector<16xf32>,
          %get3A_755 = vector.shape_cast %get3A_754 : vector<16xf32> to vector<16xf32>
          %mul3A_756 = arith.mulf %get3A_752, %get3A_755 : vector<16xf32>
          %gt3A_757 = arith.cmpf ogt, %mul3A_756, %select_n3A_745 : vector<16xf32>
          %select_n3A_758 = arith.select %gt3A_757, %mul3A_756, %select_n3A_745 : vector<16xi1>, vector<16xf32>
          %add3A_759 = arith.constant 240 : i32
          %add3A_760 = vector.broadcast %add3A_759 : i32 to vector<16xi32>
          %add3A_761 = arith.addi %iota3A, %add3A_760 : vector<16xi32>
          %select_n3A_762 = arith.select %gt3A_757, %add3A_761, %select_n3A_749 : vector<16xi1>, vector<16xi32>
          %get3A_763 = arith.constant 256 : index
          %get3A_764 = tpu.vector_load %arg10[%get3A_763] {strides = array<i32>} : memref<304xf32, #tpu.memory_space<vmem>>, vector<16xf32>,
          %get3A_765 = vector.shape_cast %get3A_764 : vector<16xf32> to vector<16xf32>
          %get3A_766 = arith.constant 256 : index
          %get3A_767 = tpu.vector_load %arg8[%get3A_766] {strides = array<i32>} : memref<320xf32, #tpu.memory_space<vmem>>, vector<16xf32>,
          %get3A_768 = vector.shape_cast %get3A_767 : vector<16xf32> to vector<16xf32>
          %mul3A_769 = arith.mulf %get3A_765, %get3A_768 : vector<16xf32>
          %gt3A_770 = arith.cmpf ogt, %mul3A_769, %select_n3A_758 : vector<16xf32>
          %select_n3A_771 = arith.select %gt3A_770, %mul3A_769, %select_n3A_758 : vector<16xi1>, vector<16xf32>
          %add3A_772 = arith.constant 256 : i32
          %add3A_773 = vector.broadcast %add3A_772 : i32 to vector<16xi32>
          %add3A_774 = arith.addi %iota3A, %add3A_773 : vector<16xi32>
          %select_n3A_775 = arith.select %gt3A_770, %add3A_774, %select_n3A_762 : vector<16xi1>, vector<16xi32>
          %get3A_776 = arith.constant 272 : index
          %get3A_777 = tpu.vector_load %arg10[%get3A_776] {strides = array<i32>} : memref<304xf32, #tpu.memory_space<vmem>>, vector<16xf32>,
          %get3A_778 = vector.shape_cast %get3A_777 : vector<16xf32> to vector<16xf32>
          %get3A_779 = arith.constant 272 : index
          %get3A_780 = tpu.vector_load %arg8[%get3A_779] {strides = array<i32>} : memref<320xf32, #tpu.memory_space<vmem>>, vector<16xf32>,
          %get3A_781 = vector.shape_cast %get3A_780 : vector<16xf32> to vector<16xf32>
          %mul3A_782 = arith.mulf %get3A_778, %get3A_781 : vector<16xf32>
          %gt3A_783 = arith.cmpf ogt, %mul3A_782, %select_n3A_771 : vector<16xf32>
          %select_n3A_784 = arith.select %gt3A_783, %mul3A_782, %select_n3A_771 : vector<16xi1>, vector<16xf32>
          %add3A_785 = arith.constant 272 : i32
          %add3A_786 = vector.broadcast %add3A_785 : i32 to vector<16xi32>
          %add3A_787 = arith.addi %iota3A, %add3A_786 : vector<16xi32>
          %select_n3A_788 = arith.select %gt3A_783, %add3A_787, %select_n3A_775 : vector<16xi1>, vector<16xi32>
          %get3A_789 = arith.constant 288 : index
          %get3A_790 = tpu.vector_load %arg10[%get3A_789] {strides = array<i32>} : memref<304xf32, #tpu.memory_space<vmem>>, vector<16xf32>,
          %get3A_791 = vector.shape_cast %get3A_790 : vector<16xf32> to vector<16xf32>
          %get3A_792 = arith.constant 288 : index
          %get3A_793 = tpu.vector_load %arg8[%get3A_792] {strides = array<i32>} : memref<320xf32, #tpu.memory_space<vmem>>, vector<16xf32>,
          %get3A_794 = vector.shape_cast %get3A_793 : vector<16xf32> to vector<16xf32>
          %mul3A_795 = arith.mulf %get3A_791, %get3A_794 : vector<16xf32>
          %gt3A_796 = arith.cmpf ogt, %mul3A_795, %select_n3A_784 : vector<16xf32>
          %select_n3A_797 = arith.select %gt3A_796, %mul3A_795, %select_n3A_784 : vector<16xi1>, vector<16xf32>
          %add3A_798 = arith.constant 288 : i32
          %add3A_799 = vector.broadcast %add3A_798 : i32 to vector<16xi32>
          %add3A_800 = arith.addi %iota3A, %add3A_799 : vector<16xi32>
          %select_n3A_801 = arith.select %gt3A_796, %add3A_800, %select_n3A_788 : vector<16xi1>, vector<16xi32>
          %slice3A_802 = vector.extract_strided_slice %select_n3A_797 {offsets = [0], sizes = [1], strides = [1]} : vector<16xf32> to vector<1xf32>
          %squeeze3A_803 = vector.extract %slice3A_802[0] : f32 from vector<1xf32>
          %slice3A_804 = vector.extract_strided_slice %select_n3A_797 {offsets = [1], sizes = [1], strides = [1]} : vector<16xf32> to vector<1xf32>
          %squeeze3A_805 = vector.extract %slice3A_804[0] : f32 from vector<1xf32>
          %max3A = arith.maximumf %squeeze3A_803, %squeeze3A_805 : f32
          %slice3A_806 = vector.extract_strided_slice %select_n3A_797 {offsets = [2], sizes = [1], strides = [1]} : vector<16xf32> to vector<1xf32>
          %squeeze3A_807 = vector.extract %slice3A_806[0] : f32 from vector<1xf32>
          %max3A_808 = arith.maximumf %max3A, %squeeze3A_807 : f32
          %slice3A_809 = vector.extract_strided_slice %select_n3A_797 {offsets = [3], sizes = [1], strides = [1]} : vector<16xf32> to vector<1xf32>
          %squeeze3A_810 = vector.extract %slice3A_809[0] : f32 from vector<1xf32>
          %max3A_811 = arith.maximumf %max3A_808, %squeeze3A_810 : f32
          %slice3A_812 = vector.extract_strided_slice %select_n3A_797 {offsets = [4], sizes = [1], strides = [1]} : vector<16xf32> to vector<1xf32>
          %squeeze3A_813 = vector.extract %slice3A_812[0] : f32 from vector<1xf32>
          %max3A_814 = arith.maximumf %max3A_811, %squeeze3A_813 : f32
          %slice3A_815 = vector.extract_strided_slice %select_n3A_797 {offsets = [5], sizes = [1], strides = [1]} : vector<16xf32> to vector<1xf32>
          %squeeze3A_816 = vector.extract %slice3A_815[0] : f32 from vector<1xf32>
          %max3A_817 = arith.maximumf %max3A_814, %squeeze3A_816 : f32
          %slice3A_818 = vector.extract_strided_slice %select_n3A_797 {offsets = [6], sizes = [1], strides = [1]} : vector<16xf32> to vector<1xf32>
          %squeeze3A_819 = vector.extract %slice3A_818[0] : f32 from vector<1xf32>
          %max3A_820 = arith.maximumf %max3A_817, %squeeze3A_819 : f32
          %slice3A_821 = vector.extract_strided_slice %select_n3A_797 {offsets = [7], sizes = [1], strides = [1]} : vector<16xf32> to vector<1xf32>
          %squeeze3A_822 = vector.extract %slice3A_821[0] : f32 from vector<1xf32>
          %max3A_823 = arith.maximumf %max3A_820, %squeeze3A_822 : f32
          %slice3A_824 = vector.extract_strided_slice %select_n3A_797 {offsets = [8], sizes = [1], strides = [1]} : vector<16xf32> to vector<1xf32>
          %squeeze3A_825 = vector.extract %slice3A_824[0] : f32 from vector<1xf32>
          %max3A_826 = arith.maximumf %max3A_823, %squeeze3A_825 : f32
          %slice3A_827 = vector.extract_strided_slice %select_n3A_797 {offsets = [9], sizes = [1], strides = [1]} : vector<16xf32> to vector<1xf32>
          %squeeze3A_828 = vector.extract %slice3A_827[0] : f32 from vector<1xf32>
          %max3A_829 = arith.maximumf %max3A_826, %squeeze3A_828 : f32
          %slice3A_830 = vector.extract_strided_slice %select_n3A_797 {offsets = [10], sizes = [1], strides = [1]} : vector<16xf32> to vector<1xf32>
          %squeeze3A_831 = vector.extract %slice3A_830[0] : f32 from vector<1xf32>
          %max3A_832 = arith.maximumf %max3A_829, %squeeze3A_831 : f32
          %slice3A_833 = vector.extract_strided_slice %select_n3A_797 {offsets = [11], sizes = [1], strides = [1]} : vector<16xf32> to vector<1xf32>
          %squeeze3A_834 = vector.extract %slice3A_833[0] : f32 from vector<1xf32>
          %max3A_835 = arith.maximumf %max3A_832, %squeeze3A_834 : f32
          %slice3A_836 = vector.extract_strided_slice %select_n3A_797 {offsets = [12], sizes = [1], strides = [1]} : vector<16xf32> to vector<1xf32>
          %squeeze3A_837 = vector.extract %slice3A_836[0] : f32 from vector<1xf32>
          %max3A_838 = arith.maximumf %max3A_835, %squeeze3A_837 : f32
          %slice3A_839 = vector.extract_strided_slice %select_n3A_797 {offsets = [13], sizes = [1], strides = [1]} : vector<16xf32> to vector<1xf32>
          %squeeze3A_840 = vector.extract %slice3A_839[0] : f32 from vector<1xf32>
          %max3A_841 = arith.maximumf %max3A_838, %squeeze3A_840 : f32
          %slice3A_842 = vector.extract_strided_slice %select_n3A_797 {offsets = [14], sizes = [1], strides = [1]} : vector<16xf32> to vector<1xf32>
          %squeeze3A_843 = vector.extract %slice3A_842[0] : f32 from vector<1xf32>
          %max3A_844 = arith.maximumf %max3A_841, %squeeze3A_843 : f32
          %slice3A_845 = vector.extract_strided_slice %select_n3A_797 {offsets = [15], sizes = [1], strides = [1]} : vector<16xf32> to vector<1xf32>
          %squeeze3A_846 = vector.extract %slice3A_845[0] : f32 from vector<1xf32>
          %max3A_847 = arith.maximumf %max3A_844, %squeeze3A_846 : f32
          %slice3A_848 = vector.extract_strided_slice %select_n3A_797 {offsets = [0], sizes = [1], strides = [1]} : vector<16xf32> to vector<1xf32>
          %squeeze3A_849 = vector.extract %slice3A_848[0] : f32 from vector<1xf32>
          %eq3A_850 = arith.cmpf oeq, %squeeze3A_849, %max3A_847 : f32
          %slice3A_851 = vector.extract_strided_slice %select_n3A_801 {offsets = [0], sizes = [1], strides = [1]} : vector<16xi32> to vector<1xi32>
          %squeeze3A_852 = vector.extract %slice3A_851[0] : i32 from vector<1xi32>
          %jit3A_853 = arith.constant 1073741824 : i32
          %select_n3A_854 = arith.select %eq3A_850, %squeeze3A_852, %jit3A_853 : i32
          %min3A = arith.constant 1073741824 : i32
          %min3A_855 = arith.minsi %min3A, %select_n3A_854 : i32
          %slice3A_856 = vector.extract_strided_slice %select_n3A_797 {offsets = [1], sizes = [1], strides = [1]} : vector<16xf32> to vector<1xf32>
          %squeeze3A_857 = vector.extract %slice3A_856[0] : f32 from vector<1xf32>
          %eq3A_858 = arith.cmpf oeq, %squeeze3A_857, %max3A_847 : f32
          %slice3A_859 = vector.extract_strided_slice %select_n3A_801 {offsets = [1], sizes = [1], strides = [1]} : vector<16xi32> to vector<1xi32>
          %squeeze3A_860 = vector.extract %slice3A_859[0] : i32 from vector<1xi32>
          %jit3A_861 = arith.constant 1073741824 : i32
          %select_n3A_862 = arith.select %eq3A_858, %squeeze3A_860, %jit3A_861 : i32
          %min3A_863 = arith.minsi %min3A_855, %select_n3A_862 : i32
          %slice3A_864 = vector.extract_strided_slice %select_n3A_797 {offsets = [2], sizes = [1], strides = [1]} : vector<16xf32> to vector<1xf32>
          %squeeze3A_865 = vector.extract %slice3A_864[0] : f32 from vector<1xf32>
          %eq3A_866 = arith.cmpf oeq, %squeeze3A_865, %max3A_847 : f32
          %slice3A_867 = vector.extract_strided_slice %select_n3A_801 {offsets = [2], sizes = [1], strides = [1]} : vector<16xi32> to vector<1xi32>
          %squeeze3A_868 = vector.extract %slice3A_867[0] : i32 from vector<1xi32>
          %jit3A_869 = arith.constant 1073741824 : i32
          %select_n3A_870 = arith.select %eq3A_866, %squeeze3A_868, %jit3A_869 : i32
          %min3A_871 = arith.minsi %min3A_863, %select_n3A_870 : i32
          %slice3A_872 = vector.extract_strided_slice %select_n3A_797 {offsets = [3], sizes = [1], strides = [1]} : vector<16xf32> to vector<1xf32>
          %squeeze3A_873 = vector.extract %slice3A_872[0] : f32 from vector<1xf32>
          %eq3A_874 = arith.cmpf oeq, %squeeze3A_873, %max3A_847 : f32
          %slice3A_875 = vector.extract_strided_slice %select_n3A_801 {offsets = [3], sizes = [1], strides = [1]} : vector<16xi32> to vector<1xi32>
          %squeeze3A_876 = vector.extract %slice3A_875[0] : i32 from vector<1xi32>
          %jit3A_877 = arith.constant 1073741824 : i32
          %select_n3A_878 = arith.select %eq3A_874, %squeeze3A_876, %jit3A_877 : i32
          %min3A_879 = arith.minsi %min3A_871, %select_n3A_878 : i32
          %slice3A_880 = vector.extract_strided_slice %select_n3A_797 {offsets = [4], sizes = [1], strides = [1]} : vector<16xf32> to vector<1xf32>
          %squeeze3A_881 = vector.extract %slice3A_880[0] : f32 from vector<1xf32>
          %eq3A_882 = arith.cmpf oeq, %squeeze3A_881, %max3A_847 : f32
          %slice3A_883 = vector.extract_strided_slice %select_n3A_801 {offsets = [4], sizes = [1], strides = [1]} : vector<16xi32> to vector<1xi32>
          %squeeze3A_884 = vector.extract %slice3A_883[0] : i32 from vector<1xi32>
          %jit3A_885 = arith.constant 1073741824 : i32
          %select_n3A_886 = arith.select %eq3A_882, %squeeze3A_884, %jit3A_885 : i32
          %min3A_887 = arith.minsi %min3A_879, %select_n3A_886 : i32
          %slice3A_888 = vector.extract_strided_slice %select_n3A_797 {offsets = [5], sizes = [1], strides = [1]} : vector<16xf32> to vector<1xf32>
          %squeeze3A_889 = vector.extract %slice3A_888[0] : f32 from vector<1xf32>
          %eq3A_890 = arith.cmpf oeq, %squeeze3A_889, %max3A_847 : f32
          %slice3A_891 = vector.extract_strided_slice %select_n3A_801 {offsets = [5], sizes = [1], strides = [1]} : vector<16xi32> to vector<1xi32>
          %squeeze3A_892 = vector.extract %slice3A_891[0] : i32 from vector<1xi32>
          %jit3A_893 = arith.constant 1073741824 : i32
          %select_n3A_894 = arith.select %eq3A_890, %squeeze3A_892, %jit3A_893 : i32
          %min3A_895 = arith.minsi %min3A_887, %select_n3A_894 : i32
          %slice3A_896 = vector.extract_strided_slice %select_n3A_797 {offsets = [6], sizes = [1], strides = [1]} : vector<16xf32> to vector<1xf32>
          %squeeze3A_897 = vector.extract %slice3A_896[0] : f32 from vector<1xf32>
          %eq3A_898 = arith.cmpf oeq, %squeeze3A_897, %max3A_847 : f32
          %slice3A_899 = vector.extract_strided_slice %select_n3A_801 {offsets = [6], sizes = [1], strides = [1]} : vector<16xi32> to vector<1xi32>
          %squeeze3A_900 = vector.extract %slice3A_899[0] : i32 from vector<1xi32>
          %jit3A_901 = arith.constant 1073741824 : i32
          %select_n3A_902 = arith.select %eq3A_898, %squeeze3A_900, %jit3A_901 : i32
          %min3A_903 = arith.minsi %min3A_895, %select_n3A_902 : i32
          %slice3A_904 = vector.extract_strided_slice %select_n3A_797 {offsets = [7], sizes = [1], strides = [1]} : vector<16xf32> to vector<1xf32>
          %squeeze3A_905 = vector.extract %slice3A_904[0] : f32 from vector<1xf32>
          %eq3A_906 = arith.cmpf oeq, %squeeze3A_905, %max3A_847 : f32
          %slice3A_907 = vector.extract_strided_slice %select_n3A_801 {offsets = [7], sizes = [1], strides = [1]} : vector<16xi32> to vector<1xi32>
          %squeeze3A_908 = vector.extract %slice3A_907[0] : i32 from vector<1xi32>
          %jit3A_909 = arith.constant 1073741824 : i32
          %select_n3A_910 = arith.select %eq3A_906, %squeeze3A_908, %jit3A_909 : i32
          %min3A_911 = arith.minsi %min3A_903, %select_n3A_910 : i32
          %slice3A_912 = vector.extract_strided_slice %select_n3A_797 {offsets = [8], sizes = [1], strides = [1]} : vector<16xf32> to vector<1xf32>
          %squeeze3A_913 = vector.extract %slice3A_912[0] : f32 from vector<1xf32>
          %eq3A_914 = arith.cmpf oeq, %squeeze3A_913, %max3A_847 : f32
          %slice3A_915 = vector.extract_strided_slice %select_n3A_801 {offsets = [8], sizes = [1], strides = [1]} : vector<16xi32> to vector<1xi32>
          %squeeze3A_916 = vector.extract %slice3A_915[0] : i32 from vector<1xi32>
          %jit3A_917 = arith.constant 1073741824 : i32
          %select_n3A_918 = arith.select %eq3A_914, %squeeze3A_916, %jit3A_917 : i32
          %min3A_919 = arith.minsi %min3A_911, %select_n3A_918 : i32
          %slice3A_920 = vector.extract_strided_slice %select_n3A_797 {offsets = [9], sizes = [1], strides = [1]} : vector<16xf32> to vector<1xf32>
          %squeeze3A_921 = vector.extract %slice3A_920[0] : f32 from vector<1xf32>
          %eq3A_922 = arith.cmpf oeq, %squeeze3A_921, %max3A_847 : f32
          %slice3A_923 = vector.extract_strided_slice %select_n3A_801 {offsets = [9], sizes = [1], strides = [1]} : vector<16xi32> to vector<1xi32>
          %squeeze3A_924 = vector.extract %slice3A_923[0] : i32 from vector<1xi32>
          %jit3A_925 = arith.constant 1073741824 : i32
          %select_n3A_926 = arith.select %eq3A_922, %squeeze3A_924, %jit3A_925 : i32
          %min3A_927 = arith.minsi %min3A_919, %select_n3A_926 : i32
          %slice3A_928 = vector.extract_strided_slice %select_n3A_797 {offsets = [10], sizes = [1], strides = [1]} : vector<16xf32> to vector<1xf32>
          %squeeze3A_929 = vector.extract %slice3A_928[0] : f32 from vector<1xf32>
          %eq3A_930 = arith.cmpf oeq, %squeeze3A_929, %max3A_847 : f32
          %slice3A_931 = vector.extract_strided_slice %select_n3A_801 {offsets = [10], sizes = [1], strides = [1]} : vector<16xi32> to vector<1xi32>
          %squeeze3A_932 = vector.extract %slice3A_931[0] : i32 from vector<1xi32>
          %jit3A_933 = arith.constant 1073741824 : i32
          %select_n3A_934 = arith.select %eq3A_930, %squeeze3A_932, %jit3A_933 : i32
          %min3A_935 = arith.minsi %min3A_927, %select_n3A_934 : i32
          %slice3A_936 = vector.extract_strided_slice %select_n3A_797 {offsets = [11], sizes = [1], strides = [1]} : vector<16xf32> to vector<1xf32>
          %squeeze3A_937 = vector.extract %slice3A_936[0] : f32 from vector<1xf32>
          %eq3A_938 = arith.cmpf oeq, %squeeze3A_937, %max3A_847 : f32
          %slice3A_939 = vector.extract_strided_slice %select_n3A_801 {offsets = [11], sizes = [1], strides = [1]} : vector<16xi32> to vector<1xi32>
          %squeeze3A_940 = vector.extract %slice3A_939[0] : i32 from vector<1xi32>
          %jit3A_941 = arith.constant 1073741824 : i32
          %select_n3A_942 = arith.select %eq3A_938, %squeeze3A_940, %jit3A_941 : i32
          %min3A_943 = arith.minsi %min3A_935, %select_n3A_942 : i32
          %slice3A_944 = vector.extract_strided_slice %select_n3A_797 {offsets = [12], sizes = [1], strides = [1]} : vector<16xf32> to vector<1xf32>
          %squeeze3A_945 = vector.extract %slice3A_944[0] : f32 from vector<1xf32>
          %eq3A_946 = arith.cmpf oeq, %squeeze3A_945, %max3A_847 : f32
          %slice3A_947 = vector.extract_strided_slice %select_n3A_801 {offsets = [12], sizes = [1], strides = [1]} : vector<16xi32> to vector<1xi32>
          %squeeze3A_948 = vector.extract %slice3A_947[0] : i32 from vector<1xi32>
          %jit3A_949 = arith.constant 1073741824 : i32
          %select_n3A_950 = arith.select %eq3A_946, %squeeze3A_948, %jit3A_949 : i32
          %min3A_951 = arith.minsi %min3A_943, %select_n3A_950 : i32
          %slice3A_952 = vector.extract_strided_slice %select_n3A_797 {offsets = [13], sizes = [1], strides = [1]} : vector<16xf32> to vector<1xf32>
          %squeeze3A_953 = vector.extract %slice3A_952[0] : f32 from vector<1xf32>
          %eq3A_954 = arith.cmpf oeq, %squeeze3A_953, %max3A_847 : f32
          %slice3A_955 = vector.extract_strided_slice %select_n3A_801 {offsets = [13], sizes = [1], strides = [1]} : vector<16xi32> to vector<1xi32>
          %squeeze3A_956 = vector.extract %slice3A_955[0] : i32 from vector<1xi32>
          %jit3A_957 = arith.constant 1073741824 : i32
          %select_n3A_958 = arith.select %eq3A_954, %squeeze3A_956, %jit3A_957 : i32
          %min3A_959 = arith.minsi %min3A_951, %select_n3A_958 : i32
          %slice3A_960 = vector.extract_strided_slice %select_n3A_797 {offsets = [14], sizes = [1], strides = [1]} : vector<16xf32> to vector<1xf32>
          %squeeze3A_961 = vector.extract %slice3A_960[0] : f32 from vector<1xf32>
          %eq3A_962 = arith.cmpf oeq, %squeeze3A_961, %max3A_847 : f32
          %slice3A_963 = vector.extract_strided_slice %select_n3A_801 {offsets = [14], sizes = [1], strides = [1]} : vector<16xi32> to vector<1xi32>
          %squeeze3A_964 = vector.extract %slice3A_963[0] : i32 from vector<1xi32>
          %jit3A_965 = arith.constant 1073741824 : i32
          %select_n3A_966 = arith.select %eq3A_962, %squeeze3A_964, %jit3A_965 : i32
          %min3A_967 = arith.minsi %min3A_959, %select_n3A_966 : i32
          %slice3A_968 = vector.extract_strided_slice %select_n3A_797 {offsets = [15], sizes = [1], strides = [1]} : vector<16xf32> to vector<1xf32>
          %squeeze3A_969 = vector.extract %slice3A_968[0] : f32 from vector<1xf32>
          %eq3A_970 = arith.cmpf oeq, %squeeze3A_969, %max3A_847 : f32
          %slice3A_971 = vector.extract_strided_slice %select_n3A_801 {offsets = [15], sizes = [1], strides = [1]} : vector<16xi32> to vector<1xi32>
          %squeeze3A_972 = vector.extract %slice3A_971[0] : i32 from vector<1xi32>
          %jit3A_973 = arith.constant 1073741824 : i32
          %select_n3A_974 = arith.select %eq3A_970, %squeeze3A_972, %jit3A_973 : i32
          %min3A_975 = arith.minsi %min3A_967, %select_n3A_974 : i32
          %gt3A_976 = arith.constant 2.000000e-01 : f32
          %gt3A_977 = arith.cmpf ogt, %max3A_847, %gt3A_976 : f32
          %jit3A_978 = arith.constant -1 : i32
          %select_n3A_979 = arith.select %gt3A_977, %min3A_975, %jit3A_978 : i32
          scf.yield %select_n3A_979 : i32
        } else {
          scf.yield %select_n3A_370 : i32
        }
        %eq3A_377 = arith.constant 1 : i32
        %eq3A_378 = vector.broadcast %eq3A_377 : i32 to vector<16xi32>
        %eq3A_379 = arith.cmpi eq, %iota3A, %eq3A_378 : vector<16xi32>
        %broadcast_in_dim3A_380 = vector.broadcast %cond3A_376 : i32 to vector<16xi32>
        %select_n3A_381 = arith.select %eq3A_379, %broadcast_in_dim3A_380, %select_n3A_326 : vector<16xi1>, vector<16xi32>
        %slice3A_382 = vector.extract_strided_slice %get3A_130 {offsets = [11], sizes = [1], strides = [1]} : vector<16xi32> to vector<1xi32>
        %squeeze3A_383 = vector.extract %slice3A_382[0] : i32 from vector<1xi32>
        %ne3A_384 = arith.cmpi ne, %squeeze3A_383, %cond3A_321 : i32
        %and3A_385 = arith.andi %gt3A_245, %ne3A_384 : i1
        %ne3A_386 = arith.cmpi ne, %squeeze3A_383, %cond3A_376 : i32
        %and3A_387 = arith.andi %and3A_385, %ne3A_386 : i1
        %slice3A_388 = vector.extract_strided_slice %get3A_135 {offsets = [11], sizes = [1], strides = [1]} : vector<16xf32> to vector<1xf32>
        %squeeze3A_389 = vector.extract %slice3A_388[0] : f32 from vector<1xf32>
        %le3A_390 = arith.constant 2.000000e-01 : f32
        %le3A_391 = arith.cmpf ole, %squeeze3A_389, %le3A_390 : f32
        %jit3A_392 = arith.constant -2 : i32
        %select_n3A_393 = arith.select %and3A_387, %squeeze3A_383, %jit3A_392 : i32
        %jit3A_394 = arith.constant -1 : i32
        %select_n3A_395 = arith.select %le3A_391, %jit3A_394, %select_n3A_393 : i32
        %slice3A_396 = vector.extract_strided_slice %get3A_130 {offsets = [10], sizes = [1], strides = [1]} : vector<16xi32> to vector<1xi32>
        %squeeze3A_397 = vector.extract %slice3A_396[0] : i32 from vector<1xi32>
        %ne3A_398 = arith.cmpi ne, %squeeze3A_397, %cond3A_321 : i32
        %and3A_399 = arith.andi %gt3A_236, %ne3A_398 : i1
        %ne3A_400 = arith.cmpi ne, %squeeze3A_397, %cond3A_376 : i32
        %and3A_401 = arith.andi %and3A_399, %ne3A_400 : i1
        %slice3A_402 = vector.extract_strided_slice %get3A_135 {offsets = [10], sizes = [1], strides = [1]} : vector<16xf32> to vector<1xf32>
        %squeeze3A_403 = vector.extract %slice3A_402[0] : f32 from vector<1xf32>
        %le3A_404 = arith.constant 2.000000e-01 : f32
        %le3A_405 = arith.cmpf ole, %squeeze3A_403, %le3A_404 : f32
        %select_n3A_406 = arith.select %and3A_401, %squeeze3A_397, %select_n3A_395 : i32
        %jit3A_407 = arith.constant -1 : i32
        %select_n3A_408 = arith.select %le3A_405, %jit3A_407, %select_n3A_406 : i32
        %slice3A_409 = vector.extract_strided_slice %get3A_130 {offsets = [9], sizes = [1], strides = [1]} : vector<16xi32> to vector<1xi32>
        %squeeze3A_410 = vector.extract %slice3A_409[0] : i32 from vector<1xi32>
        %ne3A_411 = arith.cmpi ne, %squeeze3A_410, %cond3A_321 : i32
        %and3A_412 = arith.andi %gt3A_227, %ne3A_411 : i1
        %ne3A_413 = arith.cmpi ne, %squeeze3A_410, %cond3A_376 : i32
        %and3A_414 = arith.andi %and3A_412, %ne3A_413 : i1
        %slice3A_415 = vector.extract_strided_slice %get3A_135 {offsets = [9], sizes = [1], strides = [1]} : vector<16xf32> to vector<1xf32>
        %squeeze3A_416 = vector.extract %slice3A_415[0] : f32 from vector<1xf32>
        %le3A_417 = arith.constant 2.000000e-01 : f32
        %le3A_418 = arith.cmpf ole, %squeeze3A_416, %le3A_417 : f32
        %select_n3A_419 = arith.select %and3A_414, %squeeze3A_410, %select_n3A_408 : i32
        %jit3A_420 = arith.constant -1 : i32
        %select_n3A_421 = arith.select %le3A_418, %jit3A_420, %select_n3A_419 : i32
        %slice3A_422 = vector.extract_strided_slice %get3A_130 {offsets = [8], sizes = [1], strides = [1]} : vector<16xi32> to vector<1xi32>
        %squeeze3A_423 = vector.extract %slice3A_422[0] : i32 from vector<1xi32>
        %ne3A_424 = arith.cmpi ne, %squeeze3A_423, %cond3A_321 : i32
        %and3A_425 = arith.andi %gt3A_218, %ne3A_424 : i1
        %ne3A_426 = arith.cmpi ne, %squeeze3A_423, %cond3A_376 : i32
        %and3A_427 = arith.andi %and3A_425, %ne3A_426 : i1
        %slice3A_428 = vector.extract_strided_slice %get3A_135 {offsets = [8], sizes = [1], strides = [1]} : vector<16xf32> to vector<1xf32>
        %squeeze3A_429 = vector.extract %slice3A_428[0] : f32 from vector<1xf32>
        %le3A_430 = arith.constant 2.000000e-01 : f32
        %le3A_431 = arith.cmpf ole, %squeeze3A_429, %le3A_430 : f32
        %select_n3A_432 = arith.select %and3A_427, %squeeze3A_423, %select_n3A_421 : i32
        %jit3A_433 = arith.constant -1 : i32
        %select_n3A_434 = arith.select %le3A_431, %jit3A_433, %select_n3A_432 : i32
        %eq3A_435 = arith.constant -2 : i32
        %eq3A_436 = arith.cmpi eq, %select_n3A_434, %eq3A_435 : i32
        %convert_element_type3A_437 = arith.extui %eq3A_436 : i1 to i32
        %cond3A_438 = arith.constant 0 : i32
        %cond3A_439 = arith.cmpi ne, %convert_element_type3A_437, %cond3A_438 : i32
        %cond3A_440 = scf.if %cond3A_439 -> (i32) {
          %mul3A_543 = arith.constant 4 : i32
          %mul3A_544 = arith.muli %scan3A_127, %mul3A_543 : i32
          %add3A = arith.constant 2 : i32
          %add3A_545 = arith.addi %mul3A_544, %add3A : i32
          %ge3A_546 = arith.constant 0 : i32
          %ge3A_547 = arith.cmpi sge, %cond3A_321, %ge3A_546 : i32
          %convert_element_type3A_548 = arith.extui %ge3A_547 : i1 to i32
          %cond3A_549 = arith.constant 0 : i32
          %cond3A_550 = arith.cmpi ne, %convert_element_type3A_548, %cond3A_549 : i32
          scf.if %cond3A_550 {
            %get3A_985 = arith.index_cast %cond3A_321 : i32 to index
            %get3A_986 = tpu.vector_load %arg8[%get3A_985] {strides = array<i32>} : memref<320xf32, #tpu.memory_space<vmem>>, vector<16xf32>,
            %get3A_987 = vector.shape_cast %get3A_986 : vector<16xf32> to vector<16xf32>
            %eq3A_988 = arith.constant 0 : i32
            %eq3A_989 = vector.broadcast %eq3A_988 : i32 to vector<16xi32>
            %eq3A_990 = arith.cmpi eq, %iota3A, %eq3A_989 : vector<16xi32>
            %jit3A_991 = arith.constant 0.000000e+00 : f32
            %broadcast_in_dim3A_992 = vector.broadcast %jit3A_991 : f32 to vector<16xf32>
            %select_n3A_993 = arith.select %eq3A_990, %broadcast_in_dim3A_992, %get3A_987 : vector<16xi1>, vector<16xf32>
            %swap3A_994 = arith.index_cast %cond3A_321 : i32 to index
            %swap3A_995 = tpu.vector_load %arg8[%swap3A_994] {strides = array<i32>} : memref<320xf32, #tpu.memory_space<vmem>>, vector<16xf32>,
            %swap3A_996 = vector.shape_cast %swap3A_995 : vector<16xf32> to vector<16xf32>
            %swap3A_997 = vector.shape_cast %select_n3A_993 : vector<16xf32> to vector<16xf32>
            tpu.vector_store %arg8[%swap3A_994], %swap3A_997 {strides = array<i32>} : memref<320xf32, #tpu.memory_space<vmem>>, vector<16xf32>,
          } else {
          }
          %ge3A_551 = arith.constant 0 : i32
          %ge3A_552 = arith.cmpi sge, %cond3A_376, %ge3A_551 : i32
          %convert_element_type3A_553 = arith.extui %ge3A_552 : i1 to i32
          %cond3A_554 = arith.constant 0 : i32
          %cond3A_555 = arith.cmpi ne, %convert_element_type3A_553, %cond3A_554 : i32
          scf.if %cond3A_555 {
            %get3A_985 = arith.index_cast %cond3A_376 : i32 to index
            %get3A_986 = tpu.vector_load %arg8[%get3A_985] {strides = array<i32>} : memref<320xf32, #tpu.memory_space<vmem>>, vector<16xf32>,
            %get3A_987 = vector.shape_cast %get3A_986 : vector<16xf32> to vector<16xf32>
            %eq3A_988 = arith.constant 0 : i32
            %eq3A_989 = vector.broadcast %eq3A_988 : i32 to vector<16xi32>
            %eq3A_990 = arith.cmpi eq, %iota3A, %eq3A_989 : vector<16xi32>
            %jit3A_991 = arith.constant 0.000000e+00 : f32
            %broadcast_in_dim3A_992 = vector.broadcast %jit3A_991 : f32 to vector<16xf32>
            %select_n3A_993 = arith.select %eq3A_990, %broadcast_in_dim3A_992, %get3A_987 : vector<16xi1>, vector<16xf32>
            %swap3A_994 = arith.index_cast %cond3A_376 : i32 to index
            %swap3A_995 = tpu.vector_load %arg8[%swap3A_994] {strides = array<i32>} : memref<320xf32, #tpu.memory_space<vmem>>, vector<16xf32>,
            %swap3A_996 = vector.shape_cast %swap3A_995 : vector<16xf32> to vector<16xf32>
            %swap3A_997 = vector.shape_cast %select_n3A_993 : vector<16xf32> to vector<16xf32>
            tpu.vector_store %arg8[%swap3A_994], %swap3A_997 {strides = array<i32>} : memref<320xf32, #tpu.memory_space<vmem>>, vector<16xf32>,
          } else {
          }
          "tpu.region"() ({
            %run_scoped3A = tpu.sem_alloc : memref<!tpu.dma_semaphore, #tpu.memory_space<semaphore_mem>>
            %dma_start3A = arith.constant 0 : i32
            %dma_start3A_985 = tpu.memref_slice %arg2[%add3A_545, %dma_start3A] : memref<1000x304xf32, #tpu.memory_space<hbm>> -> memref<1x304xf32, #tpu.memory_space<hbm>>
            %dma_start3A_986 = tpu.memref_squeeze %dma_start3A_985 : memref<1x304xf32, #tpu.memory_space<hbm>> -> memref<304xf32, #tpu.memory_space<hbm>>
            %dma_start3A_987 = arith.constant 0 : i32
            %dma_start3A_988 = tpu.memref_slice %arg2[%add3A_545, %dma_start3A_987] : memref<1000x304xf32, #tpu.memory_space<hbm>> -> memref<1x304xf32, #tpu.memory_space<hbm>>
            %dma_start3A_989 = tpu.memref_squeeze %dma_start3A_988 : memref<1x304xf32, #tpu.memory_space<hbm>> -> memref<304xf32, #tpu.memory_space<hbm>>
            tpu.enqueue_dma source(%dma_start3A_989 : memref<304xf32, #tpu.memory_space<hbm>>) target(%arg10 : memref<304xf32, #tpu.memory_space<vmem>>) target_semaphore(%run_scoped3A : memref<!tpu.dma_semaphore, #tpu.memory_space<semaphore_mem>>)
            %dma_wait3A = arith.constant 0 : i32
            %dma_wait3A_990 = tpu.memref_slice %arg2[%add3A_545, %dma_wait3A] : memref<1000x304xf32, #tpu.memory_space<hbm>> -> memref<1x304xf32, #tpu.memory_space<hbm>>
            %dma_wait3A_991 = tpu.memref_squeeze %dma_wait3A_990 : memref<1x304xf32, #tpu.memory_space<hbm>> -> memref<304xf32, #tpu.memory_space<hbm>>
            %dma_wait3A_992 = arith.constant 0 : i32
            %dma_wait3A_993 = tpu.memref_slice %arg2[%add3A_545, %dma_wait3A_992] : memref<1000x304xf32, #tpu.memory_space<hbm>> -> memref<1x304xf32, #tpu.memory_space<hbm>>
            %dma_wait3A_994 = tpu.memref_squeeze %dma_wait3A_993 : memref<1x304xf32, #tpu.memory_space<hbm>> -> memref<304xf32, #tpu.memory_space<hbm>>
            tpu.wait_dma2 semaphore(%run_scoped3A : memref<!tpu.dma_semaphore, #tpu.memory_space<semaphore_mem>>) src(%dma_wait3A_994 : memref<304xf32, #tpu.memory_space<hbm>>) dst(%arg10 : memref<304xf32, #tpu.memory_space<vmem>>)
            tpu.yield
          }) : () -> ()
          %broadcast_in_dim3A_556 = arith.constant -1.000000e+00 : f32
          %broadcast_in_dim3A_557 = vector.broadcast %broadcast_in_dim3A_556 : f32 to vector<16xf32>
          %broadcast_in_dim3A_558 = arith.constant 0 : i32
          %broadcast_in_dim3A_559 = vector.broadcast %broadcast_in_dim3A_558 : i32 to vector<16xi32>
          %get3A_560 = arith.constant 0 : index
          %get3A_561 = tpu.vector_load %arg10[%get3A_560] {strides = array<i32>} : memref<304xf32, #tpu.memory_space<vmem>>, vector<16xf32>,
          %get3A_562 = vector.shape_cast %get3A_561 : vector<16xf32> to vector<16xf32>
          %get3A_563 = arith.constant 0 : index
          %get3A_564 = tpu.vector_load %arg8[%get3A_563] {strides = array<i32>} : memref<320xf32, #tpu.memory_space<vmem>>, vector<16xf32>,
          %get3A_565 = vector.shape_cast %get3A_564 : vector<16xf32> to vector<16xf32>
          %mul3A_566 = arith.mulf %get3A_562, %get3A_565 : vector<16xf32>
          %gt3A_567 = arith.cmpf ogt, %mul3A_566, %broadcast_in_dim3A_557 : vector<16xf32>
          %select_n3A_568 = arith.select %gt3A_567, %mul3A_566, %broadcast_in_dim3A_557 : vector<16xi1>, vector<16xf32>
          %add3A_569 = arith.constant 0 : i32
          %add3A_570 = vector.broadcast %add3A_569 : i32 to vector<16xi32>
          %add3A_571 = arith.addi %iota3A, %add3A_570 : vector<16xi32>
          %select_n3A_572 = arith.select %gt3A_567, %add3A_571, %broadcast_in_dim3A_559 : vector<16xi1>, vector<16xi32>
          %get3A_573 = arith.constant 16 : index
          %get3A_574 = tpu.vector_load %arg10[%get3A_573] {strides = array<i32>} : memref<304xf32, #tpu.memory_space<vmem>>, vector<16xf32>,
          %get3A_575 = vector.shape_cast %get3A_574 : vector<16xf32> to vector<16xf32>
          %get3A_576 = arith.constant 16 : index
          %get3A_577 = tpu.vector_load %arg8[%get3A_576] {strides = array<i32>} : memref<320xf32, #tpu.memory_space<vmem>>, vector<16xf32>,
          %get3A_578 = vector.shape_cast %get3A_577 : vector<16xf32> to vector<16xf32>
          %mul3A_579 = arith.mulf %get3A_575, %get3A_578 : vector<16xf32>
          %gt3A_580 = arith.cmpf ogt, %mul3A_579, %select_n3A_568 : vector<16xf32>
          %select_n3A_581 = arith.select %gt3A_580, %mul3A_579, %select_n3A_568 : vector<16xi1>, vector<16xf32>
          %add3A_582 = arith.constant 16 : i32
          %add3A_583 = vector.broadcast %add3A_582 : i32 to vector<16xi32>
          %add3A_584 = arith.addi %iota3A, %add3A_583 : vector<16xi32>
          %select_n3A_585 = arith.select %gt3A_580, %add3A_584, %select_n3A_572 : vector<16xi1>, vector<16xi32>
          %get3A_586 = arith.constant 32 : index
          %get3A_587 = tpu.vector_load %arg10[%get3A_586] {strides = array<i32>} : memref<304xf32, #tpu.memory_space<vmem>>, vector<16xf32>,
          %get3A_588 = vector.shape_cast %get3A_587 : vector<16xf32> to vector<16xf32>
          %get3A_589 = arith.constant 32 : index
          %get3A_590 = tpu.vector_load %arg8[%get3A_589] {strides = array<i32>} : memref<320xf32, #tpu.memory_space<vmem>>, vector<16xf32>,
          %get3A_591 = vector.shape_cast %get3A_590 : vector<16xf32> to vector<16xf32>
          %mul3A_592 = arith.mulf %get3A_588, %get3A_591 : vector<16xf32>
          %gt3A_593 = arith.cmpf ogt, %mul3A_592, %select_n3A_581 : vector<16xf32>
          %select_n3A_594 = arith.select %gt3A_593, %mul3A_592, %select_n3A_581 : vector<16xi1>, vector<16xf32>
          %add3A_595 = arith.constant 32 : i32
          %add3A_596 = vector.broadcast %add3A_595 : i32 to vector<16xi32>
          %add3A_597 = arith.addi %iota3A, %add3A_596 : vector<16xi32>
          %select_n3A_598 = arith.select %gt3A_593, %add3A_597, %select_n3A_585 : vector<16xi1>, vector<16xi32>
          %get3A_599 = arith.constant 48 : index
          %get3A_600 = tpu.vector_load %arg10[%get3A_599] {strides = array<i32>} : memref<304xf32, #tpu.memory_space<vmem>>, vector<16xf32>,
          %get3A_601 = vector.shape_cast %get3A_600 : vector<16xf32> to vector<16xf32>
          %get3A_602 = arith.constant 48 : index
          %get3A_603 = tpu.vector_load %arg8[%get3A_602] {strides = array<i32>} : memref<320xf32, #tpu.memory_space<vmem>>, vector<16xf32>,
          %get3A_604 = vector.shape_cast %get3A_603 : vector<16xf32> to vector<16xf32>
          %mul3A_605 = arith.mulf %get3A_601, %get3A_604 : vector<16xf32>
          %gt3A_606 = arith.cmpf ogt, %mul3A_605, %select_n3A_594 : vector<16xf32>
          %select_n3A_607 = arith.select %gt3A_606, %mul3A_605, %select_n3A_594 : vector<16xi1>, vector<16xf32>
          %add3A_608 = arith.constant 48 : i32
          %add3A_609 = vector.broadcast %add3A_608 : i32 to vector<16xi32>
          %add3A_610 = arith.addi %iota3A, %add3A_609 : vector<16xi32>
          %select_n3A_611 = arith.select %gt3A_606, %add3A_610, %select_n3A_598 : vector<16xi1>, vector<16xi32>
          %get3A_612 = arith.constant 64 : index
          %get3A_613 = tpu.vector_load %arg10[%get3A_612] {strides = array<i32>} : memref<304xf32, #tpu.memory_space<vmem>>, vector<16xf32>,
          %get3A_614 = vector.shape_cast %get3A_613 : vector<16xf32> to vector<16xf32>
          %get3A_615 = arith.constant 64 : index
          %get3A_616 = tpu.vector_load %arg8[%get3A_615] {strides = array<i32>} : memref<320xf32, #tpu.memory_space<vmem>>, vector<16xf32>,
          %get3A_617 = vector.shape_cast %get3A_616 : vector<16xf32> to vector<16xf32>
          %mul3A_618 = arith.mulf %get3A_614, %get3A_617 : vector<16xf32>
          %gt3A_619 = arith.cmpf ogt, %mul3A_618, %select_n3A_607 : vector<16xf32>
          %select_n3A_620 = arith.select %gt3A_619, %mul3A_618, %select_n3A_607 : vector<16xi1>, vector<16xf32>
          %add3A_621 = arith.constant 64 : i32
          %add3A_622 = vector.broadcast %add3A_621 : i32 to vector<16xi32>
          %add3A_623 = arith.addi %iota3A, %add3A_622 : vector<16xi32>
          %select_n3A_624 = arith.select %gt3A_619, %add3A_623, %select_n3A_611 : vector<16xi1>, vector<16xi32>
          %get3A_625 = arith.constant 80 : index
          %get3A_626 = tpu.vector_load %arg10[%get3A_625] {strides = array<i32>} : memref<304xf32, #tpu.memory_space<vmem>>, vector<16xf32>,
          %get3A_627 = vector.shape_cast %get3A_626 : vector<16xf32> to vector<16xf32>
          %get3A_628 = arith.constant 80 : index
          %get3A_629 = tpu.vector_load %arg8[%get3A_628] {strides = array<i32>} : memref<320xf32, #tpu.memory_space<vmem>>, vector<16xf32>,
          %get3A_630 = vector.shape_cast %get3A_629 : vector<16xf32> to vector<16xf32>
          %mul3A_631 = arith.mulf %get3A_627, %get3A_630 : vector<16xf32>
          %gt3A_632 = arith.cmpf ogt, %mul3A_631, %select_n3A_620 : vector<16xf32>
          %select_n3A_633 = arith.select %gt3A_632, %mul3A_631, %select_n3A_620 : vector<16xi1>, vector<16xf32>
          %add3A_634 = arith.constant 80 : i32
          %add3A_635 = vector.broadcast %add3A_634 : i32 to vector<16xi32>
          %add3A_636 = arith.addi %iota3A, %add3A_635 : vector<16xi32>
          %select_n3A_637 = arith.select %gt3A_632, %add3A_636, %select_n3A_624 : vector<16xi1>, vector<16xi32>
          %get3A_638 = arith.constant 96 : index
          %get3A_639 = tpu.vector_load %arg10[%get3A_638] {strides = array<i32>} : memref<304xf32, #tpu.memory_space<vmem>>, vector<16xf32>,
          %get3A_640 = vector.shape_cast %get3A_639 : vector<16xf32> to vector<16xf32>
          %get3A_641 = arith.constant 96 : index
          %get3A_642 = tpu.vector_load %arg8[%get3A_641] {strides = array<i32>} : memref<320xf32, #tpu.memory_space<vmem>>, vector<16xf32>,
          %get3A_643 = vector.shape_cast %get3A_642 : vector<16xf32> to vector<16xf32>
          %mul3A_644 = arith.mulf %get3A_640, %get3A_643 : vector<16xf32>
          %gt3A_645 = arith.cmpf ogt, %mul3A_644, %select_n3A_633 : vector<16xf32>
          %select_n3A_646 = arith.select %gt3A_645, %mul3A_644, %select_n3A_633 : vector<16xi1>, vector<16xf32>
          %add3A_647 = arith.constant 96 : i32
          %add3A_648 = vector.broadcast %add3A_647 : i32 to vector<16xi32>
          %add3A_649 = arith.addi %iota3A, %add3A_648 : vector<16xi32>
          %select_n3A_650 = arith.select %gt3A_645, %add3A_649, %select_n3A_637 : vector<16xi1>, vector<16xi32>
          %get3A_651 = arith.constant 112 : index
          %get3A_652 = tpu.vector_load %arg10[%get3A_651] {strides = array<i32>} : memref<304xf32, #tpu.memory_space<vmem>>, vector<16xf32>,
          %get3A_653 = vector.shape_cast %get3A_652 : vector<16xf32> to vector<16xf32>
          %get3A_654 = arith.constant 112 : index
          %get3A_655 = tpu.vector_load %arg8[%get3A_654] {strides = array<i32>} : memref<320xf32, #tpu.memory_space<vmem>>, vector<16xf32>,
          %get3A_656 = vector.shape_cast %get3A_655 : vector<16xf32> to vector<16xf32>
          %mul3A_657 = arith.mulf %get3A_653, %get3A_656 : vector<16xf32>
          %gt3A_658 = arith.cmpf ogt, %mul3A_657, %select_n3A_646 : vector<16xf32>
          %select_n3A_659 = arith.select %gt3A_658, %mul3A_657, %select_n3A_646 : vector<16xi1>, vector<16xf32>
          %add3A_660 = arith.constant 112 : i32
          %add3A_661 = vector.broadcast %add3A_660 : i32 to vector<16xi32>
          %add3A_662 = arith.addi %iota3A, %add3A_661 : vector<16xi32>
          %select_n3A_663 = arith.select %gt3A_658, %add3A_662, %select_n3A_650 : vector<16xi1>, vector<16xi32>
          %get3A_664 = arith.constant 128 : index
          %get3A_665 = tpu.vector_load %arg10[%get3A_664] {strides = array<i32>} : memref<304xf32, #tpu.memory_space<vmem>>, vector<16xf32>,
          %get3A_666 = vector.shape_cast %get3A_665 : vector<16xf32> to vector<16xf32>
          %get3A_667 = arith.constant 128 : index
          %get3A_668 = tpu.vector_load %arg8[%get3A_667] {strides = array<i32>} : memref<320xf32, #tpu.memory_space<vmem>>, vector<16xf32>,
          %get3A_669 = vector.shape_cast %get3A_668 : vector<16xf32> to vector<16xf32>
          %mul3A_670 = arith.mulf %get3A_666, %get3A_669 : vector<16xf32>
          %gt3A_671 = arith.cmpf ogt, %mul3A_670, %select_n3A_659 : vector<16xf32>
          %select_n3A_672 = arith.select %gt3A_671, %mul3A_670, %select_n3A_659 : vector<16xi1>, vector<16xf32>
          %add3A_673 = arith.constant 128 : i32
          %add3A_674 = vector.broadcast %add3A_673 : i32 to vector<16xi32>
          %add3A_675 = arith.addi %iota3A, %add3A_674 : vector<16xi32>
          %select_n3A_676 = arith.select %gt3A_671, %add3A_675, %select_n3A_663 : vector<16xi1>, vector<16xi32>
          %get3A_677 = arith.constant 144 : index
          %get3A_678 = tpu.vector_load %arg10[%get3A_677] {strides = array<i32>} : memref<304xf32, #tpu.memory_space<vmem>>, vector<16xf32>,
          %get3A_679 = vector.shape_cast %get3A_678 : vector<16xf32> to vector<16xf32>
          %get3A_680 = arith.constant 144 : index
          %get3A_681 = tpu.vector_load %arg8[%get3A_680] {strides = array<i32>} : memref<320xf32, #tpu.memory_space<vmem>>, vector<16xf32>,
          %get3A_682 = vector.shape_cast %get3A_681 : vector<16xf32> to vector<16xf32>
          %mul3A_683 = arith.mulf %get3A_679, %get3A_682 : vector<16xf32>
          %gt3A_684 = arith.cmpf ogt, %mul3A_683, %select_n3A_672 : vector<16xf32>
          %select_n3A_685 = arith.select %gt3A_684, %mul3A_683, %select_n3A_672 : vector<16xi1>, vector<16xf32>
          %add3A_686 = arith.constant 144 : i32
          %add3A_687 = vector.broadcast %add3A_686 : i32 to vector<16xi32>
          %add3A_688 = arith.addi %iota3A, %add3A_687 : vector<16xi32>
          %select_n3A_689 = arith.select %gt3A_684, %add3A_688, %select_n3A_676 : vector<16xi1>, vector<16xi32>
          %get3A_690 = arith.constant 160 : index
          %get3A_691 = tpu.vector_load %arg10[%get3A_690] {strides = array<i32>} : memref<304xf32, #tpu.memory_space<vmem>>, vector<16xf32>,
          %get3A_692 = vector.shape_cast %get3A_691 : vector<16xf32> to vector<16xf32>
          %get3A_693 = arith.constant 160 : index
          %get3A_694 = tpu.vector_load %arg8[%get3A_693] {strides = array<i32>} : memref<320xf32, #tpu.memory_space<vmem>>, vector<16xf32>,
          %get3A_695 = vector.shape_cast %get3A_694 : vector<16xf32> to vector<16xf32>
          %mul3A_696 = arith.mulf %get3A_692, %get3A_695 : vector<16xf32>
          %gt3A_697 = arith.cmpf ogt, %mul3A_696, %select_n3A_685 : vector<16xf32>
          %select_n3A_698 = arith.select %gt3A_697, %mul3A_696, %select_n3A_685 : vector<16xi1>, vector<16xf32>
          %add3A_699 = arith.constant 160 : i32
          %add3A_700 = vector.broadcast %add3A_699 : i32 to vector<16xi32>
          %add3A_701 = arith.addi %iota3A, %add3A_700 : vector<16xi32>
          %select_n3A_702 = arith.select %gt3A_697, %add3A_701, %select_n3A_689 : vector<16xi1>, vector<16xi32>
          %get3A_703 = arith.constant 176 : index
          %get3A_704 = tpu.vector_load %arg10[%get3A_703] {strides = array<i32>} : memref<304xf32, #tpu.memory_space<vmem>>, vector<16xf32>,
          %get3A_705 = vector.shape_cast %get3A_704 : vector<16xf32> to vector<16xf32>
          %get3A_706 = arith.constant 176 : index
          %get3A_707 = tpu.vector_load %arg8[%get3A_706] {strides = array<i32>} : memref<320xf32, #tpu.memory_space<vmem>>, vector<16xf32>,
          %get3A_708 = vector.shape_cast %get3A_707 : vector<16xf32> to vector<16xf32>
          %mul3A_709 = arith.mulf %get3A_705, %get3A_708 : vector<16xf32>
          %gt3A_710 = arith.cmpf ogt, %mul3A_709, %select_n3A_698 : vector<16xf32>
          %select_n3A_711 = arith.select %gt3A_710, %mul3A_709, %select_n3A_698 : vector<16xi1>, vector<16xf32>
          %add3A_712 = arith.constant 176 : i32
          %add3A_713 = vector.broadcast %add3A_712 : i32 to vector<16xi32>
          %add3A_714 = arith.addi %iota3A, %add3A_713 : vector<16xi32>
          %select_n3A_715 = arith.select %gt3A_710, %add3A_714, %select_n3A_702 : vector<16xi1>, vector<16xi32>
          %get3A_716 = arith.constant 192 : index
          %get3A_717 = tpu.vector_load %arg10[%get3A_716] {strides = array<i32>} : memref<304xf32, #tpu.memory_space<vmem>>, vector<16xf32>,
          %get3A_718 = vector.shape_cast %get3A_717 : vector<16xf32> to vector<16xf32>
          %get3A_719 = arith.constant 192 : index
          %get3A_720 = tpu.vector_load %arg8[%get3A_719] {strides = array<i32>} : memref<320xf32, #tpu.memory_space<vmem>>, vector<16xf32>,
          %get3A_721 = vector.shape_cast %get3A_720 : vector<16xf32> to vector<16xf32>
          %mul3A_722 = arith.mulf %get3A_718, %get3A_721 : vector<16xf32>
          %gt3A_723 = arith.cmpf ogt, %mul3A_722, %select_n3A_711 : vector<16xf32>
          %select_n3A_724 = arith.select %gt3A_723, %mul3A_722, %select_n3A_711 : vector<16xi1>, vector<16xf32>
          %add3A_725 = arith.constant 192 : i32
          %add3A_726 = vector.broadcast %add3A_725 : i32 to vector<16xi32>
          %add3A_727 = arith.addi %iota3A, %add3A_726 : vector<16xi32>
          %select_n3A_728 = arith.select %gt3A_723, %add3A_727, %select_n3A_715 : vector<16xi1>, vector<16xi32>
          %get3A_729 = arith.constant 208 : index
          %get3A_730 = tpu.vector_load %arg10[%get3A_729] {strides = array<i32>} : memref<304xf32, #tpu.memory_space<vmem>>, vector<16xf32>,
          %get3A_731 = vector.shape_cast %get3A_730 : vector<16xf32> to vector<16xf32>
          %get3A_732 = arith.constant 208 : index
          %get3A_733 = tpu.vector_load %arg8[%get3A_732] {strides = array<i32>} : memref<320xf32, #tpu.memory_space<vmem>>, vector<16xf32>,
          %get3A_734 = vector.shape_cast %get3A_733 : vector<16xf32> to vector<16xf32>
          %mul3A_735 = arith.mulf %get3A_731, %get3A_734 : vector<16xf32>
          %gt3A_736 = arith.cmpf ogt, %mul3A_735, %select_n3A_724 : vector<16xf32>
          %select_n3A_737 = arith.select %gt3A_736, %mul3A_735, %select_n3A_724 : vector<16xi1>, vector<16xf32>
          %add3A_738 = arith.constant 208 : i32
          %add3A_739 = vector.broadcast %add3A_738 : i32 to vector<16xi32>
          %add3A_740 = arith.addi %iota3A, %add3A_739 : vector<16xi32>
          %select_n3A_741 = arith.select %gt3A_736, %add3A_740, %select_n3A_728 : vector<16xi1>, vector<16xi32>
          %get3A_742 = arith.constant 224 : index
          %get3A_743 = tpu.vector_load %arg10[%get3A_742] {strides = array<i32>} : memref<304xf32, #tpu.memory_space<vmem>>, vector<16xf32>,
          %get3A_744 = vector.shape_cast %get3A_743 : vector<16xf32> to vector<16xf32>
          %get3A_745 = arith.constant 224 : index
          %get3A_746 = tpu.vector_load %arg8[%get3A_745] {strides = array<i32>} : memref<320xf32, #tpu.memory_space<vmem>>, vector<16xf32>,
          %get3A_747 = vector.shape_cast %get3A_746 : vector<16xf32> to vector<16xf32>
          %mul3A_748 = arith.mulf %get3A_744, %get3A_747 : vector<16xf32>
          %gt3A_749 = arith.cmpf ogt, %mul3A_748, %select_n3A_737 : vector<16xf32>
          %select_n3A_750 = arith.select %gt3A_749, %mul3A_748, %select_n3A_737 : vector<16xi1>, vector<16xf32>
          %add3A_751 = arith.constant 224 : i32
          %add3A_752 = vector.broadcast %add3A_751 : i32 to vector<16xi32>
          %add3A_753 = arith.addi %iota3A, %add3A_752 : vector<16xi32>
          %select_n3A_754 = arith.select %gt3A_749, %add3A_753, %select_n3A_741 : vector<16xi1>, vector<16xi32>
          %get3A_755 = arith.constant 240 : index
          %get3A_756 = tpu.vector_load %arg10[%get3A_755] {strides = array<i32>} : memref<304xf32, #tpu.memory_space<vmem>>, vector<16xf32>,
          %get3A_757 = vector.shape_cast %get3A_756 : vector<16xf32> to vector<16xf32>
          %get3A_758 = arith.constant 240 : index
          %get3A_759 = tpu.vector_load %arg8[%get3A_758] {strides = array<i32>} : memref<320xf32, #tpu.memory_space<vmem>>, vector<16xf32>,
          %get3A_760 = vector.shape_cast %get3A_759 : vector<16xf32> to vector<16xf32>
          %mul3A_761 = arith.mulf %get3A_757, %get3A_760 : vector<16xf32>
          %gt3A_762 = arith.cmpf ogt, %mul3A_761, %select_n3A_750 : vector<16xf32>
          %select_n3A_763 = arith.select %gt3A_762, %mul3A_761, %select_n3A_750 : vector<16xi1>, vector<16xf32>
          %add3A_764 = arith.constant 240 : i32
          %add3A_765 = vector.broadcast %add3A_764 : i32 to vector<16xi32>
          %add3A_766 = arith.addi %iota3A, %add3A_765 : vector<16xi32>
          %select_n3A_767 = arith.select %gt3A_762, %add3A_766, %select_n3A_754 : vector<16xi1>, vector<16xi32>
          %get3A_768 = arith.constant 256 : index
          %get3A_769 = tpu.vector_load %arg10[%get3A_768] {strides = array<i32>} : memref<304xf32, #tpu.memory_space<vmem>>, vector<16xf32>,
          %get3A_770 = vector.shape_cast %get3A_769 : vector<16xf32> to vector<16xf32>
          %get3A_771 = arith.constant 256 : index
          %get3A_772 = tpu.vector_load %arg8[%get3A_771] {strides = array<i32>} : memref<320xf32, #tpu.memory_space<vmem>>, vector<16xf32>,
          %get3A_773 = vector.shape_cast %get3A_772 : vector<16xf32> to vector<16xf32>
          %mul3A_774 = arith.mulf %get3A_770, %get3A_773 : vector<16xf32>
          %gt3A_775 = arith.cmpf ogt, %mul3A_774, %select_n3A_763 : vector<16xf32>
          %select_n3A_776 = arith.select %gt3A_775, %mul3A_774, %select_n3A_763 : vector<16xi1>, vector<16xf32>
          %add3A_777 = arith.constant 256 : i32
          %add3A_778 = vector.broadcast %add3A_777 : i32 to vector<16xi32>
          %add3A_779 = arith.addi %iota3A, %add3A_778 : vector<16xi32>
          %select_n3A_780 = arith.select %gt3A_775, %add3A_779, %select_n3A_767 : vector<16xi1>, vector<16xi32>
          %get3A_781 = arith.constant 272 : index
          %get3A_782 = tpu.vector_load %arg10[%get3A_781] {strides = array<i32>} : memref<304xf32, #tpu.memory_space<vmem>>, vector<16xf32>,
          %get3A_783 = vector.shape_cast %get3A_782 : vector<16xf32> to vector<16xf32>
          %get3A_784 = arith.constant 272 : index
          %get3A_785 = tpu.vector_load %arg8[%get3A_784] {strides = array<i32>} : memref<320xf32, #tpu.memory_space<vmem>>, vector<16xf32>,
          %get3A_786 = vector.shape_cast %get3A_785 : vector<16xf32> to vector<16xf32>
          %mul3A_787 = arith.mulf %get3A_783, %get3A_786 : vector<16xf32>
          %gt3A_788 = arith.cmpf ogt, %mul3A_787, %select_n3A_776 : vector<16xf32>
          %select_n3A_789 = arith.select %gt3A_788, %mul3A_787, %select_n3A_776 : vector<16xi1>, vector<16xf32>
          %add3A_790 = arith.constant 272 : i32
          %add3A_791 = vector.broadcast %add3A_790 : i32 to vector<16xi32>
          %add3A_792 = arith.addi %iota3A, %add3A_791 : vector<16xi32>
          %select_n3A_793 = arith.select %gt3A_788, %add3A_792, %select_n3A_780 : vector<16xi1>, vector<16xi32>
          %get3A_794 = arith.constant 288 : index
          %get3A_795 = tpu.vector_load %arg10[%get3A_794] {strides = array<i32>} : memref<304xf32, #tpu.memory_space<vmem>>, vector<16xf32>,
          %get3A_796 = vector.shape_cast %get3A_795 : vector<16xf32> to vector<16xf32>
          %get3A_797 = arith.constant 288 : index
          %get3A_798 = tpu.vector_load %arg8[%get3A_797] {strides = array<i32>} : memref<320xf32, #tpu.memory_space<vmem>>, vector<16xf32>,
          %get3A_799 = vector.shape_cast %get3A_798 : vector<16xf32> to vector<16xf32>
          %mul3A_800 = arith.mulf %get3A_796, %get3A_799 : vector<16xf32>
          %gt3A_801 = arith.cmpf ogt, %mul3A_800, %select_n3A_789 : vector<16xf32>
          %select_n3A_802 = arith.select %gt3A_801, %mul3A_800, %select_n3A_789 : vector<16xi1>, vector<16xf32>
          %add3A_803 = arith.constant 288 : i32
          %add3A_804 = vector.broadcast %add3A_803 : i32 to vector<16xi32>
          %add3A_805 = arith.addi %iota3A, %add3A_804 : vector<16xi32>
          %select_n3A_806 = arith.select %gt3A_801, %add3A_805, %select_n3A_793 : vector<16xi1>, vector<16xi32>
          %slice3A_807 = vector.extract_strided_slice %select_n3A_802 {offsets = [0], sizes = [1], strides = [1]} : vector<16xf32> to vector<1xf32>
          %squeeze3A_808 = vector.extract %slice3A_807[0] : f32 from vector<1xf32>
          %slice3A_809 = vector.extract_strided_slice %select_n3A_802 {offsets = [1], sizes = [1], strides = [1]} : vector<16xf32> to vector<1xf32>
          %squeeze3A_810 = vector.extract %slice3A_809[0] : f32 from vector<1xf32>
          %max3A = arith.maximumf %squeeze3A_808, %squeeze3A_810 : f32
          %slice3A_811 = vector.extract_strided_slice %select_n3A_802 {offsets = [2], sizes = [1], strides = [1]} : vector<16xf32> to vector<1xf32>
          %squeeze3A_812 = vector.extract %slice3A_811[0] : f32 from vector<1xf32>
          %max3A_813 = arith.maximumf %max3A, %squeeze3A_812 : f32
          %slice3A_814 = vector.extract_strided_slice %select_n3A_802 {offsets = [3], sizes = [1], strides = [1]} : vector<16xf32> to vector<1xf32>
          %squeeze3A_815 = vector.extract %slice3A_814[0] : f32 from vector<1xf32>
          %max3A_816 = arith.maximumf %max3A_813, %squeeze3A_815 : f32
          %slice3A_817 = vector.extract_strided_slice %select_n3A_802 {offsets = [4], sizes = [1], strides = [1]} : vector<16xf32> to vector<1xf32>
          %squeeze3A_818 = vector.extract %slice3A_817[0] : f32 from vector<1xf32>
          %max3A_819 = arith.maximumf %max3A_816, %squeeze3A_818 : f32
          %slice3A_820 = vector.extract_strided_slice %select_n3A_802 {offsets = [5], sizes = [1], strides = [1]} : vector<16xf32> to vector<1xf32>
          %squeeze3A_821 = vector.extract %slice3A_820[0] : f32 from vector<1xf32>
          %max3A_822 = arith.maximumf %max3A_819, %squeeze3A_821 : f32
          %slice3A_823 = vector.extract_strided_slice %select_n3A_802 {offsets = [6], sizes = [1], strides = [1]} : vector<16xf32> to vector<1xf32>
          %squeeze3A_824 = vector.extract %slice3A_823[0] : f32 from vector<1xf32>
          %max3A_825 = arith.maximumf %max3A_822, %squeeze3A_824 : f32
          %slice3A_826 = vector.extract_strided_slice %select_n3A_802 {offsets = [7], sizes = [1], strides = [1]} : vector<16xf32> to vector<1xf32>
          %squeeze3A_827 = vector.extract %slice3A_826[0] : f32 from vector<1xf32>
          %max3A_828 = arith.maximumf %max3A_825, %squeeze3A_827 : f32
          %slice3A_829 = vector.extract_strided_slice %select_n3A_802 {offsets = [8], sizes = [1], strides = [1]} : vector<16xf32> to vector<1xf32>
          %squeeze3A_830 = vector.extract %slice3A_829[0] : f32 from vector<1xf32>
          %max3A_831 = arith.maximumf %max3A_828, %squeeze3A_830 : f32
          %slice3A_832 = vector.extract_strided_slice %select_n3A_802 {offsets = [9], sizes = [1], strides = [1]} : vector<16xf32> to vector<1xf32>
          %squeeze3A_833 = vector.extract %slice3A_832[0] : f32 from vector<1xf32>
          %max3A_834 = arith.maximumf %max3A_831, %squeeze3A_833 : f32
          %slice3A_835 = vector.extract_strided_slice %select_n3A_802 {offsets = [10], sizes = [1], strides = [1]} : vector<16xf32> to vector<1xf32>
          %squeeze3A_836 = vector.extract %slice3A_835[0] : f32 from vector<1xf32>
          %max3A_837 = arith.maximumf %max3A_834, %squeeze3A_836 : f32
          %slice3A_838 = vector.extract_strided_slice %select_n3A_802 {offsets = [11], sizes = [1], strides = [1]} : vector<16xf32> to vector<1xf32>
          %squeeze3A_839 = vector.extract %slice3A_838[0] : f32 from vector<1xf32>
          %max3A_840 = arith.maximumf %max3A_837, %squeeze3A_839 : f32
          %slice3A_841 = vector.extract_strided_slice %select_n3A_802 {offsets = [12], sizes = [1], strides = [1]} : vector<16xf32> to vector<1xf32>
          %squeeze3A_842 = vector.extract %slice3A_841[0] : f32 from vector<1xf32>
          %max3A_843 = arith.maximumf %max3A_840, %squeeze3A_842 : f32
          %slice3A_844 = vector.extract_strided_slice %select_n3A_802 {offsets = [13], sizes = [1], strides = [1]} : vector<16xf32> to vector<1xf32>
          %squeeze3A_845 = vector.extract %slice3A_844[0] : f32 from vector<1xf32>
          %max3A_846 = arith.maximumf %max3A_843, %squeeze3A_845 : f32
          %slice3A_847 = vector.extract_strided_slice %select_n3A_802 {offsets = [14], sizes = [1], strides = [1]} : vector<16xf32> to vector<1xf32>
          %squeeze3A_848 = vector.extract %slice3A_847[0] : f32 from vector<1xf32>
          %max3A_849 = arith.maximumf %max3A_846, %squeeze3A_848 : f32
          %slice3A_850 = vector.extract_strided_slice %select_n3A_802 {offsets = [15], sizes = [1], strides = [1]} : vector<16xf32> to vector<1xf32>
          %squeeze3A_851 = vector.extract %slice3A_850[0] : f32 from vector<1xf32>
          %max3A_852 = arith.maximumf %max3A_849, %squeeze3A_851 : f32
          %slice3A_853 = vector.extract_strided_slice %select_n3A_802 {offsets = [0], sizes = [1], strides = [1]} : vector<16xf32> to vector<1xf32>
          %squeeze3A_854 = vector.extract %slice3A_853[0] : f32 from vector<1xf32>
          %eq3A_855 = arith.cmpf oeq, %squeeze3A_854, %max3A_852 : f32
          %slice3A_856 = vector.extract_strided_slice %select_n3A_806 {offsets = [0], sizes = [1], strides = [1]} : vector<16xi32> to vector<1xi32>
          %squeeze3A_857 = vector.extract %slice3A_856[0] : i32 from vector<1xi32>
          %jit3A_858 = arith.constant 1073741824 : i32
          %select_n3A_859 = arith.select %eq3A_855, %squeeze3A_857, %jit3A_858 : i32
          %min3A = arith.constant 1073741824 : i32
          %min3A_860 = arith.minsi %min3A, %select_n3A_859 : i32
          %slice3A_861 = vector.extract_strided_slice %select_n3A_802 {offsets = [1], sizes = [1], strides = [1]} : vector<16xf32> to vector<1xf32>
          %squeeze3A_862 = vector.extract %slice3A_861[0] : f32 from vector<1xf32>
          %eq3A_863 = arith.cmpf oeq, %squeeze3A_862, %max3A_852 : f32
          %slice3A_864 = vector.extract_strided_slice %select_n3A_806 {offsets = [1], sizes = [1], strides = [1]} : vector<16xi32> to vector<1xi32>
          %squeeze3A_865 = vector.extract %slice3A_864[0] : i32 from vector<1xi32>
          %jit3A_866 = arith.constant 1073741824 : i32
          %select_n3A_867 = arith.select %eq3A_863, %squeeze3A_865, %jit3A_866 : i32
          %min3A_868 = arith.minsi %min3A_860, %select_n3A_867 : i32
          %slice3A_869 = vector.extract_strided_slice %select_n3A_802 {offsets = [2], sizes = [1], strides = [1]} : vector<16xf32> to vector<1xf32>
          %squeeze3A_870 = vector.extract %slice3A_869[0] : f32 from vector<1xf32>
          %eq3A_871 = arith.cmpf oeq, %squeeze3A_870, %max3A_852 : f32
          %slice3A_872 = vector.extract_strided_slice %select_n3A_806 {offsets = [2], sizes = [1], strides = [1]} : vector<16xi32> to vector<1xi32>
          %squeeze3A_873 = vector.extract %slice3A_872[0] : i32 from vector<1xi32>
          %jit3A_874 = arith.constant 1073741824 : i32
          %select_n3A_875 = arith.select %eq3A_871, %squeeze3A_873, %jit3A_874 : i32
          %min3A_876 = arith.minsi %min3A_868, %select_n3A_875 : i32
          %slice3A_877 = vector.extract_strided_slice %select_n3A_802 {offsets = [3], sizes = [1], strides = [1]} : vector<16xf32> to vector<1xf32>
          %squeeze3A_878 = vector.extract %slice3A_877[0] : f32 from vector<1xf32>
          %eq3A_879 = arith.cmpf oeq, %squeeze3A_878, %max3A_852 : f32
          %slice3A_880 = vector.extract_strided_slice %select_n3A_806 {offsets = [3], sizes = [1], strides = [1]} : vector<16xi32> to vector<1xi32>
          %squeeze3A_881 = vector.extract %slice3A_880[0] : i32 from vector<1xi32>
          %jit3A_882 = arith.constant 1073741824 : i32
          %select_n3A_883 = arith.select %eq3A_879, %squeeze3A_881, %jit3A_882 : i32
          %min3A_884 = arith.minsi %min3A_876, %select_n3A_883 : i32
          %slice3A_885 = vector.extract_strided_slice %select_n3A_802 {offsets = [4], sizes = [1], strides = [1]} : vector<16xf32> to vector<1xf32>
          %squeeze3A_886 = vector.extract %slice3A_885[0] : f32 from vector<1xf32>
          %eq3A_887 = arith.cmpf oeq, %squeeze3A_886, %max3A_852 : f32
          %slice3A_888 = vector.extract_strided_slice %select_n3A_806 {offsets = [4], sizes = [1], strides = [1]} : vector<16xi32> to vector<1xi32>
          %squeeze3A_889 = vector.extract %slice3A_888[0] : i32 from vector<1xi32>
          %jit3A_890 = arith.constant 1073741824 : i32
          %select_n3A_891 = arith.select %eq3A_887, %squeeze3A_889, %jit3A_890 : i32
          %min3A_892 = arith.minsi %min3A_884, %select_n3A_891 : i32
          %slice3A_893 = vector.extract_strided_slice %select_n3A_802 {offsets = [5], sizes = [1], strides = [1]} : vector<16xf32> to vector<1xf32>
          %squeeze3A_894 = vector.extract %slice3A_893[0] : f32 from vector<1xf32>
          %eq3A_895 = arith.cmpf oeq, %squeeze3A_894, %max3A_852 : f32
          %slice3A_896 = vector.extract_strided_slice %select_n3A_806 {offsets = [5], sizes = [1], strides = [1]} : vector<16xi32> to vector<1xi32>
          %squeeze3A_897 = vector.extract %slice3A_896[0] : i32 from vector<1xi32>
          %jit3A_898 = arith.constant 1073741824 : i32
          %select_n3A_899 = arith.select %eq3A_895, %squeeze3A_897, %jit3A_898 : i32
          %min3A_900 = arith.minsi %min3A_892, %select_n3A_899 : i32
          %slice3A_901 = vector.extract_strided_slice %select_n3A_802 {offsets = [6], sizes = [1], strides = [1]} : vector<16xf32> to vector<1xf32>
          %squeeze3A_902 = vector.extract %slice3A_901[0] : f32 from vector<1xf32>
          %eq3A_903 = arith.cmpf oeq, %squeeze3A_902, %max3A_852 : f32
          %slice3A_904 = vector.extract_strided_slice %select_n3A_806 {offsets = [6], sizes = [1], strides = [1]} : vector<16xi32> to vector<1xi32>
          %squeeze3A_905 = vector.extract %slice3A_904[0] : i32 from vector<1xi32>
          %jit3A_906 = arith.constant 1073741824 : i32
          %select_n3A_907 = arith.select %eq3A_903, %squeeze3A_905, %jit3A_906 : i32
          %min3A_908 = arith.minsi %min3A_900, %select_n3A_907 : i32
          %slice3A_909 = vector.extract_strided_slice %select_n3A_802 {offsets = [7], sizes = [1], strides = [1]} : vector<16xf32> to vector<1xf32>
          %squeeze3A_910 = vector.extract %slice3A_909[0] : f32 from vector<1xf32>
          %eq3A_911 = arith.cmpf oeq, %squeeze3A_910, %max3A_852 : f32
          %slice3A_912 = vector.extract_strided_slice %select_n3A_806 {offsets = [7], sizes = [1], strides = [1]} : vector<16xi32> to vector<1xi32>
          %squeeze3A_913 = vector.extract %slice3A_912[0] : i32 from vector<1xi32>
          %jit3A_914 = arith.constant 1073741824 : i32
          %select_n3A_915 = arith.select %eq3A_911, %squeeze3A_913, %jit3A_914 : i32
          %min3A_916 = arith.minsi %min3A_908, %select_n3A_915 : i32
          %slice3A_917 = vector.extract_strided_slice %select_n3A_802 {offsets = [8], sizes = [1], strides = [1]} : vector<16xf32> to vector<1xf32>
          %squeeze3A_918 = vector.extract %slice3A_917[0] : f32 from vector<1xf32>
          %eq3A_919 = arith.cmpf oeq, %squeeze3A_918, %max3A_852 : f32
          %slice3A_920 = vector.extract_strided_slice %select_n3A_806 {offsets = [8], sizes = [1], strides = [1]} : vector<16xi32> to vector<1xi32>
          %squeeze3A_921 = vector.extract %slice3A_920[0] : i32 from vector<1xi32>
          %jit3A_922 = arith.constant 1073741824 : i32
          %select_n3A_923 = arith.select %eq3A_919, %squeeze3A_921, %jit3A_922 : i32
          %min3A_924 = arith.minsi %min3A_916, %select_n3A_923 : i32
          %slice3A_925 = vector.extract_strided_slice %select_n3A_802 {offsets = [9], sizes = [1], strides = [1]} : vector<16xf32> to vector<1xf32>
          %squeeze3A_926 = vector.extract %slice3A_925[0] : f32 from vector<1xf32>
          %eq3A_927 = arith.cmpf oeq, %squeeze3A_926, %max3A_852 : f32
          %slice3A_928 = vector.extract_strided_slice %select_n3A_806 {offsets = [9], sizes = [1], strides = [1]} : vector<16xi32> to vector<1xi32>
          %squeeze3A_929 = vector.extract %slice3A_928[0] : i32 from vector<1xi32>
          %jit3A_930 = arith.constant 1073741824 : i32
          %select_n3A_931 = arith.select %eq3A_927, %squeeze3A_929, %jit3A_930 : i32
          %min3A_932 = arith.minsi %min3A_924, %select_n3A_931 : i32
          %slice3A_933 = vector.extract_strided_slice %select_n3A_802 {offsets = [10], sizes = [1], strides = [1]} : vector<16xf32> to vector<1xf32>
          %squeeze3A_934 = vector.extract %slice3A_933[0] : f32 from vector<1xf32>
          %eq3A_935 = arith.cmpf oeq, %squeeze3A_934, %max3A_852 : f32
          %slice3A_936 = vector.extract_strided_slice %select_n3A_806 {offsets = [10], sizes = [1], strides = [1]} : vector<16xi32> to vector<1xi32>
          %squeeze3A_937 = vector.extract %slice3A_936[0] : i32 from vector<1xi32>
          %jit3A_938 = arith.constant 1073741824 : i32
          %select_n3A_939 = arith.select %eq3A_935, %squeeze3A_937, %jit3A_938 : i32
          %min3A_940 = arith.minsi %min3A_932, %select_n3A_939 : i32
          %slice3A_941 = vector.extract_strided_slice %select_n3A_802 {offsets = [11], sizes = [1], strides = [1]} : vector<16xf32> to vector<1xf32>
          %squeeze3A_942 = vector.extract %slice3A_941[0] : f32 from vector<1xf32>
          %eq3A_943 = arith.cmpf oeq, %squeeze3A_942, %max3A_852 : f32
          %slice3A_944 = vector.extract_strided_slice %select_n3A_806 {offsets = [11], sizes = [1], strides = [1]} : vector<16xi32> to vector<1xi32>
          %squeeze3A_945 = vector.extract %slice3A_944[0] : i32 from vector<1xi32>
          %jit3A_946 = arith.constant 1073741824 : i32
          %select_n3A_947 = arith.select %eq3A_943, %squeeze3A_945, %jit3A_946 : i32
          %min3A_948 = arith.minsi %min3A_940, %select_n3A_947 : i32
          %slice3A_949 = vector.extract_strided_slice %select_n3A_802 {offsets = [12], sizes = [1], strides = [1]} : vector<16xf32> to vector<1xf32>
          %squeeze3A_950 = vector.extract %slice3A_949[0] : f32 from vector<1xf32>
          %eq3A_951 = arith.cmpf oeq, %squeeze3A_950, %max3A_852 : f32
          %slice3A_952 = vector.extract_strided_slice %select_n3A_806 {offsets = [12], sizes = [1], strides = [1]} : vector<16xi32> to vector<1xi32>
          %squeeze3A_953 = vector.extract %slice3A_952[0] : i32 from vector<1xi32>
          %jit3A_954 = arith.constant 1073741824 : i32
          %select_n3A_955 = arith.select %eq3A_951, %squeeze3A_953, %jit3A_954 : i32
          %min3A_956 = arith.minsi %min3A_948, %select_n3A_955 : i32
          %slice3A_957 = vector.extract_strided_slice %select_n3A_802 {offsets = [13], sizes = [1], strides = [1]} : vector<16xf32> to vector<1xf32>
          %squeeze3A_958 = vector.extract %slice3A_957[0] : f32 from vector<1xf32>
          %eq3A_959 = arith.cmpf oeq, %squeeze3A_958, %max3A_852 : f32
          %slice3A_960 = vector.extract_strided_slice %select_n3A_806 {offsets = [13], sizes = [1], strides = [1]} : vector<16xi32> to vector<1xi32>
          %squeeze3A_961 = vector.extract %slice3A_960[0] : i32 from vector<1xi32>
          %jit3A_962 = arith.constant 1073741824 : i32
          %select_n3A_963 = arith.select %eq3A_959, %squeeze3A_961, %jit3A_962 : i32
          %min3A_964 = arith.minsi %min3A_956, %select_n3A_963 : i32
          %slice3A_965 = vector.extract_strided_slice %select_n3A_802 {offsets = [14], sizes = [1], strides = [1]} : vector<16xf32> to vector<1xf32>
          %squeeze3A_966 = vector.extract %slice3A_965[0] : f32 from vector<1xf32>
          %eq3A_967 = arith.cmpf oeq, %squeeze3A_966, %max3A_852 : f32
          %slice3A_968 = vector.extract_strided_slice %select_n3A_806 {offsets = [14], sizes = [1], strides = [1]} : vector<16xi32> to vector<1xi32>
          %squeeze3A_969 = vector.extract %slice3A_968[0] : i32 from vector<1xi32>
          %jit3A_970 = arith.constant 1073741824 : i32
          %select_n3A_971 = arith.select %eq3A_967, %squeeze3A_969, %jit3A_970 : i32
          %min3A_972 = arith.minsi %min3A_964, %select_n3A_971 : i32
          %slice3A_973 = vector.extract_strided_slice %select_n3A_802 {offsets = [15], sizes = [1], strides = [1]} : vector<16xf32> to vector<1xf32>
          %squeeze3A_974 = vector.extract %slice3A_973[0] : f32 from vector<1xf32>
          %eq3A_975 = arith.cmpf oeq, %squeeze3A_974, %max3A_852 : f32
          %slice3A_976 = vector.extract_strided_slice %select_n3A_806 {offsets = [15], sizes = [1], strides = [1]} : vector<16xi32> to vector<1xi32>
          %squeeze3A_977 = vector.extract %slice3A_976[0] : i32 from vector<1xi32>
          %jit3A_978 = arith.constant 1073741824 : i32
          %select_n3A_979 = arith.select %eq3A_975, %squeeze3A_977, %jit3A_978 : i32
          %min3A_980 = arith.minsi %min3A_972, %select_n3A_979 : i32
          %gt3A_981 = arith.constant 2.000000e-01 : f32
          %gt3A_982 = arith.cmpf ogt, %max3A_852, %gt3A_981 : f32
          %jit3A_983 = arith.constant -1 : i32
          %select_n3A_984 = arith.select %gt3A_982, %min3A_980, %jit3A_983 : i32
          scf.yield %select_n3A_984 : i32
        } else {
          scf.yield %select_n3A_434 : i32
        }
        %eq3A_441 = arith.constant 2 : i32
        %eq3A_442 = vector.broadcast %eq3A_441 : i32 to vector<16xi32>
        %eq3A_443 = arith.cmpi eq, %iota3A, %eq3A_442 : vector<16xi32>
        %broadcast_in_dim3A_444 = vector.broadcast %cond3A_440 : i32 to vector<16xi32>
        %select_n3A_445 = arith.select %eq3A_443, %broadcast_in_dim3A_444, %select_n3A_381 : vector<16xi1>, vector<16xi32>
        %slice3A_446 = vector.extract_strided_slice %get3A_130 {offsets = [15], sizes = [1], strides = [1]} : vector<16xi32> to vector<1xi32>
        %squeeze3A_447 = vector.extract %slice3A_446[0] : i32 from vector<1xi32>
        %ne3A_448 = arith.cmpi ne, %squeeze3A_447, %cond3A_321 : i32
        %and3A_449 = arith.andi %gt3A_281, %ne3A_448 : i1
        %ne3A_450 = arith.cmpi ne, %squeeze3A_447, %cond3A_376 : i32
        %and3A_451 = arith.andi %and3A_449, %ne3A_450 : i1
        %ne3A_452 = arith.cmpi ne, %squeeze3A_447, %cond3A_440 : i32
        %and3A_453 = arith.andi %and3A_451, %ne3A_452 : i1
        %slice3A_454 = vector.extract_strided_slice %get3A_135 {offsets = [15], sizes = [1], strides = [1]} : vector<16xf32> to vector<1xf32>
        %squeeze3A_455 = vector.extract %slice3A_454[0] : f32 from vector<1xf32>
        %le3A_456 = arith.constant 2.000000e-01 : f32
        %le3A_457 = arith.cmpf ole, %squeeze3A_455, %le3A_456 : f32
        %jit3A_458 = arith.constant -2 : i32
        %select_n3A_459 = arith.select %and3A_453, %squeeze3A_447, %jit3A_458 : i32
        %jit3A_460 = arith.constant -1 : i32
        %select_n3A_461 = arith.select %le3A_457, %jit3A_460, %select_n3A_459 : i32
        %slice3A_462 = vector.extract_strided_slice %get3A_130 {offsets = [14], sizes = [1], strides = [1]} : vector<16xi32> to vector<1xi32>
        %squeeze3A_463 = vector.extract %slice3A_462[0] : i32 from vector<1xi32>
        %ne3A_464 = arith.cmpi ne, %squeeze3A_463, %cond3A_321 : i32
        %and3A_465 = arith.andi %gt3A_272, %ne3A_464 : i1
        %ne3A_466 = arith.cmpi ne, %squeeze3A_463, %cond3A_376 : i32
        %and3A_467 = arith.andi %and3A_465, %ne3A_466 : i1
        %ne3A_468 = arith.cmpi ne, %squeeze3A_463, %cond3A_440 : i32
        %and3A_469 = arith.andi %and3A_467, %ne3A_468 : i1
        %slice3A_470 = vector.extract_strided_slice %get3A_135 {offsets = [14], sizes = [1], strides = [1]} : vector<16xf32> to vector<1xf32>
        %squeeze3A_471 = vector.extract %slice3A_470[0] : f32 from vector<1xf32>
        %le3A_472 = arith.constant 2.000000e-01 : f32
        %le3A_473 = arith.cmpf ole, %squeeze3A_471, %le3A_472 : f32
        %select_n3A_474 = arith.select %and3A_469, %squeeze3A_463, %select_n3A_461 : i32
        %jit3A_475 = arith.constant -1 : i32
        %select_n3A_476 = arith.select %le3A_473, %jit3A_475, %select_n3A_474 : i32
        %slice3A_477 = vector.extract_strided_slice %get3A_130 {offsets = [13], sizes = [1], strides = [1]} : vector<16xi32> to vector<1xi32>
        %squeeze3A_478 = vector.extract %slice3A_477[0] : i32 from vector<1xi32>
        %ne3A_479 = arith.cmpi ne, %squeeze3A_478, %cond3A_321 : i32
        %and3A_480 = arith.andi %gt3A_263, %ne3A_479 : i1
        %ne3A_481 = arith.cmpi ne, %squeeze3A_478, %cond3A_376 : i32
        %and3A_482 = arith.andi %and3A_480, %ne3A_481 : i1
        %ne3A_483 = arith.cmpi ne, %squeeze3A_478, %cond3A_440 : i32
        %and3A_484 = arith.andi %and3A_482, %ne3A_483 : i1
        %slice3A_485 = vector.extract_strided_slice %get3A_135 {offsets = [13], sizes = [1], strides = [1]} : vector<16xf32> to vector<1xf32>
        %squeeze3A_486 = vector.extract %slice3A_485[0] : f32 from vector<1xf32>
        %le3A_487 = arith.constant 2.000000e-01 : f32
        %le3A_488 = arith.cmpf ole, %squeeze3A_486, %le3A_487 : f32
        %select_n3A_489 = arith.select %and3A_484, %squeeze3A_478, %select_n3A_476 : i32
        %jit3A_490 = arith.constant -1 : i32
        %select_n3A_491 = arith.select %le3A_488, %jit3A_490, %select_n3A_489 : i32
        %slice3A_492 = vector.extract_strided_slice %get3A_130 {offsets = [12], sizes = [1], strides = [1]} : vector<16xi32> to vector<1xi32>
        %squeeze3A_493 = vector.extract %slice3A_492[0] : i32 from vector<1xi32>
        %ne3A_494 = arith.cmpi ne, %squeeze3A_493, %cond3A_321 : i32
        %and3A_495 = arith.andi %gt3A_254, %ne3A_494 : i1
        %ne3A_496 = arith.cmpi ne, %squeeze3A_493, %cond3A_376 : i32
        %and3A_497 = arith.andi %and3A_495, %ne3A_496 : i1
        %ne3A_498 = arith.cmpi ne, %squeeze3A_493, %cond3A_440 : i32
        %and3A_499 = arith.andi %and3A_497, %ne3A_498 : i1
        %slice3A_500 = vector.extract_strided_slice %get3A_135 {offsets = [12], sizes = [1], strides = [1]} : vector<16xf32> to vector<1xf32>
        %squeeze3A_501 = vector.extract %slice3A_500[0] : f32 from vector<1xf32>
        %le3A_502 = arith.constant 2.000000e-01 : f32
        %le3A_503 = arith.cmpf ole, %squeeze3A_501, %le3A_502 : f32
        %select_n3A_504 = arith.select %and3A_499, %squeeze3A_493, %select_n3A_491 : i32
        %jit3A_505 = arith.constant -1 : i32
        %select_n3A_506 = arith.select %le3A_503, %jit3A_505, %select_n3A_504 : i32
        %eq3A_507 = arith.constant -2 : i32
        %eq3A_508 = arith.cmpi eq, %select_n3A_506, %eq3A_507 : i32
        %convert_element_type3A_509 = arith.extui %eq3A_508 : i1 to i32
        %cond3A_510 = arith.constant 0 : i32
        %cond3A_511 = arith.cmpi ne, %convert_element_type3A_509, %cond3A_510 : i32
        %cond3A_512 = scf.if %cond3A_511 -> (i32) {
          %mul3A_543 = arith.constant 4 : i32
          %mul3A_544 = arith.muli %scan3A_127, %mul3A_543 : i32
          %add3A = arith.constant 3 : i32
          %add3A_545 = arith.addi %mul3A_544, %add3A : i32
          %ge3A_546 = arith.constant 0 : i32
          %ge3A_547 = arith.cmpi sge, %cond3A_321, %ge3A_546 : i32
          %convert_element_type3A_548 = arith.extui %ge3A_547 : i1 to i32
          %cond3A_549 = arith.constant 0 : i32
          %cond3A_550 = arith.cmpi ne, %convert_element_type3A_548, %cond3A_549 : i32
          scf.if %cond3A_550 {
            %get3A_990 = arith.index_cast %cond3A_321 : i32 to index
            %get3A_991 = tpu.vector_load %arg8[%get3A_990] {strides = array<i32>} : memref<320xf32, #tpu.memory_space<vmem>>, vector<16xf32>,
            %get3A_992 = vector.shape_cast %get3A_991 : vector<16xf32> to vector<16xf32>
            %eq3A_993 = arith.constant 0 : i32
            %eq3A_994 = vector.broadcast %eq3A_993 : i32 to vector<16xi32>
            %eq3A_995 = arith.cmpi eq, %iota3A, %eq3A_994 : vector<16xi32>
            %jit3A_996 = arith.constant 0.000000e+00 : f32
            %broadcast_in_dim3A_997 = vector.broadcast %jit3A_996 : f32 to vector<16xf32>
            %select_n3A_998 = arith.select %eq3A_995, %broadcast_in_dim3A_997, %get3A_992 : vector<16xi1>, vector<16xf32>
            %swap3A_999 = arith.index_cast %cond3A_321 : i32 to index
            %swap3A_1000 = tpu.vector_load %arg8[%swap3A_999] {strides = array<i32>} : memref<320xf32, #tpu.memory_space<vmem>>, vector<16xf32>,
            %swap3A_1001 = vector.shape_cast %swap3A_1000 : vector<16xf32> to vector<16xf32>
            %swap3A_1002 = vector.shape_cast %select_n3A_998 : vector<16xf32> to vector<16xf32>
            tpu.vector_store %arg8[%swap3A_999], %swap3A_1002 {strides = array<i32>} : memref<320xf32, #tpu.memory_space<vmem>>, vector<16xf32>,
          } else {
          }
          %ge3A_551 = arith.constant 0 : i32
          %ge3A_552 = arith.cmpi sge, %cond3A_376, %ge3A_551 : i32
          %convert_element_type3A_553 = arith.extui %ge3A_552 : i1 to i32
          %cond3A_554 = arith.constant 0 : i32
          %cond3A_555 = arith.cmpi ne, %convert_element_type3A_553, %cond3A_554 : i32
          scf.if %cond3A_555 {
            %get3A_990 = arith.index_cast %cond3A_376 : i32 to index
            %get3A_991 = tpu.vector_load %arg8[%get3A_990] {strides = array<i32>} : memref<320xf32, #tpu.memory_space<vmem>>, vector<16xf32>,
            %get3A_992 = vector.shape_cast %get3A_991 : vector<16xf32> to vector<16xf32>
            %eq3A_993 = arith.constant 0 : i32
            %eq3A_994 = vector.broadcast %eq3A_993 : i32 to vector<16xi32>
            %eq3A_995 = arith.cmpi eq, %iota3A, %eq3A_994 : vector<16xi32>
            %jit3A_996 = arith.constant 0.000000e+00 : f32
            %broadcast_in_dim3A_997 = vector.broadcast %jit3A_996 : f32 to vector<16xf32>
            %select_n3A_998 = arith.select %eq3A_995, %broadcast_in_dim3A_997, %get3A_992 : vector<16xi1>, vector<16xf32>
            %swap3A_999 = arith.index_cast %cond3A_376 : i32 to index
            %swap3A_1000 = tpu.vector_load %arg8[%swap3A_999] {strides = array<i32>} : memref<320xf32, #tpu.memory_space<vmem>>, vector<16xf32>,
            %swap3A_1001 = vector.shape_cast %swap3A_1000 : vector<16xf32> to vector<16xf32>
            %swap3A_1002 = vector.shape_cast %select_n3A_998 : vector<16xf32> to vector<16xf32>
            tpu.vector_store %arg8[%swap3A_999], %swap3A_1002 {strides = array<i32>} : memref<320xf32, #tpu.memory_space<vmem>>, vector<16xf32>,
          } else {
          }
          %ge3A_556 = arith.constant 0 : i32
          %ge3A_557 = arith.cmpi sge, %cond3A_440, %ge3A_556 : i32
          %convert_element_type3A_558 = arith.extui %ge3A_557 : i1 to i32
          %cond3A_559 = arith.constant 0 : i32
          %cond3A_560 = arith.cmpi ne, %convert_element_type3A_558, %cond3A_559 : i32
          scf.if %cond3A_560 {
            %get3A_990 = arith.index_cast %cond3A_440 : i32 to index
            %get3A_991 = tpu.vector_load %arg8[%get3A_990] {strides = array<i32>} : memref<320xf32, #tpu.memory_space<vmem>>, vector<16xf32>,
            %get3A_992 = vector.shape_cast %get3A_991 : vector<16xf32> to vector<16xf32>
            %eq3A_993 = arith.constant 0 : i32
            %eq3A_994 = vector.broadcast %eq3A_993 : i32 to vector<16xi32>
            %eq3A_995 = arith.cmpi eq, %iota3A, %eq3A_994 : vector<16xi32>
            %jit3A_996 = arith.constant 0.000000e+00 : f32
            %broadcast_in_dim3A_997 = vector.broadcast %jit3A_996 : f32 to vector<16xf32>
            %select_n3A_998 = arith.select %eq3A_995, %broadcast_in_dim3A_997, %get3A_992 : vector<16xi1>, vector<16xf32>
            %swap3A_999 = arith.index_cast %cond3A_440 : i32 to index
            %swap3A_1000 = tpu.vector_load %arg8[%swap3A_999] {strides = array<i32>} : memref<320xf32, #tpu.memory_space<vmem>>, vector<16xf32>,
            %swap3A_1001 = vector.shape_cast %swap3A_1000 : vector<16xf32> to vector<16xf32>
            %swap3A_1002 = vector.shape_cast %select_n3A_998 : vector<16xf32> to vector<16xf32>
            tpu.vector_store %arg8[%swap3A_999], %swap3A_1002 {strides = array<i32>} : memref<320xf32, #tpu.memory_space<vmem>>, vector<16xf32>,
          } else {
          }
          "tpu.region"() ({
            %run_scoped3A = tpu.sem_alloc : memref<!tpu.dma_semaphore, #tpu.memory_space<semaphore_mem>>
            %dma_start3A = arith.constant 0 : i32
            %dma_start3A_990 = tpu.memref_slice %arg2[%add3A_545, %dma_start3A] : memref<1000x304xf32, #tpu.memory_space<hbm>> -> memref<1x304xf32, #tpu.memory_space<hbm>>
            %dma_start3A_991 = tpu.memref_squeeze %dma_start3A_990 : memref<1x304xf32, #tpu.memory_space<hbm>> -> memref<304xf32, #tpu.memory_space<hbm>>
            %dma_start3A_992 = arith.constant 0 : i32
            %dma_start3A_993 = tpu.memref_slice %arg2[%add3A_545, %dma_start3A_992] : memref<1000x304xf32, #tpu.memory_space<hbm>> -> memref<1x304xf32, #tpu.memory_space<hbm>>
            %dma_start3A_994 = tpu.memref_squeeze %dma_start3A_993 : memref<1x304xf32, #tpu.memory_space<hbm>> -> memref<304xf32, #tpu.memory_space<hbm>>
            tpu.enqueue_dma source(%dma_start3A_994 : memref<304xf32, #tpu.memory_space<hbm>>) target(%arg10 : memref<304xf32, #tpu.memory_space<vmem>>) target_semaphore(%run_scoped3A : memref<!tpu.dma_semaphore, #tpu.memory_space<semaphore_mem>>)
            %dma_wait3A = arith.constant 0 : i32
            %dma_wait3A_995 = tpu.memref_slice %arg2[%add3A_545, %dma_wait3A] : memref<1000x304xf32, #tpu.memory_space<hbm>> -> memref<1x304xf32, #tpu.memory_space<hbm>>
            %dma_wait3A_996 = tpu.memref_squeeze %dma_wait3A_995 : memref<1x304xf32, #tpu.memory_space<hbm>> -> memref<304xf32, #tpu.memory_space<hbm>>
            %dma_wait3A_997 = arith.constant 0 : i32
            %dma_wait3A_998 = tpu.memref_slice %arg2[%add3A_545, %dma_wait3A_997] : memref<1000x304xf32, #tpu.memory_space<hbm>> -> memref<1x304xf32, #tpu.memory_space<hbm>>
            %dma_wait3A_999 = tpu.memref_squeeze %dma_wait3A_998 : memref<1x304xf32, #tpu.memory_space<hbm>> -> memref<304xf32, #tpu.memory_space<hbm>>
            tpu.wait_dma2 semaphore(%run_scoped3A : memref<!tpu.dma_semaphore, #tpu.memory_space<semaphore_mem>>) src(%dma_wait3A_999 : memref<304xf32, #tpu.memory_space<hbm>>) dst(%arg10 : memref<304xf32, #tpu.memory_space<vmem>>)
            tpu.yield
          }) : () -> ()
          %broadcast_in_dim3A_561 = arith.constant -1.000000e+00 : f32
          %broadcast_in_dim3A_562 = vector.broadcast %broadcast_in_dim3A_561 : f32 to vector<16xf32>
          %broadcast_in_dim3A_563 = arith.constant 0 : i32
          %broadcast_in_dim3A_564 = vector.broadcast %broadcast_in_dim3A_563 : i32 to vector<16xi32>
          %get3A_565 = arith.constant 0 : index
          %get3A_566 = tpu.vector_load %arg10[%get3A_565] {strides = array<i32>} : memref<304xf32, #tpu.memory_space<vmem>>, vector<16xf32>,
          %get3A_567 = vector.shape_cast %get3A_566 : vector<16xf32> to vector<16xf32>
          %get3A_568 = arith.constant 0 : index
          %get3A_569 = tpu.vector_load %arg8[%get3A_568] {strides = array<i32>} : memref<320xf32, #tpu.memory_space<vmem>>, vector<16xf32>,
          %get3A_570 = vector.shape_cast %get3A_569 : vector<16xf32> to vector<16xf32>
          %mul3A_571 = arith.mulf %get3A_567, %get3A_570 : vector<16xf32>
          %gt3A_572 = arith.cmpf ogt, %mul3A_571, %broadcast_in_dim3A_562 : vector<16xf32>
          %select_n3A_573 = arith.select %gt3A_572, %mul3A_571, %broadcast_in_dim3A_562 : vector<16xi1>, vector<16xf32>
          %add3A_574 = arith.constant 0 : i32
          %add3A_575 = vector.broadcast %add3A_574 : i32 to vector<16xi32>
          %add3A_576 = arith.addi %iota3A, %add3A_575 : vector<16xi32>
          %select_n3A_577 = arith.select %gt3A_572, %add3A_576, %broadcast_in_dim3A_564 : vector<16xi1>, vector<16xi32>
          %get3A_578 = arith.constant 16 : index
          %get3A_579 = tpu.vector_load %arg10[%get3A_578] {strides = array<i32>} : memref<304xf32, #tpu.memory_space<vmem>>, vector<16xf32>,
          %get3A_580 = vector.shape_cast %get3A_579 : vector<16xf32> to vector<16xf32>
          %get3A_581 = arith.constant 16 : index
          %get3A_582 = tpu.vector_load %arg8[%get3A_581] {strides = array<i32>} : memref<320xf32, #tpu.memory_space<vmem>>, vector<16xf32>,
          %get3A_583 = vector.shape_cast %get3A_582 : vector<16xf32> to vector<16xf32>
          %mul3A_584 = arith.mulf %get3A_580, %get3A_583 : vector<16xf32>
          %gt3A_585 = arith.cmpf ogt, %mul3A_584, %select_n3A_573 : vector<16xf32>
          %select_n3A_586 = arith.select %gt3A_585, %mul3A_584, %select_n3A_573 : vector<16xi1>, vector<16xf32>
          %add3A_587 = arith.constant 16 : i32
          %add3A_588 = vector.broadcast %add3A_587 : i32 to vector<16xi32>
          %add3A_589 = arith.addi %iota3A, %add3A_588 : vector<16xi32>
          %select_n3A_590 = arith.select %gt3A_585, %add3A_589, %select_n3A_577 : vector<16xi1>, vector<16xi32>
          %get3A_591 = arith.constant 32 : index
          %get3A_592 = tpu.vector_load %arg10[%get3A_591] {strides = array<i32>} : memref<304xf32, #tpu.memory_space<vmem>>, vector<16xf32>,
          %get3A_593 = vector.shape_cast %get3A_592 : vector<16xf32> to vector<16xf32>
          %get3A_594 = arith.constant 32 : index
          %get3A_595 = tpu.vector_load %arg8[%get3A_594] {strides = array<i32>} : memref<320xf32, #tpu.memory_space<vmem>>, vector<16xf32>,
          %get3A_596 = vector.shape_cast %get3A_595 : vector<16xf32> to vector<16xf32>
          %mul3A_597 = arith.mulf %get3A_593, %get3A_596 : vector<16xf32>
          %gt3A_598 = arith.cmpf ogt, %mul3A_597, %select_n3A_586 : vector<16xf32>
          %select_n3A_599 = arith.select %gt3A_598, %mul3A_597, %select_n3A_586 : vector<16xi1>, vector<16xf32>
          %add3A_600 = arith.constant 32 : i32
          %add3A_601 = vector.broadcast %add3A_600 : i32 to vector<16xi32>
          %add3A_602 = arith.addi %iota3A, %add3A_601 : vector<16xi32>
          %select_n3A_603 = arith.select %gt3A_598, %add3A_602, %select_n3A_590 : vector<16xi1>, vector<16xi32>
          %get3A_604 = arith.constant 48 : index
          %get3A_605 = tpu.vector_load %arg10[%get3A_604] {strides = array<i32>} : memref<304xf32, #tpu.memory_space<vmem>>, vector<16xf32>,
          %get3A_606 = vector.shape_cast %get3A_605 : vector<16xf32> to vector<16xf32>
          %get3A_607 = arith.constant 48 : index
          %get3A_608 = tpu.vector_load %arg8[%get3A_607] {strides = array<i32>} : memref<320xf32, #tpu.memory_space<vmem>>, vector<16xf32>,
          %get3A_609 = vector.shape_cast %get3A_608 : vector<16xf32> to vector<16xf32>
          %mul3A_610 = arith.mulf %get3A_606, %get3A_609 : vector<16xf32>
          %gt3A_611 = arith.cmpf ogt, %mul3A_610, %select_n3A_599 : vector<16xf32>
          %select_n3A_612 = arith.select %gt3A_611, %mul3A_610, %select_n3A_599 : vector<16xi1>, vector<16xf32>
          %add3A_613 = arith.constant 48 : i32
          %add3A_614 = vector.broadcast %add3A_613 : i32 to vector<16xi32>
          %add3A_615 = arith.addi %iota3A, %add3A_614 : vector<16xi32>
          %select_n3A_616 = arith.select %gt3A_611, %add3A_615, %select_n3A_603 : vector<16xi1>, vector<16xi32>
          %get3A_617 = arith.constant 64 : index
          %get3A_618 = tpu.vector_load %arg10[%get3A_617] {strides = array<i32>} : memref<304xf32, #tpu.memory_space<vmem>>, vector<16xf32>,
          %get3A_619 = vector.shape_cast %get3A_618 : vector<16xf32> to vector<16xf32>
          %get3A_620 = arith.constant 64 : index
          %get3A_621 = tpu.vector_load %arg8[%get3A_620] {strides = array<i32>} : memref<320xf32, #tpu.memory_space<vmem>>, vector<16xf32>,
          %get3A_622 = vector.shape_cast %get3A_621 : vector<16xf32> to vector<16xf32>
          %mul3A_623 = arith.mulf %get3A_619, %get3A_622 : vector<16xf32>
          %gt3A_624 = arith.cmpf ogt, %mul3A_623, %select_n3A_612 : vector<16xf32>
          %select_n3A_625 = arith.select %gt3A_624, %mul3A_623, %select_n3A_612 : vector<16xi1>, vector<16xf32>
          %add3A_626 = arith.constant 64 : i32
          %add3A_627 = vector.broadcast %add3A_626 : i32 to vector<16xi32>
          %add3A_628 = arith.addi %iota3A, %add3A_627 : vector<16xi32>
          %select_n3A_629 = arith.select %gt3A_624, %add3A_628, %select_n3A_616 : vector<16xi1>, vector<16xi32>
          %get3A_630 = arith.constant 80 : index
          %get3A_631 = tpu.vector_load %arg10[%get3A_630] {strides = array<i32>} : memref<304xf32, #tpu.memory_space<vmem>>, vector<16xf32>,
          %get3A_632 = vector.shape_cast %get3A_631 : vector<16xf32> to vector<16xf32>
          %get3A_633 = arith.constant 80 : index
          %get3A_634 = tpu.vector_load %arg8[%get3A_633] {strides = array<i32>} : memref<320xf32, #tpu.memory_space<vmem>>, vector<16xf32>,
          %get3A_635 = vector.shape_cast %get3A_634 : vector<16xf32> to vector<16xf32>
          %mul3A_636 = arith.mulf %get3A_632, %get3A_635 : vector<16xf32>
          %gt3A_637 = arith.cmpf ogt, %mul3A_636, %select_n3A_625 : vector<16xf32>
          %select_n3A_638 = arith.select %gt3A_637, %mul3A_636, %select_n3A_625 : vector<16xi1>, vector<16xf32>
          %add3A_639 = arith.constant 80 : i32
          %add3A_640 = vector.broadcast %add3A_639 : i32 to vector<16xi32>
          %add3A_641 = arith.addi %iota3A, %add3A_640 : vector<16xi32>
          %select_n3A_642 = arith.select %gt3A_637, %add3A_641, %select_n3A_629 : vector<16xi1>, vector<16xi32>
          %get3A_643 = arith.constant 96 : index
          %get3A_644 = tpu.vector_load %arg10[%get3A_643] {strides = array<i32>} : memref<304xf32, #tpu.memory_space<vmem>>, vector<16xf32>,
          %get3A_645 = vector.shape_cast %get3A_644 : vector<16xf32> to vector<16xf32>
          %get3A_646 = arith.constant 96 : index
          %get3A_647 = tpu.vector_load %arg8[%get3A_646] {strides = array<i32>} : memref<320xf32, #tpu.memory_space<vmem>>, vector<16xf32>,
          %get3A_648 = vector.shape_cast %get3A_647 : vector<16xf32> to vector<16xf32>
          %mul3A_649 = arith.mulf %get3A_645, %get3A_648 : vector<16xf32>
          %gt3A_650 = arith.cmpf ogt, %mul3A_649, %select_n3A_638 : vector<16xf32>
          %select_n3A_651 = arith.select %gt3A_650, %mul3A_649, %select_n3A_638 : vector<16xi1>, vector<16xf32>
          %add3A_652 = arith.constant 96 : i32
          %add3A_653 = vector.broadcast %add3A_652 : i32 to vector<16xi32>
          %add3A_654 = arith.addi %iota3A, %add3A_653 : vector<16xi32>
          %select_n3A_655 = arith.select %gt3A_650, %add3A_654, %select_n3A_642 : vector<16xi1>, vector<16xi32>
          %get3A_656 = arith.constant 112 : index
          %get3A_657 = tpu.vector_load %arg10[%get3A_656] {strides = array<i32>} : memref<304xf32, #tpu.memory_space<vmem>>, vector<16xf32>,
          %get3A_658 = vector.shape_cast %get3A_657 : vector<16xf32> to vector<16xf32>
          %get3A_659 = arith.constant 112 : index
          %get3A_660 = tpu.vector_load %arg8[%get3A_659] {strides = array<i32>} : memref<320xf32, #tpu.memory_space<vmem>>, vector<16xf32>,
          %get3A_661 = vector.shape_cast %get3A_660 : vector<16xf32> to vector<16xf32>
          %mul3A_662 = arith.mulf %get3A_658, %get3A_661 : vector<16xf32>
          %gt3A_663 = arith.cmpf ogt, %mul3A_662, %select_n3A_651 : vector<16xf32>
          %select_n3A_664 = arith.select %gt3A_663, %mul3A_662, %select_n3A_651 : vector<16xi1>, vector<16xf32>
          %add3A_665 = arith.constant 112 : i32
          %add3A_666 = vector.broadcast %add3A_665 : i32 to vector<16xi32>
          %add3A_667 = arith.addi %iota3A, %add3A_666 : vector<16xi32>
          %select_n3A_668 = arith.select %gt3A_663, %add3A_667, %select_n3A_655 : vector<16xi1>, vector<16xi32>
          %get3A_669 = arith.constant 128 : index
          %get3A_670 = tpu.vector_load %arg10[%get3A_669] {strides = array<i32>} : memref<304xf32, #tpu.memory_space<vmem>>, vector<16xf32>,
          %get3A_671 = vector.shape_cast %get3A_670 : vector<16xf32> to vector<16xf32>
          %get3A_672 = arith.constant 128 : index
          %get3A_673 = tpu.vector_load %arg8[%get3A_672] {strides = array<i32>} : memref<320xf32, #tpu.memory_space<vmem>>, vector<16xf32>,
          %get3A_674 = vector.shape_cast %get3A_673 : vector<16xf32> to vector<16xf32>
          %mul3A_675 = arith.mulf %get3A_671, %get3A_674 : vector<16xf32>
          %gt3A_676 = arith.cmpf ogt, %mul3A_675, %select_n3A_664 : vector<16xf32>
          %select_n3A_677 = arith.select %gt3A_676, %mul3A_675, %select_n3A_664 : vector<16xi1>, vector<16xf32>
          %add3A_678 = arith.constant 128 : i32
          %add3A_679 = vector.broadcast %add3A_678 : i32 to vector<16xi32>
          %add3A_680 = arith.addi %iota3A, %add3A_679 : vector<16xi32>
          %select_n3A_681 = arith.select %gt3A_676, %add3A_680, %select_n3A_668 : vector<16xi1>, vector<16xi32>
          %get3A_682 = arith.constant 144 : index
          %get3A_683 = tpu.vector_load %arg10[%get3A_682] {strides = array<i32>} : memref<304xf32, #tpu.memory_space<vmem>>, vector<16xf32>,
          %get3A_684 = vector.shape_cast %get3A_683 : vector<16xf32> to vector<16xf32>
          %get3A_685 = arith.constant 144 : index
          %get3A_686 = tpu.vector_load %arg8[%get3A_685] {strides = array<i32>} : memref<320xf32, #tpu.memory_space<vmem>>, vector<16xf32>,
          %get3A_687 = vector.shape_cast %get3A_686 : vector<16xf32> to vector<16xf32>
          %mul3A_688 = arith.mulf %get3A_684, %get3A_687 : vector<16xf32>
          %gt3A_689 = arith.cmpf ogt, %mul3A_688, %select_n3A_677 : vector<16xf32>
          %select_n3A_690 = arith.select %gt3A_689, %mul3A_688, %select_n3A_677 : vector<16xi1>, vector<16xf32>
          %add3A_691 = arith.constant 144 : i32
          %add3A_692 = vector.broadcast %add3A_691 : i32 to vector<16xi32>
          %add3A_693 = arith.addi %iota3A, %add3A_692 : vector<16xi32>
          %select_n3A_694 = arith.select %gt3A_689, %add3A_693, %select_n3A_681 : vector<16xi1>, vector<16xi32>
          %get3A_695 = arith.constant 160 : index
          %get3A_696 = tpu.vector_load %arg10[%get3A_695] {strides = array<i32>} : memref<304xf32, #tpu.memory_space<vmem>>, vector<16xf32>,
          %get3A_697 = vector.shape_cast %get3A_696 : vector<16xf32> to vector<16xf32>
          %get3A_698 = arith.constant 160 : index
          %get3A_699 = tpu.vector_load %arg8[%get3A_698] {strides = array<i32>} : memref<320xf32, #tpu.memory_space<vmem>>, vector<16xf32>,
          %get3A_700 = vector.shape_cast %get3A_699 : vector<16xf32> to vector<16xf32>
          %mul3A_701 = arith.mulf %get3A_697, %get3A_700 : vector<16xf32>
          %gt3A_702 = arith.cmpf ogt, %mul3A_701, %select_n3A_690 : vector<16xf32>
          %select_n3A_703 = arith.select %gt3A_702, %mul3A_701, %select_n3A_690 : vector<16xi1>, vector<16xf32>
          %add3A_704 = arith.constant 160 : i32
          %add3A_705 = vector.broadcast %add3A_704 : i32 to vector<16xi32>
          %add3A_706 = arith.addi %iota3A, %add3A_705 : vector<16xi32>
          %select_n3A_707 = arith.select %gt3A_702, %add3A_706, %select_n3A_694 : vector<16xi1>, vector<16xi32>
          %get3A_708 = arith.constant 176 : index
          %get3A_709 = tpu.vector_load %arg10[%get3A_708] {strides = array<i32>} : memref<304xf32, #tpu.memory_space<vmem>>, vector<16xf32>,
          %get3A_710 = vector.shape_cast %get3A_709 : vector<16xf32> to vector<16xf32>
          %get3A_711 = arith.constant 176 : index
          %get3A_712 = tpu.vector_load %arg8[%get3A_711] {strides = array<i32>} : memref<320xf32, #tpu.memory_space<vmem>>, vector<16xf32>,
          %get3A_713 = vector.shape_cast %get3A_712 : vector<16xf32> to vector<16xf32>
          %mul3A_714 = arith.mulf %get3A_710, %get3A_713 : vector<16xf32>
          %gt3A_715 = arith.cmpf ogt, %mul3A_714, %select_n3A_703 : vector<16xf32>
          %select_n3A_716 = arith.select %gt3A_715, %mul3A_714, %select_n3A_703 : vector<16xi1>, vector<16xf32>
          %add3A_717 = arith.constant 176 : i32
          %add3A_718 = vector.broadcast %add3A_717 : i32 to vector<16xi32>
          %add3A_719 = arith.addi %iota3A, %add3A_718 : vector<16xi32>
          %select_n3A_720 = arith.select %gt3A_715, %add3A_719, %select_n3A_707 : vector<16xi1>, vector<16xi32>
          %get3A_721 = arith.constant 192 : index
          %get3A_722 = tpu.vector_load %arg10[%get3A_721] {strides = array<i32>} : memref<304xf32, #tpu.memory_space<vmem>>, vector<16xf32>,
          %get3A_723 = vector.shape_cast %get3A_722 : vector<16xf32> to vector<16xf32>
          %get3A_724 = arith.constant 192 : index
          %get3A_725 = tpu.vector_load %arg8[%get3A_724] {strides = array<i32>} : memref<320xf32, #tpu.memory_space<vmem>>, vector<16xf32>,
          %get3A_726 = vector.shape_cast %get3A_725 : vector<16xf32> to vector<16xf32>
          %mul3A_727 = arith.mulf %get3A_723, %get3A_726 : vector<16xf32>
          %gt3A_728 = arith.cmpf ogt, %mul3A_727, %select_n3A_716 : vector<16xf32>
          %select_n3A_729 = arith.select %gt3A_728, %mul3A_727, %select_n3A_716 : vector<16xi1>, vector<16xf32>
          %add3A_730 = arith.constant 192 : i32
          %add3A_731 = vector.broadcast %add3A_730 : i32 to vector<16xi32>
          %add3A_732 = arith.addi %iota3A, %add3A_731 : vector<16xi32>
          %select_n3A_733 = arith.select %gt3A_728, %add3A_732, %select_n3A_720 : vector<16xi1>, vector<16xi32>
          %get3A_734 = arith.constant 208 : index
          %get3A_735 = tpu.vector_load %arg10[%get3A_734] {strides = array<i32>} : memref<304xf32, #tpu.memory_space<vmem>>, vector<16xf32>,
          %get3A_736 = vector.shape_cast %get3A_735 : vector<16xf32> to vector<16xf32>
          %get3A_737 = arith.constant 208 : index
          %get3A_738 = tpu.vector_load %arg8[%get3A_737] {strides = array<i32>} : memref<320xf32, #tpu.memory_space<vmem>>, vector<16xf32>,
          %get3A_739 = vector.shape_cast %get3A_738 : vector<16xf32> to vector<16xf32>
          %mul3A_740 = arith.mulf %get3A_736, %get3A_739 : vector<16xf32>
          %gt3A_741 = arith.cmpf ogt, %mul3A_740, %select_n3A_729 : vector<16xf32>
          %select_n3A_742 = arith.select %gt3A_741, %mul3A_740, %select_n3A_729 : vector<16xi1>, vector<16xf32>
          %add3A_743 = arith.constant 208 : i32
          %add3A_744 = vector.broadcast %add3A_743 : i32 to vector<16xi32>
          %add3A_745 = arith.addi %iota3A, %add3A_744 : vector<16xi32>
          %select_n3A_746 = arith.select %gt3A_741, %add3A_745, %select_n3A_733 : vector<16xi1>, vector<16xi32>
          %get3A_747 = arith.constant 224 : index
          %get3A_748 = tpu.vector_load %arg10[%get3A_747] {strides = array<i32>} : memref<304xf32, #tpu.memory_space<vmem>>, vector<16xf32>,
          %get3A_749 = vector.shape_cast %get3A_748 : vector<16xf32> to vector<16xf32>
          %get3A_750 = arith.constant 224 : index
          %get3A_751 = tpu.vector_load %arg8[%get3A_750] {strides = array<i32>} : memref<320xf32, #tpu.memory_space<vmem>>, vector<16xf32>,
          %get3A_752 = vector.shape_cast %get3A_751 : vector<16xf32> to vector<16xf32>
          %mul3A_753 = arith.mulf %get3A_749, %get3A_752 : vector<16xf32>
          %gt3A_754 = arith.cmpf ogt, %mul3A_753, %select_n3A_742 : vector<16xf32>
          %select_n3A_755 = arith.select %gt3A_754, %mul3A_753, %select_n3A_742 : vector<16xi1>, vector<16xf32>
          %add3A_756 = arith.constant 224 : i32
          %add3A_757 = vector.broadcast %add3A_756 : i32 to vector<16xi32>
          %add3A_758 = arith.addi %iota3A, %add3A_757 : vector<16xi32>
          %select_n3A_759 = arith.select %gt3A_754, %add3A_758, %select_n3A_746 : vector<16xi1>, vector<16xi32>
          %get3A_760 = arith.constant 240 : index
          %get3A_761 = tpu.vector_load %arg10[%get3A_760] {strides = array<i32>} : memref<304xf32, #tpu.memory_space<vmem>>, vector<16xf32>,
          %get3A_762 = vector.shape_cast %get3A_761 : vector<16xf32> to vector<16xf32>
          %get3A_763 = arith.constant 240 : index
          %get3A_764 = tpu.vector_load %arg8[%get3A_763] {strides = array<i32>} : memref<320xf32, #tpu.memory_space<vmem>>, vector<16xf32>,
          %get3A_765 = vector.shape_cast %get3A_764 : vector<16xf32> to vector<16xf32>
          %mul3A_766 = arith.mulf %get3A_762, %get3A_765 : vector<16xf32>
          %gt3A_767 = arith.cmpf ogt, %mul3A_766, %select_n3A_755 : vector<16xf32>
          %select_n3A_768 = arith.select %gt3A_767, %mul3A_766, %select_n3A_755 : vector<16xi1>, vector<16xf32>
          %add3A_769 = arith.constant 240 : i32
          %add3A_770 = vector.broadcast %add3A_769 : i32 to vector<16xi32>
          %add3A_771 = arith.addi %iota3A, %add3A_770 : vector<16xi32>
          %select_n3A_772 = arith.select %gt3A_767, %add3A_771, %select_n3A_759 : vector<16xi1>, vector<16xi32>
          %get3A_773 = arith.constant 256 : index
          %get3A_774 = tpu.vector_load %arg10[%get3A_773] {strides = array<i32>} : memref<304xf32, #tpu.memory_space<vmem>>, vector<16xf32>,
          %get3A_775 = vector.shape_cast %get3A_774 : vector<16xf32> to vector<16xf32>
          %get3A_776 = arith.constant 256 : index
          %get3A_777 = tpu.vector_load %arg8[%get3A_776] {strides = array<i32>} : memref<320xf32, #tpu.memory_space<vmem>>, vector<16xf32>,
          %get3A_778 = vector.shape_cast %get3A_777 : vector<16xf32> to vector<16xf32>
          %mul3A_779 = arith.mulf %get3A_775, %get3A_778 : vector<16xf32>
          %gt3A_780 = arith.cmpf ogt, %mul3A_779, %select_n3A_768 : vector<16xf32>
          %select_n3A_781 = arith.select %gt3A_780, %mul3A_779, %select_n3A_768 : vector<16xi1>, vector<16xf32>
          %add3A_782 = arith.constant 256 : i32
          %add3A_783 = vector.broadcast %add3A_782 : i32 to vector<16xi32>
          %add3A_784 = arith.addi %iota3A, %add3A_783 : vector<16xi32>
          %select_n3A_785 = arith.select %gt3A_780, %add3A_784, %select_n3A_772 : vector<16xi1>, vector<16xi32>
          %get3A_786 = arith.constant 272 : index
          %get3A_787 = tpu.vector_load %arg10[%get3A_786] {strides = array<i32>} : memref<304xf32, #tpu.memory_space<vmem>>, vector<16xf32>,
          %get3A_788 = vector.shape_cast %get3A_787 : vector<16xf32> to vector<16xf32>
          %get3A_789 = arith.constant 272 : index
          %get3A_790 = tpu.vector_load %arg8[%get3A_789] {strides = array<i32>} : memref<320xf32, #tpu.memory_space<vmem>>, vector<16xf32>,
          %get3A_791 = vector.shape_cast %get3A_790 : vector<16xf32> to vector<16xf32>
          %mul3A_792 = arith.mulf %get3A_788, %get3A_791 : vector<16xf32>
          %gt3A_793 = arith.cmpf ogt, %mul3A_792, %select_n3A_781 : vector<16xf32>
          %select_n3A_794 = arith.select %gt3A_793, %mul3A_792, %select_n3A_781 : vector<16xi1>, vector<16xf32>
          %add3A_795 = arith.constant 272 : i32
          %add3A_796 = vector.broadcast %add3A_795 : i32 to vector<16xi32>
          %add3A_797 = arith.addi %iota3A, %add3A_796 : vector<16xi32>
          %select_n3A_798 = arith.select %gt3A_793, %add3A_797, %select_n3A_785 : vector<16xi1>, vector<16xi32>
          %get3A_799 = arith.constant 288 : index
          %get3A_800 = tpu.vector_load %arg10[%get3A_799] {strides = array<i32>} : memref<304xf32, #tpu.memory_space<vmem>>, vector<16xf32>,
          %get3A_801 = vector.shape_cast %get3A_800 : vector<16xf32> to vector<16xf32>
          %get3A_802 = arith.constant 288 : index
          %get3A_803 = tpu.vector_load %arg8[%get3A_802] {strides = array<i32>} : memref<320xf32, #tpu.memory_space<vmem>>, vector<16xf32>,
          %get3A_804 = vector.shape_cast %get3A_803 : vector<16xf32> to vector<16xf32>
          %mul3A_805 = arith.mulf %get3A_801, %get3A_804 : vector<16xf32>
          %gt3A_806 = arith.cmpf ogt, %mul3A_805, %select_n3A_794 : vector<16xf32>
          %select_n3A_807 = arith.select %gt3A_806, %mul3A_805, %select_n3A_794 : vector<16xi1>, vector<16xf32>
          %add3A_808 = arith.constant 288 : i32
          %add3A_809 = vector.broadcast %add3A_808 : i32 to vector<16xi32>
          %add3A_810 = arith.addi %iota3A, %add3A_809 : vector<16xi32>
          %select_n3A_811 = arith.select %gt3A_806, %add3A_810, %select_n3A_798 : vector<16xi1>, vector<16xi32>
          %slice3A_812 = vector.extract_strided_slice %select_n3A_807 {offsets = [0], sizes = [1], strides = [1]} : vector<16xf32> to vector<1xf32>
          %squeeze3A_813 = vector.extract %slice3A_812[0] : f32 from vector<1xf32>
          %slice3A_814 = vector.extract_strided_slice %select_n3A_807 {offsets = [1], sizes = [1], strides = [1]} : vector<16xf32> to vector<1xf32>
          %squeeze3A_815 = vector.extract %slice3A_814[0] : f32 from vector<1xf32>
          %max3A = arith.maximumf %squeeze3A_813, %squeeze3A_815 : f32
          %slice3A_816 = vector.extract_strided_slice %select_n3A_807 {offsets = [2], sizes = [1], strides = [1]} : vector<16xf32> to vector<1xf32>
          %squeeze3A_817 = vector.extract %slice3A_816[0] : f32 from vector<1xf32>
          %max3A_818 = arith.maximumf %max3A, %squeeze3A_817 : f32
          %slice3A_819 = vector.extract_strided_slice %select_n3A_807 {offsets = [3], sizes = [1], strides = [1]} : vector<16xf32> to vector<1xf32>
          %squeeze3A_820 = vector.extract %slice3A_819[0] : f32 from vector<1xf32>
          %max3A_821 = arith.maximumf %max3A_818, %squeeze3A_820 : f32
          %slice3A_822 = vector.extract_strided_slice %select_n3A_807 {offsets = [4], sizes = [1], strides = [1]} : vector<16xf32> to vector<1xf32>
          %squeeze3A_823 = vector.extract %slice3A_822[0] : f32 from vector<1xf32>
          %max3A_824 = arith.maximumf %max3A_821, %squeeze3A_823 : f32
          %slice3A_825 = vector.extract_strided_slice %select_n3A_807 {offsets = [5], sizes = [1], strides = [1]} : vector<16xf32> to vector<1xf32>
          %squeeze3A_826 = vector.extract %slice3A_825[0] : f32 from vector<1xf32>
          %max3A_827 = arith.maximumf %max3A_824, %squeeze3A_826 : f32
          %slice3A_828 = vector.extract_strided_slice %select_n3A_807 {offsets = [6], sizes = [1], strides = [1]} : vector<16xf32> to vector<1xf32>
          %squeeze3A_829 = vector.extract %slice3A_828[0] : f32 from vector<1xf32>
          %max3A_830 = arith.maximumf %max3A_827, %squeeze3A_829 : f32
          %slice3A_831 = vector.extract_strided_slice %select_n3A_807 {offsets = [7], sizes = [1], strides = [1]} : vector<16xf32> to vector<1xf32>
          %squeeze3A_832 = vector.extract %slice3A_831[0] : f32 from vector<1xf32>
          %max3A_833 = arith.maximumf %max3A_830, %squeeze3A_832 : f32
          %slice3A_834 = vector.extract_strided_slice %select_n3A_807 {offsets = [8], sizes = [1], strides = [1]} : vector<16xf32> to vector<1xf32>
          %squeeze3A_835 = vector.extract %slice3A_834[0] : f32 from vector<1xf32>
          %max3A_836 = arith.maximumf %max3A_833, %squeeze3A_835 : f32
          %slice3A_837 = vector.extract_strided_slice %select_n3A_807 {offsets = [9], sizes = [1], strides = [1]} : vector<16xf32> to vector<1xf32>
          %squeeze3A_838 = vector.extract %slice3A_837[0] : f32 from vector<1xf32>
          %max3A_839 = arith.maximumf %max3A_836, %squeeze3A_838 : f32
          %slice3A_840 = vector.extract_strided_slice %select_n3A_807 {offsets = [10], sizes = [1], strides = [1]} : vector<16xf32> to vector<1xf32>
          %squeeze3A_841 = vector.extract %slice3A_840[0] : f32 from vector<1xf32>
          %max3A_842 = arith.maximumf %max3A_839, %squeeze3A_841 : f32
          %slice3A_843 = vector.extract_strided_slice %select_n3A_807 {offsets = [11], sizes = [1], strides = [1]} : vector<16xf32> to vector<1xf32>
          %squeeze3A_844 = vector.extract %slice3A_843[0] : f32 from vector<1xf32>
          %max3A_845 = arith.maximumf %max3A_842, %squeeze3A_844 : f32
          %slice3A_846 = vector.extract_strided_slice %select_n3A_807 {offsets = [12], sizes = [1], strides = [1]} : vector<16xf32> to vector<1xf32>
          %squeeze3A_847 = vector.extract %slice3A_846[0] : f32 from vector<1xf32>
          %max3A_848 = arith.maximumf %max3A_845, %squeeze3A_847 : f32
          %slice3A_849 = vector.extract_strided_slice %select_n3A_807 {offsets = [13], sizes = [1], strides = [1]} : vector<16xf32> to vector<1xf32>
          %squeeze3A_850 = vector.extract %slice3A_849[0] : f32 from vector<1xf32>
          %max3A_851 = arith.maximumf %max3A_848, %squeeze3A_850 : f32
          %slice3A_852 = vector.extract_strided_slice %select_n3A_807 {offsets = [14], sizes = [1], strides = [1]} : vector<16xf32> to vector<1xf32>
          %squeeze3A_853 = vector.extract %slice3A_852[0] : f32 from vector<1xf32>
          %max3A_854 = arith.maximumf %max3A_851, %squeeze3A_853 : f32
          %slice3A_855 = vector.extract_strided_slice %select_n3A_807 {offsets = [15], sizes = [1], strides = [1]} : vector<16xf32> to vector<1xf32>
          %squeeze3A_856 = vector.extract %slice3A_855[0] : f32 from vector<1xf32>
          %max3A_857 = arith.maximumf %max3A_854, %squeeze3A_856 : f32
          %slice3A_858 = vector.extract_strided_slice %select_n3A_807 {offsets = [0], sizes = [1], strides = [1]} : vector<16xf32> to vector<1xf32>
          %squeeze3A_859 = vector.extract %slice3A_858[0] : f32 from vector<1xf32>
          %eq3A_860 = arith.cmpf oeq, %squeeze3A_859, %max3A_857 : f32
          %slice3A_861 = vector.extract_strided_slice %select_n3A_811 {offsets = [0], sizes = [1], strides = [1]} : vector<16xi32> to vector<1xi32>
          %squeeze3A_862 = vector.extract %slice3A_861[0] : i32 from vector<1xi32>
          %jit3A_863 = arith.constant 1073741824 : i32
          %select_n3A_864 = arith.select %eq3A_860, %squeeze3A_862, %jit3A_863 : i32
          %min3A = arith.constant 1073741824 : i32
          %min3A_865 = arith.minsi %min3A, %select_n3A_864 : i32
          %slice3A_866 = vector.extract_strided_slice %select_n3A_807 {offsets = [1], sizes = [1], strides = [1]} : vector<16xf32> to vector<1xf32>
          %squeeze3A_867 = vector.extract %slice3A_866[0] : f32 from vector<1xf32>
          %eq3A_868 = arith.cmpf oeq, %squeeze3A_867, %max3A_857 : f32
          %slice3A_869 = vector.extract_strided_slice %select_n3A_811 {offsets = [1], sizes = [1], strides = [1]} : vector<16xi32> to vector<1xi32>
          %squeeze3A_870 = vector.extract %slice3A_869[0] : i32 from vector<1xi32>
          %jit3A_871 = arith.constant 1073741824 : i32
          %select_n3A_872 = arith.select %eq3A_868, %squeeze3A_870, %jit3A_871 : i32
          %min3A_873 = arith.minsi %min3A_865, %select_n3A_872 : i32
          %slice3A_874 = vector.extract_strided_slice %select_n3A_807 {offsets = [2], sizes = [1], strides = [1]} : vector<16xf32> to vector<1xf32>
          %squeeze3A_875 = vector.extract %slice3A_874[0] : f32 from vector<1xf32>
          %eq3A_876 = arith.cmpf oeq, %squeeze3A_875, %max3A_857 : f32
          %slice3A_877 = vector.extract_strided_slice %select_n3A_811 {offsets = [2], sizes = [1], strides = [1]} : vector<16xi32> to vector<1xi32>
          %squeeze3A_878 = vector.extract %slice3A_877[0] : i32 from vector<1xi32>
          %jit3A_879 = arith.constant 1073741824 : i32
          %select_n3A_880 = arith.select %eq3A_876, %squeeze3A_878, %jit3A_879 : i32
          %min3A_881 = arith.minsi %min3A_873, %select_n3A_880 : i32
          %slice3A_882 = vector.extract_strided_slice %select_n3A_807 {offsets = [3], sizes = [1], strides = [1]} : vector<16xf32> to vector<1xf32>
          %squeeze3A_883 = vector.extract %slice3A_882[0] : f32 from vector<1xf32>
          %eq3A_884 = arith.cmpf oeq, %squeeze3A_883, %max3A_857 : f32
          %slice3A_885 = vector.extract_strided_slice %select_n3A_811 {offsets = [3], sizes = [1], strides = [1]} : vector<16xi32> to vector<1xi32>
          %squeeze3A_886 = vector.extract %slice3A_885[0] : i32 from vector<1xi32>
          %jit3A_887 = arith.constant 1073741824 : i32
          %select_n3A_888 = arith.select %eq3A_884, %squeeze3A_886, %jit3A_887 : i32
          %min3A_889 = arith.minsi %min3A_881, %select_n3A_888 : i32
          %slice3A_890 = vector.extract_strided_slice %select_n3A_807 {offsets = [4], sizes = [1], strides = [1]} : vector<16xf32> to vector<1xf32>
          %squeeze3A_891 = vector.extract %slice3A_890[0] : f32 from vector<1xf32>
          %eq3A_892 = arith.cmpf oeq, %squeeze3A_891, %max3A_857 : f32
          %slice3A_893 = vector.extract_strided_slice %select_n3A_811 {offsets = [4], sizes = [1], strides = [1]} : vector<16xi32> to vector<1xi32>
          %squeeze3A_894 = vector.extract %slice3A_893[0] : i32 from vector<1xi32>
          %jit3A_895 = arith.constant 1073741824 : i32
          %select_n3A_896 = arith.select %eq3A_892, %squeeze3A_894, %jit3A_895 : i32
          %min3A_897 = arith.minsi %min3A_889, %select_n3A_896 : i32
          %slice3A_898 = vector.extract_strided_slice %select_n3A_807 {offsets = [5], sizes = [1], strides = [1]} : vector<16xf32> to vector<1xf32>
          %squeeze3A_899 = vector.extract %slice3A_898[0] : f32 from vector<1xf32>
          %eq3A_900 = arith.cmpf oeq, %squeeze3A_899, %max3A_857 : f32
          %slice3A_901 = vector.extract_strided_slice %select_n3A_811 {offsets = [5], sizes = [1], strides = [1]} : vector<16xi32> to vector<1xi32>
          %squeeze3A_902 = vector.extract %slice3A_901[0] : i32 from vector<1xi32>
          %jit3A_903 = arith.constant 1073741824 : i32
          %select_n3A_904 = arith.select %eq3A_900, %squeeze3A_902, %jit3A_903 : i32
          %min3A_905 = arith.minsi %min3A_897, %select_n3A_904 : i32
          %slice3A_906 = vector.extract_strided_slice %select_n3A_807 {offsets = [6], sizes = [1], strides = [1]} : vector<16xf32> to vector<1xf32>
          %squeeze3A_907 = vector.extract %slice3A_906[0] : f32 from vector<1xf32>
          %eq3A_908 = arith.cmpf oeq, %squeeze3A_907, %max3A_857 : f32
          %slice3A_909 = vector.extract_strided_slice %select_n3A_811 {offsets = [6], sizes = [1], strides = [1]} : vector<16xi32> to vector<1xi32>
          %squeeze3A_910 = vector.extract %slice3A_909[0] : i32 from vector<1xi32>
          %jit3A_911 = arith.constant 1073741824 : i32
          %select_n3A_912 = arith.select %eq3A_908, %squeeze3A_910, %jit3A_911 : i32
          %min3A_913 = arith.minsi %min3A_905, %select_n3A_912 : i32
          %slice3A_914 = vector.extract_strided_slice %select_n3A_807 {offsets = [7], sizes = [1], strides = [1]} : vector<16xf32> to vector<1xf32>
          %squeeze3A_915 = vector.extract %slice3A_914[0] : f32 from vector<1xf32>
          %eq3A_916 = arith.cmpf oeq, %squeeze3A_915, %max3A_857 : f32
          %slice3A_917 = vector.extract_strided_slice %select_n3A_811 {offsets = [7], sizes = [1], strides = [1]} : vector<16xi32> to vector<1xi32>
          %squeeze3A_918 = vector.extract %slice3A_917[0] : i32 from vector<1xi32>
          %jit3A_919 = arith.constant 1073741824 : i32
          %select_n3A_920 = arith.select %eq3A_916, %squeeze3A_918, %jit3A_919 : i32
          %min3A_921 = arith.minsi %min3A_913, %select_n3A_920 : i32
          %slice3A_922 = vector.extract_strided_slice %select_n3A_807 {offsets = [8], sizes = [1], strides = [1]} : vector<16xf32> to vector<1xf32>
          %squeeze3A_923 = vector.extract %slice3A_922[0] : f32 from vector<1xf32>
          %eq3A_924 = arith.cmpf oeq, %squeeze3A_923, %max3A_857 : f32
          %slice3A_925 = vector.extract_strided_slice %select_n3A_811 {offsets = [8], sizes = [1], strides = [1]} : vector<16xi32> to vector<1xi32>
          %squeeze3A_926 = vector.extract %slice3A_925[0] : i32 from vector<1xi32>
          %jit3A_927 = arith.constant 1073741824 : i32
          %select_n3A_928 = arith.select %eq3A_924, %squeeze3A_926, %jit3A_927 : i32
          %min3A_929 = arith.minsi %min3A_921, %select_n3A_928 : i32
          %slice3A_930 = vector.extract_strided_slice %select_n3A_807 {offsets = [9], sizes = [1], strides = [1]} : vector<16xf32> to vector<1xf32>
          %squeeze3A_931 = vector.extract %slice3A_930[0] : f32 from vector<1xf32>
          %eq3A_932 = arith.cmpf oeq, %squeeze3A_931, %max3A_857 : f32
          %slice3A_933 = vector.extract_strided_slice %select_n3A_811 {offsets = [9], sizes = [1], strides = [1]} : vector<16xi32> to vector<1xi32>
          %squeeze3A_934 = vector.extract %slice3A_933[0] : i32 from vector<1xi32>
          %jit3A_935 = arith.constant 1073741824 : i32
          %select_n3A_936 = arith.select %eq3A_932, %squeeze3A_934, %jit3A_935 : i32
          %min3A_937 = arith.minsi %min3A_929, %select_n3A_936 : i32
          %slice3A_938 = vector.extract_strided_slice %select_n3A_807 {offsets = [10], sizes = [1], strides = [1]} : vector<16xf32> to vector<1xf32>
          %squeeze3A_939 = vector.extract %slice3A_938[0] : f32 from vector<1xf32>
          %eq3A_940 = arith.cmpf oeq, %squeeze3A_939, %max3A_857 : f32
          %slice3A_941 = vector.extract_strided_slice %select_n3A_811 {offsets = [10], sizes = [1], strides = [1]} : vector<16xi32> to vector<1xi32>
          %squeeze3A_942 = vector.extract %slice3A_941[0] : i32 from vector<1xi32>
          %jit3A_943 = arith.constant 1073741824 : i32
          %select_n3A_944 = arith.select %eq3A_940, %squeeze3A_942, %jit3A_943 : i32
          %min3A_945 = arith.minsi %min3A_937, %select_n3A_944 : i32
          %slice3A_946 = vector.extract_strided_slice %select_n3A_807 {offsets = [11], sizes = [1], strides = [1]} : vector<16xf32> to vector<1xf32>
          %squeeze3A_947 = vector.extract %slice3A_946[0] : f32 from vector<1xf32>
          %eq3A_948 = arith.cmpf oeq, %squeeze3A_947, %max3A_857 : f32
          %slice3A_949 = vector.extract_strided_slice %select_n3A_811 {offsets = [11], sizes = [1], strides = [1]} : vector<16xi32> to vector<1xi32>
          %squeeze3A_950 = vector.extract %slice3A_949[0] : i32 from vector<1xi32>
          %jit3A_951 = arith.constant 1073741824 : i32
          %select_n3A_952 = arith.select %eq3A_948, %squeeze3A_950, %jit3A_951 : i32
          %min3A_953 = arith.minsi %min3A_945, %select_n3A_952 : i32
          %slice3A_954 = vector.extract_strided_slice %select_n3A_807 {offsets = [12], sizes = [1], strides = [1]} : vector<16xf32> to vector<1xf32>
          %squeeze3A_955 = vector.extract %slice3A_954[0] : f32 from vector<1xf32>
          %eq3A_956 = arith.cmpf oeq, %squeeze3A_955, %max3A_857 : f32
          %slice3A_957 = vector.extract_strided_slice %select_n3A_811 {offsets = [12], sizes = [1], strides = [1]} : vector<16xi32> to vector<1xi32>
          %squeeze3A_958 = vector.extract %slice3A_957[0] : i32 from vector<1xi32>
          %jit3A_959 = arith.constant 1073741824 : i32
          %select_n3A_960 = arith.select %eq3A_956, %squeeze3A_958, %jit3A_959 : i32
          %min3A_961 = arith.minsi %min3A_953, %select_n3A_960 : i32
          %slice3A_962 = vector.extract_strided_slice %select_n3A_807 {offsets = [13], sizes = [1], strides = [1]} : vector<16xf32> to vector<1xf32>
          %squeeze3A_963 = vector.extract %slice3A_962[0] : f32 from vector<1xf32>
          %eq3A_964 = arith.cmpf oeq, %squeeze3A_963, %max3A_857 : f32
          %slice3A_965 = vector.extract_strided_slice %select_n3A_811 {offsets = [13], sizes = [1], strides = [1]} : vector<16xi32> to vector<1xi32>
          %squeeze3A_966 = vector.extract %slice3A_965[0] : i32 from vector<1xi32>
          %jit3A_967 = arith.constant 1073741824 : i32
          %select_n3A_968 = arith.select %eq3A_964, %squeeze3A_966, %jit3A_967 : i32
          %min3A_969 = arith.minsi %min3A_961, %select_n3A_968 : i32
          %slice3A_970 = vector.extract_strided_slice %select_n3A_807 {offsets = [14], sizes = [1], strides = [1]} : vector<16xf32> to vector<1xf32>
          %squeeze3A_971 = vector.extract %slice3A_970[0] : f32 from vector<1xf32>
          %eq3A_972 = arith.cmpf oeq, %squeeze3A_971, %max3A_857 : f32
          %slice3A_973 = vector.extract_strided_slice %select_n3A_811 {offsets = [14], sizes = [1], strides = [1]} : vector<16xi32> to vector<1xi32>
          %squeeze3A_974 = vector.extract %slice3A_973[0] : i32 from vector<1xi32>
          %jit3A_975 = arith.constant 1073741824 : i32
          %select_n3A_976 = arith.select %eq3A_972, %squeeze3A_974, %jit3A_975 : i32
          %min3A_977 = arith.minsi %min3A_969, %select_n3A_976 : i32
          %slice3A_978 = vector.extract_strided_slice %select_n3A_807 {offsets = [15], sizes = [1], strides = [1]} : vector<16xf32> to vector<1xf32>
          %squeeze3A_979 = vector.extract %slice3A_978[0] : f32 from vector<1xf32>
          %eq3A_980 = arith.cmpf oeq, %squeeze3A_979, %max3A_857 : f32
          %slice3A_981 = vector.extract_strided_slice %select_n3A_811 {offsets = [15], sizes = [1], strides = [1]} : vector<16xi32> to vector<1xi32>
          %squeeze3A_982 = vector.extract %slice3A_981[0] : i32 from vector<1xi32>
          %jit3A_983 = arith.constant 1073741824 : i32
          %select_n3A_984 = arith.select %eq3A_980, %squeeze3A_982, %jit3A_983 : i32
          %min3A_985 = arith.minsi %min3A_977, %select_n3A_984 : i32
          %gt3A_986 = arith.constant 2.000000e-01 : f32
          %gt3A_987 = arith.cmpf ogt, %max3A_857, %gt3A_986 : f32
          %jit3A_988 = arith.constant -1 : i32
          %select_n3A_989 = arith.select %gt3A_987, %min3A_985, %jit3A_988 : i32
          scf.yield %select_n3A_989 : i32
        } else {
          scf.yield %select_n3A_506 : i32
        }
        %eq3A_513 = arith.constant 3 : i32
        %eq3A_514 = vector.broadcast %eq3A_513 : i32 to vector<16xi32>
        %eq3A_515 = arith.cmpi eq, %iota3A, %eq3A_514 : vector<16xi32>
        %broadcast_in_dim3A_516 = vector.broadcast %cond3A_512 : i32 to vector<16xi32>
        %select_n3A_517 = arith.select %eq3A_515, %broadcast_in_dim3A_516, %select_n3A_445 : vector<16xi1>, vector<16xi32>
        %mul3A_518 = arith.constant 4 : i32
        %mul3A_519 = arith.muli %scan3A_127, %mul3A_518 : i32
        %swap3A_520 = arith.index_cast %mul3A_519 : i32 to index
        %swap3A_521 = tpu.vector_load %arg9[%swap3A_520] {strides = array<i32>} : memref<1024xi32, #tpu.memory_space<vmem>>, vector<16xi32>,
        %swap3A_522 = vector.shape_cast %swap3A_521 : vector<16xi32> to vector<16xi32>
        %swap3A_523 = vector.shape_cast %select_n3A_517 : vector<16xi32> to vector<16xi32>
        tpu.vector_store %arg9[%swap3A_520], %swap3A_523 {strides = array<i32>} : memref<1024xi32, #tpu.memory_space<vmem>>, vector<16xi32>,
        %ge3A = arith.constant 0 : i32
        %ge3A_524 = arith.cmpi sge, %cond3A_321, %ge3A : i32
        %convert_element_type3A_525 = arith.extui %ge3A_524 : i1 to i32
        %cond3A_526 = arith.constant 0 : i32
        %cond3A_527 = arith.cmpi ne, %convert_element_type3A_525, %cond3A_526 : i32
        scf.if %cond3A_527 {
          %get3A_543 = arith.index_cast %cond3A_321 : i32 to index
          %get3A_544 = tpu.vector_load %arg8[%get3A_543] {strides = array<i32>} : memref<320xf32, #tpu.memory_space<vmem>>, vector<16xf32>,
          %get3A_545 = vector.shape_cast %get3A_544 : vector<16xf32> to vector<16xf32>
          %eq3A_546 = arith.constant 0 : i32
          %eq3A_547 = vector.broadcast %eq3A_546 : i32 to vector<16xi32>
          %eq3A_548 = arith.cmpi eq, %iota3A, %eq3A_547 : vector<16xi32>
          %jit3A_549 = arith.constant 0.000000e+00 : f32
          %broadcast_in_dim3A_550 = vector.broadcast %jit3A_549 : f32 to vector<16xf32>
          %select_n3A_551 = arith.select %eq3A_548, %broadcast_in_dim3A_550, %get3A_545 : vector<16xi1>, vector<16xf32>
          %swap3A_552 = arith.index_cast %cond3A_321 : i32 to index
          %swap3A_553 = tpu.vector_load %arg8[%swap3A_552] {strides = array<i32>} : memref<320xf32, #tpu.memory_space<vmem>>, vector<16xf32>,
          %swap3A_554 = vector.shape_cast %swap3A_553 : vector<16xf32> to vector<16xf32>
          %swap3A_555 = vector.shape_cast %select_n3A_551 : vector<16xf32> to vector<16xf32>
          tpu.vector_store %arg8[%swap3A_552], %swap3A_555 {strides = array<i32>} : memref<320xf32, #tpu.memory_space<vmem>>, vector<16xf32>,
        } else {
        }
        %ge3A_528 = arith.constant 0 : i32
        %ge3A_529 = arith.cmpi sge, %cond3A_376, %ge3A_528 : i32
        %convert_element_type3A_530 = arith.extui %ge3A_529 : i1 to i32
        %cond3A_531 = arith.constant 0 : i32
        %cond3A_532 = arith.cmpi ne, %convert_element_type3A_530, %cond3A_531 : i32
        scf.if %cond3A_532 {
          %get3A_543 = arith.index_cast %cond3A_376 : i32 to index
          %get3A_544 = tpu.vector_load %arg8[%get3A_543] {strides = array<i32>} : memref<320xf32, #tpu.memory_space<vmem>>, vector<16xf32>,
          %get3A_545 = vector.shape_cast %get3A_544 : vector<16xf32> to vector<16xf32>
          %eq3A_546 = arith.constant 0 : i32
          %eq3A_547 = vector.broadcast %eq3A_546 : i32 to vector<16xi32>
          %eq3A_548 = arith.cmpi eq, %iota3A, %eq3A_547 : vector<16xi32>
          %jit3A_549 = arith.constant 0.000000e+00 : f32
          %broadcast_in_dim3A_550 = vector.broadcast %jit3A_549 : f32 to vector<16xf32>
          %select_n3A_551 = arith.select %eq3A_548, %broadcast_in_dim3A_550, %get3A_545 : vector<16xi1>, vector<16xf32>
          %swap3A_552 = arith.index_cast %cond3A_376 : i32 to index
          %swap3A_553 = tpu.vector_load %arg8[%swap3A_552] {strides = array<i32>} : memref<320xf32, #tpu.memory_space<vmem>>, vector<16xf32>,
          %swap3A_554 = vector.shape_cast %swap3A_553 : vector<16xf32> to vector<16xf32>
          %swap3A_555 = vector.shape_cast %select_n3A_551 : vector<16xf32> to vector<16xf32>
          tpu.vector_store %arg8[%swap3A_552], %swap3A_555 {strides = array<i32>} : memref<320xf32, #tpu.memory_space<vmem>>, vector<16xf32>,
        } else {
        }
        %ge3A_533 = arith.constant 0 : i32
        %ge3A_534 = arith.cmpi sge, %cond3A_440, %ge3A_533 : i32
        %convert_element_type3A_535 = arith.extui %ge3A_534 : i1 to i32
        %cond3A_536 = arith.constant 0 : i32
        %cond3A_537 = arith.cmpi ne, %convert_element_type3A_535, %cond3A_536 : i32
        scf.if %cond3A_537 {
          %get3A_543 = arith.index_cast %cond3A_440 : i32 to index
          %get3A_544 = tpu.vector_load %arg8[%get3A_543] {strides = array<i32>} : memref<320xf32, #tpu.memory_space<vmem>>, vector<16xf32>,
          %get3A_545 = vector.shape_cast %get3A_544 : vector<16xf32> to vector<16xf32>
          %eq3A_546 = arith.constant 0 : i32
          %eq3A_547 = vector.broadcast %eq3A_546 : i32 to vector<16xi32>
          %eq3A_548 = arith.cmpi eq, %iota3A, %eq3A_547 : vector<16xi32>
          %jit3A_549 = arith.constant 0.000000e+00 : f32
          %broadcast_in_dim3A_550 = vector.broadcast %jit3A_549 : f32 to vector<16xf32>
          %select_n3A_551 = arith.select %eq3A_548, %broadcast_in_dim3A_550, %get3A_545 : vector<16xi1>, vector<16xf32>
          %swap3A_552 = arith.index_cast %cond3A_440 : i32 to index
          %swap3A_553 = tpu.vector_load %arg8[%swap3A_552] {strides = array<i32>} : memref<320xf32, #tpu.memory_space<vmem>>, vector<16xf32>,
          %swap3A_554 = vector.shape_cast %swap3A_553 : vector<16xf32> to vector<16xf32>
          %swap3A_555 = vector.shape_cast %select_n3A_551 : vector<16xf32> to vector<16xf32>
          tpu.vector_store %arg8[%swap3A_552], %swap3A_555 {strides = array<i32>} : memref<320xf32, #tpu.memory_space<vmem>>, vector<16xf32>,
        } else {
        }
        %ge3A_538 = arith.constant 0 : i32
        %ge3A_539 = arith.cmpi sge, %cond3A_512, %ge3A_538 : i32
        %convert_element_type3A_540 = arith.extui %ge3A_539 : i1 to i32
        %cond3A_541 = arith.constant 0 : i32
        %cond3A_542 = arith.cmpi ne, %convert_element_type3A_540, %cond3A_541 : i32
        scf.if %cond3A_542 {
          %get3A_543 = arith.index_cast %cond3A_512 : i32 to index
          %get3A_544 = tpu.vector_load %arg8[%get3A_543] {strides = array<i32>} : memref<320xf32, #tpu.memory_space<vmem>>, vector<16xf32>,
          %get3A_545 = vector.shape_cast %get3A_544 : vector<16xf32> to vector<16xf32>
          %eq3A_546 = arith.constant 0 : i32
          %eq3A_547 = vector.broadcast %eq3A_546 : i32 to vector<16xi32>
          %eq3A_548 = arith.cmpi eq, %iota3A, %eq3A_547 : vector<16xi32>
          %jit3A_549 = arith.constant 0.000000e+00 : f32
          %broadcast_in_dim3A_550 = vector.broadcast %jit3A_549 : f32 to vector<16xf32>
          %select_n3A_551 = arith.select %eq3A_548, %broadcast_in_dim3A_550, %get3A_545 : vector<16xi1>, vector<16xf32>
          %swap3A_552 = arith.index_cast %cond3A_512 : i32 to index
          %swap3A_553 = tpu.vector_load %arg8[%swap3A_552] {strides = array<i32>} : memref<320xf32, #tpu.memory_space<vmem>>, vector<16xf32>,
          %swap3A_554 = vector.shape_cast %swap3A_553 : vector<16xf32> to vector<16xf32>
          %swap3A_555 = vector.shape_cast %select_n3A_551 : vector<16xf32> to vector<16xf32>
          tpu.vector_store %arg8[%swap3A_552], %swap3A_555 {strides = array<i32>} : memref<320xf32, #tpu.memory_space<vmem>>, vector<16xf32>,
        } else {
        }
      }
      %scan3A_126 = arith.constant 250 : i32
      "tpu.region"() ({
        %run_scoped3A = tpu.sem_alloc : memref<!tpu.dma_semaphore, #tpu.memory_space<semaphore_mem>>
        tpu.enqueue_dma source(%arg9 : memref<1024xi32, #tpu.memory_space<vmem>>) target(%arg5 : memref<1024xi32, #tpu.memory_space<hbm>>) target_semaphore(%run_scoped3A : memref<!tpu.dma_semaphore, #tpu.memory_space<semaphore_mem>>)
        tpu.wait_dma2 semaphore(%run_scoped3A : memref<!tpu.dma_semaphore, #tpu.memory_space<semaphore_mem>>) src(%arg9 : memref<1024xi32, #tpu.memory_space<vmem>>) dst(%arg5 : memref<1024xi32, #tpu.memory_space<hbm>>)
        tpu.yield
      }) : () -> ()
    } else {
    }
    return
  }
}

module attributes {stable_mosaic.version = 14 : i64} {
  func.func @_sim_body(%arg0: memref<300x256xf32, #tpu.memory_space<vmem>>, %arg1: memref<1000x300x256xf32, #tpu.memory_space<any>>, %arg2: memref<1000x300xf32, #tpu.memory_space<vmem>>, %arg3: memref<6x8x300x256xf32, #tpu.memory_space<vmem>>, %arg4: memref<6x4x!tpu.dma_semaphore, #tpu.memory_space<semaphore_mem>>) attributes {dimension_semantics = [], scalar_prefetch = 0 : i64, scratch_operands = 2 : i64, tpu.core_type = #tpu.core_type<tc>} {
    %dma_start3A = arith.constant 0 : i32
    %dma_start3A_0 = arith.constant 0 : i32
    %dma_start3A_1 = arith.constant 0 : i32
    %dma_start3A_2 = tpu.memref_slice %arg4[%dma_start3A_0, %dma_start3A_1] : memref<6x4x!tpu.dma_semaphore, #tpu.memory_space<semaphore_mem>> -> memref<1x1x!tpu.dma_semaphore, #tpu.memory_space<semaphore_mem>>
    %dma_start3A_3 = tpu.memref_squeeze %dma_start3A_2 : memref<1x1x!tpu.dma_semaphore, #tpu.memory_space<semaphore_mem>> -> memref<!tpu.dma_semaphore, #tpu.memory_space<semaphore_mem>>
    %dma_start3A_4 = arith.constant 0 : i32
    %dma_start3A_5 = arith.constant 0 : i32
    %dma_start3A_6 = arith.constant 0 : i32
    %dma_start3A_7 = tpu.memref_slice %arg3[%dma_start3A, %dma_start3A_4, %dma_start3A_5, %dma_start3A_6] : memref<6x8x300x256xf32, #tpu.memory_space<vmem>> -> memref<1x2x300x256xf32, #tpu.memory_space<vmem>>
    %dma_start3A_8 = tpu.memref_squeeze %dma_start3A_7 : memref<1x2x300x256xf32, #tpu.memory_space<vmem>> -> memref<2x300x256xf32, #tpu.memory_space<vmem>>
    %dma_start3A_9 = arith.constant 0 : i32
    %dma_start3A_10 = arith.constant 0 : i32
    %dma_start3A_11 = arith.constant 0 : i32
    %dma_start3A_12 = tpu.memref_slice %arg1[%dma_start3A_9, %dma_start3A_10, %dma_start3A_11] : memref<1000x300x256xf32, #tpu.memory_space<any>> -> memref<2x300x256xf32, #tpu.memory_space<any>>
    tpu.enqueue_dma source(%dma_start3A_12 : memref<2x300x256xf32, #tpu.memory_space<any>>) target(%dma_start3A_8 : memref<2x300x256xf32, #tpu.memory_space<vmem>>) target_semaphore(%dma_start3A_3 : memref<!tpu.dma_semaphore, #tpu.memory_space<semaphore_mem>>)
    %dma_start3A_13 = arith.constant 0 : i32
    %dma_start3A_14 = arith.constant 0 : i32
    %dma_start3A_15 = arith.constant 1 : i32
    %dma_start3A_16 = tpu.memref_slice %arg4[%dma_start3A_14, %dma_start3A_15] : memref<6x4x!tpu.dma_semaphore, #tpu.memory_space<semaphore_mem>> -> memref<1x1x!tpu.dma_semaphore, #tpu.memory_space<semaphore_mem>>
    %dma_start3A_17 = tpu.memref_squeeze %dma_start3A_16 : memref<1x1x!tpu.dma_semaphore, #tpu.memory_space<semaphore_mem>> -> memref<!tpu.dma_semaphore, #tpu.memory_space<semaphore_mem>>
    %dma_start3A_18 = arith.constant 2 : i32
    %dma_start3A_19 = arith.constant 0 : i32
    %dma_start3A_20 = arith.constant 0 : i32
    %dma_start3A_21 = tpu.memref_slice %arg3[%dma_start3A_13, %dma_start3A_18, %dma_start3A_19, %dma_start3A_20] : memref<6x8x300x256xf32, #tpu.memory_space<vmem>> -> memref<1x2x300x256xf32, #tpu.memory_space<vmem>>
    %dma_start3A_22 = tpu.memref_squeeze %dma_start3A_21 : memref<1x2x300x256xf32, #tpu.memory_space<vmem>> -> memref<2x300x256xf32, #tpu.memory_space<vmem>>
    %dma_start3A_23 = arith.constant 2 : i32
    %dma_start3A_24 = arith.constant 0 : i32
    %dma_start3A_25 = arith.constant 0 : i32
    %dma_start3A_26 = tpu.memref_slice %arg1[%dma_start3A_23, %dma_start3A_24, %dma_start3A_25] : memref<1000x300x256xf32, #tpu.memory_space<any>> -> memref<2x300x256xf32, #tpu.memory_space<any>>
    tpu.enqueue_dma source(%dma_start3A_26 : memref<2x300x256xf32, #tpu.memory_space<any>>) target(%dma_start3A_22 : memref<2x300x256xf32, #tpu.memory_space<vmem>>) target_semaphore(%dma_start3A_17 : memref<!tpu.dma_semaphore, #tpu.memory_space<semaphore_mem>>)
    %dma_start3A_27 = arith.constant 0 : i32
    %dma_start3A_28 = arith.constant 0 : i32
    %dma_start3A_29 = arith.constant 2 : i32
    %dma_start3A_30 = tpu.memref_slice %arg4[%dma_start3A_28, %dma_start3A_29] : memref<6x4x!tpu.dma_semaphore, #tpu.memory_space<semaphore_mem>> -> memref<1x1x!tpu.dma_semaphore, #tpu.memory_space<semaphore_mem>>
    %dma_start3A_31 = tpu.memref_squeeze %dma_start3A_30 : memref<1x1x!tpu.dma_semaphore, #tpu.memory_space<semaphore_mem>> -> memref<!tpu.dma_semaphore, #tpu.memory_space<semaphore_mem>>
    %dma_start3A_32 = arith.constant 4 : i32
    %dma_start3A_33 = arith.constant 0 : i32
    %dma_start3A_34 = arith.constant 0 : i32
    %dma_start3A_35 = tpu.memref_slice %arg3[%dma_start3A_27, %dma_start3A_32, %dma_start3A_33, %dma_start3A_34] : memref<6x8x300x256xf32, #tpu.memory_space<vmem>> -> memref<1x2x300x256xf32, #tpu.memory_space<vmem>>
    %dma_start3A_36 = tpu.memref_squeeze %dma_start3A_35 : memref<1x2x300x256xf32, #tpu.memory_space<vmem>> -> memref<2x300x256xf32, #tpu.memory_space<vmem>>
    %dma_start3A_37 = arith.constant 4 : i32
    %dma_start3A_38 = arith.constant 0 : i32
    %dma_start3A_39 = arith.constant 0 : i32
    %dma_start3A_40 = tpu.memref_slice %arg1[%dma_start3A_37, %dma_start3A_38, %dma_start3A_39] : memref<1000x300x256xf32, #tpu.memory_space<any>> -> memref<2x300x256xf32, #tpu.memory_space<any>>
    tpu.enqueue_dma source(%dma_start3A_40 : memref<2x300x256xf32, #tpu.memory_space<any>>) target(%dma_start3A_36 : memref<2x300x256xf32, #tpu.memory_space<vmem>>) target_semaphore(%dma_start3A_31 : memref<!tpu.dma_semaphore, #tpu.memory_space<semaphore_mem>>)
    %dma_start3A_41 = arith.constant 0 : i32
    %dma_start3A_42 = arith.constant 0 : i32
    %dma_start3A_43 = arith.constant 3 : i32
    %dma_start3A_44 = tpu.memref_slice %arg4[%dma_start3A_42, %dma_start3A_43] : memref<6x4x!tpu.dma_semaphore, #tpu.memory_space<semaphore_mem>> -> memref<1x1x!tpu.dma_semaphore, #tpu.memory_space<semaphore_mem>>
    %dma_start3A_45 = tpu.memref_squeeze %dma_start3A_44 : memref<1x1x!tpu.dma_semaphore, #tpu.memory_space<semaphore_mem>> -> memref<!tpu.dma_semaphore, #tpu.memory_space<semaphore_mem>>
    %dma_start3A_46 = arith.constant 6 : i32
    %dma_start3A_47 = arith.constant 0 : i32
    %dma_start3A_48 = arith.constant 0 : i32
    %dma_start3A_49 = tpu.memref_slice %arg3[%dma_start3A_41, %dma_start3A_46, %dma_start3A_47, %dma_start3A_48] : memref<6x8x300x256xf32, #tpu.memory_space<vmem>> -> memref<1x2x300x256xf32, #tpu.memory_space<vmem>>
    %dma_start3A_50 = tpu.memref_squeeze %dma_start3A_49 : memref<1x2x300x256xf32, #tpu.memory_space<vmem>> -> memref<2x300x256xf32, #tpu.memory_space<vmem>>
    %dma_start3A_51 = arith.constant 6 : i32
    %dma_start3A_52 = arith.constant 0 : i32
    %dma_start3A_53 = arith.constant 0 : i32
    %dma_start3A_54 = tpu.memref_slice %arg1[%dma_start3A_51, %dma_start3A_52, %dma_start3A_53] : memref<1000x300x256xf32, #tpu.memory_space<any>> -> memref<2x300x256xf32, #tpu.memory_space<any>>
    tpu.enqueue_dma source(%dma_start3A_54 : memref<2x300x256xf32, #tpu.memory_space<any>>) target(%dma_start3A_50 : memref<2x300x256xf32, #tpu.memory_space<vmem>>) target_semaphore(%dma_start3A_45 : memref<!tpu.dma_semaphore, #tpu.memory_space<semaphore_mem>>)
    %dma_start3A_55 = arith.constant 1 : i32
    %dma_start3A_56 = arith.constant 1 : i32
    %dma_start3A_57 = arith.constant 0 : i32
    %dma_start3A_58 = tpu.memref_slice %arg4[%dma_start3A_56, %dma_start3A_57] : memref<6x4x!tpu.dma_semaphore, #tpu.memory_space<semaphore_mem>> -> memref<1x1x!tpu.dma_semaphore, #tpu.memory_space<semaphore_mem>>
    %dma_start3A_59 = tpu.memref_squeeze %dma_start3A_58 : memref<1x1x!tpu.dma_semaphore, #tpu.memory_space<semaphore_mem>> -> memref<!tpu.dma_semaphore, #tpu.memory_space<semaphore_mem>>
    %dma_start3A_60 = arith.constant 0 : i32
    %dma_start3A_61 = arith.constant 0 : i32
    %dma_start3A_62 = arith.constant 0 : i32
    %dma_start3A_63 = tpu.memref_slice %arg3[%dma_start3A_55, %dma_start3A_60, %dma_start3A_61, %dma_start3A_62] : memref<6x8x300x256xf32, #tpu.memory_space<vmem>> -> memref<1x2x300x256xf32, #tpu.memory_space<vmem>>
    %dma_start3A_64 = tpu.memref_squeeze %dma_start3A_63 : memref<1x2x300x256xf32, #tpu.memory_space<vmem>> -> memref<2x300x256xf32, #tpu.memory_space<vmem>>
    %dma_start3A_65 = arith.constant 8 : i32
    %dma_start3A_66 = arith.constant 0 : i32
    %dma_start3A_67 = arith.constant 0 : i32
    %dma_start3A_68 = tpu.memref_slice %arg1[%dma_start3A_65, %dma_start3A_66, %dma_start3A_67] : memref<1000x300x256xf32, #tpu.memory_space<any>> -> memref<2x300x256xf32, #tpu.memory_space<any>>
    tpu.enqueue_dma source(%dma_start3A_68 : memref<2x300x256xf32, #tpu.memory_space<any>>) target(%dma_start3A_64 : memref<2x300x256xf32, #tpu.memory_space<vmem>>) target_semaphore(%dma_start3A_59 : memref<!tpu.dma_semaphore, #tpu.memory_space<semaphore_mem>>)
    %dma_start3A_69 = arith.constant 1 : i32
    %dma_start3A_70 = arith.constant 1 : i32
    %dma_start3A_71 = arith.constant 1 : i32
    %dma_start3A_72 = tpu.memref_slice %arg4[%dma_start3A_70, %dma_start3A_71] : memref<6x4x!tpu.dma_semaphore, #tpu.memory_space<semaphore_mem>> -> memref<1x1x!tpu.dma_semaphore, #tpu.memory_space<semaphore_mem>>
    %dma_start3A_73 = tpu.memref_squeeze %dma_start3A_72 : memref<1x1x!tpu.dma_semaphore, #tpu.memory_space<semaphore_mem>> -> memref<!tpu.dma_semaphore, #tpu.memory_space<semaphore_mem>>
    %dma_start3A_74 = arith.constant 2 : i32
    %dma_start3A_75 = arith.constant 0 : i32
    %dma_start3A_76 = arith.constant 0 : i32
    %dma_start3A_77 = tpu.memref_slice %arg3[%dma_start3A_69, %dma_start3A_74, %dma_start3A_75, %dma_start3A_76] : memref<6x8x300x256xf32, #tpu.memory_space<vmem>> -> memref<1x2x300x256xf32, #tpu.memory_space<vmem>>
    %dma_start3A_78 = tpu.memref_squeeze %dma_start3A_77 : memref<1x2x300x256xf32, #tpu.memory_space<vmem>> -> memref<2x300x256xf32, #tpu.memory_space<vmem>>
    %dma_start3A_79 = arith.constant 10 : i32
    %dma_start3A_80 = arith.constant 0 : i32
    %dma_start3A_81 = arith.constant 0 : i32
    %dma_start3A_82 = tpu.memref_slice %arg1[%dma_start3A_79, %dma_start3A_80, %dma_start3A_81] : memref<1000x300x256xf32, #tpu.memory_space<any>> -> memref<2x300x256xf32, #tpu.memory_space<any>>
    tpu.enqueue_dma source(%dma_start3A_82 : memref<2x300x256xf32, #tpu.memory_space<any>>) target(%dma_start3A_78 : memref<2x300x256xf32, #tpu.memory_space<vmem>>) target_semaphore(%dma_start3A_73 : memref<!tpu.dma_semaphore, #tpu.memory_space<semaphore_mem>>)
    %dma_start3A_83 = arith.constant 1 : i32
    %dma_start3A_84 = arith.constant 1 : i32
    %dma_start3A_85 = arith.constant 2 : i32
    %dma_start3A_86 = tpu.memref_slice %arg4[%dma_start3A_84, %dma_start3A_85] : memref<6x4x!tpu.dma_semaphore, #tpu.memory_space<semaphore_mem>> -> memref<1x1x!tpu.dma_semaphore, #tpu.memory_space<semaphore_mem>>
    %dma_start3A_87 = tpu.memref_squeeze %dma_start3A_86 : memref<1x1x!tpu.dma_semaphore, #tpu.memory_space<semaphore_mem>> -> memref<!tpu.dma_semaphore, #tpu.memory_space<semaphore_mem>>
    %dma_start3A_88 = arith.constant 4 : i32
    %dma_start3A_89 = arith.constant 0 : i32
    %dma_start3A_90 = arith.constant 0 : i32
    %dma_start3A_91 = tpu.memref_slice %arg3[%dma_start3A_83, %dma_start3A_88, %dma_start3A_89, %dma_start3A_90] : memref<6x8x300x256xf32, #tpu.memory_space<vmem>> -> memref<1x2x300x256xf32, #tpu.memory_space<vmem>>
    %dma_start3A_92 = tpu.memref_squeeze %dma_start3A_91 : memref<1x2x300x256xf32, #tpu.memory_space<vmem>> -> memref<2x300x256xf32, #tpu.memory_space<vmem>>
    %dma_start3A_93 = arith.constant 12 : i32
    %dma_start3A_94 = arith.constant 0 : i32
    %dma_start3A_95 = arith.constant 0 : i32
    %dma_start3A_96 = tpu.memref_slice %arg1[%dma_start3A_93, %dma_start3A_94, %dma_start3A_95] : memref<1000x300x256xf32, #tpu.memory_space<any>> -> memref<2x300x256xf32, #tpu.memory_space<any>>
    tpu.enqueue_dma source(%dma_start3A_96 : memref<2x300x256xf32, #tpu.memory_space<any>>) target(%dma_start3A_92 : memref<2x300x256xf32, #tpu.memory_space<vmem>>) target_semaphore(%dma_start3A_87 : memref<!tpu.dma_semaphore, #tpu.memory_space<semaphore_mem>>)
    %dma_start3A_97 = arith.constant 1 : i32
    %dma_start3A_98 = arith.constant 1 : i32
    %dma_start3A_99 = arith.constant 3 : i32
    %dma_start3A_100 = tpu.memref_slice %arg4[%dma_start3A_98, %dma_start3A_99] : memref<6x4x!tpu.dma_semaphore, #tpu.memory_space<semaphore_mem>> -> memref<1x1x!tpu.dma_semaphore, #tpu.memory_space<semaphore_mem>>
    %dma_start3A_101 = tpu.memref_squeeze %dma_start3A_100 : memref<1x1x!tpu.dma_semaphore, #tpu.memory_space<semaphore_mem>> -> memref<!tpu.dma_semaphore, #tpu.memory_space<semaphore_mem>>
    %dma_start3A_102 = arith.constant 6 : i32
    %dma_start3A_103 = arith.constant 0 : i32
    %dma_start3A_104 = arith.constant 0 : i32
    %dma_start3A_105 = tpu.memref_slice %arg3[%dma_start3A_97, %dma_start3A_102, %dma_start3A_103, %dma_start3A_104] : memref<6x8x300x256xf32, #tpu.memory_space<vmem>> -> memref<1x2x300x256xf32, #tpu.memory_space<vmem>>
    %dma_start3A_106 = tpu.memref_squeeze %dma_start3A_105 : memref<1x2x300x256xf32, #tpu.memory_space<vmem>> -> memref<2x300x256xf32, #tpu.memory_space<vmem>>
    %dma_start3A_107 = arith.constant 14 : i32
    %dma_start3A_108 = arith.constant 0 : i32
    %dma_start3A_109 = arith.constant 0 : i32
    %dma_start3A_110 = tpu.memref_slice %arg1[%dma_start3A_107, %dma_start3A_108, %dma_start3A_109] : memref<1000x300x256xf32, #tpu.memory_space<any>> -> memref<2x300x256xf32, #tpu.memory_space<any>>
    tpu.enqueue_dma source(%dma_start3A_110 : memref<2x300x256xf32, #tpu.memory_space<any>>) target(%dma_start3A_106 : memref<2x300x256xf32, #tpu.memory_space<vmem>>) target_semaphore(%dma_start3A_101 : memref<!tpu.dma_semaphore, #tpu.memory_space<semaphore_mem>>)
    %dma_start3A_111 = arith.constant 2 : i32
    %dma_start3A_112 = arith.constant 2 : i32
    %dma_start3A_113 = arith.constant 0 : i32
    %dma_start3A_114 = tpu.memref_slice %arg4[%dma_start3A_112, %dma_start3A_113] : memref<6x4x!tpu.dma_semaphore, #tpu.memory_space<semaphore_mem>> -> memref<1x1x!tpu.dma_semaphore, #tpu.memory_space<semaphore_mem>>
    %dma_start3A_115 = tpu.memref_squeeze %dma_start3A_114 : memref<1x1x!tpu.dma_semaphore, #tpu.memory_space<semaphore_mem>> -> memref<!tpu.dma_semaphore, #tpu.memory_space<semaphore_mem>>
    %dma_start3A_116 = arith.constant 0 : i32
    %dma_start3A_117 = arith.constant 0 : i32
    %dma_start3A_118 = arith.constant 0 : i32
    %dma_start3A_119 = tpu.memref_slice %arg3[%dma_start3A_111, %dma_start3A_116, %dma_start3A_117, %dma_start3A_118] : memref<6x8x300x256xf32, #tpu.memory_space<vmem>> -> memref<1x2x300x256xf32, #tpu.memory_space<vmem>>
    %dma_start3A_120 = tpu.memref_squeeze %dma_start3A_119 : memref<1x2x300x256xf32, #tpu.memory_space<vmem>> -> memref<2x300x256xf32, #tpu.memory_space<vmem>>
    %dma_start3A_121 = arith.constant 16 : i32
    %dma_start3A_122 = arith.constant 0 : i32
    %dma_start3A_123 = arith.constant 0 : i32
    %dma_start3A_124 = tpu.memref_slice %arg1[%dma_start3A_121, %dma_start3A_122, %dma_start3A_123] : memref<1000x300x256xf32, #tpu.memory_space<any>> -> memref<2x300x256xf32, #tpu.memory_space<any>>
    tpu.enqueue_dma source(%dma_start3A_124 : memref<2x300x256xf32, #tpu.memory_space<any>>) target(%dma_start3A_120 : memref<2x300x256xf32, #tpu.memory_space<vmem>>) target_semaphore(%dma_start3A_115 : memref<!tpu.dma_semaphore, #tpu.memory_space<semaphore_mem>>)
    %dma_start3A_125 = arith.constant 2 : i32
    %dma_start3A_126 = arith.constant 2 : i32
    %dma_start3A_127 = arith.constant 1 : i32
    %dma_start3A_128 = tpu.memref_slice %arg4[%dma_start3A_126, %dma_start3A_127] : memref<6x4x!tpu.dma_semaphore, #tpu.memory_space<semaphore_mem>> -> memref<1x1x!tpu.dma_semaphore, #tpu.memory_space<semaphore_mem>>
    %dma_start3A_129 = tpu.memref_squeeze %dma_start3A_128 : memref<1x1x!tpu.dma_semaphore, #tpu.memory_space<semaphore_mem>> -> memref<!tpu.dma_semaphore, #tpu.memory_space<semaphore_mem>>
    %dma_start3A_130 = arith.constant 2 : i32
    %dma_start3A_131 = arith.constant 0 : i32
    %dma_start3A_132 = arith.constant 0 : i32
    %dma_start3A_133 = tpu.memref_slice %arg3[%dma_start3A_125, %dma_start3A_130, %dma_start3A_131, %dma_start3A_132] : memref<6x8x300x256xf32, #tpu.memory_space<vmem>> -> memref<1x2x300x256xf32, #tpu.memory_space<vmem>>
    %dma_start3A_134 = tpu.memref_squeeze %dma_start3A_133 : memref<1x2x300x256xf32, #tpu.memory_space<vmem>> -> memref<2x300x256xf32, #tpu.memory_space<vmem>>
    %dma_start3A_135 = arith.constant 18 : i32
    %dma_start3A_136 = arith.constant 0 : i32
    %dma_start3A_137 = arith.constant 0 : i32
    %dma_start3A_138 = tpu.memref_slice %arg1[%dma_start3A_135, %dma_start3A_136, %dma_start3A_137] : memref<1000x300x256xf32, #tpu.memory_space<any>> -> memref<2x300x256xf32, #tpu.memory_space<any>>
    tpu.enqueue_dma source(%dma_start3A_138 : memref<2x300x256xf32, #tpu.memory_space<any>>) target(%dma_start3A_134 : memref<2x300x256xf32, #tpu.memory_space<vmem>>) target_semaphore(%dma_start3A_129 : memref<!tpu.dma_semaphore, #tpu.memory_space<semaphore_mem>>)
    %dma_start3A_139 = arith.constant 2 : i32
    %dma_start3A_140 = arith.constant 2 : i32
    %dma_start3A_141 = arith.constant 2 : i32
    %dma_start3A_142 = tpu.memref_slice %arg4[%dma_start3A_140, %dma_start3A_141] : memref<6x4x!tpu.dma_semaphore, #tpu.memory_space<semaphore_mem>> -> memref<1x1x!tpu.dma_semaphore, #tpu.memory_space<semaphore_mem>>
    %dma_start3A_143 = tpu.memref_squeeze %dma_start3A_142 : memref<1x1x!tpu.dma_semaphore, #tpu.memory_space<semaphore_mem>> -> memref<!tpu.dma_semaphore, #tpu.memory_space<semaphore_mem>>
    %dma_start3A_144 = arith.constant 4 : i32
    %dma_start3A_145 = arith.constant 0 : i32
    %dma_start3A_146 = arith.constant 0 : i32
    %dma_start3A_147 = tpu.memref_slice %arg3[%dma_start3A_139, %dma_start3A_144, %dma_start3A_145, %dma_start3A_146] : memref<6x8x300x256xf32, #tpu.memory_space<vmem>> -> memref<1x2x300x256xf32, #tpu.memory_space<vmem>>
    %dma_start3A_148 = tpu.memref_squeeze %dma_start3A_147 : memref<1x2x300x256xf32, #tpu.memory_space<vmem>> -> memref<2x300x256xf32, #tpu.memory_space<vmem>>
    %dma_start3A_149 = arith.constant 20 : i32
    %dma_start3A_150 = arith.constant 0 : i32
    %dma_start3A_151 = arith.constant 0 : i32
    %dma_start3A_152 = tpu.memref_slice %arg1[%dma_start3A_149, %dma_start3A_150, %dma_start3A_151] : memref<1000x300x256xf32, #tpu.memory_space<any>> -> memref<2x300x256xf32, #tpu.memory_space<any>>
    tpu.enqueue_dma source(%dma_start3A_152 : memref<2x300x256xf32, #tpu.memory_space<any>>) target(%dma_start3A_148 : memref<2x300x256xf32, #tpu.memory_space<vmem>>) target_semaphore(%dma_start3A_143 : memref<!tpu.dma_semaphore, #tpu.memory_space<semaphore_mem>>)
    %dma_start3A_153 = arith.constant 2 : i32
    %dma_start3A_154 = arith.constant 2 : i32
    %dma_start3A_155 = arith.constant 3 : i32
    %dma_start3A_156 = tpu.memref_slice %arg4[%dma_start3A_154, %dma_start3A_155] : memref<6x4x!tpu.dma_semaphore, #tpu.memory_space<semaphore_mem>> -> memref<1x1x!tpu.dma_semaphore, #tpu.memory_space<semaphore_mem>>
    %dma_start3A_157 = tpu.memref_squeeze %dma_start3A_156 : memref<1x1x!tpu.dma_semaphore, #tpu.memory_space<semaphore_mem>> -> memref<!tpu.dma_semaphore, #tpu.memory_space<semaphore_mem>>
    %dma_start3A_158 = arith.constant 6 : i32
    %dma_start3A_159 = arith.constant 0 : i32
    %dma_start3A_160 = arith.constant 0 : i32
    %dma_start3A_161 = tpu.memref_slice %arg3[%dma_start3A_153, %dma_start3A_158, %dma_start3A_159, %dma_start3A_160] : memref<6x8x300x256xf32, #tpu.memory_space<vmem>> -> memref<1x2x300x256xf32, #tpu.memory_space<vmem>>
    %dma_start3A_162 = tpu.memref_squeeze %dma_start3A_161 : memref<1x2x300x256xf32, #tpu.memory_space<vmem>> -> memref<2x300x256xf32, #tpu.memory_space<vmem>>
    %dma_start3A_163 = arith.constant 22 : i32
    %dma_start3A_164 = arith.constant 0 : i32
    %dma_start3A_165 = arith.constant 0 : i32
    %dma_start3A_166 = tpu.memref_slice %arg1[%dma_start3A_163, %dma_start3A_164, %dma_start3A_165] : memref<1000x300x256xf32, #tpu.memory_space<any>> -> memref<2x300x256xf32, #tpu.memory_space<any>>
    tpu.enqueue_dma source(%dma_start3A_166 : memref<2x300x256xf32, #tpu.memory_space<any>>) target(%dma_start3A_162 : memref<2x300x256xf32, #tpu.memory_space<vmem>>) target_semaphore(%dma_start3A_157 : memref<!tpu.dma_semaphore, #tpu.memory_space<semaphore_mem>>)
    %dma_start3A_167 = arith.constant 3 : i32
    %dma_start3A_168 = arith.constant 3 : i32
    %dma_start3A_169 = arith.constant 0 : i32
    %dma_start3A_170 = tpu.memref_slice %arg4[%dma_start3A_168, %dma_start3A_169] : memref<6x4x!tpu.dma_semaphore, #tpu.memory_space<semaphore_mem>> -> memref<1x1x!tpu.dma_semaphore, #tpu.memory_space<semaphore_mem>>
    %dma_start3A_171 = tpu.memref_squeeze %dma_start3A_170 : memref<1x1x!tpu.dma_semaphore, #tpu.memory_space<semaphore_mem>> -> memref<!tpu.dma_semaphore, #tpu.memory_space<semaphore_mem>>
    %dma_start3A_172 = arith.constant 0 : i32
    %dma_start3A_173 = arith.constant 0 : i32
    %dma_start3A_174 = arith.constant 0 : i32
    %dma_start3A_175 = tpu.memref_slice %arg3[%dma_start3A_167, %dma_start3A_172, %dma_start3A_173, %dma_start3A_174] : memref<6x8x300x256xf32, #tpu.memory_space<vmem>> -> memref<1x2x300x256xf32, #tpu.memory_space<vmem>>
    %dma_start3A_176 = tpu.memref_squeeze %dma_start3A_175 : memref<1x2x300x256xf32, #tpu.memory_space<vmem>> -> memref<2x300x256xf32, #tpu.memory_space<vmem>>
    %dma_start3A_177 = arith.constant 24 : i32
    %dma_start3A_178 = arith.constant 0 : i32
    %dma_start3A_179 = arith.constant 0 : i32
    %dma_start3A_180 = tpu.memref_slice %arg1[%dma_start3A_177, %dma_start3A_178, %dma_start3A_179] : memref<1000x300x256xf32, #tpu.memory_space<any>> -> memref<2x300x256xf32, #tpu.memory_space<any>>
    tpu.enqueue_dma source(%dma_start3A_180 : memref<2x300x256xf32, #tpu.memory_space<any>>) target(%dma_start3A_176 : memref<2x300x256xf32, #tpu.memory_space<vmem>>) target_semaphore(%dma_start3A_171 : memref<!tpu.dma_semaphore, #tpu.memory_space<semaphore_mem>>)
    %dma_start3A_181 = arith.constant 3 : i32
    %dma_start3A_182 = arith.constant 3 : i32
    %dma_start3A_183 = arith.constant 1 : i32
    %dma_start3A_184 = tpu.memref_slice %arg4[%dma_start3A_182, %dma_start3A_183] : memref<6x4x!tpu.dma_semaphore, #tpu.memory_space<semaphore_mem>> -> memref<1x1x!tpu.dma_semaphore, #tpu.memory_space<semaphore_mem>>
    %dma_start3A_185 = tpu.memref_squeeze %dma_start3A_184 : memref<1x1x!tpu.dma_semaphore, #tpu.memory_space<semaphore_mem>> -> memref<!tpu.dma_semaphore, #tpu.memory_space<semaphore_mem>>
    %dma_start3A_186 = arith.constant 2 : i32
    %dma_start3A_187 = arith.constant 0 : i32
    %dma_start3A_188 = arith.constant 0 : i32
    %dma_start3A_189 = tpu.memref_slice %arg3[%dma_start3A_181, %dma_start3A_186, %dma_start3A_187, %dma_start3A_188] : memref<6x8x300x256xf32, #tpu.memory_space<vmem>> -> memref<1x2x300x256xf32, #tpu.memory_space<vmem>>
    %dma_start3A_190 = tpu.memref_squeeze %dma_start3A_189 : memref<1x2x300x256xf32, #tpu.memory_space<vmem>> -> memref<2x300x256xf32, #tpu.memory_space<vmem>>
    %dma_start3A_191 = arith.constant 26 : i32
    %dma_start3A_192 = arith.constant 0 : i32
    %dma_start3A_193 = arith.constant 0 : i32
    %dma_start3A_194 = tpu.memref_slice %arg1[%dma_start3A_191, %dma_start3A_192, %dma_start3A_193] : memref<1000x300x256xf32, #tpu.memory_space<any>> -> memref<2x300x256xf32, #tpu.memory_space<any>>
    tpu.enqueue_dma source(%dma_start3A_194 : memref<2x300x256xf32, #tpu.memory_space<any>>) target(%dma_start3A_190 : memref<2x300x256xf32, #tpu.memory_space<vmem>>) target_semaphore(%dma_start3A_185 : memref<!tpu.dma_semaphore, #tpu.memory_space<semaphore_mem>>)
    %dma_start3A_195 = arith.constant 3 : i32
    %dma_start3A_196 = arith.constant 3 : i32
    %dma_start3A_197 = arith.constant 2 : i32
    %dma_start3A_198 = tpu.memref_slice %arg4[%dma_start3A_196, %dma_start3A_197] : memref<6x4x!tpu.dma_semaphore, #tpu.memory_space<semaphore_mem>> -> memref<1x1x!tpu.dma_semaphore, #tpu.memory_space<semaphore_mem>>
    %dma_start3A_199 = tpu.memref_squeeze %dma_start3A_198 : memref<1x1x!tpu.dma_semaphore, #tpu.memory_space<semaphore_mem>> -> memref<!tpu.dma_semaphore, #tpu.memory_space<semaphore_mem>>
    %dma_start3A_200 = arith.constant 4 : i32
    %dma_start3A_201 = arith.constant 0 : i32
    %dma_start3A_202 = arith.constant 0 : i32
    %dma_start3A_203 = tpu.memref_slice %arg3[%dma_start3A_195, %dma_start3A_200, %dma_start3A_201, %dma_start3A_202] : memref<6x8x300x256xf32, #tpu.memory_space<vmem>> -> memref<1x2x300x256xf32, #tpu.memory_space<vmem>>
    %dma_start3A_204 = tpu.memref_squeeze %dma_start3A_203 : memref<1x2x300x256xf32, #tpu.memory_space<vmem>> -> memref<2x300x256xf32, #tpu.memory_space<vmem>>
    %dma_start3A_205 = arith.constant 28 : i32
    %dma_start3A_206 = arith.constant 0 : i32
    %dma_start3A_207 = arith.constant 0 : i32
    %dma_start3A_208 = tpu.memref_slice %arg1[%dma_start3A_205, %dma_start3A_206, %dma_start3A_207] : memref<1000x300x256xf32, #tpu.memory_space<any>> -> memref<2x300x256xf32, #tpu.memory_space<any>>
    tpu.enqueue_dma source(%dma_start3A_208 : memref<2x300x256xf32, #tpu.memory_space<any>>) target(%dma_start3A_204 : memref<2x300x256xf32, #tpu.memory_space<vmem>>) target_semaphore(%dma_start3A_199 : memref<!tpu.dma_semaphore, #tpu.memory_space<semaphore_mem>>)
    %dma_start3A_209 = arith.constant 3 : i32
    %dma_start3A_210 = arith.constant 3 : i32
    %dma_start3A_211 = arith.constant 3 : i32
    %dma_start3A_212 = tpu.memref_slice %arg4[%dma_start3A_210, %dma_start3A_211] : memref<6x4x!tpu.dma_semaphore, #tpu.memory_space<semaphore_mem>> -> memref<1x1x!tpu.dma_semaphore, #tpu.memory_space<semaphore_mem>>
    %dma_start3A_213 = tpu.memref_squeeze %dma_start3A_212 : memref<1x1x!tpu.dma_semaphore, #tpu.memory_space<semaphore_mem>> -> memref<!tpu.dma_semaphore, #tpu.memory_space<semaphore_mem>>
    %dma_start3A_214 = arith.constant 6 : i32
    %dma_start3A_215 = arith.constant 0 : i32
    %dma_start3A_216 = arith.constant 0 : i32
    %dma_start3A_217 = tpu.memref_slice %arg3[%dma_start3A_209, %dma_start3A_214, %dma_start3A_215, %dma_start3A_216] : memref<6x8x300x256xf32, #tpu.memory_space<vmem>> -> memref<1x2x300x256xf32, #tpu.memory_space<vmem>>
    %dma_start3A_218 = tpu.memref_squeeze %dma_start3A_217 : memref<1x2x300x256xf32, #tpu.memory_space<vmem>> -> memref<2x300x256xf32, #tpu.memory_space<vmem>>
    %dma_start3A_219 = arith.constant 30 : i32
    %dma_start3A_220 = arith.constant 0 : i32
    %dma_start3A_221 = arith.constant 0 : i32
    %dma_start3A_222 = tpu.memref_slice %arg1[%dma_start3A_219, %dma_start3A_220, %dma_start3A_221] : memref<1000x300x256xf32, #tpu.memory_space<any>> -> memref<2x300x256xf32, #tpu.memory_space<any>>
    tpu.enqueue_dma source(%dma_start3A_222 : memref<2x300x256xf32, #tpu.memory_space<any>>) target(%dma_start3A_218 : memref<2x300x256xf32, #tpu.memory_space<vmem>>) target_semaphore(%dma_start3A_213 : memref<!tpu.dma_semaphore, #tpu.memory_space<semaphore_mem>>)
    %dma_start3A_223 = arith.constant 4 : i32
    %dma_start3A_224 = arith.constant 4 : i32
    %dma_start3A_225 = arith.constant 0 : i32
    %dma_start3A_226 = tpu.memref_slice %arg4[%dma_start3A_224, %dma_start3A_225] : memref<6x4x!tpu.dma_semaphore, #tpu.memory_space<semaphore_mem>> -> memref<1x1x!tpu.dma_semaphore, #tpu.memory_space<semaphore_mem>>
    %dma_start3A_227 = tpu.memref_squeeze %dma_start3A_226 : memref<1x1x!tpu.dma_semaphore, #tpu.memory_space<semaphore_mem>> -> memref<!tpu.dma_semaphore, #tpu.memory_space<semaphore_mem>>
    %dma_start3A_228 = arith.constant 0 : i32
    %dma_start3A_229 = arith.constant 0 : i32
    %dma_start3A_230 = arith.constant 0 : i32
    %dma_start3A_231 = tpu.memref_slice %arg3[%dma_start3A_223, %dma_start3A_228, %dma_start3A_229, %dma_start3A_230] : memref<6x8x300x256xf32, #tpu.memory_space<vmem>> -> memref<1x2x300x256xf32, #tpu.memory_space<vmem>>
    %dma_start3A_232 = tpu.memref_squeeze %dma_start3A_231 : memref<1x2x300x256xf32, #tpu.memory_space<vmem>> -> memref<2x300x256xf32, #tpu.memory_space<vmem>>
    %dma_start3A_233 = arith.constant 32 : i32
    %dma_start3A_234 = arith.constant 0 : i32
    %dma_start3A_235 = arith.constant 0 : i32
    %dma_start3A_236 = tpu.memref_slice %arg1[%dma_start3A_233, %dma_start3A_234, %dma_start3A_235] : memref<1000x300x256xf32, #tpu.memory_space<any>> -> memref<2x300x256xf32, #tpu.memory_space<any>>
    tpu.enqueue_dma source(%dma_start3A_236 : memref<2x300x256xf32, #tpu.memory_space<any>>) target(%dma_start3A_232 : memref<2x300x256xf32, #tpu.memory_space<vmem>>) target_semaphore(%dma_start3A_227 : memref<!tpu.dma_semaphore, #tpu.memory_space<semaphore_mem>>)
    %dma_start3A_237 = arith.constant 4 : i32
    %dma_start3A_238 = arith.constant 4 : i32
    %dma_start3A_239 = arith.constant 1 : i32
    %dma_start3A_240 = tpu.memref_slice %arg4[%dma_start3A_238, %dma_start3A_239] : memref<6x4x!tpu.dma_semaphore, #tpu.memory_space<semaphore_mem>> -> memref<1x1x!tpu.dma_semaphore, #tpu.memory_space<semaphore_mem>>
    %dma_start3A_241 = tpu.memref_squeeze %dma_start3A_240 : memref<1x1x!tpu.dma_semaphore, #tpu.memory_space<semaphore_mem>> -> memref<!tpu.dma_semaphore, #tpu.memory_space<semaphore_mem>>
    %dma_start3A_242 = arith.constant 2 : i32
    %dma_start3A_243 = arith.constant 0 : i32
    %dma_start3A_244 = arith.constant 0 : i32
    %dma_start3A_245 = tpu.memref_slice %arg3[%dma_start3A_237, %dma_start3A_242, %dma_start3A_243, %dma_start3A_244] : memref<6x8x300x256xf32, #tpu.memory_space<vmem>> -> memref<1x2x300x256xf32, #tpu.memory_space<vmem>>
    %dma_start3A_246 = tpu.memref_squeeze %dma_start3A_245 : memref<1x2x300x256xf32, #tpu.memory_space<vmem>> -> memref<2x300x256xf32, #tpu.memory_space<vmem>>
    %dma_start3A_247 = arith.constant 34 : i32
    %dma_start3A_248 = arith.constant 0 : i32
    %dma_start3A_249 = arith.constant 0 : i32
    %dma_start3A_250 = tpu.memref_slice %arg1[%dma_start3A_247, %dma_start3A_248, %dma_start3A_249] : memref<1000x300x256xf32, #tpu.memory_space<any>> -> memref<2x300x256xf32, #tpu.memory_space<any>>
    tpu.enqueue_dma source(%dma_start3A_250 : memref<2x300x256xf32, #tpu.memory_space<any>>) target(%dma_start3A_246 : memref<2x300x256xf32, #tpu.memory_space<vmem>>) target_semaphore(%dma_start3A_241 : memref<!tpu.dma_semaphore, #tpu.memory_space<semaphore_mem>>)
    %dma_start3A_251 = arith.constant 4 : i32
    %dma_start3A_252 = arith.constant 4 : i32
    %dma_start3A_253 = arith.constant 2 : i32
    %dma_start3A_254 = tpu.memref_slice %arg4[%dma_start3A_252, %dma_start3A_253] : memref<6x4x!tpu.dma_semaphore, #tpu.memory_space<semaphore_mem>> -> memref<1x1x!tpu.dma_semaphore, #tpu.memory_space<semaphore_mem>>
    %dma_start3A_255 = tpu.memref_squeeze %dma_start3A_254 : memref<1x1x!tpu.dma_semaphore, #tpu.memory_space<semaphore_mem>> -> memref<!tpu.dma_semaphore, #tpu.memory_space<semaphore_mem>>
    %dma_start3A_256 = arith.constant 4 : i32
    %dma_start3A_257 = arith.constant 0 : i32
    %dma_start3A_258 = arith.constant 0 : i32
    %dma_start3A_259 = tpu.memref_slice %arg3[%dma_start3A_251, %dma_start3A_256, %dma_start3A_257, %dma_start3A_258] : memref<6x8x300x256xf32, #tpu.memory_space<vmem>> -> memref<1x2x300x256xf32, #tpu.memory_space<vmem>>
    %dma_start3A_260 = tpu.memref_squeeze %dma_start3A_259 : memref<1x2x300x256xf32, #tpu.memory_space<vmem>> -> memref<2x300x256xf32, #tpu.memory_space<vmem>>
    %dma_start3A_261 = arith.constant 36 : i32
    %dma_start3A_262 = arith.constant 0 : i32
    %dma_start3A_263 = arith.constant 0 : i32
    %dma_start3A_264 = tpu.memref_slice %arg1[%dma_start3A_261, %dma_start3A_262, %dma_start3A_263] : memref<1000x300x256xf32, #tpu.memory_space<any>> -> memref<2x300x256xf32, #tpu.memory_space<any>>
    tpu.enqueue_dma source(%dma_start3A_264 : memref<2x300x256xf32, #tpu.memory_space<any>>) target(%dma_start3A_260 : memref<2x300x256xf32, #tpu.memory_space<vmem>>) target_semaphore(%dma_start3A_255 : memref<!tpu.dma_semaphore, #tpu.memory_space<semaphore_mem>>)
    %dma_start3A_265 = arith.constant 4 : i32
    %dma_start3A_266 = arith.constant 4 : i32
    %dma_start3A_267 = arith.constant 3 : i32
    %dma_start3A_268 = tpu.memref_slice %arg4[%dma_start3A_266, %dma_start3A_267] : memref<6x4x!tpu.dma_semaphore, #tpu.memory_space<semaphore_mem>> -> memref<1x1x!tpu.dma_semaphore, #tpu.memory_space<semaphore_mem>>
    %dma_start3A_269 = tpu.memref_squeeze %dma_start3A_268 : memref<1x1x!tpu.dma_semaphore, #tpu.memory_space<semaphore_mem>> -> memref<!tpu.dma_semaphore, #tpu.memory_space<semaphore_mem>>
    %dma_start3A_270 = arith.constant 6 : i32
    %dma_start3A_271 = arith.constant 0 : i32
    %dma_start3A_272 = arith.constant 0 : i32
    %dma_start3A_273 = tpu.memref_slice %arg3[%dma_start3A_265, %dma_start3A_270, %dma_start3A_271, %dma_start3A_272] : memref<6x8x300x256xf32, #tpu.memory_space<vmem>> -> memref<1x2x300x256xf32, #tpu.memory_space<vmem>>
    %dma_start3A_274 = tpu.memref_squeeze %dma_start3A_273 : memref<1x2x300x256xf32, #tpu.memory_space<vmem>> -> memref<2x300x256xf32, #tpu.memory_space<vmem>>
    %dma_start3A_275 = arith.constant 38 : i32
    %dma_start3A_276 = arith.constant 0 : i32
    %dma_start3A_277 = arith.constant 0 : i32
    %dma_start3A_278 = tpu.memref_slice %arg1[%dma_start3A_275, %dma_start3A_276, %dma_start3A_277] : memref<1000x300x256xf32, #tpu.memory_space<any>> -> memref<2x300x256xf32, #tpu.memory_space<any>>
    tpu.enqueue_dma source(%dma_start3A_278 : memref<2x300x256xf32, #tpu.memory_space<any>>) target(%dma_start3A_274 : memref<2x300x256xf32, #tpu.memory_space<vmem>>) target_semaphore(%dma_start3A_269 : memref<!tpu.dma_semaphore, #tpu.memory_space<semaphore_mem>>)
    %dma_start3A_279 = arith.constant 5 : i32
    %dma_start3A_280 = arith.constant 5 : i32
    %dma_start3A_281 = arith.constant 0 : i32
    %dma_start3A_282 = tpu.memref_slice %arg4[%dma_start3A_280, %dma_start3A_281] : memref<6x4x!tpu.dma_semaphore, #tpu.memory_space<semaphore_mem>> -> memref<1x1x!tpu.dma_semaphore, #tpu.memory_space<semaphore_mem>>
    %dma_start3A_283 = tpu.memref_squeeze %dma_start3A_282 : memref<1x1x!tpu.dma_semaphore, #tpu.memory_space<semaphore_mem>> -> memref<!tpu.dma_semaphore, #tpu.memory_space<semaphore_mem>>
    %dma_start3A_284 = arith.constant 0 : i32
    %dma_start3A_285 = arith.constant 0 : i32
    %dma_start3A_286 = arith.constant 0 : i32
    %dma_start3A_287 = tpu.memref_slice %arg3[%dma_start3A_279, %dma_start3A_284, %dma_start3A_285, %dma_start3A_286] : memref<6x8x300x256xf32, #tpu.memory_space<vmem>> -> memref<1x2x300x256xf32, #tpu.memory_space<vmem>>
    %dma_start3A_288 = tpu.memref_squeeze %dma_start3A_287 : memref<1x2x300x256xf32, #tpu.memory_space<vmem>> -> memref<2x300x256xf32, #tpu.memory_space<vmem>>
    %dma_start3A_289 = arith.constant 40 : i32
    %dma_start3A_290 = arith.constant 0 : i32
    %dma_start3A_291 = arith.constant 0 : i32
    %dma_start3A_292 = tpu.memref_slice %arg1[%dma_start3A_289, %dma_start3A_290, %dma_start3A_291] : memref<1000x300x256xf32, #tpu.memory_space<any>> -> memref<2x300x256xf32, #tpu.memory_space<any>>
    tpu.enqueue_dma source(%dma_start3A_292 : memref<2x300x256xf32, #tpu.memory_space<any>>) target(%dma_start3A_288 : memref<2x300x256xf32, #tpu.memory_space<vmem>>) target_semaphore(%dma_start3A_283 : memref<!tpu.dma_semaphore, #tpu.memory_space<semaphore_mem>>)
    %dma_start3A_293 = arith.constant 5 : i32
    %dma_start3A_294 = arith.constant 5 : i32
    %dma_start3A_295 = arith.constant 1 : i32
    %dma_start3A_296 = tpu.memref_slice %arg4[%dma_start3A_294, %dma_start3A_295] : memref<6x4x!tpu.dma_semaphore, #tpu.memory_space<semaphore_mem>> -> memref<1x1x!tpu.dma_semaphore, #tpu.memory_space<semaphore_mem>>
    %dma_start3A_297 = tpu.memref_squeeze %dma_start3A_296 : memref<1x1x!tpu.dma_semaphore, #tpu.memory_space<semaphore_mem>> -> memref<!tpu.dma_semaphore, #tpu.memory_space<semaphore_mem>>
    %dma_start3A_298 = arith.constant 2 : i32
    %dma_start3A_299 = arith.constant 0 : i32
    %dma_start3A_300 = arith.constant 0 : i32
    %dma_start3A_301 = tpu.memref_slice %arg3[%dma_start3A_293, %dma_start3A_298, %dma_start3A_299, %dma_start3A_300] : memref<6x8x300x256xf32, #tpu.memory_space<vmem>> -> memref<1x2x300x256xf32, #tpu.memory_space<vmem>>
    %dma_start3A_302 = tpu.memref_squeeze %dma_start3A_301 : memref<1x2x300x256xf32, #tpu.memory_space<vmem>> -> memref<2x300x256xf32, #tpu.memory_space<vmem>>
    %dma_start3A_303 = arith.constant 42 : i32
    %dma_start3A_304 = arith.constant 0 : i32
    %dma_start3A_305 = arith.constant 0 : i32
    %dma_start3A_306 = tpu.memref_slice %arg1[%dma_start3A_303, %dma_start3A_304, %dma_start3A_305] : memref<1000x300x256xf32, #tpu.memory_space<any>> -> memref<2x300x256xf32, #tpu.memory_space<any>>
    tpu.enqueue_dma source(%dma_start3A_306 : memref<2x300x256xf32, #tpu.memory_space<any>>) target(%dma_start3A_302 : memref<2x300x256xf32, #tpu.memory_space<vmem>>) target_semaphore(%dma_start3A_297 : memref<!tpu.dma_semaphore, #tpu.memory_space<semaphore_mem>>)
    %dma_start3A_307 = arith.constant 5 : i32
    %dma_start3A_308 = arith.constant 5 : i32
    %dma_start3A_309 = arith.constant 2 : i32
    %dma_start3A_310 = tpu.memref_slice %arg4[%dma_start3A_308, %dma_start3A_309] : memref<6x4x!tpu.dma_semaphore, #tpu.memory_space<semaphore_mem>> -> memref<1x1x!tpu.dma_semaphore, #tpu.memory_space<semaphore_mem>>
    %dma_start3A_311 = tpu.memref_squeeze %dma_start3A_310 : memref<1x1x!tpu.dma_semaphore, #tpu.memory_space<semaphore_mem>> -> memref<!tpu.dma_semaphore, #tpu.memory_space<semaphore_mem>>
    %dma_start3A_312 = arith.constant 4 : i32
    %dma_start3A_313 = arith.constant 0 : i32
    %dma_start3A_314 = arith.constant 0 : i32
    %dma_start3A_315 = tpu.memref_slice %arg3[%dma_start3A_307, %dma_start3A_312, %dma_start3A_313, %dma_start3A_314] : memref<6x8x300x256xf32, #tpu.memory_space<vmem>> -> memref<1x2x300x256xf32, #tpu.memory_space<vmem>>
    %dma_start3A_316 = tpu.memref_squeeze %dma_start3A_315 : memref<1x2x300x256xf32, #tpu.memory_space<vmem>> -> memref<2x300x256xf32, #tpu.memory_space<vmem>>
    %dma_start3A_317 = arith.constant 44 : i32
    %dma_start3A_318 = arith.constant 0 : i32
    %dma_start3A_319 = arith.constant 0 : i32
    %dma_start3A_320 = tpu.memref_slice %arg1[%dma_start3A_317, %dma_start3A_318, %dma_start3A_319] : memref<1000x300x256xf32, #tpu.memory_space<any>> -> memref<2x300x256xf32, #tpu.memory_space<any>>
    tpu.enqueue_dma source(%dma_start3A_320 : memref<2x300x256xf32, #tpu.memory_space<any>>) target(%dma_start3A_316 : memref<2x300x256xf32, #tpu.memory_space<vmem>>) target_semaphore(%dma_start3A_311 : memref<!tpu.dma_semaphore, #tpu.memory_space<semaphore_mem>>)
    %dma_start3A_321 = arith.constant 5 : i32
    %dma_start3A_322 = arith.constant 5 : i32
    %dma_start3A_323 = arith.constant 3 : i32
    %dma_start3A_324 = tpu.memref_slice %arg4[%dma_start3A_322, %dma_start3A_323] : memref<6x4x!tpu.dma_semaphore, #tpu.memory_space<semaphore_mem>> -> memref<1x1x!tpu.dma_semaphore, #tpu.memory_space<semaphore_mem>>
    %dma_start3A_325 = tpu.memref_squeeze %dma_start3A_324 : memref<1x1x!tpu.dma_semaphore, #tpu.memory_space<semaphore_mem>> -> memref<!tpu.dma_semaphore, #tpu.memory_space<semaphore_mem>>
    %dma_start3A_326 = arith.constant 6 : i32
    %dma_start3A_327 = arith.constant 0 : i32
    %dma_start3A_328 = arith.constant 0 : i32
    %dma_start3A_329 = tpu.memref_slice %arg3[%dma_start3A_321, %dma_start3A_326, %dma_start3A_327, %dma_start3A_328] : memref<6x8x300x256xf32, #tpu.memory_space<vmem>> -> memref<1x2x300x256xf32, #tpu.memory_space<vmem>>
    %dma_start3A_330 = tpu.memref_squeeze %dma_start3A_329 : memref<1x2x300x256xf32, #tpu.memory_space<vmem>> -> memref<2x300x256xf32, #tpu.memory_space<vmem>>
    %dma_start3A_331 = arith.constant 46 : i32
    %dma_start3A_332 = arith.constant 0 : i32
    %dma_start3A_333 = arith.constant 0 : i32
    %dma_start3A_334 = tpu.memref_slice %arg1[%dma_start3A_331, %dma_start3A_332, %dma_start3A_333] : memref<1000x300x256xf32, #tpu.memory_space<any>> -> memref<2x300x256xf32, #tpu.memory_space<any>>
    tpu.enqueue_dma source(%dma_start3A_334 : memref<2x300x256xf32, #tpu.memory_space<any>>) target(%dma_start3A_330 : memref<2x300x256xf32, #tpu.memory_space<vmem>>) target_semaphore(%dma_start3A_325 : memref<!tpu.dma_semaphore, #tpu.memory_space<semaphore_mem>>)
    %get3A = arith.constant 0 : index
    %get3A_335 = arith.constant 0 : index
    %get3A_336 = vector.load %arg0[%get3A, %get3A_335] : memref<300x256xf32, #tpu.memory_space<vmem>>, vector<300x256xf32>
    %transpose3A = tpu.transpose %get3A_336, [1, 0] : vector<300x256xf32> -> vector<256x300xf32>
    %iota3A = tpu.iota {dimensions = array<i32: 1>} : vector<8x300x300xi32>
    %iota3A_337 = tpu.iota {dimensions = array<i32: 2>} : vector<8x300x300xi32>
    %eq3A = arith.cmpi eq, %iota3A, %iota3A_337 : vector<8x300x300xi32>
    %scan3A = arith.constant 0 : i32
    %scan3A_338 = arith.constant 125 : i32
    %scan3A_339 = arith.addi %scan3A, %scan3A_338 : i32
    %scan3A_340 = arith.constant 1 : i32
    scf.for %scan3A_342 = %scan3A to %scan3A_339 step %scan3A_340  : i32 {
      %rem3A = arith.constant 6 : i32
      %rem3A_343 = arith.remsi %scan3A_342, %rem3A : i32
      %dma_wait3A = arith.constant 0 : i32
      %dma_wait3A_344 = tpu.memref_slice %arg4[%rem3A_343, %dma_wait3A] : memref<6x4x!tpu.dma_semaphore, #tpu.memory_space<semaphore_mem>> -> memref<1x1x!tpu.dma_semaphore, #tpu.memory_space<semaphore_mem>>
      %dma_wait3A_345 = tpu.memref_squeeze %dma_wait3A_344 : memref<1x1x!tpu.dma_semaphore, #tpu.memory_space<semaphore_mem>> -> memref<!tpu.dma_semaphore, #tpu.memory_space<semaphore_mem>>
      %dma_wait3A_346 = arith.constant 0 : i32
      %dma_wait3A_347 = arith.constant 0 : i32
      %dma_wait3A_348 = arith.constant 0 : i32
      %dma_wait3A_349 = tpu.memref_slice %arg3[%rem3A_343, %dma_wait3A_346, %dma_wait3A_347, %dma_wait3A_348] : memref<6x8x300x256xf32, #tpu.memory_space<vmem>> -> memref<1x2x300x256xf32, #tpu.memory_space<vmem>>
      %dma_wait3A_350 = tpu.memref_squeeze %dma_wait3A_349 : memref<1x2x300x256xf32, #tpu.memory_space<vmem>> -> memref<2x300x256xf32, #tpu.memory_space<vmem>>
      %dma_wait3A_351 = arith.constant 0 : i32
      %dma_wait3A_352 = arith.constant 0 : i32
      %dma_wait3A_353 = arith.constant 0 : i32
      %dma_wait3A_354 = tpu.memref_slice %arg1[%dma_wait3A_351, %dma_wait3A_352, %dma_wait3A_353] : memref<1000x300x256xf32, #tpu.memory_space<any>> -> memref<2x300x256xf32, #tpu.memory_space<any>>
      tpu.wait_dma2 semaphore(%dma_wait3A_345 : memref<!tpu.dma_semaphore, #tpu.memory_space<semaphore_mem>>) src(%dma_wait3A_354 : memref<2x300x256xf32, #tpu.memory_space<any>>) dst(%dma_wait3A_350 : memref<2x300x256xf32, #tpu.memory_space<vmem>>)
      %dma_wait3A_355 = arith.constant 1 : i32
      %dma_wait3A_356 = tpu.memref_slice %arg4[%rem3A_343, %dma_wait3A_355] : memref<6x4x!tpu.dma_semaphore, #tpu.memory_space<semaphore_mem>> -> memref<1x1x!tpu.dma_semaphore, #tpu.memory_space<semaphore_mem>>
      %dma_wait3A_357 = tpu.memref_squeeze %dma_wait3A_356 : memref<1x1x!tpu.dma_semaphore, #tpu.memory_space<semaphore_mem>> -> memref<!tpu.dma_semaphore, #tpu.memory_space<semaphore_mem>>
      %dma_wait3A_358 = arith.constant 2 : i32
      %dma_wait3A_359 = arith.constant 0 : i32
      %dma_wait3A_360 = arith.constant 0 : i32
      %dma_wait3A_361 = tpu.memref_slice %arg3[%rem3A_343, %dma_wait3A_358, %dma_wait3A_359, %dma_wait3A_360] : memref<6x8x300x256xf32, #tpu.memory_space<vmem>> -> memref<1x2x300x256xf32, #tpu.memory_space<vmem>>
      %dma_wait3A_362 = tpu.memref_squeeze %dma_wait3A_361 : memref<1x2x300x256xf32, #tpu.memory_space<vmem>> -> memref<2x300x256xf32, #tpu.memory_space<vmem>>
      %dma_wait3A_363 = arith.constant 0 : i32
      %dma_wait3A_364 = arith.constant 0 : i32
      %dma_wait3A_365 = arith.constant 0 : i32
      %dma_wait3A_366 = tpu.memref_slice %arg1[%dma_wait3A_363, %dma_wait3A_364, %dma_wait3A_365] : memref<1000x300x256xf32, #tpu.memory_space<any>> -> memref<2x300x256xf32, #tpu.memory_space<any>>
      tpu.wait_dma2 semaphore(%dma_wait3A_357 : memref<!tpu.dma_semaphore, #tpu.memory_space<semaphore_mem>>) src(%dma_wait3A_366 : memref<2x300x256xf32, #tpu.memory_space<any>>) dst(%dma_wait3A_362 : memref<2x300x256xf32, #tpu.memory_space<vmem>>)
      %dma_wait3A_367 = arith.constant 2 : i32
      %dma_wait3A_368 = tpu.memref_slice %arg4[%rem3A_343, %dma_wait3A_367] : memref<6x4x!tpu.dma_semaphore, #tpu.memory_space<semaphore_mem>> -> memref<1x1x!tpu.dma_semaphore, #tpu.memory_space<semaphore_mem>>
      %dma_wait3A_369 = tpu.memref_squeeze %dma_wait3A_368 : memref<1x1x!tpu.dma_semaphore, #tpu.memory_space<semaphore_mem>> -> memref<!tpu.dma_semaphore, #tpu.memory_space<semaphore_mem>>
      %dma_wait3A_370 = arith.constant 4 : i32
      %dma_wait3A_371 = arith.constant 0 : i32
      %dma_wait3A_372 = arith.constant 0 : i32
      %dma_wait3A_373 = tpu.memref_slice %arg3[%rem3A_343, %dma_wait3A_370, %dma_wait3A_371, %dma_wait3A_372] : memref<6x8x300x256xf32, #tpu.memory_space<vmem>> -> memref<1x2x300x256xf32, #tpu.memory_space<vmem>>
      %dma_wait3A_374 = tpu.memref_squeeze %dma_wait3A_373 : memref<1x2x300x256xf32, #tpu.memory_space<vmem>> -> memref<2x300x256xf32, #tpu.memory_space<vmem>>
      %dma_wait3A_375 = arith.constant 0 : i32
      %dma_wait3A_376 = arith.constant 0 : i32
      %dma_wait3A_377 = arith.constant 0 : i32
      %dma_wait3A_378 = tpu.memref_slice %arg1[%dma_wait3A_375, %dma_wait3A_376, %dma_wait3A_377] : memref<1000x300x256xf32, #tpu.memory_space<any>> -> memref<2x300x256xf32, #tpu.memory_space<any>>
      tpu.wait_dma2 semaphore(%dma_wait3A_369 : memref<!tpu.dma_semaphore, #tpu.memory_space<semaphore_mem>>) src(%dma_wait3A_378 : memref<2x300x256xf32, #tpu.memory_space<any>>) dst(%dma_wait3A_374 : memref<2x300x256xf32, #tpu.memory_space<vmem>>)
      %dma_wait3A_379 = arith.constant 3 : i32
      %dma_wait3A_380 = tpu.memref_slice %arg4[%rem3A_343, %dma_wait3A_379] : memref<6x4x!tpu.dma_semaphore, #tpu.memory_space<semaphore_mem>> -> memref<1x1x!tpu.dma_semaphore, #tpu.memory_space<semaphore_mem>>
      %dma_wait3A_381 = tpu.memref_squeeze %dma_wait3A_380 : memref<1x1x!tpu.dma_semaphore, #tpu.memory_space<semaphore_mem>> -> memref<!tpu.dma_semaphore, #tpu.memory_space<semaphore_mem>>
      %dma_wait3A_382 = arith.constant 6 : i32
      %dma_wait3A_383 = arith.constant 0 : i32
      %dma_wait3A_384 = arith.constant 0 : i32
      %dma_wait3A_385 = tpu.memref_slice %arg3[%rem3A_343, %dma_wait3A_382, %dma_wait3A_383, %dma_wait3A_384] : memref<6x8x300x256xf32, #tpu.memory_space<vmem>> -> memref<1x2x300x256xf32, #tpu.memory_space<vmem>>
      %dma_wait3A_386 = tpu.memref_squeeze %dma_wait3A_385 : memref<1x2x300x256xf32, #tpu.memory_space<vmem>> -> memref<2x300x256xf32, #tpu.memory_space<vmem>>
      %dma_wait3A_387 = arith.constant 0 : i32
      %dma_wait3A_388 = arith.constant 0 : i32
      %dma_wait3A_389 = arith.constant 0 : i32
      %dma_wait3A_390 = tpu.memref_slice %arg1[%dma_wait3A_387, %dma_wait3A_388, %dma_wait3A_389] : memref<1000x300x256xf32, #tpu.memory_space<any>> -> memref<2x300x256xf32, #tpu.memory_space<any>>
      tpu.wait_dma2 semaphore(%dma_wait3A_381 : memref<!tpu.dma_semaphore, #tpu.memory_space<semaphore_mem>>) src(%dma_wait3A_390 : memref<2x300x256xf32, #tpu.memory_space<any>>) dst(%dma_wait3A_386 : memref<2x300x256xf32, #tpu.memory_space<vmem>>)
      %get3A_391 = arith.index_cast %rem3A_343 : i32 to index
      %get3A_392 = arith.constant 0 : index
      %get3A_393 = arith.constant 0 : index
      %get3A_394 = arith.constant 0 : index
      %get3A_395 = vector.load %arg3[%get3A_391, %get3A_392, %get3A_393, %get3A_394] : memref<6x8x300x256xf32, #tpu.memory_space<vmem>>, vector<1x8x300x256xf32>
      %get3A_396 = vector.shape_cast %get3A_395 : vector<1x8x300x256xf32> to vector<8x300x256xf32>
      %reshape3A = vector.shape_cast %get3A_396 : vector<8x300x256xf32> to vector<2400x256xf32>
      %dot_general3A = arith.constant dense<0.000000e+00> : vector<2400x300xf32>
      %dot_general3A_397 = tpu.matmul %reshape3A, %transpose3A, %dot_general3A {dimension_numbers = #tpu.dot_dimension_numbers<[1], [0], [0], [1], [0, 0, 1, 1], [], []>, transpose_lhs_hint = false} : vector<2400x256xf32>, vector<256x300xf32>, vector<2400x300xf32> -> vector<2400x300xf32>
      %reshape3A_398 = vector.shape_cast %dot_general3A_397 : vector<2400x300xf32> to vector<8x300x300xf32>
      %jit3A = arith.constant 0.000000e+00 : f32
      %broadcast_in_dim3A = vector.broadcast %jit3A : f32 to vector<8x300x300xf32>
      %select_n3A = arith.select %eq3A, %reshape3A_398, %broadcast_in_dim3A : vector<8x300x300xi1>, vector<8x300x300xf32>
      %reduce_sum3A = arith.constant dense<0.000000e+00> : vector<8x300xf32>
      %reduce_sum3A_399 = vector.multi_reduction <add>, %select_n3A, %reduce_sum3A [2] : vector<8x300x300xf32> to vector<8x300xf32>
      %mul3A = arith.constant 8 : i32
      %mul3A_400 = arith.muli %scan3A_342, %mul3A : i32
      %swap3A = arith.index_cast %mul3A_400 : i32 to index
      %swap3A_401 = arith.constant 0 : index
      %swap3A_402 = vector.load %arg2[%swap3A, %swap3A_401] : memref<1000x300xf32, #tpu.memory_space<vmem>>, vector<8x300xf32>
      tpu.vector_store %arg2[%swap3A, %swap3A_401], %reduce_sum3A_399 {strides = array<i32>} : memref<1000x300xf32, #tpu.memory_space<vmem>>, vector<8x300xf32>,
      %add3A = arith.constant 6 : i32
      %add3A_403 = arith.addi %scan3A_342, %add3A : i32
      %lt3A = arith.constant 125 : i32
      %lt3A_404 = arith.cmpi slt, %add3A_403, %lt3A : i32
      %convert_element_type3A = arith.extui %lt3A_404 : i1 to i32
      %cond3A = arith.constant 0 : i32
      %cond3A_405 = arith.cmpi ne, %convert_element_type3A, %cond3A : i32
      scf.if %cond3A_405 {
        %mul3A_406 = arith.constant 8 : i32
        %mul3A_407 = arith.muli %add3A_403, %mul3A_406 : i32
        %add3A_408 = arith.constant 0 : i32
        %add3A_409 = arith.addi %mul3A_407, %add3A_408 : i32
        %dma_start3A_410 = arith.constant 0 : i32
        %dma_start3A_411 = tpu.memref_slice %arg4[%rem3A_343, %dma_start3A_410] : memref<6x4x!tpu.dma_semaphore, #tpu.memory_space<semaphore_mem>> -> memref<1x1x!tpu.dma_semaphore, #tpu.memory_space<semaphore_mem>>
        %dma_start3A_412 = tpu.memref_squeeze %dma_start3A_411 : memref<1x1x!tpu.dma_semaphore, #tpu.memory_space<semaphore_mem>> -> memref<!tpu.dma_semaphore, #tpu.memory_space<semaphore_mem>>
        %dma_start3A_413 = arith.constant 0 : i32
        %dma_start3A_414 = arith.constant 0 : i32
        %dma_start3A_415 = arith.constant 0 : i32
        %dma_start3A_416 = tpu.memref_slice %arg3[%rem3A_343, %dma_start3A_413, %dma_start3A_414, %dma_start3A_415] : memref<6x8x300x256xf32, #tpu.memory_space<vmem>> -> memref<1x2x300x256xf32, #tpu.memory_space<vmem>>
        %dma_start3A_417 = tpu.memref_squeeze %dma_start3A_416 : memref<1x2x300x256xf32, #tpu.memory_space<vmem>> -> memref<2x300x256xf32, #tpu.memory_space<vmem>>
        %dma_start3A_418 = arith.constant 0 : i32
        %dma_start3A_419 = arith.constant 0 : i32
        %dma_start3A_420 = tpu.memref_slice %arg1[%add3A_409, %dma_start3A_418, %dma_start3A_419] : memref<1000x300x256xf32, #tpu.memory_space<any>> -> memref<2x300x256xf32, #tpu.memory_space<any>>
        tpu.enqueue_dma source(%dma_start3A_420 : memref<2x300x256xf32, #tpu.memory_space<any>>) target(%dma_start3A_417 : memref<2x300x256xf32, #tpu.memory_space<vmem>>) target_semaphore(%dma_start3A_412 : memref<!tpu.dma_semaphore, #tpu.memory_space<semaphore_mem>>)
        %mul3A_421 = arith.constant 8 : i32
        %mul3A_422 = arith.muli %add3A_403, %mul3A_421 : i32
        %add3A_423 = arith.constant 2 : i32
        %add3A_424 = arith.addi %mul3A_422, %add3A_423 : i32
        %dma_start3A_425 = arith.constant 1 : i32
        %dma_start3A_426 = tpu.memref_slice %arg4[%rem3A_343, %dma_start3A_425] : memref<6x4x!tpu.dma_semaphore, #tpu.memory_space<semaphore_mem>> -> memref<1x1x!tpu.dma_semaphore, #tpu.memory_space<semaphore_mem>>
        %dma_start3A_427 = tpu.memref_squeeze %dma_start3A_426 : memref<1x1x!tpu.dma_semaphore, #tpu.memory_space<semaphore_mem>> -> memref<!tpu.dma_semaphore, #tpu.memory_space<semaphore_mem>>
        %dma_start3A_428 = arith.constant 2 : i32
        %dma_start3A_429 = arith.constant 0 : i32
        %dma_start3A_430 = arith.constant 0 : i32
        %dma_start3A_431 = tpu.memref_slice %arg3[%rem3A_343, %dma_start3A_428, %dma_start3A_429, %dma_start3A_430] : memref<6x8x300x256xf32, #tpu.memory_space<vmem>> -> memref<1x2x300x256xf32, #tpu.memory_space<vmem>>
        %dma_start3A_432 = tpu.memref_squeeze %dma_start3A_431 : memref<1x2x300x256xf32, #tpu.memory_space<vmem>> -> memref<2x300x256xf32, #tpu.memory_space<vmem>>
        %dma_start3A_433 = arith.constant 0 : i32
        %dma_start3A_434 = arith.constant 0 : i32
        %dma_start3A_435 = tpu.memref_slice %arg1[%add3A_424, %dma_start3A_433, %dma_start3A_434] : memref<1000x300x256xf32, #tpu.memory_space<any>> -> memref<2x300x256xf32, #tpu.memory_space<any>>
        tpu.enqueue_dma source(%dma_start3A_435 : memref<2x300x256xf32, #tpu.memory_space<any>>) target(%dma_start3A_432 : memref<2x300x256xf32, #tpu.memory_space<vmem>>) target_semaphore(%dma_start3A_427 : memref<!tpu.dma_semaphore, #tpu.memory_space<semaphore_mem>>)
        %mul3A_436 = arith.constant 8 : i32
        %mul3A_437 = arith.muli %add3A_403, %mul3A_436 : i32
        %add3A_438 = arith.constant 4 : i32
        %add3A_439 = arith.addi %mul3A_437, %add3A_438 : i32
        %dma_start3A_440 = arith.constant 2 : i32
        %dma_start3A_441 = tpu.memref_slice %arg4[%rem3A_343, %dma_start3A_440] : memref<6x4x!tpu.dma_semaphore, #tpu.memory_space<semaphore_mem>> -> memref<1x1x!tpu.dma_semaphore, #tpu.memory_space<semaphore_mem>>
        %dma_start3A_442 = tpu.memref_squeeze %dma_start3A_441 : memref<1x1x!tpu.dma_semaphore, #tpu.memory_space<semaphore_mem>> -> memref<!tpu.dma_semaphore, #tpu.memory_space<semaphore_mem>>
        %dma_start3A_443 = arith.constant 4 : i32
        %dma_start3A_444 = arith.constant 0 : i32
        %dma_start3A_445 = arith.constant 0 : i32
        %dma_start3A_446 = tpu.memref_slice %arg3[%rem3A_343, %dma_start3A_443, %dma_start3A_444, %dma_start3A_445] : memref<6x8x300x256xf32, #tpu.memory_space<vmem>> -> memref<1x2x300x256xf32, #tpu.memory_space<vmem>>
        %dma_start3A_447 = tpu.memref_squeeze %dma_start3A_446 : memref<1x2x300x256xf32, #tpu.memory_space<vmem>> -> memref<2x300x256xf32, #tpu.memory_space<vmem>>
        %dma_start3A_448 = arith.constant 0 : i32
        %dma_start3A_449 = arith.constant 0 : i32
        %dma_start3A_450 = tpu.memref_slice %arg1[%add3A_439, %dma_start3A_448, %dma_start3A_449] : memref<1000x300x256xf32, #tpu.memory_space<any>> -> memref<2x300x256xf32, #tpu.memory_space<any>>
        tpu.enqueue_dma source(%dma_start3A_450 : memref<2x300x256xf32, #tpu.memory_space<any>>) target(%dma_start3A_447 : memref<2x300x256xf32, #tpu.memory_space<vmem>>) target_semaphore(%dma_start3A_442 : memref<!tpu.dma_semaphore, #tpu.memory_space<semaphore_mem>>)
        %mul3A_451 = arith.constant 8 : i32
        %mul3A_452 = arith.muli %add3A_403, %mul3A_451 : i32
        %add3A_453 = arith.constant 6 : i32
        %add3A_454 = arith.addi %mul3A_452, %add3A_453 : i32
        %dma_start3A_455 = arith.constant 3 : i32
        %dma_start3A_456 = tpu.memref_slice %arg4[%rem3A_343, %dma_start3A_455] : memref<6x4x!tpu.dma_semaphore, #tpu.memory_space<semaphore_mem>> -> memref<1x1x!tpu.dma_semaphore, #tpu.memory_space<semaphore_mem>>
        %dma_start3A_457 = tpu.memref_squeeze %dma_start3A_456 : memref<1x1x!tpu.dma_semaphore, #tpu.memory_space<semaphore_mem>> -> memref<!tpu.dma_semaphore, #tpu.memory_space<semaphore_mem>>
        %dma_start3A_458 = arith.constant 6 : i32
        %dma_start3A_459 = arith.constant 0 : i32
        %dma_start3A_460 = arith.constant 0 : i32
        %dma_start3A_461 = tpu.memref_slice %arg3[%rem3A_343, %dma_start3A_458, %dma_start3A_459, %dma_start3A_460] : memref<6x8x300x256xf32, #tpu.memory_space<vmem>> -> memref<1x2x300x256xf32, #tpu.memory_space<vmem>>
        %dma_start3A_462 = tpu.memref_squeeze %dma_start3A_461 : memref<1x2x300x256xf32, #tpu.memory_space<vmem>> -> memref<2x300x256xf32, #tpu.memory_space<vmem>>
        %dma_start3A_463 = arith.constant 0 : i32
        %dma_start3A_464 = arith.constant 0 : i32
        %dma_start3A_465 = tpu.memref_slice %arg1[%add3A_454, %dma_start3A_463, %dma_start3A_464] : memref<1000x300x256xf32, #tpu.memory_space<any>> -> memref<2x300x256xf32, #tpu.memory_space<any>>
        tpu.enqueue_dma source(%dma_start3A_465 : memref<2x300x256xf32, #tpu.memory_space<any>>) target(%dma_start3A_462 : memref<2x300x256xf32, #tpu.memory_space<vmem>>) target_semaphore(%dma_start3A_457 : memref<!tpu.dma_semaphore, #tpu.memory_space<semaphore_mem>>)
      } else {
      }
    }
    %scan3A_341 = arith.constant 125 : i32
    return
  }
}

module attributes {stable_mosaic.version = 14 : i64} {
  func.func @_scores_body(%arg0: memref<1000x300xf32, #tpu.memory_space<vmem>>, %arg1: memref<1000x300xf32, #tpu.memory_space<vmem>>, %arg2: memref<1000x4xi32, #tpu.memory_space<vmem>>, %arg3: memref<1000x4xf32, #tpu.memory_space<vmem>>) attributes {dimension_semantics = [], scalar_prefetch = 0 : i64, scratch_operands = 0 : i64, tpu.core_type = #tpu.core_type<tc>} {
    %get3A = arith.constant 0 : index
    %get3A_0 = arith.constant 0 : index
    %get3A_1 = vector.load %arg0[%get3A, %get3A_0] : memref<1000x300xf32, #tpu.memory_space<vmem>>, vector<1000x300xf32>
    %reduce_max3A = arith.constant dense<0xFF800000> : vector<1000xf32>
    %reduce_max3A_2 = vector.multi_reduction <maximumf>, %get3A_1, %reduce_max3A [1] : vector<1000x300xf32> to vector<1000xf32>
    %broadcast_in_dim3A = vector.shape_cast %reduce_max3A_2 : vector<1000xf32> to vector<1000x1xf32>
    %sub3A = vector.broadcast %broadcast_in_dim3A : vector<1000x1xf32> to vector<1000x300xf32>
    %sub3A_3 = arith.subf %get3A_1, %sub3A : vector<1000x300xf32>
    %exp3A = math.exp %sub3A_3 : vector<1000x300xf32>
    %reduce_sum3A = arith.constant dense<0.000000e+00> : vector<1000xf32>
    %reduce_sum3A_4 = vector.multi_reduction <add>, %exp3A, %reduce_sum3A [1] : vector<1000x300xf32> to vector<1000xf32>
    %broadcast_in_dim3A_5 = vector.shape_cast %reduce_sum3A_4 : vector<1000xf32> to vector<1000x1xf32>
    %div3A = vector.broadcast %broadcast_in_dim3A_5 : vector<1000x1xf32> to vector<1000x300xf32>
    %div3A_6 = arith.divf %exp3A, %div3A : vector<1000x300xf32>
    %reduce_max3A_7 = arith.constant dense<0xFF800000> : vector<300xf32>
    %reduce_max3A_8 = vector.multi_reduction <maximumf>, %get3A_1, %reduce_max3A_7 [0] : vector<1000x300xf32> to vector<300xf32>
    %broadcast_in_dim3A_9 = vector.shape_cast %reduce_max3A_8 : vector<300xf32> to vector<1x300xf32>
    %sub3A_10 = vector.broadcast %broadcast_in_dim3A_9 : vector<1x300xf32> to vector<1000x300xf32>
    %sub3A_11 = arith.subf %get3A_1, %sub3A_10 : vector<1000x300xf32>
    %exp3A_12 = math.exp %sub3A_11 : vector<1000x300xf32>
    %reduce_sum3A_13 = arith.constant dense<0.000000e+00> : vector<300xf32>
    %reduce_sum3A_14 = vector.multi_reduction <add>, %exp3A_12, %reduce_sum3A_13 [0] : vector<1000x300xf32> to vector<300xf32>
    %broadcast_in_dim3A_15 = vector.shape_cast %reduce_sum3A_14 : vector<300xf32> to vector<1x300xf32>
    %div3A_16 = vector.broadcast %broadcast_in_dim3A_15 : vector<1x300xf32> to vector<1000x300xf32>
    %div3A_17 = arith.divf %exp3A_12, %div3A_16 : vector<1000x300xf32>
    %add3A = arith.addf %div3A_6, %div3A_17 : vector<1000x300xf32>
    %mul3A = arith.constant 5.000000e-01 : f32
    %mul3A_18 = vector.broadcast %mul3A : f32 to vector<1000x300xf32>
    %mul3A_19 = arith.mulf %add3A, %mul3A_18 : vector<1000x300xf32>
    %swap3A = arith.constant 0 : index
    %swap3A_20 = arith.constant 0 : index
    %swap3A_21 = vector.load %arg1[%swap3A, %swap3A_20] : memref<1000x300xf32, #tpu.memory_space<vmem>>, vector<1000x300xf32>
    tpu.vector_store %arg1[%swap3A, %swap3A_20], %mul3A_19 {strides = array<i32>} : memref<1000x300xf32, #tpu.memory_space<vmem>>, vector<1000x300xf32>,
    %iota3A = tpu.iota {dimensions = array<i32: 1>} : vector<1000x300xi32>
    %reduce_max3A_22 = arith.constant dense<0xFF800000> : vector<1000xf32>
    %reduce_max3A_23 = vector.multi_reduction <maximumf>, %mul3A_19, %reduce_max3A_22 [1] : vector<1000x300xf32> to vector<1000xf32>
    %broadcast_in_dim3A_24 = vector.shape_cast %reduce_max3A_23 : vector<1000xf32> to vector<1000x1xf32>
    %eq3A = vector.broadcast %broadcast_in_dim3A_24 : vector<1000x1xf32> to vector<1000x300xf32>
    %eq3A_25 = arith.cmpf oeq, %mul3A_19, %eq3A : vector<1000x300xf32>
    %jit3A = arith.constant 300 : i32
    %broadcast_in_dim3A_26 = vector.broadcast %jit3A : i32 to vector<1000x300xi32>
    %select_n3A = arith.select %eq3A_25, %iota3A, %broadcast_in_dim3A_26 : vector<1000x300xi1>, vector<1000x300xi32>
    %reduce_min3A = arith.constant dense<2147483647> : vector<1000xi32>
    %reduce_min3A_27 = vector.multi_reduction <minsi>, %select_n3A, %reduce_min3A [1] : vector<1000x300xi32> to vector<1000xi32>
    %broadcast_in_dim3A_28 = vector.shape_cast %reduce_min3A_27 : vector<1000xi32> to vector<1000x1xi32>
    %swap3A_29 = arith.constant 0 : index
    %swap3A_30 = arith.constant 0 : index
    %swap3A_31 = vector.load %arg2[%swap3A_29, %swap3A_30] : memref<1000x4xi32, #tpu.memory_space<vmem>>, vector<1000x1xi32>
    tpu.vector_store %arg2[%swap3A_29, %swap3A_30], %broadcast_in_dim3A_28 {strides = array<i32>} : memref<1000x4xi32, #tpu.memory_space<vmem>>, vector<1000x1xi32>,
    %swap3A_32 = arith.constant 0 : index
    %swap3A_33 = arith.constant 0 : index
    %swap3A_34 = vector.load %arg3[%swap3A_32, %swap3A_33] : memref<1000x4xf32, #tpu.memory_space<vmem>>, vector<1000x1xf32>
    tpu.vector_store %arg3[%swap3A_32, %swap3A_33], %broadcast_in_dim3A_24 {strides = array<i32>} : memref<1000x4xf32, #tpu.memory_space<vmem>>, vector<1000x1xf32>,
    %eq3A_35 = vector.broadcast %broadcast_in_dim3A_28 : vector<1000x1xi32> to vector<1000x300xi32>
    %eq3A_36 = arith.cmpi eq, %iota3A, %eq3A_35 : vector<1000x300xi32>
    %jit3A_37 = arith.constant 0.000000e+00 : f32
    %broadcast_in_dim3A_38 = vector.broadcast %jit3A_37 : f32 to vector<1000x300xf32>
    %select_n3A_39 = arith.select %eq3A_36, %broadcast_in_dim3A_38, %mul3A_19 : vector<1000x300xi1>, vector<1000x300xf32>
    %reduce_max3A_40 = arith.constant dense<0xFF800000> : vector<1000xf32>
    %reduce_max3A_41 = vector.multi_reduction <maximumf>, %select_n3A_39, %reduce_max3A_40 [1] : vector<1000x300xf32> to vector<1000xf32>
    %broadcast_in_dim3A_42 = vector.shape_cast %reduce_max3A_41 : vector<1000xf32> to vector<1000x1xf32>
    %eq3A_43 = vector.broadcast %broadcast_in_dim3A_42 : vector<1000x1xf32> to vector<1000x300xf32>
    %eq3A_44 = arith.cmpf oeq, %select_n3A_39, %eq3A_43 : vector<1000x300xf32>
    %jit3A_45 = arith.constant 300 : i32
    %broadcast_in_dim3A_46 = vector.broadcast %jit3A_45 : i32 to vector<1000x300xi32>
    %select_n3A_47 = arith.select %eq3A_44, %iota3A, %broadcast_in_dim3A_46 : vector<1000x300xi1>, vector<1000x300xi32>
    %reduce_min3A_48 = arith.constant dense<2147483647> : vector<1000xi32>
    %reduce_min3A_49 = vector.multi_reduction <minsi>, %select_n3A_47, %reduce_min3A_48 [1] : vector<1000x300xi32> to vector<1000xi32>
    %broadcast_in_dim3A_50 = vector.shape_cast %reduce_min3A_49 : vector<1000xi32> to vector<1000x1xi32>
    %swap3A_51 = arith.constant 0 : index
    %swap3A_52 = arith.constant 1 : index
    %swap3A_53 = vector.load %arg2[%swap3A_51, %swap3A_52] : memref<1000x4xi32, #tpu.memory_space<vmem>>, vector<1000x1xi32>
    tpu.vector_store %arg2[%swap3A_51, %swap3A_52], %broadcast_in_dim3A_50 {strides = array<i32>} : memref<1000x4xi32, #tpu.memory_space<vmem>>, vector<1000x1xi32>,
    %swap3A_54 = arith.constant 0 : index
    %swap3A_55 = arith.constant 1 : index
    %swap3A_56 = vector.load %arg3[%swap3A_54, %swap3A_55] : memref<1000x4xf32, #tpu.memory_space<vmem>>, vector<1000x1xf32>
    tpu.vector_store %arg3[%swap3A_54, %swap3A_55], %broadcast_in_dim3A_42 {strides = array<i32>} : memref<1000x4xf32, #tpu.memory_space<vmem>>, vector<1000x1xf32>,
    %eq3A_57 = vector.broadcast %broadcast_in_dim3A_50 : vector<1000x1xi32> to vector<1000x300xi32>
    %eq3A_58 = arith.cmpi eq, %iota3A, %eq3A_57 : vector<1000x300xi32>
    %jit3A_59 = arith.constant 0.000000e+00 : f32
    %broadcast_in_dim3A_60 = vector.broadcast %jit3A_59 : f32 to vector<1000x300xf32>
    %select_n3A_61 = arith.select %eq3A_58, %broadcast_in_dim3A_60, %select_n3A_39 : vector<1000x300xi1>, vector<1000x300xf32>
    %reduce_max3A_62 = arith.constant dense<0xFF800000> : vector<1000xf32>
    %reduce_max3A_63 = vector.multi_reduction <maximumf>, %select_n3A_61, %reduce_max3A_62 [1] : vector<1000x300xf32> to vector<1000xf32>
    %broadcast_in_dim3A_64 = vector.shape_cast %reduce_max3A_63 : vector<1000xf32> to vector<1000x1xf32>
    %eq3A_65 = vector.broadcast %broadcast_in_dim3A_64 : vector<1000x1xf32> to vector<1000x300xf32>
    %eq3A_66 = arith.cmpf oeq, %select_n3A_61, %eq3A_65 : vector<1000x300xf32>
    %jit3A_67 = arith.constant 300 : i32
    %broadcast_in_dim3A_68 = vector.broadcast %jit3A_67 : i32 to vector<1000x300xi32>
    %select_n3A_69 = arith.select %eq3A_66, %iota3A, %broadcast_in_dim3A_68 : vector<1000x300xi1>, vector<1000x300xi32>
    %reduce_min3A_70 = arith.constant dense<2147483647> : vector<1000xi32>
    %reduce_min3A_71 = vector.multi_reduction <minsi>, %select_n3A_69, %reduce_min3A_70 [1] : vector<1000x300xi32> to vector<1000xi32>
    %broadcast_in_dim3A_72 = vector.shape_cast %reduce_min3A_71 : vector<1000xi32> to vector<1000x1xi32>
    %swap3A_73 = arith.constant 0 : index
    %swap3A_74 = arith.constant 2 : index
    %swap3A_75 = vector.load %arg2[%swap3A_73, %swap3A_74] : memref<1000x4xi32, #tpu.memory_space<vmem>>, vector<1000x1xi32>
    tpu.vector_store %arg2[%swap3A_73, %swap3A_74], %broadcast_in_dim3A_72 {strides = array<i32>} : memref<1000x4xi32, #tpu.memory_space<vmem>>, vector<1000x1xi32>,
    %swap3A_76 = arith.constant 0 : index
    %swap3A_77 = arith.constant 2 : index
    %swap3A_78 = vector.load %arg3[%swap3A_76, %swap3A_77] : memref<1000x4xf32, #tpu.memory_space<vmem>>, vector<1000x1xf32>
    tpu.vector_store %arg3[%swap3A_76, %swap3A_77], %broadcast_in_dim3A_64 {strides = array<i32>} : memref<1000x4xf32, #tpu.memory_space<vmem>>, vector<1000x1xf32>,
    %eq3A_79 = vector.broadcast %broadcast_in_dim3A_72 : vector<1000x1xi32> to vector<1000x300xi32>
    %eq3A_80 = arith.cmpi eq, %iota3A, %eq3A_79 : vector<1000x300xi32>
    %jit3A_81 = arith.constant 0.000000e+00 : f32
    %broadcast_in_dim3A_82 = vector.broadcast %jit3A_81 : f32 to vector<1000x300xf32>
    %select_n3A_83 = arith.select %eq3A_80, %broadcast_in_dim3A_82, %select_n3A_61 : vector<1000x300xi1>, vector<1000x300xf32>
    %reduce_max3A_84 = arith.constant dense<0xFF800000> : vector<1000xf32>
    %reduce_max3A_85 = vector.multi_reduction <maximumf>, %select_n3A_83, %reduce_max3A_84 [1] : vector<1000x300xf32> to vector<1000xf32>
    %broadcast_in_dim3A_86 = vector.shape_cast %reduce_max3A_85 : vector<1000xf32> to vector<1000x1xf32>
    %eq3A_87 = vector.broadcast %broadcast_in_dim3A_86 : vector<1000x1xf32> to vector<1000x300xf32>
    %eq3A_88 = arith.cmpf oeq, %select_n3A_83, %eq3A_87 : vector<1000x300xf32>
    %jit3A_89 = arith.constant 300 : i32
    %broadcast_in_dim3A_90 = vector.broadcast %jit3A_89 : i32 to vector<1000x300xi32>
    %select_n3A_91 = arith.select %eq3A_88, %iota3A, %broadcast_in_dim3A_90 : vector<1000x300xi1>, vector<1000x300xi32>
    %reduce_min3A_92 = arith.constant dense<2147483647> : vector<1000xi32>
    %reduce_min3A_93 = vector.multi_reduction <minsi>, %select_n3A_91, %reduce_min3A_92 [1] : vector<1000x300xi32> to vector<1000xi32>
    %broadcast_in_dim3A_94 = vector.shape_cast %reduce_min3A_93 : vector<1000xi32> to vector<1000x1xi32>
    %swap3A_95 = arith.constant 0 : index
    %swap3A_96 = arith.constant 3 : index
    %swap3A_97 = vector.load %arg2[%swap3A_95, %swap3A_96] : memref<1000x4xi32, #tpu.memory_space<vmem>>, vector<1000x1xi32>
    tpu.vector_store %arg2[%swap3A_95, %swap3A_96], %broadcast_in_dim3A_94 {strides = array<i32>} : memref<1000x4xi32, #tpu.memory_space<vmem>>, vector<1000x1xi32>,
    %swap3A_98 = arith.constant 0 : index
    %swap3A_99 = arith.constant 3 : index
    %swap3A_100 = vector.load %arg3[%swap3A_98, %swap3A_99] : memref<1000x4xf32, #tpu.memory_space<vmem>>, vector<1000x1xf32>
    tpu.vector_store %arg3[%swap3A_98, %swap3A_99], %broadcast_in_dim3A_86 {strides = array<i32>} : memref<1000x4xf32, #tpu.memory_space<vmem>>, vector<1000x1xf32>,
    return
  }
}

</mosaic_0001>

<sc_bundles>
// kernel: kernel.5.cloned.1.call-start
scs
__scs_entry_jumppad:
0x0: {  	(pc) =	sbr.rel $0x88, $3  }
0x1: {  	(tag) =	ssettag $0x0;
	lr =	simm.s32 $0x1  }
0x2: {  	[smem:$0x3F9F] =	sst lr;
	_ =	strace $0xD0000000  }
0x3: {  	_ = 	snop  }
0x4: {  	_ = 	snop  }
0x5: {  	_ = 	snop  }
0x6: {  	_ = 	snop  }
0x7: {  	_ = 	snop  }
__scs_overlays_trampoline_lowered:
0x8: {  	[smem:$0x3FAE] =	sst s0  }
0x9: {  	[smem:$0x3FAF] =	sst s1  }
0xa: {  	[smem:$0x3FB0] =	sst s2  }
0xb: {  	[smem:$0x3FB1] =	sst s3  }
0xc: {  	[smem:$0x3FB2] =	sst s4  }
0xd: {  	[smem:$0x3FB3] =	sst s5  }
0xe: {  	[smem:$0x3FB4] =	sst s6  }
0xf: {  	[smem:$0x3FB5] =	sst s7  }
0x10: {  	[smem:$0x3FB6] =	sst s8  }
0x11: {  	[smem:$0x3FB7] =	sst s9;
	s0 =	simm.s32 @!p0 $0x0  }
0x12: {  	s1 =	sld [smem:$0x3F9D];
	s0 =	simm.s32 @p0 $0x1  }
0x13: {  	[smem:$0x3FB8] =	sst s0;
	s0 =	simm.s32 @!p1 $0x0  }
0x14: {  	s2 =	sld [smem:$0x3F9C];
	s0 =	simm.s32 @p1 $0x1  }
0x15: {  	[smem:$0x3FB9] =	sst s0;
	s0 =	simm.s32 @!p2 $0x0  }
0x16: {  	s3 =	sld [smem:$0x3FDB];
	s0 =	simm.s32 @p2 $0x1  }
0x17: {  	s4 =	simm.s32 $0x1BF5;
	[smem:$0x3FBB] =	sst s0  }
0x18: {  	s0 =	sld [smem:$0x3F9E];
	_ =	swait.ge [sflag:s4], $0x0  }
0x19: {  	s7 =	sld [smem:$0x3F9F]  }
0x1a: {  	s8 =	sadd.s32 $0xFFFFE003, lr  }
0x1b: {  	s9 =	sadd.s32 $0xFFFFFEF7, lr;
	s5 =	simm.s32 $0xFFFFFFFF;
	p2 =	slt.u32 s8, $0xFFFFF086  }
0x1c: {  	p1 =	slt.u32 s9, $0xF7A;
	s5 =	simm.s32 @!p2 $0x0  }
0x1d: {  	s5 =	simm.s32 @p1 $0x1;
	p0 =	seq.s32 s7, s2  }
0x1e: {  	s7 =	smul.u32 @!p0 $0xF7A, s2;
	p2 =	seq.s32 @!p0 s5, $0x0  }
0x1f: {  	s9 =	smul.u32 $0xF7A, s1;
	s8 =	simm.s32 @!p0 $0x1BF5;
	p2 =	por !p2, p0  }
0x20: {  	[sflag:s8] =	ssyncset.s32 @!p0 $0xFFFFF086;
	s6 =	sadd.s32 @!p0 s3, s7;
	s7 =	simm.s32 @!p0 $0x108  }
0x21: {  	s3 =	sadd.s32 s3, s9;
	s6 =	sadd.s32 @!p0 $0x88, s6;
	s7 =	simm.s32 @p2 $0x1082  }
0x22: {  	[simem:s7], [sflag:s8] =	dma.local @!p0 [hbm:s6], $0xF7A  }
0x23: {  	s9 =	sor.u32 $0xD0000000, s2;
	s6 =	simm.s32 $0x108;
	_ =	swait.ge @!p0 [sflag:s8], $0x0  }
0x24: {  	s3 =	sadd.s32 $0x88, s3;
	s6 =	simm.s32 @!p1 $0x1082;
	[sflag:s4] =	ssyncset.s32 $0xFFFFF086  }
0x25: {  	[simem:s6], [sflag:s4] =	dma.local [hbm:s3], $0xF7A  }
0x26: {  	[smem:$0x3F9F] =	sst s1;
	(tag) =	ssettag s2;
	_ =	strace s9  }
0x27: {  	s1 =	sld [smem:$0x3FAF]  }
0x28: {  	s2 =	sld [smem:$0x3FB0]  }
0x29: {  	s4 =	sld [smem:$0x3FB2]  }
0x2a: {  	p0 =	seq.s32 s5, $0x0;
	s5 =	sld [smem:$0x3FB3]  }
0x2b: {  	s6 =	sld [smem:$0x3FB4]  }
0x2c: {  	s7 =	sld [smem:$0x3FB5]  }
0x2d: {  	s3 =	simm.s32 $0x108;
	s8 =	sld [smem:$0x3FB6]  }
0x2e: {  	s3 =	simm.s32 @!p0 $0x1082;
	s9 =	sld [smem:$0x3FB7]  }
0x2f: {  	lr =	sadd.s32 s0, s3;
	s0 =	sld [smem:$0x3FAE]  }
0x30: {  	s3 =	sld [smem:$0x3FB1]  }
0x31: {  	[smem:$0x3FBA] =	sst s10  }
0x32: {  	s10 =	sld [smem:$0x3FB8];
	_ =	sdelay $0x3  }
0x33: {  	p0 =	seq.s32 s10, $0x1;
	s10 =	sld [smem:$0x3FBA];
	_ =	sdelay $0x3  }
0x34: {  	[smem:$0x3FBA] =	sst s10  }
0x35: {  	s10 =	sld [smem:$0x3FB9];
	_ =	sdelay $0x3  }
0x36: {  	p1 =	seq.s32 s10, $0x1;
	s10 =	sld [smem:$0x3FBA];
	_ =	sdelay $0x3  }
0x37: {  	[smem:$0x3FBA] =	sst s10  }
0x38: {  	s10 =	sld [smem:$0x3FBB]  }
0x39: {  	_ = 	snop;
	(pc) =	sbr.ind lr, $3  }
0x3a: {  	_ = 	snop  }
0x3b: {  	_ = 	snop  }
0x3c: {  	p2 =	seq.s32 s10, $0x1;
	s10 =	sld [smem:$0x3FBA]  }
0x3d: {  	_ =	shalt  }
0x3e: {  	_ =	shalt  }
0x3f: {  	_ =	shalt  }
0x40: {  	_ =	shalt  }
0x41: {  	_ =	shalt  }
0x42: {  	_ =	shalt  }
0x43: {  	_ =	shalt  }
0x44: {  	_ =	shalt  }
0x45: {  	_ =	shalt  }
0x46: {  	_ =	shalt  }
0x47: {  	_ =	shalt  }
0x48: {  	_ =	shalt  }
0x49: {  	_ =	shalt  }
0x4a: {  	_ =	shalt  }
0x4b: {  	_ =	shalt  }
0x4c: {  	_ =	shalt  }
0x4d: {  	_ =	shalt  }
0x4e: {  	_ =	shalt  }
0x4f: {  	_ =	shalt  }
0x50: {  	_ =	shalt  }
0x51: {  	_ =	shalt  }
0x52: {  	_ =	shalt  }
0x53: {  	_ =	shalt  }
0x54: {  	_ =	shalt  }
0x55: {  	_ =	shalt  }
0x56: {  	_ =	shalt  }
0x57: {  	_ =	shalt  }
0x58: {  	_ =	shalt  }
0x59: {  	_ =	shalt  }
0x5a: {  	_ =	shalt  }
0x5b: {  	_ =	shalt  }
0x5c: {  	_ =	shalt  }
0x5d: {  	_ =	shalt  }
0x5e: {  	_ =	shalt  }
0x5f: {  	_ =	shalt  }
0x60: {  	_ =	shalt  }
0x61: {  	_ =	shalt  }
0x62: {  	_ =	shalt  }
0x63: {  	_ =	shalt  }
0x64: {  	_ =	shalt  }
0x65: {  	_ =	shalt  }
0x66: {  	_ =	shalt  }
0x67: {  	_ =	shalt  }
0x68: {  	_ =	shalt  }
0x69: {  	_ =	shalt  }
0x6a: {  	_ =	shalt  }
0x6b: {  	_ =	shalt  }
0x6c: {  	_ =	shalt  }
0x6d: {  	_ =	shalt  }
0x6e: {  	_ =	shalt  }
0x6f: {  	_ =	shalt  }
0x70: {  	_ =	shalt  }
0x71: {  	_ =	shalt  }
0x72: {  	_ =	shalt  }
0x73: {  	_ =	shalt  }
0x74: {  	_ =	shalt  }
0x75: {  	_ =	shalt  }
0x76: {  	_ =	shalt  }
0x77: {  	_ =	shalt  }
0x78: {  	_ =	shalt  }
0x79: {  	_ =	shalt  }
0x7a: {  	_ =	shalt  }
0x7b: {  	_ =	shalt  }
0x7c: {  	_ =	shalt  }
0x7d: {  	_ =	shalt  }
0x7e: {  	_ =	shalt  }
0x7f: {  	_ =	shalt  }
0x80: {  	_ =	shalt  }
0x81: {  	_ =	shalt  }
0x82: {  	_ =	shalt  }
0x83: {  	_ =	shalt  }
0x84: {  	_ =	shalt  }
0x85: {  	_ =	shalt  }
0x86: {  	_ =	shalt  }
0x87: {  	_ =	shalt  }
.Lfunc_end0:
.L_simem_size_0:
called_computation_lowered:
.L_overlay_start_0:
0x88: {  	s2 =	sld [smem:$0x3FD9]  }
0x89: {  	s3 =	sld [smem:$0x3FFE];
	_ =	sdelay $0x1  }
0x8a: {  	s1 =	srdreg.scid  }
0x8b: {  	s0 =	sand.u32 $0x1, s1  }
0x8c: {  	s17 =	sshll.u32 s0, $0xA;
	s2 =	sadd.s32 s3, s2  }
0x8d: {  	s2 =	sadd.s32 s2, s17  }
0x8e: {  	[smem:$0x3FC6] =	sst s2  }
0x8f: {  	_ = 	snop  }
0x90: {  	s2 =	sld [smem:$0x3FD0];
	(tm) =	ssettm $0x1  }
0x91: {  	s18 =	sld [smem:$0x3FFB];
	_ =	sdelay $0x3  }
0x92: {  	_ =	strace s18  }
0x93: {  	s3 =	sld [smem:$0x3FFC];
	_ =	sdelay $0x3  }
0x94: {  	_ =	strace s3  }
0x95: {  	s3 =	sld [smem:$0x3FFD];
	_ =	sdelay $0x3  }
0x96: {  	_ =	strace s3  }
0x97: {  	_ =	strace $0x8FFFFFFF  }
0x98: {  	s19 =	sld [smem:$0x3FDB];
	_ =	sdelay $0x1  }
0x99: {  	s4 =	simm.s32 $_scs_section_size  }
0x9a: {  	s5 =	simm.s32 $_size__tile_overlayer_lowered;
	s6 =	simm.s32 $_tile_overlayer_lowered  }
0x9b: {  	s22 =	simm.s32 $0x1BFF;
	s21 =	sshll.u32 s6, $0x1;
	s3 =	sadd.s32 s4, s19  }
0x9c: {  	s7 =	simm.s32 $0x0;
	s20 =	sshll.u32 s5, $0x1;
	s5 =	sadd.s32 s21, s3  }
0x9d: {  	[timem:s7], [sflag:s22] =	dma.local [hbm:s5], s20  }
0x9e: {  	_ =	swait.ge [sflag:s22], s20  }
0x9f: {  	s4 =	ssub.s32 $0x0, s20;
	[sflag:s22] =	ssyncset.done $0x0  }
0xa0: {  	[sflag:s22] =	ssyncadd.s32 s4;
	_ =	sdelay $0x1  }
0xa1: {  	s23 =	simm.s32 $0x1B8B  }
0xa2: {  	_ =	swait.ge [sflag:s23], $0x1  }
0xa3: {  	[sflag:s23] =	ssyncset.done $0x0  }
0xa4: {  	s25 =	simm.s32 $0x1B8E;
	s24 =	sld [smem:$0x3FFE];
	[sflag:s23] =	ssyncadd.s32 $0xFFFFFFFF  }
0xa5: {  	s26 =	simm.s32 $execute0_lowered;
	[smem:$0x3FD2] =	sst s25  }
0xa6: {  	s5 =	sshll.u32 s26, $0x1;
	_ =	strace $0x80000046;
	[dreg:$0x1] =	wrdreg $0xFFFFFFFF  }
0xa7: {  	s28 =	simm.s32 $_size_execute0_lowered;
	s3 =	sadd.s32 s3, s5;
	[dreg:$0x0] =	wrdreg $0x0  }
0xa8: {  	s5 =	sshll.u32 s28, $0x1;
	[dreg:$0x2] =	wrdreg s3  }
0xa9: {  	[dreg:$0x3] =	wrdreg s5  }
0xaa: {  	[dreg:$0x4] =	wrdreg $0xC0  }
0xab: {  	_ =	task [dreg:s7], $0x5FFFF  }
0xac: {  	[dreg:$0x1] =	wrdreg $0xFFFFFFFF  }
0xad: {  	[dreg:$0x0] =	wrdreg $0x60  }
0xae: {  	[dreg:$0x2] =	wrdreg s24  }
0xaf: {  	[dreg:$0x3] =	wrdreg s2  }
0xb0: {  	[dreg:$0x4] =	wrdreg $0x9  }
0xb1: {  	_ =	task.clear_ibuf [dreg:s7], $0x5FFFF;
	_ =	strace $0x90000046  }
0xb2: {  	s29 =	simm.s32 $0x9;
	_ =	strace $0x80000048  }
0xb3: {  	_ =	swait.ge [sflag:s29], $0x1  }
0xb4: {  	[sflag:s29] =	ssyncadd.s32 $0xFFFFFFFF  }
0xb5: {  	_ =	strace $0x90000048  }
0xb6: {  	_ =	sfence  }
0xb7: {  	s30 =	sld [smem:$0x0];
	_ =	sdelay $0x2  }
0xb8: {  	s31 =	sshll.u32 s1, $0xD;
	s1 =	sshrl.u32 s1, $0x2  }
0xb9: {  	s3 =	sand.u32 $0x4000, s31;
	s1 =	sadd.s32 s1, s30  }
0xba: {  	s0 =	sor.u32 s3, s0;
	s1 =	sshll.u32 s1, $0x11  }
0xbb: {  	s0 =	sor.u32 s1, s0  }
0xbc: {  	s0 =	sadd.s32 $0x8F2B, s0  }
0xbd: {  	[sflag:s0] =	ssyncadd.remote.s32 $0x1  }
0xbe: {  	_ =	sfence.sel $0xFFFF  }
0xbf: {  	[dreg:$0x0] =	wrdreg $0xFFFFFFFF;
	(pc) =	sbr.abs _section_cstart, $3  }
0xc0: {  	[dreg:$0x1] =	wrdreg $0xFFFFFFFF  }
0xc1: {  	_ =	task.clear_ibuf [dreg:s7], $0x2FFFF;
	_ =	strace $0x9FFFFFFF  }
0xc2: {  	(tm) =	ssettm $0x7FFFFFFF  }
0xc3: {  	_ =	shalt  }
tec
execute0_lowered:
.L_overlay_start_1:
0x0: {  	(tag) =	ssettag $0x1  }
0x1: {  	s1 =	srdreg.scid  }
0x2: {  	s2 =	stileid.u32;
	s1 =	sand.u32 $0x1, s1  }
0x3: {  	s2 =	sor.u32 s2, s1  }
0x4: {  	p0 =	sne.s32 s2, $0x0  }
.Ltmp0:
0x5: {  	_ = 	snop;
	(pc) =	sbr.rel @!p0 .LBB2_1-.Ltmp0, $4  }
0x6: {  	_ = 	snop  }
0x7: {  	s3 =	simm.s32 $0x0  }
0x8: {  	[smem:$0x7FF] =	sst s3  }
0x9: {  	s0 =	rddreg [dreg:$0x0];
	_ =	strace $0x80000047  }
.LBB2_13:
0xa: {  	_ =	sfence.sel $0x180000  }
0xb: {  	[bflag:$0x0] =	sbarrier.arrive $0xFFFF  }
0xc: {  	_ =	strace $0x90000047  }
0xd: {  	s0 =	stileid.u32;
	[bflag:$0x2] =	sbarrier.arrive $0xFFFF  }
0xe: {  	p0 =	sne.s32 s0, $0x0;
	s0 =	rddreg [dreg:$0x2]  }
0xf: {  	s0 =	sadd.s32 @!p0 $0x100000, s0  }
0x10: {  	[sflag:s0] =	ssyncadd.tile.s32 @!p0 $0x1;
	_ =	shalt  }
.LBB2_1:
0x11: {  	v0 =	vimm.f32 $1.000000000e+00;
	v1 =	vlaneseq.u32  }
0x12: {  	v2 =	vor.u32 $0x10, v1;
	v3 =	vor.u32 $0x20, v1;
	v4 =	vor.u32 $0x30, v1  }
.Ltmp1:
0x13: {  	s2 =	sadd.s32 $0x800, s0;
	v5 =	vor.u32 $0x40, v1;
	v6 =	vor.u32 $0x50, v1;
	v7 =	vor.u32 $0x60, v1;
	(pc) =	sbr.rel .LBB2_2-.Ltmp1, $4  }
0x14: {  	s1 =	ssub.s32 $0x2, s1;
	s3 =	sadd.s32 $0xC600, s0;
	[dreg:$0x3] =	wrdreg s2;
	v8 =	vor.u32 $0x70, v1;
	v9 =	vor.u32 $0x80, v1;
	v10 =	vor.u32 $0x90, v1  }
0x15: {  	s29 =	sadd.s32 $0xC400, s0;
	s28 =	sshrl.u32 s1, $0x1;
	[dreg:$0x4] =	wrdreg s3;
	v11 =	vor.u32 $0xA0, v1;
	v12 =	vor.u32 $0xB0, v1;
	v13 =	vor.u32 $0xC0, v1  }
0x16: {  	[dreg:$0x5] =	wrdreg s29;
	v14 =	vor.u32 $0xD0, v1;
	v15 =	vor.u32 $0xE0, v1;
	v16 =	vor.u32 $0xF0, v1;
	s31 =	ssub.s32 s1, s28  }
0x17: {  	s30 =	simm.s32 $0x1;
	v17 =	vor.u32 $0x100, v1;
	v18 =	vor.u32 $0x110, v1;
	v19 =	vor.u32 $0x120, v1;
	s1 =	simm.s32 $0x0;
	[dreg:$0x6] =	wrdreg s31  }
.LBB2_12:
0x18: {  	s0 =	rddreg [dreg:$0x1];
	s1 =	simm.s32 $0x0;
	s2 =	simm.s32 $0x2180  }
0x19: {  	[hbm4b:s0+s1] =	stream.linear.scatter [tilespmem:s2], [sflag:$0x1], $0x400, $0x38;
	[tilespmem:$0x2700] =	vst v63  }
0x1a: {  	_ =	swait.ge [sflag:s30], $0x400  }
0x1b: {  	s29 =	rddreg [dreg:$0x7]  }
0x1c: {  	s31 =	rddreg [dreg:$0x6];
	s1 =	sadd.s32 $0x1, s29  }
0x1d: {  	p0 =	sne.s32 s1, s31  }
.Ltmp2:
0x1e: {  	_ = 	snop;
	(pc) =	sbr.rel @!p0 .LBB2_13-.Ltmp2, $3  }
0x1f: {  	_ =	sdelay $0x1  }
0x20: {  	[sflag:s30] =	ssyncset.done $0x0  }
0x21: {  	[sflag:s30] =	ssyncadd.s32 $0xFFFFFC00  }
.LBB2_2:
0x22: {  	[dreg:$0x7] =	wrdreg s1  }
0x23: {  	s1 =	simm.s32 $0x0;
	s0 =	rddreg [dreg:$0x4]  }
0x24: {  	[tilespmem:s1], [sflag:$0x1] =	stream.linear.gather [hbm4b:s0+s1], $0x1000, $0x38;
	[tilespmem:$0x2700] =	vst v63  }
0x25: {  	_ =	swait.ge [sflag:s30], $0x1000  }
0x26: {  	[sflag:s30] =	ssyncset.done $0x0  }
0x27: {  	s3 =	simm.s32 $0x1000;
	s31 =	rddreg [dreg:$0x5];
	[sflag:s30] =	ssyncadd.s32 $0xFFFFF000  }
0x28: {  	[tilespmem:s3], [sflag:$0x1] =	stream.linear.gather [hbm4b:s31+s1], $0x1000, $0x38;
	[tilespmem:$0x2700] =	vst v63  }
0x29: {  	_ =	swait.ge [sflag:s30], $0x1000  }
0x2a: {  	[sflag:s30] =	ssyncset.done $0x0  }
0x2b: {  	[sflag:s30] =	ssyncadd.s32 $0xFFFFF000  }
0x2c: {  	[tilespmem:$0x2000] =	vst v0  }
0x2d: {  	[tilespmem:$0x2010] =	vst v0  }
0x2e: {  	[tilespmem:$0x2020] =	vst v0  }
0x2f: {  	[tilespmem:$0x2030] =	vst v0  }
0x30: {  	[tilespmem:$0x2040] =	vst v0  }
0x31: {  	[tilespmem:$0x2050] =	vst v0  }
0x32: {  	[tilespmem:$0x2060] =	vst v0  }
0x33: {  	[tilespmem:$0x2070] =	vst v0  }
0x34: {  	[tilespmem:$0x2080] =	vst v0  }
0x35: {  	[tilespmem:$0x2090] =	vst v0  }
0x36: {  	[tilespmem:$0x20A0] =	vst v0  }
0x37: {  	[tilespmem:$0x20B0] =	vst v0  }
0x38: {  	[tilespmem:$0x20C0] =	vst v0  }
0x39: {  	[tilespmem:$0x20D0] =	vst v0  }
0x3a: {  	[tilespmem:$0x20E0] =	vst v0  }
.Ltmp3:
0x3b: {  	[tilespmem:$0x20F0] =	vst v0;
	(pc) =	sbr.rel .LBB2_3-.Ltmp3, $4  }
0x3c: {  	[tilespmem:$0x2100] =	vst v0  }
0x3d: {  	[tilespmem:$0x2110] =	vst v0  }
0x3e: {  	[tilespmem:$0x2120] =	vst v0  }
0x3f: {  	s29 =	simm.s32 $0x2180;
	s23 =	simm.s32 $0x0;
	s18 =	simm.s32 $0x0;
	[tilespmem:$0x2130] =	vst v0  }
.LBB2_11:
0x40: {  	vm0 =	veq.s32 v1, $0x0  }
0x41: {  	vm13 =	veq.s32 v1, $0x1;
	v20 =	vsel vm0, s19, v20  }
0x42: {  	vm14 =	veq.s32 v1, $0x2;
	v20 =	vsel vm13, s20, v20  }
0x43: {  	vm15 =	veq.s32 v1, $0x3;
	v20 =	vsel vm14, s21, v20  }
0x44: {  	v20 =	vsel vm15, s22, v20  }
0x45: {  	[tilespmem:s29+$0x0] =	vst v20  }
0x46: {  	v20 =	vld @!p0 [tilespmem:s19+$0x2000];
	_ =	sdelay $0x2  }
0x47: {  	v21 =	vlaneseq.u32 @!p0  }
0x48: {  	vm0 =	veq.s32 @!p0 v21, $0x0  }
0x49: {  	v20 =	vsel @!p0 vm0, $0x0, v20  }
0x4a: {  	[tilespmem:s19+$0x2000] =	vst @!p0 v20;
	p0 =	slt.s32 s20, $0x0  }
0x4b: {  	v20 =	vld @!p0 [tilespmem:s20+$0x2000];
	_ =	sdelay $0x2  }
0x4c: {  	v21 =	vlaneseq.u32 @!p0  }
0x4d: {  	vm0 =	veq.s32 @!p0 v21, $0x0  }
0x4e: {  	v20 =	vsel @!p0 vm0, $0x0, v20  }
0x4f: {  	[tilespmem:s20+$0x2000] =	vst @!p0 v20;
	p0 =	slt.s32 s21, $0x0  }
0x50: {  	v20 =	vld @!p0 [tilespmem:s21+$0x2000];
	_ =	sdelay $0x2  }
0x51: {  	v21 =	vlaneseq.u32 @!p0  }
0x52: {  	vm0 =	veq.s32 @!p0 v21, $0x0  }
0x53: {  	v20 =	vsel @!p0 vm0, $0x0, v20  }
0x54: {  	[tilespmem:s21+$0x2000] =	vst @!p0 v20;
	p0 =	slt.s32 s22, $0x0  }
0x55: {  	s0 =	sadd.s32 $0x1, s18;
	v20 =	vld @!p0 [tilespmem:s22+$0x2000]  }
0x56: {  	p1 =	sne.s32 s0, $0xFA  }
.Ltmp4:
0x57: {  	_ = 	snop;
	(pc) =	sbr.rel @!p1 .LBB2_12-.Ltmp4, $4  }
0x58: {  	v21 =	vlaneseq.u32 @!p0  }
0x59: {  	s1 =	rddreg [dreg:$0x8];
	vm0 =	veq.s32 @!p0 v21, $0x0  }
0x5a: {  	s23 =	sadd.s32 $0x200, s23;
	s3 =	rddreg [dreg:$0x9];
	s18 =	smov.u32 s0;
	v20 =	vsel @!p0 vm0, $0x0, v20  }
0x5b: {  	s1 =	sadd.s32 $0x10, s1;
	s3 =	sadd.s32 $0x10, s3;
	s29 =	sadd.s32 $0x4, s29;
	[tilespmem:s22+$0x2000] =	vst @!p0 v20  }
.LBB2_3:
0x5c: {  	v20 =	vld [tilespmem:s1+$0x0];
	_ =	sdelay $0x4  }
0x5d: {  	(v2sf) =	vpush v20, $0x0;
	_ =	sdelay $0xe  }
0x5e: {  	s24 =	spop (v2sf)  }
0x5f: {  	v21 =	vld [tilespmem:s24+$0x2000];
	_ =	sdelay $0x4  }
0x60: {  	(v2sf) =	vpush v21, $0x0  }
0x61: {  	(v2sf) =	vpush v20, $0x1;
	_ =	sdelay $0xd  }
0x62: {  	s30 =	spop (v2sf)  }
0x63: {  	s26 =	spop (v2sf)  }
0x64: {  	v21 =	vld [tilespmem:s26+$0x2000];
	_ =	sdelay $0x4  }
0x65: {  	(v2sf) =	vpush v21, $0x0  }
0x66: {  	(v2sf) =	vpush v20, $0x2;
	_ =	sdelay $0xd  }
0x67: {  	s8 =	spop (v2sf)  }
0x68: {  	[dreg:$0xf] =	wrdreg s29;
	s29 =	spop (v2sf)  }
0x69: {  	v21 =	vld [tilespmem:s29+$0x2000];
	_ =	sdelay $0x4  }
0x6a: {  	(v2sf) =	vpush v21, $0x0  }
0x6b: {  	(v2sf) =	vpush v20, $0x3;
	_ =	sdelay $0xd  }
0x6c: {  	s0 =	spop (v2sf)  }
0x6d: {  	s19 =	spop (v2sf)  }
0x6e: {  	v21 =	vld [tilespmem:s19+$0x2000];
	_ =	sdelay $0x4  }
0x6f: {  	(v2sf) =	vpush v21, $0x0  }
0x70: {  	(v2sf) =	vpush v20, $0x4;
	_ =	sdelay $0xd  }
0x71: {  	s12 =	spop (v2sf)  }
0x72: {  	s15 =	spop (v2sf)  }
0x73: {  	v21 =	vld [tilespmem:s15+$0x2000];
	_ =	sdelay $0x4  }
0x74: {  	(v2sf) =	vpush v21, $0x0  }
0x75: {  	(v2sf) =	vpush v20, $0x5;
	_ =	sdelay $0xd  }
0x76: {  	s11 =	spop (v2sf)  }
0x77: {  	s13 =	spop (v2sf)  }
0x78: {  	v21 =	vld [tilespmem:s13+$0x2000];
	_ =	sdelay $0x4  }
0x79: {  	(v2sf) =	vpush v21, $0x0  }
0x7a: {  	(v2sf) =	vpush v20, $0x6;
	_ =	sdelay $0xd  }
0x7b: {  	[dreg:$0xa] =	wrdreg s23;
	s23 =	spop (v2sf)  }
0x7c: {  	s10 =	spop (v2sf)  }
0x7d: {  	v21 =	vld [tilespmem:s10+$0x2000];
	_ =	sdelay $0x4  }
0x7e: {  	(v2sf) =	vpush v21, $0x0  }
0x7f: {  	(v2sf) =	vpush v20, $0x7;
	_ =	sdelay $0xd  }
0x80: {  	s14 =	spop (v2sf)  }
0x81: {  	s20 =	spop (v2sf)  }
0x82: {  	v21 =	vld [tilespmem:s20+$0x2000];
	_ =	sdelay $0x4  }
0x83: {  	(v2sf) =	vpush v21, $0x0  }
0x84: {  	(v2sf) =	vpush v20, $0x8;
	_ =	sdelay $0xd  }
0x85: {  	s2 =	spop (v2sf)  }
0x86: {  	s9 =	spop (v2sf)  }
0x87: {  	v21 =	vld [tilespmem:s9+$0x2000];
	_ =	sdelay $0x4  }
0x88: {  	(v2sf) =	vpush v21, $0x0  }
0x89: {  	(v2sf) =	vpush v20, $0x9;
	_ =	sdelay $0xd  }
0x8a: {  	s5 =	spop (v2sf)  }
0x8b: {  	s31 =	spop (v2sf)  }
0x8c: {  	v21 =	vld [tilespmem:s31+$0x2000];
	_ =	sdelay $0x4  }
0x8d: {  	(v2sf) =	vpush v21, $0x0  }
0x8e: {  	(v2sf) =	vpush v20, $0xA;
	_ =	sdelay $0xd  }
0x8f: {  	s7 =	spop (v2sf)  }
0x90: {  	s28 =	spop (v2sf)  }
0x91: {  	v21 =	vld [tilespmem:s28+$0x2000];
	_ =	sdelay $0x4  }
0x92: {  	(v2sf) =	vpush v21, $0x0  }
0x93: {  	(v2sf) =	vpush v20, $0xB;
	_ =	sdelay $0xd  }
0x94: {  	s4 =	spop (v2sf)  }
0x95: {  	s21 =	spop (v2sf)  }
0x96: {  	v21 =	vld [tilespmem:s21+$0x2000];
	_ =	sdelay $0x4  }
0x97: {  	(v2sf) =	vpush v21, $0x0  }
0x98: {  	(v2sf) =	vpush v20, $0xC;
	_ =	sdelay $0xd  }
0x99: {  	[dreg:$0x17] =	wrdreg s9;
	s9 =	spop (v2sf)  }
0x9a: {  	s16 =	spop (v2sf)  }
0x9b: {  	v21 =	vld [tilespmem:s16+$0x2000];
	_ =	sdelay $0x4  }
0x9c: {  	(v2sf) =	vpush v21, $0x0  }
0x9d: {  	(v2sf) =	vpush v20, $0xD;
	_ =	sdelay $0xd  }
0x9e: {  	s17 =	spop (v2sf)  }
0x9f: {  	s22 =	spop (v2sf)  }
0xa0: {  	v21 =	vld [tilespmem:s22+$0x2000];
	_ =	sdelay $0x4  }
0xa1: {  	(v2sf) =	vpush v21, $0x0  }
0xa2: {  	(v2sf) =	vpush v20, $0xE;
	_ =	sdelay $0xd  }
0xa3: {  	s25 =	spop (v2sf)  }
0xa4: {  	[dreg:$0x8] =	wrdreg s1;
	s1 =	spop (v2sf)  }
0xa5: {  	v21 =	vld [tilespmem:s1+$0x2000];
	_ =	sdelay $0x4  }
0xa6: {  	(v2sf) =	vpush v21, $0x0  }
0xa7: {  	(v2sf) =	vpush v20, $0xF;
	_ =	sdelay $0xd  }
0xa8: {  	s6 =	spop (v2sf)  }
0xa9: {  	[dreg:$0x12] =	wrdreg s22;
	s22 =	spop (v2sf)  }
0xaa: {  	v20 =	vld [tilespmem:s22+$0x2000]  }
0xab: {  	v21 =	vld [tilespmem:s3+$0x0];
	_ =	sdelay $0x3  }
0xac: {  	(v2sf) =	vpush v20, $0x0  }
0xad: {  	(v2sf) =	vpush v21, $0x3;
	_ =	sdelay $0x1  }
0xae: {  	(v2sf) =	vpush v21, $0x2;
	_ =	sdelay $0x1  }
0xaf: {  	(v2sf) =	vpush v21, $0x1;
	_ =	sdelay $0x1  }
0xb0: {  	(v2sf) =	vpush v21, $0x0;
	_ =	sdelay $0x6  }
0xb1: {  	p1 =	sgt.f32 s8, $0.0e+00  }
0xb2: {  	p2 =	sgt.f32 s12, $0.0e+00;
	s8 =	spop (v2sf)  }
0xb3: {  	[dreg:$0xb] =	wrdreg s16;
	s16 =	spop (v2sf)  }
0xb4: {  	p3 =	sgt.f32 s0, $0.0e+00;
	p4 =	sle.f32 s16, $2.000000030e-01  }
0xb5: {  	s19 =	simm.s32 @!p2 $0xFFFFFFFE;
	[dreg:$0xc] =	wrdreg s17;
	s17 =	spop (v2sf)  }
0xb6: {  	p2 =	sle.f32 s17, $2.000000030e-01;
	s19 =	simm.s32 @p4 $0xFFFFFFFF  }
0xb7: {  	[dreg:$0xd] =	wrdreg s25;
	s25 =	spop (v2sf);
	s19 =	smov.u32 @p3 s29  }
0xb8: {  	p3 =	sle.f32 s25, $2.000000030e-01;
	s19 =	simm.s32 @p2 $0xFFFFFFFF  }
0xb9: {  	p0 =	sgt.f32 s30, $0.0e+00;
	s30 =	spop (v2sf);
	s19 =	smov.u32 @p1 s26  }
0xba: {  	p1 =	sle.f32 s30, $2.000000030e-01;
	s19 =	simm.s32 @p3 $0xFFFFFFFF  }
0xbb: {  	s19 =	smov.u32 @p0 s24  }
0xbc: {  	[dreg:$0x9] =	wrdreg s3;
	s19 =	simm.s32 @p1 $0xFFFFFFFF  }
0xbd: {  	[dreg:$0x11] =	wrdreg s5;
	p0 =	sne.s32 s19, $0xFFFFFFFE  }
.Ltmp5:
0xbe: {  	s29 =	rddreg [dreg:$0xf];
	(pc) =	sbr.rel @p0 .LBB2_5-.Ltmp5, $4  }
0xbf: {  	[dreg:$0x13] =	wrdreg s4;
	v20 =	vld [tilespmem:s29+$0x0]  }
0xc0: {  	[dreg:$0x15] =	wrdreg s1  }
0xc1: {  	[dreg:$0xe] =	wrdreg s6  }
0xc2: {  	[dreg:$0x10] =	wrdreg s8  }
0xc3: {  	s0 =	sshrl.u32 s18, $0x1  }
0xc4: {  	s3 =	rddreg [dreg:$0xa];
	s0 =	smul.u32 $0xC00, s0  }
0xc5: {  	[dreg:$0x14] =	wrdreg s18;
	s3 =	sand.u32 $0x200, s3  }
0xc6: {  	s24 =	rddreg [dreg:$0x3];
	s0 =	sor.u32 s3, s0  }
0xc7: {  	s25 =	simm.s32 $0x80;
	s4 =	simm.s32 $0x400;
	s0 =	sshrl.u32 s0, $0x3  }
0xc8: {  	s5 =	simm.s32 $0x2580;
	s26 =	simm.s32 $0x1;
	s0 =	sadd.s32 s24, s0  }
0xc9: {  	[tilespmem:s5], [sflag:$0x1] =	stream.strided.gather [hbm4b:s0+s25], $0x180, s4, s25, $0x38;
	[tilespmem:$0x2700] =	vst v63  }
0xca: {  	_ =	swait.ge [sflag:s26], $0x180  }
0xcb: {  	[sflag:s26] =	ssyncset.done $0x0  }
0xcc: {  	[sflag:s26] =	ssyncadd.s32 $0xFFFFFE80  }
0xcd: {  	v22 =	vld [tilespmem:$0x2580]  }
0xce: {  	v23 =	vld [tilespmem:$0x2000]  }
0xcf: {  	v24 =	vld [tilespmem:$0x2590]  }
0xd0: {  	v25 =	vld [tilespmem:$0x2010]  }
0xd1: {  	v26 =	vld [tilespmem:$0x25A0]  }
0xd2: {  	v27 =	vld [tilespmem:$0x2020]  }
0xd3: {  	v28 =	vld [tilespmem:$0x2030];
	v22 =	vmul.f32 v23, v22  }
0xd4: {  	v23 =	vld [tilespmem:$0x25B0]  }
0xd5: {  	v63 =	vld [tilespmem:$0x25C0];
	v24 =	vmul.f32 v25, v24;
	vm0 =	vgt.f32 v22, $-1.000000000e+00  }
0xd6: {  	v29 =	vld [tilespmem:$0x2040];
	v22 =	vnsel vm0, $0xBF800000, v22  }
0xd7: {  	v33 =	vld [tilespmem:$0x25D0];
	v26 =	vmul.f32 v27, v26;
	vm1 =	vgt.f32 v24, v22  }
0xd8: {  	v30 =	vimm.s32 $0x0;
	v34 =	vld [tilespmem:$0x2050];
	v22 =	vsel vm1, v24, v22  }
0xd9: {  	v36 =	vld [tilespmem:$0x25E0];
	v30 =	vsel vm1, $0xFFFFFFFF, v30;
	v23 =	vmul.f32 v28, v23;
	vm1 =	vgt.f32 v26, v22  }
0xda: {  	v35 =	vimm.s32 $0x0;
	v37 =	vld [tilespmem:$0x2060];
	v22 =	vsel vm1, v26, v22  }
0xdb: {  	v39 =	vld [tilespmem:$0x25F0];
	v25 =	vmul.f32 v29, v63;
	[tilespmem:$0x1FFD0] =	vst v30;
	v30 =	vsel vm1, $0xFFFFFFFF, v35;
	vm1 =	vgt.f32 v23, v22  }
0xdc: {  	v22 =	vsel vm1, v23, v22;
	v23 =	vld [tilespmem:$0x2070]  }
0xdd: {  	v40 =	vld [tilespmem:$0x2600];
	v24 =	vmul.f32 v34, v33;
	vm4 =	vgt.f32 v25, v22  }
0xde: {  	v41 =	vld [tilespmem:$0x2080];
	v22 =	vsel vm4, v25, v22  }
0xdf: {  	v42 =	vld [tilespmem:$0x2610];
	v26 =	vmul.f32 v37, v36;
	vm5 =	vgt.f32 v24, v22  }
0xe0: {  	v43 =	vld [tilespmem:$0x2090];
	v22 =	vsel vm5, v24, v22  }
0xe1: {  	v44 =	vld [tilespmem:$0x2620];
	vm6 =	vgt.f32 v26, v22;
	v23 =	vmul.f32 v23, v39  }
0xe2: {  	v45 =	vld [tilespmem:$0x20A0];
	v22 =	vsel vm6, v26, v22  }
0xe3: {  	v46 =	vld [tilespmem:$0x2630];
	v25 =	vmul.f32 v41, v40;
	vm7 =	vgt.f32 v23, v22  }
0xe4: {  	v22 =	vsel vm7, v23, v22;
	v23 =	vld [tilespmem:$0x20B0]  }
0xe5: {  	v47 =	vld [tilespmem:$0x2640];
	v24 =	vmul.f32 v43, v42;
	vm8 =	vgt.f32 v25, v22  }
0xe6: {  	v48 =	vld [tilespmem:$0x20C0];
	v22 =	vsel vm8, v25, v22  }
0xe7: {  	v49 =	vld [tilespmem:$0x2650];
	v26 =	vmul.f32 v45, v44;
	vm9 =	vgt.f32 v24, v22  }
0xe8: {  	v50 =	vld [tilespmem:$0x20D0];
	v22 =	vsel vm9, v24, v22  }
0xe9: {  	v51 =	vld [tilespmem:$0x2660];
	vm10 =	vgt.f32 v26, v22;
	v23 =	vmul.f32 v23, v46  }
0xea: {  	v52 =	vld [tilespmem:$0x20E0];
	v22 =	vsel vm10, v26, v22  }
0xeb: {  	v53 =	vld [tilespmem:$0x2670];
	v25 =	vmul.f32 v48, v47;
	vm11 =	vgt.f32 v23, v22  }
0xec: {  	v22 =	vsel vm11, v23, v22;
	v23 =	vld [tilespmem:$0x20F0]  }
0xed: {  	v54 =	vld [tilespmem:$0x2680];
	v24 =	vmul.f32 v50, v49;
	vm12 =	vgt.f32 v25, v22  }
0xee: {  	v55 =	vld [tilespmem:$0x2100];
	v22 =	vsel vm12, v25, v22  }
0xef: {  	v56 =	vld [tilespmem:$0x2690];
	v26 =	vmul.f32 v52, v51;
	vm13 =	vgt.f32 v24, v22  }
0xf0: {  	v57 =	vld [tilespmem:$0x2110];
	v22 =	vsel vm13, v24, v22  }
0xf1: {  	vm14 =	vgt.f32 v26, v22;
	v23 =	vmul.f32 v23, v53  }
0xf2: {  	v22 =	vsel vm14, v26, v22  }
0xf3: {  	v25 =	vmul.f32 v55, v54;
	vm15 =	vgt.f32 v23, v22  }
0xf4: {  	v22 =	vsel vm15, v23, v22  }
0xf5: {  	v23 =	vmul.f32 v57, v56;
	vm2 =	vgt.f32 v25, v22  }
0xf6: {  	v38 =	vimm.s32 $0x0;
	v58 =	vld [tilespmem:$0x26A0];
	v22 =	vsel vm2, v25, v22  }
0xf7: {  	v59 =	vld [tilespmem:$0x2120];
	[tilespmem:$0x1FFE0] =	vst v30;
	v30 =	vsel vm1, $0xFFFFFFFF, v38;
	vm1 =	vgt.f32 v23, v22  }
0xf8: {  	v22 =	vsel vm1, v23, v22;
	v23 =	vld [tilespmem:$0x1FFD0]  }
0xf9: {  	v62 =	vld [tilespmem:$0x1FFE0];
	[tilespmem:$0x1FFF0] =	vst v30  }
0xfa: {  	v63 =	vld [tilespmem:$0x1FFF0];
	_ =	sdelay $0x1  }
0xfb: {  	v60 =	vmul.f32 v59, v58  }
0xfc: {  	v61 =	vnsel vm0, $0x0, v1;
	vm0 =	vnez.u8 v23  }
0xfd: {  	vm3 =	vnez.u8 v62;
	v23 =	vsel vm0, v2, v61;
	vm0 =	vgt.f32 v60, v22  }
0xfe: {  	v23 =	vsel vm3, v3, v23;
	v22 =	vsel vm0, v60, v22;
	vm3 =	vnez.u8 v63  }
0xff: {  	v23 =	vsel vm3, v4, v23;
	(v2sf) =	vpush v22, $0x0  }
0x100: {  	v23 =	vsel vm4, v5, v23;
	(v2sf) =	vpush v22, $0x1  }
0x101: {  	v23 =	vsel vm5, v6, v23;
	(v2sf) =	vpush v22, $0x2  }
0x102: {  	v23 =	vsel vm6, v7, v23;
	(v2sf) =	vpush v22, $0x3  }
0x103: {  	v23 =	vsel vm7, v8, v23;
	(v2sf) =	vpush v22, $0x4  }
0x104: {  	v23 =	vsel vm8, v9, v23;
	(v2sf) =	vpush v22, $0x5  }
0x105: {  	v23 =	vsel vm9, v10, v23;
	(v2sf) =	vpush v22, $0x6  }
0x106: {  	v23 =	vsel vm10, v11, v23;
	(v2sf) =	vpush v22, $0x7  }
0x107: {  	v23 =	vsel vm11, v12, v23;
	(v2sf) =	vpush v22, $0x8  }
0x108: {  	v23 =	vsel vm12, v13, v23;
	(v2sf) =	vpush v22, $0x9  }
0x109: {  	v23 =	vsel vm13, v14, v23;
	(v2sf) =	vpush v22, $0xA  }
0x10a: {  	v23 =	vsel vm14, v15, v23;
	(v2sf) =	vpush v22, $0xB  }
0x10b: {  	v23 =	vsel vm15, v16, v23;
	(v2sf) =	vpush v22, $0xC  }
0x10c: {  	v23 =	vsel vm2, v17, v23;
	(v2sf) =	vpush v22, $0xD  }
0x10d: {  	s1 =	smov.u32 s10;
	v23 =	vsel vm1, v18, v23;
	(v2sf) =	vpush v22, $0xE  }
0x10e: {  	s10 =	smov.u32 s13;
	s13 =	smov.u32 s15;
	v23 =	vsel vm0, v19, v23;
	s5 =	spop (v2sf);
	(v2sf) =	vpush v22, $0xF  }
0x10f: {  	s18 =	smov.u32 s14;
	[dreg:$0x16] =	wrdreg s9;
	s15 =	spop (v2sf);
	(v2sf) =	vpush v23, $0x0  }
0x110: {  	s25 =	smov.u32 s31;
	s14 =	spop (v2sf);
	s30 =	smax.f32 s5, s15  }
0x111: {  	s31 =	smov.u32 s7;
	s7 =	spop (v2sf);
	s0 =	smax.f32 s30, s14  }
0x112: {  	(v2sf) =	vpush v23, $0x1;
	s0 =	smax.f32 s0, s7;
	s9 =	spop (v2sf)  }
0x113: {  	s6 =	smov.u32 s11;
	s11 =	spop (v2sf);
	s0 =	smax.f32 s0, s9  }
0x114: {  	s4 =	spop (v2sf);
	s0 =	smax.f32 s0, s11  }
0x115: {  	(v2sf) =	vpush v23, $0x2;
	s0 =	smax.f32 s0, s4;
	s16 =	spop (v2sf)  }
0x116: {  	s3 =	spop (v2sf);
	s0 =	smax.f32 s0, s16  }
0x117: {  	(v2sf) =	vpush v23, $0x3;
	s8 =	smax.f32 s0, s3;
	s12 =	spop (v2sf)  }
0x118: {  	s0 =	spop (v2sf);
	s19 =	smax.f32 s8, s12  }
0x119: {  	s8 =	spop (v2sf);
	s19 =	smax.f32 s19, s0  }
0x11a: {  	(v2sf) =	vpush v23, $0x4;
	s19 =	smax.f32 s19, s8;
	s30 =	spop (v2sf)  }
0x11b: {  	s29 =	spop (v2sf);
	s19 =	smax.f32 s19, s30  }
0x11c: {  	(v2sf) =	vpush v23, $0x5;
	s24 =	smax.f32 s19, s29;
	s26 =	spop (v2sf)  }
0x11d: {  	s19 =	spop (v2sf);
	s24 =	smax.f32 s24, s26  }
0x11e: {  	(v2sf) =	vpush v23, $0x6;
	s24 =	smax.f32 s24, s19;
	s17 =	spop (v2sf)  }
0x11f: {  	p0 =	seq.f32 s5, s24;
	p1 =	slt.s32 s17, $0x40000000  }
0x120: {  	(v2sf) =	vpush v23, $0x7;
	s17 =	simm.s32 @!p1 $0x40000000  }
0x121: {  	s5 =	spop (v2sf);
	s17 =	simm.s32 @!p0 $0x40000000  }
0x122: {  	(v2sf) =	vpush v23, $0x8;
	p0 =	seq.f32 s15, s24;
	p1 =	slt.s32 s17, s5  }
0x123: {  	s5 =	smov.u32 @p1 s17;
	p1 =	seq.f32 s14, s24  }
0x124: {  	s17 =	smov.u32 @p0 s5;
	s5 =	spop (v2sf);
	(v2sf) =	vpush v23, $0x9  }
0x125: {  	p0 =	seq.f32 s7, s24;
	s5 =	simm.s32 @!p1 $0x40000000  }
0x126: {  	s7 =	spop (v2sf);
	p1 =	slt.s32 s17, s5  }
0x127: {  	s7 =	simm.s32 @!p0 $0x40000000;
	s5 =	smov.u32 @p1 s17  }
0x128: {  	p1 =	seq.f32 s9, s24;
	p0 =	slt.s32 s5, s7  }
0x129: {  	(v2sf) =	vpush v23, $0xA;
	s7 =	smov.u32 @p0 s5;
	s5 =	spop (v2sf)  }
0x12a: {  	p0 =	seq.f32 s11, s24;
	s5 =	simm.s32 @!p1 $0x40000000  }
0x12b: {  	(v2sf) =	vpush v23, $0xB;
	s9 =	spop (v2sf);
	p1 =	slt.s32 s7, s5  }
0x12c: {  	s9 =	simm.s32 @!p0 $0x40000000;
	s5 =	smov.u32 @p1 s7;
	p1 =	seq.f32 s4, s24  }
0x12d: {  	s4 =	spop (v2sf);
	(v2sf) =	vpush v23, $0xC;
	p0 =	slt.s32 s5, s9  }
0x12e: {  	s9 =	smov.u32 @p0 s5;
	s4 =	simm.s32 @!p1 $0x40000000  }
0x12f: {  	p0 =	seq.f32 s16, s24;
	s5 =	spop (v2sf);
	(v2sf) =	vpush v23, $0xD;
	p1 =	slt.s32 s9, s4  }
0x130: {  	s4 =	smov.u32 @p1 s9  }
0x131: {  	s5 =	simm.s32 @!p0 $0x40000000;
	p1 =	seq.f32 s3, s24;
	s3 =	spop (v2sf);
	(v2sf) =	vpush v23, $0xE  }
0x132: {  	p0 =	slt.s32 s4, s5  }
0x133: {  	s5 =	smov.u32 @p0 s4;
	s4 =	spop (v2sf);
	(v2sf) =	vpush v23, $0xF;
	_ =	sdelay $0x1  }
0x134: {  	s3 =	simm.s32 @!p1 $0x40000000;
	p0 =	seq.f32 s12, s24  }
0x135: {  	p1 =	slt.s32 s5, s3  }
0x136: {  	s3 =	smov.u32 @p1 s5;
	s4 =	simm.s32 @!p0 $0x40000000;
	p1 =	seq.f32 s0, s24  }
0x137: {  	s0 =	spop (v2sf);
	p0 =	slt.s32 s3, s4  }
0x138: {  	s4 =	smov.u32 @p0 s3;
	s0 =	simm.s32 @!p1 $0x40000000;
	p0 =	seq.f32 s8, s24  }
0x139: {  	s15 =	smov.u32 s13;
	p1 =	slt.s32 s4, s0;
	s3 =	spop (v2sf)  }
0x13a: {  	s0 =	smov.u32 @p1 s4;
	p1 =	seq.f32 s30, s24;
	s3 =	simm.s32 @!p0 $0x40000000  }
0x13b: {  	s13 =	smov.u32 s10;
	p0 =	slt.s32 s0, s3;
	s4 =	spop (v2sf)  }
0x13c: {  	s3 =	smov.u32 @p0 s0;
	p0 =	seq.f32 s29, s24;
	s4 =	simm.s32 @!p1 $0x40000000  }
0x13d: {  	s10 =	smov.u32 s1;
	s0 =	spop (v2sf);
	p1 =	slt.s32 s3, s4  }
0x13e: {  	s4 =	smov.u32 @p1 s3;
	s0 =	simm.s32 @!p0 $0x40000000;
	p1 =	seq.f32 s26, s24  }
0x13f: {  	s14 =	smov.u32 s18;
	p0 =	slt.s32 s4, s0;
	s3 =	spop (v2sf)  }
0x140: {  	s0 =	smov.u32 @p0 s4;
	s3 =	simm.s32 @!p1 $0x40000000;
	p0 =	seq.f32 s19, s24  }
0x141: {  	s18 =	rddreg [dreg:$0x14];
	p1 =	slt.s32 s0, s3;
	s19 =	spop (v2sf)  }
0x142: {  	s11 =	smov.u32 s6;
	s3 =	smov.u32 @p1 s0;
	s19 =	simm.s32 @!p0 $0x40000000  }
0x143: {  	s9 =	rddreg [dreg:$0x16];
	p1 =	sgt.f32 s24, $2.000000030e-01;
	p0 =	slt.s32 s3, s19  }
0x144: {  	s7 =	smov.u32 s31;
	s5 =	rddreg [dreg:$0x11];
	s19 =	smov.u32 @p0 s3  }
0x145: {  	s31 =	smov.u32 s25;
	s29 =	rddreg [dreg:$0xf];
	s19 =	simm.s32 @!p1 $0xFFFFFFFF  }
.LBB2_5:
0x146: {  	(v2sf) =	vpush v21, $0x7;
	_ =	sdelay $0x3  }
0x147: {  	(v2sf) =	vpush v21, $0x6;
	_ =	sdelay $0x2  }
0x148: {  	(v2sf) =	vpush v21, $0x5;
	_ =	sdelay $0x3  }
0x149: {  	(v2sf) =	vpush v21, $0x4;
	_ =	sdelay $0x3  }
0x14a: {  	p0 =	sgt.f32 s2, $0.0e+00;
	p1 =	sne.s32 s20, s19;
	s0 =	spop (v2sf)  }
0x14b: {  	s20 =	simm.s32 @!p1 $0xFFFFFFFE;
	p2 =	sle.f32 s0, $2.000000030e-01  }
0x14c: {  	s20 =	simm.s32 @!p0 $0xFFFFFFFE  }
0x14d: {  	p1 =	sne.s32 s10, s19;
	s20 =	simm.s32 @p2 $0xFFFFFFFF  }
0x14e: {  	p0 =	sgt.f32 s14, $0.0e+00;
	s24 =	spop (v2sf);
	s3 =	smov.u32 s20  }
0x14f: {  	p2 =	sle.f32 s24, $2.000000030e-01;
	s3 =	smov.u32 @p1 s10  }
0x150: {  	s20 =	smov.u32 @p0 s3  }
0x151: {  	s25 =	spop (v2sf);
	s20 =	simm.s32 @p2 $0xFFFFFFFF  }
0x152: {  	p1 =	sne.s32 s13, s19;
	p0 =	sgt.f32 s23, $0.0e+00;
	s3 =	smov.u32 s20  }
0x153: {  	p2 =	sle.f32 s25, $2.000000030e-01;
	s3 =	smov.u32 @p1 s13  }
0x154: {  	s20 =	smov.u32 @p0 s3  }
0x155: {  	s26 =	spop (v2sf);
	s20 =	simm.s32 @p2 $0xFFFFFFFF  }
0x156: {  	p1 =	sne.s32 s15, s19;
	p0 =	sgt.f32 s11, $0.0e+00;
	s3 =	smov.u32 s20  }
0x157: {  	p2 =	sle.f32 s26, $2.000000030e-01;
	s3 =	smov.u32 @p1 s15  }
0x158: {  	s20 =	smov.u32 @p0 s3  }
0x159: {  	s20 =	simm.s32 @p2 $0xFFFFFFFF  }
0x15a: {  	p1 =	sne.s32 s20, $0xFFFFFFFE  }
.Ltmp6:
0x15b: {  	_ = 	snop;
	(pc) =	sbr.rel @p1 .LBB2_7-.Ltmp6, $2  }
0x15c: {  	_ =	sdelay $0x2  }
0x15d: {  	s30 =	simm.s32 $0x1;
	s23 =	rddreg [dreg:$0xa];
	p0 =	slt.s32 s19, $0x0  }
0x15e: {  	v22 =	vld @!p0 [tilespmem:s19+$0x2000];
	s0 =	sshrl.u32 s18, $0x1  }
0x15f: {  	s0 =	smul.u32 $0xC00, s0  }
0x160: {  	s3 =	sand.u32 $0x200, s23  }
0x161: {  	v23 =	vlaneseq.u32 @!p0;
	s0 =	sor.u32 s0, s3  }
0x162: {  	s20 =	rddreg [dreg:$0x3];
	vm0 =	veq.s32 @!p0 v23, $0x0;
	s0 =	sshrl.u32 s0, $0x3  }
0x163: {  	s24 =	simm.s32 $0x80;
	v22 =	vsel @!p0 vm0, $0x0, v22;
	s0 =	sadd.s32 s0, s20  }
0x164: {  	s4 =	simm.s32 $0x400;
	s5 =	simm.s32 $0x2580;
	[tilespmem:s19+$0x2000] =	vst @!p0 v22;
	s0 =	sadd.s32 $0x10, s0  }
0x165: {  	[tilespmem:s5], [sflag:$0x1] =	stream.strided.gather [hbm4b:s0+s24], $0x180, s4, s24, $0x38;
	[tilespmem:$0x2700] =	vst v63  }
0x166: {  	_ =	swait.ge [sflag:s30], $0x180  }
0x167: {  	[sflag:s30] =	ssyncset.done $0x0  }
0x168: {  	[sflag:s30] =	ssyncadd.s32 $0xFFFFFE80  }
0x169: {  	v22 =	vld [tilespmem:$0x2580]  }
0x16a: {  	v23 =	vld [tilespmem:$0x2000]  }
0x16b: {  	v24 =	vld [tilespmem:$0x2590]  }
0x16c: {  	v25 =	vld [tilespmem:$0x2010]  }
0x16d: {  	v26 =	vld [tilespmem:$0x25A0]  }
0x16e: {  	v27 =	vld [tilespmem:$0x2020]  }
0x16f: {  	v28 =	vld [tilespmem:$0x2030];
	v22 =	vmul.f32 v23, v22  }
0x170: {  	v23 =	vld [tilespmem:$0x25B0]  }
0x171: {  	v63 =	vld [tilespmem:$0x25C0];
	v24 =	vmul.f32 v25, v24;
	vm0 =	vgt.f32 v22, $-1.000000000e+00  }
0x172: {  	v29 =	vld [tilespmem:$0x2040];
	v22 =	vnsel vm0, $0xBF800000, v22  }
0x173: {  	v33 =	vld [tilespmem:$0x25D0];
	v26 =	vmul.f32 v27, v26;
	vm1 =	vgt.f32 v24, v22  }
0x174: {  	v30 =	vimm.s32 $0x0;
	v34 =	vld [tilespmem:$0x2050];
	v22 =	vsel vm1, v24, v22  }
0x175: {  	v36 =	vld [tilespmem:$0x25E0];
	v30 =	vsel vm1, $0xFFFFFFFF, v30;
	v23 =	vmul.f32 v28, v23;
	vm1 =	vgt.f32 v26, v22  }
0x176: {  	v35 =	vimm.s32 $0x0;
	v37 =	vld [tilespmem:$0x2060];
	v22 =	vsel vm1, v26, v22  }
0x177: {  	v39 =	vld [tilespmem:$0x25F0];
	v25 =	vmul.f32 v29, v63;
	[tilespmem:$0x1FFA0] =	vst v30;
	v30 =	vsel vm1, $0xFFFFFFFF, v35;
	vm1 =	vgt.f32 v23, v22  }
0x178: {  	v22 =	vsel vm1, v23, v22;
	v23 =	vld [tilespmem:$0x2070]  }
0x179: {  	v40 =	vld [tilespmem:$0x2600];
	v24 =	vmul.f32 v34, v33;
	vm4 =	vgt.f32 v25, v22  }
0x17a: {  	v41 =	vld [tilespmem:$0x2080];
	v22 =	vsel vm4, v25, v22  }
0x17b: {  	v42 =	vld [tilespmem:$0x2610];
	v26 =	vmul.f32 v37, v36;
	vm5 =	vgt.f32 v24, v22  }
0x17c: {  	v43 =	vld [tilespmem:$0x2090];
	v22 =	vsel vm5, v24, v22  }
0x17d: {  	v44 =	vld [tilespmem:$0x2620];
	vm6 =	vgt.f32 v26, v22;
	v23 =	vmul.f32 v23, v39  }
0x17e: {  	v45 =	vld [tilespmem:$0x20A0];
	v22 =	vsel vm6, v26, v22  }
0x17f: {  	v46 =	vld [tilespmem:$0x2630];
	v25 =	vmul.f32 v41, v40;
	vm7 =	vgt.f32 v23, v22  }
0x180: {  	v22 =	vsel vm7, v23, v22;
	v23 =	vld [tilespmem:$0x20B0]  }
0x181: {  	v47 =	vld [tilespmem:$0x2640];
	v24 =	vmul.f32 v43, v42;
	vm8 =	vgt.f32 v25, v22  }
0x182: {  	v48 =	vld [tilespmem:$0x20C0];
	v22 =	vsel vm8, v25, v22  }
0x183: {  	v49 =	vld [tilespmem:$0x2650];
	v26 =	vmul.f32 v45, v44;
	vm9 =	vgt.f32 v24, v22  }
0x184: {  	v50 =	vld [tilespmem:$0x20D0];
	v22 =	vsel vm9, v24, v22  }
0x185: {  	v51 =	vld [tilespmem:$0x2660];
	vm10 =	vgt.f32 v26, v22;
	v23 =	vmul.f32 v23, v46  }
0x186: {  	v52 =	vld [tilespmem:$0x20E0];
	v22 =	vsel vm10, v26, v22  }
0x187: {  	v53 =	vld [tilespmem:$0x2670];
	v25 =	vmul.f32 v48, v47;
	vm11 =	vgt.f32 v23, v22  }
0x188: {  	v22 =	vsel vm11, v23, v22;
	v23 =	vld [tilespmem:$0x20F0]  }
0x189: {  	v54 =	vld [tilespmem:$0x2680];
	v24 =	vmul.f32 v50, v49;
	vm12 =	vgt.f32 v25, v22  }
0x18a: {  	v55 =	vld [tilespmem:$0x2100];
	v22 =	vsel vm12, v25, v22  }
0x18b: {  	v56 =	vld [tilespmem:$0x2690];
	v26 =	vmul.f32 v52, v51;
	vm13 =	vgt.f32 v24, v22  }
0x18c: {  	v57 =	vld [tilespmem:$0x2110];
	v22 =	vsel vm13, v24, v22  }
0x18d: {  	vm14 =	vgt.f32 v26, v22;
	v23 =	vmul.f32 v23, v53  }
0x18e: {  	v22 =	vsel vm14, v26, v22  }
0x18f: {  	v25 =	vmul.f32 v55, v54;
	vm15 =	vgt.f32 v23, v22  }
0x190: {  	v22 =	vsel vm15, v23, v22  }
0x191: {  	v23 =	vmul.f32 v57, v56;
	vm2 =	vgt.f32 v25, v22  }
0x192: {  	v38 =	vimm.s32 $0x0;
	v58 =	vld [tilespmem:$0x26A0];
	v22 =	vsel vm2, v25, v22  }
0x193: {  	v59 =	vld [tilespmem:$0x2120];
	[tilespmem:$0x1FFB0] =	vst v30;
	v30 =	vsel vm1, $0xFFFFFFFF, v38;
	vm1 =	vgt.f32 v23, v22  }
0x194: {  	v22 =	vsel vm1, v23, v22;
	v23 =	vld [tilespmem:$0x1FFA0]  }
0x195: {  	v62 =	vld [tilespmem:$0x1FFB0];
	[tilespmem:$0x1FFC0] =	vst v30  }
0x196: {  	v63 =	vld [tilespmem:$0x1FFC0];
	_ =	sdelay $0x1  }
0x197: {  	v60 =	vmul.f32 v59, v58  }
0x198: {  	v61 =	vnsel vm0, $0x0, v1;
	vm0 =	vnez.u8 v23  }
0x199: {  	vm3 =	vnez.u8 v62;
	v23 =	vsel vm0, v2, v61;
	vm0 =	vgt.f32 v60, v22  }
0x19a: {  	v23 =	vsel vm3, v3, v23;
	v22 =	vsel vm0, v60, v22;
	vm3 =	vnez.u8 v63  }
0x19b: {  	v23 =	vsel vm3, v4, v23;
	(v2sf) =	vpush v22, $0x0  }
0x19c: {  	v23 =	vsel vm4, v5, v23;
	(v2sf) =	vpush v22, $0x1  }
0x19d: {  	v23 =	vsel vm5, v6, v23;
	(v2sf) =	vpush v22, $0x2  }
0x19e: {  	v23 =	vsel vm6, v7, v23;
	(v2sf) =	vpush v22, $0x3  }
0x19f: {  	v23 =	vsel vm7, v8, v23;
	(v2sf) =	vpush v22, $0x4  }
0x1a0: {  	v23 =	vsel vm8, v9, v23;
	(v2sf) =	vpush v22, $0x5  }
0x1a1: {  	v23 =	vsel vm9, v10, v23;
	(v2sf) =	vpush v22, $0x6  }
0x1a2: {  	v23 =	vsel vm10, v11, v23;
	(v2sf) =	vpush v22, $0x7  }
0x1a3: {  	v23 =	vsel vm11, v12, v23;
	(v2sf) =	vpush v22, $0x8  }
0x1a4: {  	v23 =	vsel vm12, v13, v23;
	(v2sf) =	vpush v22, $0x9  }
0x1a5: {  	v23 =	vsel vm13, v14, v23;
	(v2sf) =	vpush v22, $0xA  }
0x1a6: {  	v23 =	vsel vm14, v15, v23;
	(v2sf) =	vpush v22, $0xB  }
0x1a7: {  	v23 =	vsel vm15, v16, v23;
	(v2sf) =	vpush v22, $0xC  }
0x1a8: {  	v23 =	vsel vm2, v17, v23;
	(v2sf) =	vpush v22, $0xD  }
0x1a9: {  	v23 =	vsel vm1, v18, v23;
	(v2sf) =	vpush v22, $0xE  }
0x1aa: {  	v23 =	vsel vm0, v19, v23;
	s5 =	spop (v2sf);
	(v2sf) =	vpush v22, $0xF  }
0x1ab: {  	s12 =	spop (v2sf);
	(v2sf) =	vpush v23, $0x0  }
0x1ac: {  	s13 =	spop (v2sf);
	s25 =	smax.f32 s5, s12  }
0x1ad: {  	s14 =	spop (v2sf);
	s0 =	smax.f32 s25, s13  }
0x1ae: {  	(v2sf) =	vpush v23, $0x1;
	s0 =	smax.f32 s0, s14;
	s15 =	spop (v2sf)  }
0x1af: {  	s16 =	spop (v2sf);
	s0 =	smax.f32 s0, s15  }
0x1b0: {  	s17 =	spop (v2sf);
	s0 =	smax.f32 s0, s16  }
0x1b1: {  	(v2sf) =	vpush v23, $0x2;
	s0 =	smax.f32 s0, s17;
	s20 =	spop (v2sf)  }
0x1b2: {  	s3 =	spop (v2sf);
	s0 =	smax.f32 s0, s20  }
0x1b3: {  	(v2sf) =	vpush v23, $0x3;
	s26 =	smax.f32 s0, s3;
	s11 =	spop (v2sf)  }
0x1b4: {  	s0 =	spop (v2sf);
	s4 =	smax.f32 s26, s11  }
0x1b5: {  	s8 =	spop (v2sf);
	s4 =	smax.f32 s4, s0  }
0x1b6: {  	(v2sf) =	vpush v23, $0x4;
	s4 =	smax.f32 s4, s8;
	s10 =	spop (v2sf)  }
0x1b7: {  	s1 =	spop (v2sf);
	s4 =	smax.f32 s4, s10  }
0x1b8: {  	(v2sf) =	vpush v23, $0x5;
	s4 =	smax.f32 s4, s1;
	s2 =	spop (v2sf)  }
0x1b9: {  	s6 =	spop (v2sf);
	s4 =	smax.f32 s4, s2  }
0x1ba: {  	s4 =	smax.f32 s4, s6;
	s24 =	spop (v2sf)  }
0x1bb: {  	(v2sf) =	vpush v23, $0x6;
	p1 =	seq.f32 s5, s4;
	p2 =	slt.s32 s24, $0x40000000  }
0x1bc: {  	s24 =	simm.s32 @!p2 $0x40000000  }
0x1bd: {  	(v2sf) =	vpush v23, $0x7;
	s5 =	spop (v2sf);
	s24 =	simm.s32 @!p1 $0x40000000  }
0x1be: {  	p1 =	seq.f32 s12, s4;
	p2 =	slt.s32 s24, s5  }
0x1bf: {  	(v2sf) =	vpush v23, $0x8;
	s5 =	smov.u32 @p2 s24;
	p2 =	seq.f32 s13, s4  }
0x1c0: {  	s24 =	smov.u32 @p1 s5;
	s5 =	spop (v2sf)  }
0x1c1: {  	p1 =	seq.f32 s14, s4;
	(v2sf) =	vpush v23, $0x9;
	s5 =	simm.s32 @!p2 $0x40000000  }
0x1c2: {  	s12 =	spop (v2sf);
	p2 =	slt.s32 s24, s5  }
0x1c3: {  	s12 =	simm.s32 @!p1 $0x40000000;
	s5 =	smov.u32 @p2 s24  }
0x1c4: {  	p2 =	seq.f32 s15, s4;
	p1 =	slt.s32 s5, s12  }
0x1c5: {  	s12 =	smov.u32 @p1 s5;
	s5 =	spop (v2sf)  }
0x1c6: {  	(v2sf) =	vpush v23, $0xA;
	p1 =	seq.f32 s16, s4;
	s5 =	simm.s32 @!p2 $0x40000000  }
0x1c7: {  	s13 =	spop (v2sf);
	p2 =	slt.s32 s12, s5  }
0x1c8: {  	(v2sf) =	vpush v23, $0xB;
	s13 =	simm.s32 @!p1 $0x40000000;
	s5 =	smov.u32 @p2 s12  }
0x1c9: {  	p1 =	slt.s32 s5, s13  }
0x1ca: {  	p2 =	seq.f32 s17, s4;
	s13 =	smov.u32 @p1 s5;
	s5 =	spop (v2sf);
	(v2sf) =	vpush v23, $0xC  }
0x1cb: {  	p1 =	seq.f32 s20, s4  }
0x1cc: {  	s5 =	simm.s32 @!p2 $0x40000000;
	s12 =	spop (v2sf);
	(v2sf) =	vpush v23, $0xD  }
0x1cd: {  	p2 =	slt.s32 s13, s5;
	s12 =	simm.s32 @!p1 $0x40000000  }
0x1ce: {  	s5 =	smov.u32 @p2 s13;
	p2 =	seq.f32 s3, s4;
	s3 =	spop (v2sf);
	(v2sf) =	vpush v23, $0xE  }
0x1cf: {  	p1 =	slt.s32 s5, s12  }
0x1d0: {  	s12 =	smov.u32 @p1 s5;
	s5 =	spop (v2sf);
	(v2sf) =	vpush v23, $0xF;
	_ =	sdelay $0x1  }
0x1d1: {  	s3 =	simm.s32 @!p2 $0x40000000;
	p1 =	seq.f32 s11, s4  }
0x1d2: {  	p2 =	slt.s32 s12, s3  }
0x1d3: {  	s3 =	smov.u32 @p2 s12;
	s5 =	simm.s32 @!p1 $0x40000000;
	p2 =	seq.f32 s0, s4  }
0x1d4: {  	s0 =	spop (v2sf);
	p1 =	slt.s32 s3, s5  }
0x1d5: {  	s5 =	smov.u32 @p1 s3;
	s0 =	simm.s32 @!p2 $0x40000000;
	p1 =	seq.f32 s8, s4  }
0x1d6: {  	s3 =	spop (v2sf);
	p2 =	slt.s32 s5, s0  }
0x1d7: {  	s0 =	smov.u32 @p2 s5;
	s3 =	simm.s32 @!p1 $0x40000000;
	p2 =	seq.f32 s10, s4  }
0x1d8: {  	p1 =	slt.s32 s0, s3;
	s5 =	spop (v2sf)  }
0x1d9: {  	s3 =	smov.u32 @p1 s0;
	p1 =	seq.f32 s1, s4;
	s5 =	simm.s32 @!p2 $0x40000000  }
0x1da: {  	s0 =	spop (v2sf);
	p2 =	slt.s32 s3, s5  }
0x1db: {  	s0 =	simm.s32 @!p1 $0x40000000;
	s5 =	smov.u32 @p2 s3;
	p2 =	seq.f32 s2, s4  }
0x1dc: {  	s3 =	spop (v2sf);
	p1 =	slt.s32 s5, s0  }
0x1dd: {  	s0 =	smov.u32 @p1 s5;
	s3 =	simm.s32 @!p2 $0x40000000;
	p1 =	seq.f32 s6, s4  }
0x1de: {  	s20 =	spop (v2sf);
	p2 =	slt.s32 s0, s3  }
0x1df: {  	s3 =	smov.u32 @p2 s0;
	s20 =	simm.s32 @!p1 $0x40000000  }
0x1e0: {  	s25 =	smov.u32 s9;
	p2 =	sgt.f32 s4, $2.000000030e-01;
	p1 =	slt.s32 s3, s20  }
0x1e1: {  	s9 =	smov.u32 s25;
	s26 =	smov.u32 s7;
	s20 =	smov.u32 @p1 s3  }
0x1e2: {  	s7 =	smov.u32 s26;
	s5 =	rddreg [dreg:$0x11];
	s20 =	simm.s32 @!p2 $0xFFFFFFFF  }
.LBB2_7:
0x1e3: {  	(v2sf) =	vpush v21, $0xB;
	_ =	sdelay $0x3  }
0x1e4: {  	(v2sf) =	vpush v21, $0xA;
	_ =	sdelay $0x3  }
0x1e5: {  	(v2sf) =	vpush v21, $0x9;
	_ =	sdelay $0x5  }
0x1e6: {  	p1 =	sgt.f32 s9, $0.0e+00;
	p3 =	sne.s32 s21, s20  }
0x1e7: {  	p2 =	sne.s32 s21, s19;
	s21 =	simm.s32 @!p3 $0xFFFFFFFE;
	s0 =	spop (v2sf);
	(v2sf) =	vpush v21, $0x8  }
0x1e8: {  	s21 =	simm.s32 @!p2 $0xFFFFFFFE;
	p3 =	sle.f32 s0, $2.000000030e-01  }
0x1e9: {  	s21 =	simm.s32 @!p1 $0xFFFFFFFE  }
0x1ea: {  	s26 =	rddreg [dreg:$0x13];
	p2 =	sne.s32 s28, s20;
	s21 =	simm.s32 @p3 $0xFFFFFFFF  }
0x1eb: {  	p1 =	sgt.f32 s26, $0.0e+00;
	s3 =	spop (v2sf);
	s0 =	smov.u32 s21  }
0x1ec: {  	p3 =	sne.s32 s28, s19;
	s2 =	smov.u32 s21;
	s0 =	smov.u32 @p2 s28  }
0x1ed: {  	p2 =	sle.f32 s3, $2.000000030e-01;
	s2 =	smov.u32 @p3 s0  }
0x1ee: {  	s21 =	smov.u32 @p1 s2  }
0x1ef: {  	s28 =	spop (v2sf);
	s21 =	simm.s32 @p2 $0xFFFFFFFF  }
0x1f0: {  	p3 =	sne.s32 s31, s19;
	p1 =	sne.s32 s31, s20;
	s2 =	smov.u32 s21  }
0x1f1: {  	p2 =	sgt.f32 s7, $0.0e+00;
	s1 =	smov.u32 s21;
	s2 =	smov.u32 @p1 s31  }
0x1f2: {  	p1 =	sle.f32 s28, $2.000000030e-01;
	s1 =	smov.u32 @p3 s2  }
0x1f3: {  	s2 =	rddreg [dreg:$0x17];
	s21 =	smov.u32 @p2 s1  }
0x1f4: {  	p2 =	sne.s32 s2, s20;
	s21 =	simm.s32 @p1 $0xFFFFFFFF  }
0x1f5: {  	p3 =	sne.s32 s2, s19;
	p1 =	sgt.f32 s5, $0.0e+00;
	s0 =	smov.u32 s21  }
0x1f6: {  	s31 =	spop (v2sf);
	s0 =	smov.u32 @p2 s2;
	s2 =	smov.u32 s21  }
0x1f7: {  	p2 =	sle.f32 s31, $2.000000030e-01;
	s2 =	smov.u32 @p3 s0  }
0x1f8: {  	s21 =	smov.u32 @p1 s2  }
0x1f9: {  	s21 =	simm.s32 @p2 $0xFFFFFFFF  }
0x1fa: {  	p1 =	sne.s32 s21, $0xFFFFFFFE  }
.Ltmp7:
0x1fb: {  	_ = 	snop;
	(pc) =	sbr.rel @p1 .LBB2_9-.Ltmp7, $1  }
0x1fc: {  	_ =	sdelay $0x3  }
0x1fd: {  	v22 =	vld @!p0 [tilespmem:s19+$0x2000];
	_ =	sdelay $0x2  }
0x1fe: {  	v23 =	vlaneseq.u32 @!p0  }
0x1ff: {  	vm0 =	veq.s32 @!p0 v23, $0x0  }
0x200: {  	v22 =	vsel @!p0 vm0, $0x0, v22  }
0x201: {  	p1 =	slt.s32 s20, $0x0;
	[tilespmem:s19+$0x2000] =	vst @!p0 v22  }
0x202: {  	s0 =	sshrl.u32 s18, $0x1;
	v22 =	vld @!p1 [tilespmem:s20+$0x2000]  }
0x203: {  	s0 =	smul.u32 $0xC00, s0  }
0x204: {  	s1 =	sand.u32 $0x200, s23  }
0x205: {  	v23 =	vlaneseq.u32 @!p1;
	s0 =	sor.u32 s0, s1  }
0x206: {  	s21 =	rddreg [dreg:$0x3];
	s0 =	sshrl.u32 s0, $0x3;
	vm0 =	veq.s32 @!p1 v23, $0x0  }
0x207: {  	s24 =	simm.s32 $0x80;
	s0 =	sadd.s32 s0, s21;
	v22 =	vsel @!p1 vm0, $0x0, v22  }
0x208: {  	s2 =	simm.s32 $0x400;
	s3 =	simm.s32 $0x2580;
	s0 =	sadd.s32 $0x20, s0;
	[tilespmem:s20+$0x2000] =	vst @!p1 v22  }
0x209: {  	[tilespmem:s3], [sflag:$0x1] =	stream.strided.gather [hbm4b:s0+s24], $0x180, s2, s24, $0x38;
	[tilespmem:$0x2700] =	vst v63  }
0x20a: {  	_ =	swait.ge [sflag:s30], $0x180  }
0x20b: {  	[sflag:s30] =	ssyncset.done $0x0  }
0x20c: {  	[sflag:s30] =	ssyncadd.s32 $0xFFFFFE80  }
0x20d: {  	v22 =	vld [tilespmem:$0x2580]  }
0x20e: {  	v23 =	vld [tilespmem:$0x2000]  }
0x20f: {  	v24 =	vld [tilespmem:$0x2590]  }
0x210: {  	v25 =	vld [tilespmem:$0x2010]  }
0x211: {  	v26 =	vld [tilespmem:$0x25A0]  }
0x212: {  	v27 =	vld [tilespmem:$0x2020]  }
0x213: {  	v28 =	vld [tilespmem:$0x2030];
	v22 =	vmul.f32 v23, v22  }
0x214: {  	v23 =	vld [tilespmem:$0x25B0]  }
0x215: {  	v63 =	vld [tilespmem:$0x25C0];
	v24 =	vmul.f32 v25, v24;
	vm0 =	vgt.f32 v22, $-1.000000000e+00  }
0x216: {  	v29 =	vld [tilespmem:$0x2040];
	v22 =	vnsel vm0, $0xBF800000, v22  }
0x217: {  	v33 =	vld [tilespmem:$0x25D0];
	v26 =	vmul.f32 v27, v26;
	vm1 =	vgt.f32 v24, v22  }
0x218: {  	v30 =	vimm.s32 $0x0;
	v34 =	vld [tilespmem:$0x2050];
	v22 =	vsel vm1, v24, v22  }
0x219: {  	v36 =	vld [tilespmem:$0x25E0];
	v30 =	vsel vm1, $0xFFFFFFFF, v30;
	v23 =	vmul.f32 v28, v23;
	vm1 =	vgt.f32 v26, v22  }
0x21a: {  	v35 =	vimm.s32 $0x0;
	v37 =	vld [tilespmem:$0x2060];
	v22 =	vsel vm1, v26, v22  }
0x21b: {  	v39 =	vld [tilespmem:$0x25F0];
	v25 =	vmul.f32 v29, v63;
	[tilespmem:$0x1FF70] =	vst v30;
	v30 =	vsel vm1, $0xFFFFFFFF, v35;
	vm1 =	vgt.f32 v23, v22  }
0x21c: {  	v22 =	vsel vm1, v23, v22;
	v23 =	vld [tilespmem:$0x2070]  }
0x21d: {  	v40 =	vld [tilespmem:$0x2600];
	v24 =	vmul.f32 v34, v33;
	vm4 =	vgt.f32 v25, v22  }
0x21e: {  	v41 =	vld [tilespmem:$0x2080];
	v22 =	vsel vm4, v25, v22  }
0x21f: {  	v42 =	vld [tilespmem:$0x2610];
	v26 =	vmul.f32 v37, v36;
	vm5 =	vgt.f32 v24, v22  }
0x220: {  	v43 =	vld [tilespmem:$0x2090];
	v22 =	vsel vm5, v24, v22  }
0x221: {  	v44 =	vld [tilespmem:$0x2620];
	vm6 =	vgt.f32 v26, v22;
	v23 =	vmul.f32 v23, v39  }
0x222: {  	v45 =	vld [tilespmem:$0x20A0];
	v22 =	vsel vm6, v26, v22  }
0x223: {  	v46 =	vld [tilespmem:$0x2630];
	v25 =	vmul.f32 v41, v40;
	vm7 =	vgt.f32 v23, v22  }
0x224: {  	v22 =	vsel vm7, v23, v22;
	v23 =	vld [tilespmem:$0x20B0]  }
0x225: {  	v47 =	vld [tilespmem:$0x2640];
	v24 =	vmul.f32 v43, v42;
	vm8 =	vgt.f32 v25, v22  }
0x226: {  	v48 =	vld [tilespmem:$0x20C0];
	v22 =	vsel vm8, v25, v22  }
0x227: {  	v49 =	vld [tilespmem:$0x2650];
	v26 =	vmul.f32 v45, v44;
	vm9 =	vgt.f32 v24, v22  }
0x228: {  	v50 =	vld [tilespmem:$0x20D0];
	v22 =	vsel vm9, v24, v22  }
0x229: {  	v51 =	vld [tilespmem:$0x2660];
	vm10 =	vgt.f32 v26, v22;
	v23 =	vmul.f32 v23, v46  }
0x22a: {  	v52 =	vld [tilespmem:$0x20E0];
	v22 =	vsel vm10, v26, v22  }
0x22b: {  	v53 =	vld [tilespmem:$0x2670];
	v25 =	vmul.f32 v48, v47;
	vm11 =	vgt.f32 v23, v22  }
0x22c: {  	v22 =	vsel vm11, v23, v22;
	v23 =	vld [tilespmem:$0x20F0]  }
0x22d: {  	v54 =	vld [tilespmem:$0x2680];
	v24 =	vmul.f32 v50, v49;
	vm12 =	vgt.f32 v25, v22  }
0x22e: {  	v55 =	vld [tilespmem:$0x2100];
	v22 =	vsel vm12, v25, v22  }
0x22f: {  	v56 =	vld [tilespmem:$0x2690];
	v26 =	vmul.f32 v52, v51;
	vm13 =	vgt.f32 v24, v22  }
0x230: {  	v57 =	vld [tilespmem:$0x2110];
	v22 =	vsel vm13, v24, v22  }
0x231: {  	vm14 =	vgt.f32 v26, v22;
	v23 =	vmul.f32 v23, v53  }
0x232: {  	v22 =	vsel vm14, v26, v22  }
0x233: {  	v25 =	vmul.f32 v55, v54;
	vm15 =	vgt.f32 v23, v22  }
0x234: {  	v22 =	vsel vm15, v23, v22  }
0x235: {  	v23 =	vmul.f32 v57, v56;
	vm2 =	vgt.f32 v25, v22  }
0x236: {  	v38 =	vimm.s32 $0x0;
	v58 =	vld [tilespmem:$0x26A0];
	v22 =	vsel vm2, v25, v22  }
0x237: {  	v59 =	vld [tilespmem:$0x2120];
	[tilespmem:$0x1FF80] =	vst v30;
	v30 =	vsel vm1, $0xFFFFFFFF, v38;
	vm1 =	vgt.f32 v23, v22  }
0x238: {  	v22 =	vsel vm1, v23, v22;
	v23 =	vld [tilespmem:$0x1FF70]  }
0x239: {  	v62 =	vld [tilespmem:$0x1FF80];
	[tilespmem:$0x1FF90] =	vst v30  }
0x23a: {  	v63 =	vld [tilespmem:$0x1FF90];
	_ =	sdelay $0x1  }
0x23b: {  	v60 =	vmul.f32 v59, v58  }
0x23c: {  	v61 =	vnsel vm0, $0x0, v1;
	vm0 =	vnez.u8 v23  }
0x23d: {  	vm3 =	vnez.u8 v62;
	v23 =	vsel vm0, v2, v61;
	vm0 =	vgt.f32 v60, v22  }
0x23e: {  	v23 =	vsel vm3, v3, v23;
	v22 =	vsel vm0, v60, v22;
	vm3 =	vnez.u8 v63  }
0x23f: {  	v23 =	vsel vm3, v4, v23;
	(v2sf) =	vpush v22, $0x0  }
0x240: {  	v23 =	vsel vm4, v5, v23;
	(v2sf) =	vpush v22, $0x1  }
0x241: {  	v23 =	vsel vm5, v6, v23;
	(v2sf) =	vpush v22, $0x2  }
0x242: {  	v23 =	vsel vm6, v7, v23;
	(v2sf) =	vpush v22, $0x3  }
0x243: {  	v23 =	vsel vm7, v8, v23;
	(v2sf) =	vpush v22, $0x4  }
0x244: {  	v23 =	vsel vm8, v9, v23;
	(v2sf) =	vpush v22, $0x5  }
0x245: {  	v23 =	vsel vm9, v10, v23;
	(v2sf) =	vpush v22, $0x6  }
0x246: {  	v23 =	vsel vm10, v11, v23;
	(v2sf) =	vpush v22, $0x7  }
0x247: {  	v23 =	vsel vm11, v12, v23;
	(v2sf) =	vpush v22, $0x8  }
0x248: {  	v23 =	vsel vm12, v13, v23;
	(v2sf) =	vpush v22, $0x9  }
0x249: {  	v23 =	vsel vm13, v14, v23;
	(v2sf) =	vpush v22, $0xA  }
0x24a: {  	v23 =	vsel vm14, v15, v23;
	(v2sf) =	vpush v22, $0xB  }
0x24b: {  	v23 =	vsel vm15, v16, v23;
	(v2sf) =	vpush v22, $0xC  }
0x24c: {  	v23 =	vsel vm2, v17, v23;
	(v2sf) =	vpush v22, $0xD  }
0x24d: {  	v23 =	vsel vm1, v18, v23;
	(v2sf) =	vpush v22, $0xE  }
0x24e: {  	v23 =	vsel vm0, v19, v23;
	s9 =	spop (v2sf);
	(v2sf) =	vpush v22, $0xF  }
0x24f: {  	s10 =	spop (v2sf);
	(v2sf) =	vpush v23, $0x0  }
0x250: {  	s11 =	spop (v2sf);
	s25 =	smax.f32 s9, s10  }
0x251: {  	s12 =	spop (v2sf);
	s0 =	smax.f32 s25, s11  }
0x252: {  	(v2sf) =	vpush v23, $0x1;
	s0 =	smax.f32 s0, s12;
	s13 =	spop (v2sf)  }
0x253: {  	s14 =	spop (v2sf);
	s0 =	smax.f32 s0, s13  }
0x254: {  	s15 =	spop (v2sf);
	s0 =	smax.f32 s0, s14  }
0x255: {  	(v2sf) =	vpush v23, $0x2;
	s0 =	smax.f32 s0, s15;
	s16 =	spop (v2sf)  }
0x256: {  	s8 =	spop (v2sf);
	s0 =	smax.f32 s0, s16  }
0x257: {  	(v2sf) =	vpush v23, $0x3;
	s0 =	smax.f32 s0, s8;
	s7 =	spop (v2sf)  }
0x258: {  	s6 =	spop (v2sf);
	s0 =	smax.f32 s0, s7  }
0x259: {  	s5 =	spop (v2sf);
	s0 =	smax.f32 s0, s6  }
0x25a: {  	(v2sf) =	vpush v23, $0x4;
	s0 =	smax.f32 s0, s5;
	s4 =	spop (v2sf)  }
0x25b: {  	s26 =	spop (v2sf);
	s0 =	smax.f32 s0, s4  }
0x25c: {  	(v2sf) =	vpush v23, $0x5;
	s0 =	smax.f32 s0, s26;
	s28 =	spop (v2sf)  }
0x25d: {  	s31 =	spop (v2sf);
	s0 =	smax.f32 s0, s28  }
0x25e: {  	s0 =	smax.f32 s0, s31;
	s17 =	spop (v2sf)  }
0x25f: {  	(v2sf) =	vpush v23, $0x6;
	p1 =	seq.f32 s9, s0;
	p2 =	slt.s32 s17, $0x40000000  }
0x260: {  	s17 =	simm.s32 @!p2 $0x40000000  }
0x261: {  	(v2sf) =	vpush v23, $0x7;
	s9 =	spop (v2sf);
	s17 =	simm.s32 @!p1 $0x40000000  }
0x262: {  	p1 =	seq.f32 s10, s0;
	p2 =	slt.s32 s17, s9  }
0x263: {  	(v2sf) =	vpush v23, $0x8;
	s9 =	smov.u32 @p2 s17;
	p2 =	seq.f32 s11, s0  }
0x264: {  	s17 =	smov.u32 @p1 s9;
	s9 =	spop (v2sf)  }
0x265: {  	p1 =	seq.f32 s12, s0;
	(v2sf) =	vpush v23, $0x9;
	s9 =	simm.s32 @!p2 $0x40000000  }
0x266: {  	s10 =	spop (v2sf);
	p2 =	slt.s32 s17, s9  }
0x267: {  	s10 =	simm.s32 @!p1 $0x40000000;
	s9 =	smov.u32 @p2 s17  }
0x268: {  	p2 =	seq.f32 s13, s0;
	p1 =	slt.s32 s9, s10  }
0x269: {  	s10 =	smov.u32 @p1 s9;
	s9 =	spop (v2sf)  }
0x26a: {  	(v2sf) =	vpush v23, $0xA;
	p1 =	seq.f32 s14, s0;
	s9 =	simm.s32 @!p2 $0x40000000  }
0x26b: {  	s11 =	spop (v2sf);
	p2 =	slt.s32 s10, s9  }
0x26c: {  	(v2sf) =	vpush v23, $0xB;
	s11 =	simm.s32 @!p1 $0x40000000;
	s9 =	smov.u32 @p2 s10  }
0x26d: {  	p1 =	slt.s32 s9, s11  }
0x26e: {  	p2 =	seq.f32 s15, s0;
	s11 =	smov.u32 @p1 s9;
	s9 =	spop (v2sf);
	(v2sf) =	vpush v23, $0xC  }
0x26f: {  	p1 =	seq.f32 s16, s0  }
0x270: {  	s9 =	simm.s32 @!p2 $0x40000000;
	s10 =	spop (v2sf);
	(v2sf) =	vpush v23, $0xD  }
0x271: {  	p2 =	slt.s32 s11, s9;
	s10 =	simm.s32 @!p1 $0x40000000  }
0x272: {  	s9 =	smov.u32 @p2 s11;
	p2 =	seq.f32 s8, s0;
	s8 =	spop (v2sf);
	(v2sf) =	vpush v23, $0xE  }
0x273: {  	p1 =	slt.s32 s9, s10  }
0x274: {  	s10 =	smov.u32 @p1 s9;
	p1 =	seq.f32 s7, s0;
	s7 =	spop (v2sf);
	(v2sf) =	vpush v23, $0xF  }
0x275: {  	_ = 	snop  }
0x276: {  	s8 =	simm.s32 @!p2 $0x40000000  }
0x277: {  	p2 =	slt.s32 s10, s8  }
0x278: {  	s8 =	smov.u32 @p2 s10;
	s7 =	simm.s32 @!p1 $0x40000000;
	p2 =	seq.f32 s6, s0  }
0x279: {  	s6 =	spop (v2sf);
	p1 =	slt.s32 s8, s7  }
0x27a: {  	s7 =	smov.u32 @p1 s8;
	s6 =	simm.s32 @!p2 $0x40000000;
	p1 =	seq.f32 s5, s0  }
0x27b: {  	s5 =	spop (v2sf);
	p2 =	slt.s32 s7, s6  }
0x27c: {  	s6 =	smov.u32 @p2 s7;
	s5 =	simm.s32 @!p1 $0x40000000;
	p2 =	seq.f32 s4, s0  }
0x27d: {  	p1 =	slt.s32 s6, s5;
	s4 =	spop (v2sf)  }
0x27e: {  	s5 =	smov.u32 @p1 s6;
	p1 =	seq.f32 s26, s0;
	s4 =	simm.s32 @!p2 $0x40000000  }
0x27f: {  	s3 =	spop (v2sf);
	p2 =	slt.s32 s5, s4  }
0x280: {  	s3 =	simm.s32 @!p1 $0x40000000;
	s4 =	smov.u32 @p2 s5;
	p2 =	seq.f32 s28, s0  }
0x281: {  	s2 =	spop (v2sf);
	p1 =	slt.s32 s4, s3  }
0x282: {  	s3 =	smov.u32 @p1 s4;
	s2 =	simm.s32 @!p2 $0x40000000;
	p1 =	seq.f32 s31, s0  }
0x283: {  	s21 =	spop (v2sf);
	p2 =	slt.s32 s3, s2  }
0x284: {  	s2 =	smov.u32 @p2 s3;
	s21 =	simm.s32 @!p1 $0x40000000  }
0x285: {  	p2 =	sgt.f32 s0, $2.000000030e-01;
	p1 =	slt.s32 s2, s21  }
0x286: {  	s21 =	smov.u32 @p1 s2  }
0x287: {  	s21 =	simm.s32 @!p2 $0xFFFFFFFF  }
.LBB2_9:
0x288: {  	(v2sf) =	vpush v21, $0xF;
	_ =	sdelay $0x3  }
0x289: {  	(v2sf) =	vpush v21, $0xE;
	_ =	sdelay $0x4  }
0x28a: {  	(v2sf) =	vpush v21, $0xD;
	_ =	sdelay $0x3  }
0x28b: {  	p1 =	sne.s32 s22, s19;
	p3 =	sne.s32 s22, s21  }
0x28c: {  	p2 =	sne.s32 s22, s20;
	s0 =	rddreg [dreg:$0x10];
	s22 =	simm.s32 @!p3 $0xFFFFFFFE  }
0x28d: {  	s22 =	simm.s32 @!p2 $0xFFFFFFFE;
	p2 =	sgt.f32 s0, $0.0e+00;
	s24 =	spop (v2sf)  }
0x28e: {  	s22 =	simm.s32 @!p1 $0xFFFFFFFE;
	(v2sf) =	vpush v21, $0xC;
	p1 =	sle.f32 s24, $2.000000030e-01  }
0x28f: {  	s1 =	rddreg [dreg:$0xe];
	s22 =	simm.s32 @!p2 $0xFFFFFFFE  }
0x290: {  	s2 =	rddreg [dreg:$0x15];
	p2 =	sgt.f32 s1, $0.0e+00;
	s22 =	simm.s32 @p1 $0xFFFFFFFF  }
0x291: {  	s25 =	spop (v2sf);
	p1 =	sne.s32 s2, s21;
	s0 =	smov.u32 s22  }
0x292: {  	s1 =	smov.u32 s22;
	s0 =	smov.u32 @p1 s2;
	p1 =	sne.s32 s2, s20  }
0x293: {  	s1 =	smov.u32 @p1 s0;
	p1 =	sne.s32 s2, s19;
	s2 =	smov.u32 s22  }
0x294: {  	s2 =	smov.u32 @p1 s1;
	p1 =	sle.f32 s25, $2.000000030e-01  }
0x295: {  	s4 =	rddreg [dreg:$0x12];
	s22 =	smov.u32 @p2 s2  }
0x296: {  	s3 =	rddreg [dreg:$0xd];
	s26 =	spop (v2sf);
	s22 =	simm.s32 @p1 $0xFFFFFFFF  }
0x297: {  	p2 =	sne.s32 s4, s20;
	p1 =	sne.s32 s4, s21;
	s0 =	smov.u32 s22  }
0x298: {  	s2 =	smov.u32 s22;
	s0 =	smov.u32 @p1 s4;
	p1 =	sgt.f32 s3, $0.0e+00  }
0x299: {  	s2 =	smov.u32 @p2 s0;
	p2 =	sne.s32 s4, s19;
	s0 =	smov.u32 s22  }
0x29a: {  	s0 =	smov.u32 @p2 s2;
	p2 =	sle.f32 s26, $2.000000030e-01  }
0x29b: {  	s2 =	rddreg [dreg:$0xb];
	s22 =	smov.u32 @p1 s0  }
0x29c: {  	s28 =	rddreg [dreg:$0xc];
	p1 =	sne.s32 s2, s21;
	s22 =	simm.s32 @p2 $0xFFFFFFFF  }
0x29d: {  	p2 =	sgt.f32 s28, $0.0e+00;
	s31 =	spop (v2sf);
	s0 =	smov.u32 s22  }
0x29e: {  	s1 =	smov.u32 s22;
	s0 =	smov.u32 @p1 s2;
	p1 =	sne.s32 s2, s20  }
0x29f: {  	s1 =	smov.u32 @p1 s0;
	p1 =	sne.s32 s2, s19;
	s2 =	smov.u32 s22  }
0x2a0: {  	s2 =	smov.u32 @p1 s1;
	p1 =	sle.f32 s31, $2.000000030e-01  }
0x2a1: {  	s22 =	smov.u32 @p2 s2  }
0x2a2: {  	s22 =	simm.s32 @p1 $0xFFFFFFFF  }
0x2a3: {  	p1 =	sne.s32 s22, $0xFFFFFFFE  }
.Ltmp8:
0x2a4: {  	_ = 	snop;
	(pc) =	sbr.rel @p1 .LBB2_11-.Ltmp8, $1  }
0x2a5: {  	_ =	sdelay $0x3  }
0x2a6: {  	v21 =	vld @!p0 [tilespmem:s19+$0x2000];
	_ =	sdelay $0x2  }
0x2a7: {  	v22 =	vlaneseq.u32 @!p0  }
0x2a8: {  	vm0 =	veq.s32 @!p0 v22, $0x0  }
0x2a9: {  	v21 =	vsel @!p0 vm0, $0x0, v21  }
0x2aa: {  	p1 =	slt.s32 s20, $0x0;
	[tilespmem:s19+$0x2000] =	vst @!p0 v21  }
0x2ab: {  	v21 =	vld @!p1 [tilespmem:s20+$0x2000];
	_ =	sdelay $0x2  }
0x2ac: {  	v22 =	vlaneseq.u32 @!p1  }
0x2ad: {  	vm0 =	veq.s32 @!p1 v22, $0x0  }
0x2ae: {  	v21 =	vsel @!p1 vm0, $0x0, v21  }
0x2af: {  	[tilespmem:s20+$0x2000] =	vst @!p1 v21;
	p1 =	slt.s32 s21, $0x0  }
0x2b0: {  	s0 =	sshrl.u32 s18, $0x1;
	v21 =	vld @!p1 [tilespmem:s21+$0x2000]  }
0x2b1: {  	s0 =	smul.u32 $0xC00, s0  }
0x2b2: {  	s1 =	sand.u32 $0x200, s23  }
0x2b3: {  	s0 =	sor.u32 s0, s1;
	v22 =	vlaneseq.u32 @!p1  }
0x2b4: {  	s22 =	rddreg [dreg:$0x3];
	s0 =	sshrl.u32 s0, $0x3;
	vm0 =	veq.s32 @!p1 v22, $0x0  }
0x2b5: {  	s24 =	simm.s32 $0x80;
	s0 =	sadd.s32 s0, s22;
	v21 =	vsel @!p1 vm0, $0x0, v21  }
0x2b6: {  	s2 =	simm.s32 $0x400;
	s3 =	simm.s32 $0x2580;
	s0 =	sadd.s32 $0x30, s0;
	[tilespmem:s21+$0x2000] =	vst @!p1 v21  }
0x2b7: {  	[tilespmem:s3], [sflag:$0x1] =	stream.strided.gather [hbm4b:s0+s24], $0x180, s2, s24, $0x38;
	[tilespmem:$0x2700] =	vst v63  }
0x2b8: {  	_ =	swait.ge [sflag:s30], $0x180  }
0x2b9: {  	[sflag:s30] =	ssyncset.done $0x0  }
0x2ba: {  	[sflag:s30] =	ssyncadd.s32 $0xFFFFFE80  }
0x2bb: {  	v21 =	vld [tilespmem:$0x2580]  }
0x2bc: {  	v22 =	vld [tilespmem:$0x2000]  }
0x2bd: {  	v23 =	vld [tilespmem:$0x2590]  }
0x2be: {  	v24 =	vld [tilespmem:$0x2010]  }
0x2bf: {  	v25 =	vld [tilespmem:$0x25A0]  }
0x2c0: {  	v26 =	vld [tilespmem:$0x2020]  }
0x2c1: {  	v27 =	vld [tilespmem:$0x2030];
	v21 =	vmul.f32 v22, v21  }
0x2c2: {  	v22 =	vld [tilespmem:$0x25B0]  }
0x2c3: {  	v38 =	vld [tilespmem:$0x25C0];
	v23 =	vmul.f32 v24, v23;
	vm0 =	vgt.f32 v21, $-1.000000000e+00  }
0x2c4: {  	v28 =	vld [tilespmem:$0x2040];
	v21 =	vnsel vm0, $0xBF800000, v21  }
0x2c5: {  	v39 =	vld [tilespmem:$0x25D0];
	v25 =	vmul.f32 v26, v25;
	vm1 =	vgt.f32 v23, v21  }
0x2c6: {  	v29 =	vimm.s32 $0x0;
	v21 =	vsel vm1, v23, v21;
	v23 =	vld [tilespmem:$0x2050]  }
0x2c7: {  	v41 =	vld [tilespmem:$0x25E0];
	v29 =	vsel vm1, $0xFFFFFFFF, v29;
	v22 =	vmul.f32 v27, v22;
	vm1 =	vgt.f32 v25, v21  }
0x2c8: {  	v40 =	vimm.s32 $0x0;
	v42 =	vld [tilespmem:$0x2060];
	v21 =	vsel vm1, v25, v21  }
0x2c9: {  	v44 =	vld [tilespmem:$0x25F0];
	v24 =	vmul.f32 v28, v38;
	[tilespmem:$0x1FF40] =	vst v29;
	v29 =	vsel vm1, $0xFFFFFFFF, v40;
	vm1 =	vgt.f32 v22, v21  }
0x2ca: {  	v21 =	vsel vm1, v22, v21;
	v22 =	vld [tilespmem:$0x2070]  }
0x2cb: {  	v45 =	vld [tilespmem:$0x2600];
	vm4 =	vgt.f32 v24, v21;
	v23 =	vmul.f32 v23, v39  }
0x2cc: {  	v46 =	vld [tilespmem:$0x2080];
	v21 =	vsel vm4, v24, v21  }
0x2cd: {  	v47 =	vld [tilespmem:$0x2610];
	v25 =	vmul.f32 v42, v41;
	vm5 =	vgt.f32 v23, v21  }
0x2ce: {  	v21 =	vsel vm5, v23, v21;
	v23 =	vld [tilespmem:$0x2090]  }
0x2cf: {  	v48 =	vld [tilespmem:$0x2620];
	vm6 =	vgt.f32 v25, v21;
	v22 =	vmul.f32 v22, v44  }
0x2d0: {  	v49 =	vld [tilespmem:$0x20A0];
	v21 =	vsel vm6, v25, v21  }
0x2d1: {  	v50 =	vld [tilespmem:$0x2630];
	v24 =	vmul.f32 v46, v45;
	vm7 =	vgt.f32 v22, v21  }
0x2d2: {  	v21 =	vsel vm7, v22, v21;
	v22 =	vld [tilespmem:$0x20B0]  }
0x2d3: {  	v51 =	vld [tilespmem:$0x2640];
	vm8 =	vgt.f32 v24, v21;
	v23 =	vmul.f32 v23, v47  }
0x2d4: {  	v52 =	vld [tilespmem:$0x20C0];
	v21 =	vsel vm8, v24, v21  }
0x2d5: {  	v53 =	vld [tilespmem:$0x2650];
	v25 =	vmul.f32 v49, v48;
	vm9 =	vgt.f32 v23, v21  }
0x2d6: {  	v21 =	vsel vm9, v23, v21;
	v23 =	vld [tilespmem:$0x20D0]  }
0x2d7: {  	v54 =	vld [tilespmem:$0x2660];
	vm10 =	vgt.f32 v25, v21;
	v22 =	vmul.f32 v22, v50  }
0x2d8: {  	v55 =	vld [tilespmem:$0x20E0];
	v21 =	vsel vm10, v25, v21  }
0x2d9: {  	v56 =	vld [tilespmem:$0x2670];
	v24 =	vmul.f32 v52, v51;
	vm11 =	vgt.f32 v22, v21  }
0x2da: {  	v21 =	vsel vm11, v22, v21;
	v22 =	vld [tilespmem:$0x20F0]  }
0x2db: {  	v57 =	vld [tilespmem:$0x2680];
	vm12 =	vgt.f32 v24, v21;
	v23 =	vmul.f32 v23, v53  }
0x2dc: {  	v58 =	vld [tilespmem:$0x2100];
	v21 =	vsel vm12, v24, v21  }
0x2dd: {  	v59 =	vld [tilespmem:$0x2690];
	v25 =	vmul.f32 v55, v54;
	vm13 =	vgt.f32 v23, v21  }
0x2de: {  	v21 =	vsel vm13, v23, v21;
	v23 =	vld [tilespmem:$0x2110]  }
0x2df: {  	vm14 =	vgt.f32 v25, v21;
	v22 =	vmul.f32 v22, v56  }
0x2e0: {  	v21 =	vsel vm14, v25, v21  }
0x2e1: {  	v24 =	vmul.f32 v58, v57;
	vm15 =	vgt.f32 v22, v21  }
0x2e2: {  	v21 =	vsel vm15, v22, v21  }
0x2e3: {  	v22 =	vmul.f32 v23, v59;
	vm2 =	vgt.f32 v24, v21  }
0x2e4: {  	v43 =	vimm.s32 $0x0;
	v60 =	vld [tilespmem:$0x26A0];
	v21 =	vsel vm2, v24, v21  }
0x2e5: {  	v61 =	vld [tilespmem:$0x2120];
	[tilespmem:$0x1FF50] =	vst v29;
	v29 =	vsel vm1, $0xFFFFFFFF, v43;
	vm1 =	vgt.f32 v22, v21  }
0x2e6: {  	v21 =	vsel vm1, v22, v21;
	v22 =	vld [tilespmem:$0x1FF40];
	_ =	sdelay $0x3  }
0x2e7: {  	v23 =	vmul.f32 v61, v60  }
0x2e8: {  	v62 =	vnsel vm0, $0x0, v1;
	vm0 =	vnez.u8 v22  }
0x2e9: {  	v63 =	vld [tilespmem:$0x1FF50];
	[tilespmem:$0x1FF60] =	vst v29;
	v22 =	vsel vm0, v2, v62;
	vm0 =	vgt.f32 v23, v21  }
0x2ea: {  	v21 =	vsel vm0, v23, v21;
	v23 =	vld [tilespmem:$0x1FF60];
	_ =	sdelay $0x3  }
0x2eb: {  	vm3 =	vnez.u8 v63  }
0x2ec: {  	v22 =	vsel vm3, v3, v22;
	vm3 =	vnez.u8 v23  }
0x2ed: {  	(v2sf) =	vpush v21, $0x0;
	v22 =	vsel vm3, v4, v22  }
0x2ee: {  	(v2sf) =	vpush v21, $0x1;
	v22 =	vsel vm4, v5, v22  }
0x2ef: {  	(v2sf) =	vpush v21, $0x2;
	v22 =	vsel vm5, v6, v22  }
0x2f0: {  	(v2sf) =	vpush v21, $0x3;
	v22 =	vsel vm6, v7, v22  }
0x2f1: {  	(v2sf) =	vpush v21, $0x4;
	v22 =	vsel vm7, v8, v22  }
0x2f2: {  	(v2sf) =	vpush v21, $0x5;
	v22 =	vsel vm8, v9, v22  }
0x2f3: {  	(v2sf) =	vpush v21, $0x6;
	v22 =	vsel vm9, v10, v22  }
0x2f4: {  	(v2sf) =	vpush v21, $0x7;
	v22 =	vsel vm10, v11, v22  }
0x2f5: {  	(v2sf) =	vpush v21, $0x8;
	v22 =	vsel vm11, v12, v22  }
0x2f6: {  	(v2sf) =	vpush v21, $0x9;
	v22 =	vsel vm12, v13, v22  }
0x2f7: {  	(v2sf) =	vpush v21, $0xA;
	v22 =	vsel vm13, v14, v22  }
0x2f8: {  	(v2sf) =	vpush v21, $0xB;
	v22 =	vsel vm14, v15, v22  }
0x2f9: {  	(v2sf) =	vpush v21, $0xC;
	v22 =	vsel vm15, v16, v22  }
0x2fa: {  	(v2sf) =	vpush v21, $0xD;
	v22 =	vsel vm2, v17, v22  }
0x2fb: {  	(v2sf) =	vpush v21, $0xE;
	v22 =	vsel vm1, v18, v22  }
0x2fc: {  	s9 =	spop (v2sf);
	(v2sf) =	vpush v21, $0xF;
	v22 =	vsel vm0, v19, v22  }
0x2fd: {  	s10 =	spop (v2sf);
	(v2sf) =	vpush v22, $0x0  }
0x2fe: {  	s11 =	spop (v2sf);
	s25 =	smax.f32 s9, s10  }
0x2ff: {  	s12 =	spop (v2sf);
	s0 =	smax.f32 s25, s11  }
0x300: {  	s0 =	smax.f32 s0, s12;
	s13 =	spop (v2sf);
	(v2sf) =	vpush v22, $0x1  }
0x301: {  	s14 =	spop (v2sf);
	s0 =	smax.f32 s0, s13  }
0x302: {  	s15 =	spop (v2sf);
	s0 =	smax.f32 s0, s14  }
0x303: {  	s0 =	smax.f32 s0, s15;
	s16 =	spop (v2sf);
	(v2sf) =	vpush v22, $0x2  }
0x304: {  	s8 =	spop (v2sf);
	s0 =	smax.f32 s0, s16  }
0x305: {  	s0 =	smax.f32 s0, s8;
	s7 =	spop (v2sf);
	(v2sf) =	vpush v22, $0x3  }
0x306: {  	s6 =	spop (v2sf);
	s0 =	smax.f32 s0, s7  }
0x307: {  	s5 =	spop (v2sf);
	s0 =	smax.f32 s0, s6  }
0x308: {  	(v2sf) =	vpush v22, $0x4;
	s0 =	smax.f32 s0, s5;
	s4 =	spop (v2sf)  }
0x309: {  	s26 =	spop (v2sf);
	s0 =	smax.f32 s0, s4  }
0x30a: {  	(v2sf) =	vpush v22, $0x5;
	s0 =	smax.f32 s0, s26;
	s28 =	spop (v2sf)  }
0x30b: {  	s31 =	spop (v2sf);
	s0 =	smax.f32 s0, s28  }
0x30c: {  	s0 =	smax.f32 s0, s31;
	s17 =	spop (v2sf)  }
0x30d: {  	(v2sf) =	vpush v22, $0x6;
	p1 =	seq.f32 s9, s0;
	p2 =	slt.s32 s17, $0x40000000  }
0x30e: {  	s17 =	simm.s32 @!p2 $0x40000000  }
0x30f: {  	(v2sf) =	vpush v22, $0x7;
	s9 =	spop (v2sf);
	s17 =	simm.s32 @!p1 $0x40000000  }
0x310: {  	p1 =	seq.f32 s10, s0;
	p2 =	slt.s32 s17, s9  }
0x311: {  	p3 =	seq.f32 s11, s0;
	(v2sf) =	vpush v22, $0x8;
	s9 =	smov.u32 @p2 s17  }
0x312: {  	s17 =	smov.u32 @p1 s9;
	s9 =	spop (v2sf)  }
0x313: {  	p1 =	seq.f32 s12, s0;
	(v2sf) =	vpush v22, $0x9;
	s9 =	simm.s32 @!p3 $0x40000000  }
0x314: {  	s10 =	spop (v2sf);
	p2 =	slt.s32 s17, s9  }
0x315: {  	s10 =	simm.s32 @!p1 $0x40000000;
	s9 =	smov.u32 @p2 s17  }
0x316: {  	p1 =	seq.f32 s13, s0;
	p2 =	slt.s32 s9, s10  }
0x317: {  	s10 =	smov.u32 @p2 s9;
	s9 =	spop (v2sf)  }
0x318: {  	(v2sf) =	vpush v22, $0xA;
	s9 =	simm.s32 @!p1 $0x40000000;
	p1 =	seq.f32 s14, s0  }
0x319: {  	s11 =	spop (v2sf);
	p2 =	slt.s32 s10, s9  }
0x31a: {  	(v2sf) =	vpush v22, $0xB;
	s9 =	smov.u32 @p2 s10;
	s11 =	simm.s32 @!p1 $0x40000000  }
0x31b: {  	p2 =	slt.s32 s9, s11  }
0x31c: {  	p1 =	seq.f32 s15, s0;
	s11 =	smov.u32 @p2 s9;
	s9 =	spop (v2sf);
	(v2sf) =	vpush v22, $0xC  }
0x31d: {  	_ = 	snop  }
0x31e: {  	s9 =	simm.s32 @!p1 $0x40000000;
	p1 =	seq.f32 s16, s0;
	s10 =	spop (v2sf);
	(v2sf) =	vpush v22, $0xD  }
0x31f: {  	p2 =	slt.s32 s11, s9  }
0x320: {  	s10 =	simm.s32 @!p1 $0x40000000;
	p1 =	seq.f32 s8, s0;
	s8 =	spop (v2sf);
	(v2sf) =	vpush v22, $0xE  }
0x321: {  	s9 =	smov.u32 @p2 s11  }
0x322: {  	s8 =	simm.s32 @!p1 $0x40000000;
	p1 =	seq.f32 s7, s0;
	s7 =	spop (v2sf);
	(v2sf) =	vpush v22, $0xF  }
0x323: {  	p2 =	slt.s32 s9, s10  }
0x324: {  	s10 =	smov.u32 @p2 s9  }
0x325: {  	p2 =	slt.s32 s10, s8  }
0x326: {  	s8 =	smov.u32 @p2 s10;
	s7 =	simm.s32 @!p1 $0x40000000;
	p1 =	seq.f32 s6, s0  }
0x327: {  	s6 =	spop (v2sf);
	p2 =	slt.s32 s8, s7  }
0x328: {  	s7 =	smov.u32 @p2 s8;
	s6 =	simm.s32 @!p1 $0x40000000;
	p1 =	seq.f32 s5, s0  }
0x329: {  	s5 =	spop (v2sf);
	p2 =	slt.s32 s7, s6  }
0x32a: {  	s6 =	smov.u32 @p2 s7;
	s5 =	simm.s32 @!p1 $0x40000000;
	p1 =	seq.f32 s4, s0  }
0x32b: {  	p2 =	slt.s32 s6, s5;
	s4 =	spop (v2sf)  }
0x32c: {  	s5 =	smov.u32 @p2 s6;
	s4 =	simm.s32 @!p1 $0x40000000;
	p1 =	seq.f32 s26, s0  }
0x32d: {  	s3 =	spop (v2sf);
	p2 =	slt.s32 s5, s4  }
0x32e: {  	s4 =	smov.u32 @p2 s5;
	s3 =	simm.s32 @!p1 $0x40000000;
	p1 =	seq.f32 s28, s0  }
0x32f: {  	s2 =	spop (v2sf);
	p2 =	slt.s32 s4, s3  }
0x330: {  	s3 =	smov.u32 @p2 s4;
	s2 =	simm.s32 @!p1 $0x40000000;
	p1 =	seq.f32 s31, s0  }
.Ltmp9:
0x331: {  	s22 =	spop (v2sf);
	p2 =	slt.s32 s3, s2;
	(pc) =	sbr.rel .LBB2_11-.Ltmp9, $4  }
0x332: {  	s2 =	smov.u32 @p2 s3;
	s22 =	simm.s32 @!p1 $0x40000000  }
0x333: {  	p1 =	sgt.f32 s0, $2.000000030e-01;
	p2 =	slt.s32 s2, s22  }
0x334: {  	s22 =	smov.u32 @p2 s2  }
0x335: {  	s22 =	simm.s32 @!p1 $0xFFFFFFFF  }
.Lfunc_end2:
_tile_overlayer_lowered:
.L_overlay_start_2:
0x336: {  	(tag) =	ssettag $0x2  }
0x337: {  	s0 =	rddreg [dreg:$0x0];
	s2 =	stileid.u32  }
0x338: {  	s1 =	rddreg [dreg:$0x1];
	p0 =	sne.s32 s2, $0x0  }
0x339: {  	s3 =	rddreg [dreg:$0x2];
	[bflag:$0x3] =	sbarrier.arrive $0xFFFF;
	s2 =	simm.s32 @!p0 $0x1C01  }
0x33a: {  	[timem:s3], [sflag:s2] =	dma.local @!p0 [hbm:s0], s1  }
0x33b: {  	s0 =	simm.s32 @!p0 $0x1  }
0x33c: {  	_ =	swait.ge @!p0 [sflag:s0], s1  }
0x33d: {  	s1 =	ssub.s32 @!p0 $0x0, s1;
	[sflag:s0] =	ssyncset.done @!p0 $0x0  }
0x33e: {  	[sflag:s0] =	ssyncadd.s32 @!p0 s1  }
0x33f: {  	[bflag:$0x3] =	sbarrier.arrive $0xFFFF  }
0x340: {  	_ =	shalt  }

</sc_bundles>
